<compile_context>
chip_gen: v7x
topology: tpu7x:2x2x1
jax: 0.10.2.dev20260603
libtpu: 0.0.44.dev20260713+nightly
codegen_flags: <defaults>
</compile_context>

<pallas_src>
import jax
import jax.numpy as jnp
from jax import lax
from jax.experimental import pallas as pl
from jax.experimental.pallas import tpu as pltpu
from jax.experimental.pallas import tpu_sc as plsc

_MASK = -10000.0
_HIGHLIGHT = 1.0

_NC = 2
_NS = 16
_NW = _NC * _NS
_C = 48
_F = 16


def _sc_body(x_hbm, lens_hbm, fill_hbm, out_hbm,
             lens_v, fill_v, btile, buf0, buf1,
             lsem, fsem, g0, g1, s0, s1):
    rows_per_w = x_hbm.shape[0] // _NW
    wid = lax.axis_index("s") * _NC + lax.axis_index("c")
    b = wid // 2
    half = (wid % 2) ^ (b % 2)
    r0 = half * rows_per_w
    base = pl.multiple_of(b * (2 * rows_per_w) + r0, 8)

    col = pl.multiple_of(wid * 128, 128)
    dl = pltpu.make_async_copy(
        lens_hbm.at[pl.ds(0, 8), pl.ds(col, 128)], lens_v, lsem
    )
    dl.start()
    df = pltpu.make_async_copy(fill_hbm, fill_v, fsem)
    df.start()
    dl.wait()
    df.wait()

    l = lens_v[0, pl.ds(0, 16)][0]
    c = jnp.clip(l - r0, 0, rows_per_w)
    cr = c % 8
    cal = pl.multiple_of(c - cr, 8)
    has_mid = cr != 0
    cau = pl.multiple_of(cal + jnp.where(has_mid, 8, 0), 8)

    n_fill = rows_per_w - cau
    n_fchunks = n_fill // _F

    def fire_fill(g, _):
        start = pl.multiple_of(base + cau + g * _F, 8)
        pltpu.make_async_copy(fill_v, out_hbm.at[pl.ds(start, _F)], fsem).start()
        return 0

    lax.fori_loop(0, n_fchunks, fire_fill, 0)

    ftail = n_fill % _F
    fcur = base + cau + n_fchunks * _F
    for sz in (8,):
        cond = (ftail & sz) != 0

        @pl.when(cond)
        def _():
            start = pl.multiple_of(fcur, 8)
            pltpu.make_async_copy(
                fill_v.at[pl.ds(0, sz)], out_hbm.at[pl.ds(start, sz)], fsem
            ).start()

        fcur = fcur + jnp.where(cond, sz, 0)

    @pl.when(has_mid)
    def _():
        start = pl.multiple_of(base + cal, 8)
        pltpu.async_copy(x_hbm.at[pl.ds(start, 8)], btile, g0).wait()
        lanes = lax.broadcasted_iota(jnp.int32, (16,), 0)
        neg = jnp.full((16,), _MASK, jnp.float32)
        last = jnp.where(lanes == 15, _HIGHLIGHT, _MASK).astype(jnp.float32)
        h = x_hbm.shape[1]
        nch = h // 16
        for i in range(1, 8):
            @pl.when(i >= cr)
            def _():
                for j in range(nch):
                    btile[i, pl.ds(j * 16, 16)] = last if j == nch - 1 else neg
        pltpu.async_copy(btile, out_hbm.at[pl.ds(start, 8)], s0).wait()

    n_cchunks = cal // _C
    bufs = (buf0, buf1)
    gsems = (g0, g1)
    ssems = (s0, s1)

    @pl.when(n_cchunks > 0)
    def _():
        pltpu.make_async_copy(x_hbm.at[pl.ds(base, _C)], buf0, g0).start()

    @pl.when(n_cchunks > 1)
    def _():
        start = pl.multiple_of(base + _C, 8)
        pltpu.make_async_copy(x_hbm.at[pl.ds(start, _C)], buf1, g1).start()

    def pair_body(p, _):
        for j in range(2):
            k = p * 2 + j
            buf, gs, ss = bufs[j], gsems[j], ssems[j]

            @pl.when(k < n_cchunks)
            def _():
                start = pl.multiple_of(base + k * _C, 8)
                pltpu.make_async_copy(x_hbm.at[pl.ds(start, _C)], buf, gs).wait()
                pltpu.make_async_copy(buf, out_hbm.at[pl.ds(start, _C)], ss).start()

            @pl.when(k + 2 < n_cchunks)
            def _():
                pltpu.make_async_copy(buf, out_hbm.at[pl.ds(base, _C)], ss).wait()
                nstart = pl.multiple_of(base + (k + 2) * _C, 8)
                pltpu.make_async_copy(x_hbm.at[pl.ds(nstart, _C)], buf, gs).start()

        return 0

    n_pairs = (n_cchunks + 1) // 2
    lax.fori_loop(0, n_pairs, pair_body, 0)

    @pl.when(n_cchunks > 0)
    def _():
        pltpu.make_async_copy(buf0, out_hbm.at[pl.ds(base, _C)], s0).wait()

    @pl.when(n_cchunks > 1)
    def _():
        pltpu.make_async_copy(buf1, out_hbm.at[pl.ds(base, _C)], s1).wait()

    ctail = cal % _C
    ccur = base + n_cchunks * _C
    for sz in (32, 16, 8):
        cond = (ctail & sz) != 0

        @pl.when(cond)
        def _():
            start = pl.multiple_of(ccur, 8)
            pltpu.async_copy(
                x_hbm.at[pl.ds(start, sz)], buf0.at[pl.ds(0, sz)], g0
            ).wait()
            pltpu.async_copy(
                buf0.at[pl.ds(0, sz)], out_hbm.at[pl.ds(start, sz)], s0
            ).wait()

        ccur = ccur + jnp.where(cond, sz, 0)

    def drain_fill(g, _):
        pltpu.make_async_copy(fill_v, out_hbm.at[pl.ds(base, _F)], fsem).wait()
        return 0

    lax.fori_loop(0, n_fchunks, drain_fill, 0)
    for sz in (8,):
        @pl.when((ftail & sz) != 0)
        def _():
            pltpu.make_async_copy(
                fill_v.at[pl.ds(0, sz)], out_hbm.at[pl.ds(base, sz)], fsem
            ).wait()


def kernel(x, lens):
    B, S, H = x.shape
    lens32 = lens.astype(jnp.int32)
    x2d = x.reshape(B * S, H)
    fill = jnp.full((_F, H), _MASK, dtype=jnp.float32).at[:, H - 1].set(_HIGHLIGHT)
    lens_pad = jnp.broadcast_to(
        jnp.repeat(lens32, 2 * 128)[None, :], (8, _NW * 128)
    )

    mesh = plsc.VectorSubcoreMesh(
        core_axis_name="c", subcore_axis_name="s", num_cores=_NC, num_subcores=_NS
    )
    out2d = pl.kernel(
        _sc_body,
        out_type=jax.ShapeDtypeStruct((B * S, H), jnp.float32),
        mesh=mesh,
        scratch_types=[
            pltpu.VMEM((8, 128), jnp.int32),
            pltpu.VMEM((_F, H), jnp.float32),
            pltpu.VMEM((8, H), jnp.float32),
            pltpu.VMEM((_C, H), jnp.float32),
            pltpu.VMEM((_C, H), jnp.float32),
            pltpu.SemaphoreType.DMA,
            pltpu.SemaphoreType.DMA,
            pltpu.SemaphoreType.DMA,
            pltpu.SemaphoreType.DMA,
            pltpu.SemaphoreType.DMA,
            pltpu.SemaphoreType.DMA,
        ],
    )(x2d, lens_pad, fill)
    return out2d.reshape(B, S, H)

# --- scband reference (transcript-rebuilt; emitter-appended) ---
"""Pipeline reference for scband-masking-60129542898 (READ-ONLY COPY).

The authoritative reference and input builder live on the scoring server;
editing this copy changes nothing except your own understanding.
"""

import jax, jax.numpy as jnp
import numpy as np

INPUT_SIZE = 1024
MASK = -10000.0
HIGHLIGHT_IDX = -1
HIGHLIGHT_MASK = 1.0


def setup_inputs(seed: int = 0) -> dict:
    key = jax.random.key(seed)
    k1, k2 = jax.random.split(key)
    x = jax.random.normal(k1, (16, 4096, INPUT_SIZE), dtype=jnp.float32)
    lens = jax.random.randint(k2, (16,), 0, 4096).astype(jnp.int64)
    return {"x": x, "lens": lens}


def reference(x, lens):
    # batch_first=True: x is (B, S, H)
    # output_mask buffer: full of MASK, highlighted index set to HIGHLIGHT_MASK
    output_mask = jnp.full((INPUT_SIZE,), MASK, dtype=x.dtype)
    output_mask = output_mask.at[HIGHLIGHT_IDX].set(HIGHLIGHT_MASK)
    seq_len = x.shape[1]
    # padding_mask[b, s] = s >= lens[b]
    padding_mask = jnp.arange(seq_len)[None, :] >= lens[:, None]
    # x[padding_mask] = output_mask  (scatter-overwrite of whole feature rows)
    out = jnp.where(padding_mask[:, :, None], output_mask[None, None, :], x)
    return out

if __name__ == "__main__":
    import jax
    _d = setup_inputs()
    print(jax.jit(kernel)(*tuple(_d.values())))

</pallas_src>

<mosaic_0001>
#map = affine_map<(d0, d1) -> (0, 0)>
module attributes {stable_mosaic.version = 14 : i64} {
  func.func @_sc_body(%arg0: i32, %arg1: i32, %arg2: memref<65536x1024xf32, #tpu.memory_space<hbm>>, %arg3: memref<8x4096xi32, #tpu.memory_space<hbm>>, %arg4: memref<16x1024xf32, #tpu.memory_space<hbm>>, %arg5: memref<65536x1024xf32, #tpu.memory_space<hbm>>, %arg6: memref<8x128xi32, #tpu.memory_space<vmem>>, %arg7: memref<16x1024xf32, #tpu.memory_space<vmem>>, %arg8: memref<8x1024xf32, #tpu.memory_space<vmem>>, %arg9: memref<48x1024xf32, #tpu.memory_space<vmem>>, %arg10: memref<48x1024xf32, #tpu.memory_space<vmem>>, %arg11: memref<!tpu.dma_semaphore, #tpu.memory_space<semaphore_mem>>, %arg12: memref<!tpu.dma_semaphore, #tpu.memory_space<semaphore_mem>>, %arg13: memref<!tpu.dma_semaphore, #tpu.memory_space<semaphore_mem>>, %arg14: memref<!tpu.dma_semaphore, #tpu.memory_space<semaphore_mem>>, %arg15: memref<!tpu.dma_semaphore, #tpu.memory_space<semaphore_mem>>, %arg16: memref<!tpu.dma_semaphore, #tpu.memory_space<semaphore_mem>>) attributes {dimension_semantics = [#tpu.dimension_semantics<core_parallel>, #tpu.dimension_semantics<subcore_parallel>], iteration_bounds = array<i64: 2, 16>, scalar_prefetch = 0 : i64, scratch_operands = 11 : i64, tpu.core_type = #tpu.core_type<sc_vector_subcore>, window_params = [{transform_indices = #map}, {transform_indices = #map}, {transform_indices = #map}, {transform_indices = #map}]} {
    %mul3A = arith.constant 2 : i32
    %mul3A_0 = arith.muli %arg1, %mul3A : i32
    %add3A = arith.addi %mul3A_0, %arg0 : i32
    %jit3A = arith.constant 2 : i32
    %div3A = arith.divsi %add3A, %jit3A : i32
    %sign3A = arith.constant 0 : i32
    %sign3A_1 = arith.cmpi sgt, %add3A, %sign3A : i32
    %sign3A_2 = arith.extui %sign3A_1 : i1 to i32
    %sign3A_3 = arith.constant 0 : i32
    %sign3A_4 = arith.cmpi slt, %add3A, %sign3A_3 : i32
    %sign3A_5 = arith.extui %sign3A_4 : i1 to i32
    %sign3A_6 = arith.subi %sign3A_2, %sign3A_5 : i32
    %sign3A_7 = arith.constant 0 : i32
    %sign3A_8 = arith.cmpi sgt, %jit3A, %sign3A_7 : i32
    %sign3A_9 = arith.extui %sign3A_8 : i1 to i32
    %sign3A_10 = arith.constant 0 : i32
    %sign3A_11 = arith.cmpi slt, %jit3A, %sign3A_10 : i32
    %sign3A_12 = arith.extui %sign3A_11 : i1 to i32
    %sign3A_13 = arith.subi %sign3A_9, %sign3A_12 : i32
    %ne3A = arith.cmpi ne, %sign3A_6, %sign3A_13 : i32
    %rem3A = arith.remsi %add3A, %jit3A : i32
    %ne3A_14 = arith.constant 0 : i32
    %ne3A_15 = arith.cmpi ne, %rem3A, %ne3A_14 : i32
    %and3A = arith.andi %ne3A, %ne3A_15 : i1
    %sub3A = arith.constant 1 : i32
    %sub3A_16 = arith.subi %div3A, %sub3A : i32
    %select_n3A = arith.select %and3A, %sub3A_16, %div3A : i32
    %jit3A_17 = arith.constant 2 : i32
    %eq3A = arith.constant 0 : i32
    %eq3A_18 = arith.cmpi eq, %jit3A_17, %eq3A : i32
    %jit3A_19 = arith.constant 1 : i32
    %select_n3A_20 = arith.select %eq3A_18, %jit3A_19, %jit3A_17 : i32
    %rem3A_21 = arith.remsi %add3A, %select_n3A_20 : i32
    %ne3A_22 = arith.constant 0 : i32
    %ne3A_23 = arith.cmpi ne, %rem3A_21, %ne3A_22 : i32
    %lt3A = arith.constant 0 : i32
    %lt3A_24 = arith.cmpi slt, %rem3A_21, %lt3A : i32
    %lt3A_25 = arith.constant 0 : i32
    %lt3A_26 = arith.cmpi slt, %select_n3A_20, %lt3A_25 : i32
    %ne3A_27 = arith.xori %lt3A_24, %lt3A_26 : i1
    %and3A_28 = arith.andi %ne3A_27, %ne3A_23 : i1
    %add3A_29 = arith.addi %rem3A_21, %select_n3A_20 : i32
    %select_n3A_30 = arith.select %and3A_28, %add3A_29, %rem3A_21 : i32
    %jit3A_31 = arith.constant 2 : i32
    %eq3A_32 = arith.constant 0 : i32
    %eq3A_33 = arith.cmpi eq, %jit3A_31, %eq3A_32 : i32
    %jit3A_34 = arith.constant 1 : i32
    %select_n3A_35 = arith.select %eq3A_33, %jit3A_34, %jit3A_31 : i32
    %rem3A_36 = arith.remsi %select_n3A, %select_n3A_35 : i32
    %ne3A_37 = arith.constant 0 : i32
    %ne3A_38 = arith.cmpi ne, %rem3A_36, %ne3A_37 : i32
    %lt3A_39 = arith.constant 0 : i32
    %lt3A_40 = arith.cmpi slt, %rem3A_36, %lt3A_39 : i32
    %lt3A_41 = arith.constant 0 : i32
    %lt3A_42 = arith.cmpi slt, %select_n3A_35, %lt3A_41 : i32
    %ne3A_43 = arith.xori %lt3A_40, %lt3A_42 : i1
    %and3A_44 = arith.andi %ne3A_43, %ne3A_38 : i1
    %add3A_45 = arith.addi %rem3A_36, %select_n3A_35 : i32
    %select_n3A_46 = arith.select %and3A_44, %add3A_45, %rem3A_36 : i32
    %xor3A = arith.xori %select_n3A_30, %select_n3A_46 : i32
    %mul3A_47 = arith.constant 2048 : i32
    %mul3A_48 = arith.muli %xor3A, %mul3A_47 : i32
    %mul3A_49 = arith.constant 4096 : i32
    %mul3A_50 = arith.muli %select_n3A, %mul3A_49 : i32
    %add3A_51 = arith.addi %mul3A_50, %mul3A_48 : i32
    %multiple_of3A = tpu.assume_multiple %add3A_51, 8 : i32
    %mul3A_52 = arith.constant 128 : i32
    %mul3A_53 = arith.muli %add3A, %mul3A_52 : i32
    %multiple_of3A_54 = tpu.assume_multiple %mul3A_53, 128 : i32
    %dma_start3A = arith.constant 0 : i32
    %dma_start3A_55 = tpu.memref_slice %arg3[%dma_start3A, %multiple_of3A_54] : memref<8x4096xi32, #tpu.memory_space<hbm>> -> memref<8x128xi32, #tpu.memory_space<hbm>>
    %dma_start3A_56 = arith.constant 0 : i32
    %dma_start3A_57 = tpu.memref_slice %arg3[%dma_start3A_56, %multiple_of3A_54] : memref<8x4096xi32, #tpu.memory_space<hbm>> -> memref<8x128xi32, #tpu.memory_space<hbm>>
    tpu.enqueue_dma source(%dma_start3A_57 : memref<8x128xi32, #tpu.memory_space<hbm>>) target(%arg6 : memref<8x128xi32, #tpu.memory_space<vmem>>) target_semaphore(%arg11 : memref<!tpu.dma_semaphore, #tpu.memory_space<semaphore_mem>>)
    tpu.enqueue_dma source(%arg4 : memref<16x1024xf32, #tpu.memory_space<hbm>>) target(%arg7 : memref<16x1024xf32, #tpu.memory_space<vmem>>) target_semaphore(%arg12 : memref<!tpu.dma_semaphore, #tpu.memory_space<semaphore_mem>>)
    %dma_wait3A = arith.constant 0 : i32
    %dma_wait3A_58 = tpu.memref_slice %arg3[%dma_wait3A, %multiple_of3A_54] : memref<8x4096xi32, #tpu.memory_space<hbm>> -> memref<8x128xi32, #tpu.memory_space<hbm>>
    %dma_wait3A_59 = arith.constant 0 : i32
    %dma_wait3A_60 = tpu.memref_slice %arg3[%dma_wait3A_59, %multiple_of3A_54] : memref<8x4096xi32, #tpu.memory_space<hbm>> -> memref<8x128xi32, #tpu.memory_space<hbm>>
    tpu.wait_dma2 semaphore(%arg11 : memref<!tpu.dma_semaphore, #tpu.memory_space<semaphore_mem>>) src(%dma_wait3A_60 : memref<8x128xi32, #tpu.memory_space<hbm>>) dst(%arg6 : memref<8x128xi32, #tpu.memory_space<vmem>>)
    tpu.wait_dma2 semaphore(%arg12 : memref<!tpu.dma_semaphore, #tpu.memory_space<semaphore_mem>>) src(%arg4 : memref<16x1024xf32, #tpu.memory_space<hbm>>) dst(%arg7 : memref<16x1024xf32, #tpu.memory_space<vmem>>)
    %get3A = arith.constant 0 : i32
    %get3A_61 = arith.index_cast %get3A : i32 to index
    %get3A_62 = arith.constant 0 : index
    %get3A_63 = tpu.vector_load %arg6[%get3A_61, %get3A_62] {strides = array<i32>} : memref<8x128xi32, #tpu.memory_space<vmem>>, vector<1x16xi32>,
    %get3A_64 = vector.shape_cast %get3A_63 : vector<1x16xi32> to vector<16xi32>
    %slice3A = vector.extract_strided_slice %get3A_64 {offsets = [0], sizes = [1], strides = [1]} : vector<16xi32> to vector<1xi32>
    %squeeze3A = vector.extract %slice3A[0] : i32 from vector<1xi32>
    %sub3A_65 = arith.subi %squeeze3A, %mul3A_48 : i32
    %jit3A_66 = arith.constant 0 : i32
    %jit3A_67 = arith.constant 2048 : i32
    %max3A = arith.maxsi %jit3A_66, %sub3A_65 : i32
    %min3A = arith.minsi %jit3A_67, %max3A : i32
    %jit3A_68 = arith.constant 8 : i32
    %eq3A_69 = arith.constant 0 : i32
    %eq3A_70 = arith.cmpi eq, %jit3A_68, %eq3A_69 : i32
    %jit3A_71 = arith.constant 1 : i32
    %select_n3A_72 = arith.select %eq3A_70, %jit3A_71, %jit3A_68 : i32
    %rem3A_73 = arith.remsi %min3A, %select_n3A_72 : i32
    %ne3A_74 = arith.constant 0 : i32
    %ne3A_75 = arith.cmpi ne, %rem3A_73, %ne3A_74 : i32
    %lt3A_76 = arith.constant 0 : i32
    %lt3A_77 = arith.cmpi slt, %rem3A_73, %lt3A_76 : i32
    %lt3A_78 = arith.constant 0 : i32
    %lt3A_79 = arith.cmpi slt, %select_n3A_72, %lt3A_78 : i32
    %ne3A_80 = arith.xori %lt3A_77, %lt3A_79 : i1
    %and3A_81 = arith.andi %ne3A_80, %ne3A_75 : i1
    %add3A_82 = arith.addi %rem3A_73, %select_n3A_72 : i32
    %select_n3A_83 = arith.select %and3A_81, %add3A_82, %rem3A_73 : i32
    %sub3A_84 = arith.subi %min3A, %select_n3A_83 : i32
    %multiple_of3A_85 = tpu.assume_multiple %sub3A_84, 8 : i32
    %ne3A_86 = arith.constant 0 : i32
    %ne3A_87 = arith.cmpi ne, %select_n3A_83, %ne3A_86 : i32
    %jit3A_88 = arith.constant 8 : i32
    %jit3A_89 = arith.constant 0 : i32
    %select_n3A_90 = arith.select %ne3A_87, %jit3A_88, %jit3A_89 : i32
    %add3A_91 = arith.addi %multiple_of3A_85, %select_n3A_90 : i32
    %multiple_of3A_92 = tpu.assume_multiple %add3A_91, 8 : i32
    %sub3A_93 = arith.constant 2048 : i32
    %sub3A_94 = arith.subi %sub3A_93, %multiple_of3A_92 : i32
    %jit3A_95 = arith.constant 16 : i32
    %div3A_96 = arith.divsi %sub3A_94, %jit3A_95 : i32
    %sign3A_97 = arith.constant 0 : i32
    %sign3A_98 = arith.cmpi sgt, %sub3A_94, %sign3A_97 : i32
    %sign3A_99 = arith.extui %sign3A_98 : i1 to i32
    %sign3A_100 = arith.constant 0 : i32
    %sign3A_101 = arith.cmpi slt, %sub3A_94, %sign3A_100 : i32
    %sign3A_102 = arith.extui %sign3A_101 : i1 to i32
    %sign3A_103 = arith.subi %sign3A_99, %sign3A_102 : i32
    %sign3A_104 = arith.constant 0 : i32
    %sign3A_105 = arith.cmpi sgt, %jit3A_95, %sign3A_104 : i32
    %sign3A_106 = arith.extui %sign3A_105 : i1 to i32
    %sign3A_107 = arith.constant 0 : i32
    %sign3A_108 = arith.cmpi slt, %jit3A_95, %sign3A_107 : i32
    %sign3A_109 = arith.extui %sign3A_108 : i1 to i32
    %sign3A_110 = arith.subi %sign3A_106, %sign3A_109 : i32
    %ne3A_111 = arith.cmpi ne, %sign3A_103, %sign3A_110 : i32
    %rem3A_112 = arith.remsi %sub3A_94, %jit3A_95 : i32
    %ne3A_113 = arith.constant 0 : i32
    %ne3A_114 = arith.cmpi ne, %rem3A_112, %ne3A_113 : i32
    %and3A_115 = arith.andi %ne3A_111, %ne3A_114 : i1
    %sub3A_116 = arith.constant 1 : i32
    %sub3A_117 = arith.subi %div3A_96, %sub3A_116 : i32
    %select_n3A_118 = arith.select %and3A_115, %sub3A_117, %div3A_96 : i32
    %while3A = arith.constant 0 : i32
    %while3A_119 = arith.constant 0 : i32
    %while3A_120 = arith.subi %select_n3A_118, %while3A : i32
    %while3A_121 = arith.addi %while3A, %while3A_120 : i32
    %while3A_122 = arith.constant 1 : i32
    %while3A_123 = arith.divsi %while3A_120, %while3A_122 : i32
    %while3A_124 = arith.muli %while3A_123, %while3A_122 : i32
    %while3A_125 = arith.addi %while3A, %while3A_124 : i32
    %while3A_126 = arith.constant 1 : i32
    %while3A_127 = scf.for %while3A_314 = %while3A to %while3A_125 step %while3A_126 iter_args(%while3A_315 = %while3A_119) -> (i32)  : i32 {
      %add3A_316 = arith.addi %multiple_of3A, %multiple_of3A_92 : i32
      %mul3A_317 = arith.constant 16 : i32
      %mul3A_318 = arith.muli %while3A_314, %mul3A_317 : i32
      %add3A_319 = arith.addi %add3A_316, %mul3A_318 : i32
      %multiple_of3A_320 = tpu.assume_multiple %add3A_319, 8 : i32
      %dma_start3A_321 = arith.constant 0 : i32
      %dma_start3A_322 = tpu.memref_slice %arg5[%multiple_of3A_320, %dma_start3A_321] : memref<65536x1024xf32, #tpu.memory_space<hbm>> -> memref<16x1024xf32, #tpu.memory_space<hbm>>
      %dma_start3A_323 = arith.constant 0 : i32
      %dma_start3A_324 = tpu.memref_slice %arg5[%multiple_of3A_320, %dma_start3A_323] : memref<65536x1024xf32, #tpu.memory_space<hbm>> -> memref<16x1024xf32, #tpu.memory_space<hbm>>
      tpu.enqueue_dma source(%arg7 : memref<16x1024xf32, #tpu.memory_space<vmem>>) target(%dma_start3A_324 : memref<16x1024xf32, #tpu.memory_space<hbm>>) target_semaphore(%arg12 : memref<!tpu.dma_semaphore, #tpu.memory_space<semaphore_mem>>)
      %while3A_325 = arith.constant 0 : i32
      scf.yield %while3A_325 : i32
    }
    %while3A_128 = arith.constant 1 : i32
    %while3A_129 = scf.for %while3A_314 = %while3A_125 to %while3A_121 step %while3A_128 iter_args(%while3A_315 = %while3A_127) -> (i32)  : i32 {
      %add3A_316 = arith.addi %multiple_of3A, %multiple_of3A_92 : i32
      %mul3A_317 = arith.constant 16 : i32
      %mul3A_318 = arith.muli %while3A_314, %mul3A_317 : i32
      %add3A_319 = arith.addi %add3A_316, %mul3A_318 : i32
      %multiple_of3A_320 = tpu.assume_multiple %add3A_319, 8 : i32
      %dma_start3A_321 = arith.constant 0 : i32
      %dma_start3A_322 = tpu.memref_slice %arg5[%multiple_of3A_320, %dma_start3A_321] : memref<65536x1024xf32, #tpu.memory_space<hbm>> -> memref<16x1024xf32, #tpu.memory_space<hbm>>
      %dma_start3A_323 = arith.constant 0 : i32
      %dma_start3A_324 = tpu.memref_slice %arg5[%multiple_of3A_320, %dma_start3A_323] : memref<65536x1024xf32, #tpu.memory_space<hbm>> -> memref<16x1024xf32, #tpu.memory_space<hbm>>
      tpu.enqueue_dma source(%arg7 : memref<16x1024xf32, #tpu.memory_space<vmem>>) target(%dma_start3A_324 : memref<16x1024xf32, #tpu.memory_space<hbm>>) target_semaphore(%arg12 : memref<!tpu.dma_semaphore, #tpu.memory_space<semaphore_mem>>)
      %while3A_325 = arith.constant 0 : i32
      scf.yield %while3A_325 : i32
    }
    %jit3A_130 = arith.constant 16 : i32
    %eq3A_131 = arith.constant 0 : i32
    %eq3A_132 = arith.cmpi eq, %jit3A_130, %eq3A_131 : i32
    %jit3A_133 = arith.constant 1 : i32
    %select_n3A_134 = arith.select %eq3A_132, %jit3A_133, %jit3A_130 : i32
    %rem3A_135 = arith.remsi %sub3A_94, %select_n3A_134 : i32
    %ne3A_136 = arith.constant 0 : i32
    %ne3A_137 = arith.cmpi ne, %rem3A_135, %ne3A_136 : i32
    %lt3A_138 = arith.constant 0 : i32
    %lt3A_139 = arith.cmpi slt, %rem3A_135, %lt3A_138 : i32
    %lt3A_140 = arith.constant 0 : i32
    %lt3A_141 = arith.cmpi slt, %select_n3A_134, %lt3A_140 : i32
    %ne3A_142 = arith.xori %lt3A_139, %lt3A_141 : i1
    %and3A_143 = arith.andi %ne3A_142, %ne3A_137 : i1
    %add3A_144 = arith.addi %rem3A_135, %select_n3A_134 : i32
    %select_n3A_145 = arith.select %and3A_143, %add3A_144, %rem3A_135 : i32
    %add3A_146 = arith.addi %multiple_of3A, %multiple_of3A_92 : i32
    %mul3A_147 = arith.constant 16 : i32
    %mul3A_148 = arith.muli %select_n3A_118, %mul3A_147 : i32
    %add3A_149 = arith.addi %add3A_146, %mul3A_148 : i32
    %and3A_150 = arith.constant 8 : i32
    %and3A_151 = arith.andi %select_n3A_145, %and3A_150 : i32
    %ne3A_152 = arith.constant 0 : i32
    %ne3A_153 = arith.cmpi ne, %and3A_151, %ne3A_152 : i32
    %convert_element_type3A = arith.extui %ne3A_153 : i1 to i32
    %cond3A = arith.constant 0 : i32
    %cond3A_154 = arith.cmpi ne, %convert_element_type3A, %cond3A : i32
    scf.if %cond3A_154 {
      %multiple_of3A_314 = tpu.assume_multiple %add3A_149, 8 : i32
      %dma_start3A_315 = arith.constant 0 : i32
      %dma_start3A_316 = arith.constant 0 : i32
      %dma_start3A_317 = tpu.memref_slice %arg7[%dma_start3A_315, %dma_start3A_316] : memref<16x1024xf32, #tpu.memory_space<vmem>> -> memref<8x1024xf32, #tpu.memory_space<vmem>>
      %dma_start3A_318 = arith.constant 0 : i32
      %dma_start3A_319 = tpu.memref_slice %arg5[%multiple_of3A_314, %dma_start3A_318] : memref<65536x1024xf32, #tpu.memory_space<hbm>> -> memref<8x1024xf32, #tpu.memory_space<hbm>>
      %dma_start3A_320 = arith.constant 0 : i32
      %dma_start3A_321 = tpu.memref_slice %arg5[%multiple_of3A_314, %dma_start3A_320] : memref<65536x1024xf32, #tpu.memory_space<hbm>> -> memref<8x1024xf32, #tpu.memory_space<hbm>>
      %dma_start3A_322 = arith.constant 0 : i32
      %dma_start3A_323 = arith.constant 0 : i32
      %dma_start3A_324 = tpu.memref_slice %arg7[%dma_start3A_322, %dma_start3A_323] : memref<16x1024xf32, #tpu.memory_space<vmem>> -> memref<8x1024xf32, #tpu.memory_space<vmem>>
      tpu.enqueue_dma source(%dma_start3A_324 : memref<8x1024xf32, #tpu.memory_space<vmem>>) target(%dma_start3A_321 : memref<8x1024xf32, #tpu.memory_space<hbm>>) target_semaphore(%arg12 : memref<!tpu.dma_semaphore, #tpu.memory_space<semaphore_mem>>)
    } else {
    }
    %jit3A_155 = arith.constant 8 : i32
    %jit3A_156 = arith.constant 0 : i32
    %select_n3A_157 = arith.select %ne3A_153, %jit3A_155, %jit3A_156 : i32
    %add3A_158 = arith.addi %add3A_149, %select_n3A_157 : i32
    %convert_element_type3A_159 = arith.extui %ne3A_87 : i1 to i32
    %cond3A_160 = arith.constant 0 : i32
    %cond3A_161 = arith.cmpi ne, %convert_element_type3A_159, %cond3A_160 : i32
    scf.if %cond3A_161 {
      %add3A_314 = arith.addi %multiple_of3A, %multiple_of3A_85 : i32
      %multiple_of3A_315 = tpu.assume_multiple %add3A_314, 8 : i32
      %dma_start3A_316 = arith.constant 0 : i32
      %dma_start3A_317 = tpu.memref_slice %arg2[%multiple_of3A_315, %dma_start3A_316] : memref<65536x1024xf32, #tpu.memory_space<hbm>> -> memref<8x1024xf32, #tpu.memory_space<hbm>>
      %dma_start3A_318 = arith.constant 0 : i32
      %dma_start3A_319 = tpu.memref_slice %arg2[%multiple_of3A_315, %dma_start3A_318] : memref<65536x1024xf32, #tpu.memory_space<hbm>> -> memref<8x1024xf32, #tpu.memory_space<hbm>>
      tpu.enqueue_dma source(%dma_start3A_319 : memref<8x1024xf32, #tpu.memory_space<hbm>>) target(%arg8 : memref<8x1024xf32, #tpu.memory_space<vmem>>) target_semaphore(%arg13 : memref<!tpu.dma_semaphore, #tpu.memory_space<semaphore_mem>>)
      %dma_wait3A_320 = arith.constant 0 : i32
      %dma_wait3A_321 = tpu.memref_slice %arg2[%multiple_of3A_315, %dma_wait3A_320] : memref<65536x1024xf32, #tpu.memory_space<hbm>> -> memref<8x1024xf32, #tpu.memory_space<hbm>>
      %dma_wait3A_322 = arith.constant 0 : i32
      %dma_wait3A_323 = tpu.memref_slice %arg2[%multiple_of3A_315, %dma_wait3A_322] : memref<65536x1024xf32, #tpu.memory_space<hbm>> -> memref<8x1024xf32, #tpu.memory_space<hbm>>
      tpu.wait_dma2 semaphore(%arg13 : memref<!tpu.dma_semaphore, #tpu.memory_space<semaphore_mem>>) src(%dma_wait3A_323 : memref<8x1024xf32, #tpu.memory_space<hbm>>) dst(%arg8 : memref<8x1024xf32, #tpu.memory_space<vmem>>)
      %iota3A = tpu.iota {dimensions = array<i32: 0>} : vector<16xi32>
      %broadcast_in_dim3A = arith.constant -1.000000e+04 : f32
      %broadcast_in_dim3A_324 = vector.broadcast %broadcast_in_dim3A : f32 to vector<16xf32>
      %eq3A_325 = arith.constant 15 : i32
      %eq3A_326 = vector.broadcast %eq3A_325 : i32 to vector<16xi32>
      %eq3A_327 = arith.cmpi eq, %iota3A, %eq3A_326 : vector<16xi32>
      %jit3A_328 = arith.constant 1.000000e+00 : f32
      %jit3A_329 = arith.constant -1.000000e+04 : f32
      %broadcast_in_dim3A_330 = vector.broadcast %jit3A_328 : f32 to vector<16xf32>
      %broadcast_in_dim3A_331 = vector.broadcast %jit3A_329 : f32 to vector<16xf32>
      %select_n3A_332 = arith.select %eq3A_327, %broadcast_in_dim3A_330, %broadcast_in_dim3A_331 : vector<16xi1>, vector<16xf32>
      %le3A = arith.constant 1 : i32
      %le3A_333 = arith.cmpi sle, %select_n3A_83, %le3A : i32
      %convert_element_type3A_334 = arith.extui %le3A_333 : i1 to i32
      %cond3A_335 = arith.constant 0 : i32
      %cond3A_336 = arith.cmpi ne, %convert_element_type3A_334, %cond3A_335 : i32
      scf.if %cond3A_336 {
        %swap3A = arith.constant 1 : i32
        %swap3A_375 = arith.index_cast %swap3A : i32 to index
        %swap3A_376 = arith.constant 0 : index
        %swap3A_377 = tpu.vector_load %arg8[%swap3A_375, %swap3A_376] {strides = array<i32>} : memref<8x1024xf32, #tpu.memory_space<vmem>>, vector<1x16xf32>,
        %swap3A_378 = vector.shape_cast %swap3A_377 : vector<1x16xf32> to vector<16xf32>
        %swap3A_379 = vector.shape_cast %broadcast_in_dim3A_324 : vector<16xf32> to vector<1x16xf32>
        tpu.vector_store %arg8[%swap3A_375, %swap3A_376], %swap3A_379 {strides = array<i32>} : memref<8x1024xf32, #tpu.memory_space<vmem>>, vector<1x16xf32>,
        %swap3A_380 = arith.constant 1 : i32
        %swap3A_381 = arith.index_cast %swap3A_380 : i32 to index
        %swap3A_382 = arith.constant 16 : index
        %swap3A_383 = tpu.vector_load %arg8[%swap3A_381, %swap3A_382] {strides = array<i32>} : memref<8x1024xf32, #tpu.memory_space<vmem>>, vector<1x16xf32>,
        %swap3A_384 = vector.shape_cast %swap3A_383 : vector<1x16xf32> to vector<16xf32>
        %swap3A_385 = vector.shape_cast %broadcast_in_dim3A_324 : vector<16xf32> to vector<1x16xf32>
        tpu.vector_store %arg8[%swap3A_381, %swap3A_382], %swap3A_385 {strides = array<i32>} : memref<8x1024xf32, #tpu.memory_space<vmem>>, vector<1x16xf32>,
        %swap3A_386 = arith.constant 1 : i32
        %swap3A_387 = arith.index_cast %swap3A_386 : i32 to index
        %swap3A_388 = arith.constant 32 : index
        %swap3A_389 = tpu.vector_load %arg8[%swap3A_387, %swap3A_388] {strides = array<i32>} : memref<8x1024xf32, #tpu.memory_space<vmem>>, vector<1x16xf32>,
        %swap3A_390 = vector.shape_cast %swap3A_389 : vector<1x16xf32> to vector<16xf32>
        %swap3A_391 = vector.shape_cast %broadcast_in_dim3A_324 : vector<16xf32> to vector<1x16xf32>
        tpu.vector_store %arg8[%swap3A_387, %swap3A_388], %swap3A_391 {strides = array<i32>} : memref<8x1024xf32, #tpu.memory_space<vmem>>, vector<1x16xf32>,
        %swap3A_392 = arith.constant 1 : i32
        %swap3A_393 = arith.index_cast %swap3A_392 : i32 to index
        %swap3A_394 = arith.constant 48 : index
        %swap3A_395 = tpu.vector_load %arg8[%swap3A_393, %swap3A_394] {strides = array<i32>} : memref<8x1024xf32, #tpu.memory_space<vmem>>, vector<1x16xf32>,
        %swap3A_396 = vector.shape_cast %swap3A_395 : vector<1x16xf32> to vector<16xf32>
        %swap3A_397 = vector.shape_cast %broadcast_in_dim3A_324 : vector<16xf32> to vector<1x16xf32>
        tpu.vector_store %arg8[%swap3A_393, %swap3A_394], %swap3A_397 {strides = array<i32>} : memref<8x1024xf32, #tpu.memory_space<vmem>>, vector<1x16xf32>,
        %swap3A_398 = arith.constant 1 : i32
        %swap3A_399 = arith.index_cast %swap3A_398 : i32 to index
        %swap3A_400 = arith.constant 64 : index
        %swap3A_401 = tpu.vector_load %arg8[%swap3A_399, %swap3A_400] {strides = array<i32>} : memref<8x1024xf32, #tpu.memory_space<vmem>>, vector<1x16xf32>,
        %swap3A_402 = vector.shape_cast %swap3A_401 : vector<1x16xf32> to vector<16xf32>
        %swap3A_403 = vector.shape_cast %broadcast_in_dim3A_324 : vector<16xf32> to vector<1x16xf32>
        tpu.vector_store %arg8[%swap3A_399, %swap3A_400], %swap3A_403 {strides = array<i32>} : memref<8x1024xf32, #tpu.memory_space<vmem>>, vector<1x16xf32>,
        %swap3A_404 = arith.constant 1 : i32
        %swap3A_405 = arith.index_cast %swap3A_404 : i32 to index
        %swap3A_406 = arith.constant 80 : index
        %swap3A_407 = tpu.vector_load %arg8[%swap3A_405, %swap3A_406] {strides = array<i32>} : memref<8x1024xf32, #tpu.memory_space<vmem>>, vector<1x16xf32>,
        %swap3A_408 = vector.shape_cast %swap3A_407 : vector<1x16xf32> to vector<16xf32>
        %swap3A_409 = vector.shape_cast %broadcast_in_dim3A_324 : vector<16xf32> to vector<1x16xf32>
        tpu.vector_store %arg8[%swap3A_405, %swap3A_406], %swap3A_409 {strides = array<i32>} : memref<8x1024xf32, #tpu.memory_space<vmem>>, vector<1x16xf32>,
        %swap3A_410 = arith.constant 1 : i32
        %swap3A_411 = arith.index_cast %swap3A_410 : i32 to index
        %swap3A_412 = arith.constant 96 : index
        %swap3A_413 = tpu.vector_load %arg8[%swap3A_411, %swap3A_412] {strides = array<i32>} : memref<8x1024xf32, #tpu.memory_space<vmem>>, vector<1x16xf32>,
        %swap3A_414 = vector.shape_cast %swap3A_413 : vector<1x16xf32> to vector<16xf32>
        %swap3A_415 = vector.shape_cast %broadcast_in_dim3A_324 : vector<16xf32> to vector<1x16xf32>
        tpu.vector_store %arg8[%swap3A_411, %swap3A_412], %swap3A_415 {strides = array<i32>} : memref<8x1024xf32, #tpu.memory_space<vmem>>, vector<1x16xf32>,
        %swap3A_416 = arith.constant 1 : i32
        %swap3A_417 = arith.index_cast %swap3A_416 : i32 to index
        %swap3A_418 = arith.constant 112 : index
        %swap3A_419 = tpu.vector_load %arg8[%swap3A_417, %swap3A_418] {strides = array<i32>} : memref<8x1024xf32, #tpu.memory_space<vmem>>, vector<1x16xf32>,
        %swap3A_420 = vector.shape_cast %swap3A_419 : vector<1x16xf32> to vector<16xf32>
        %swap3A_421 = vector.shape_cast %broadcast_in_dim3A_324 : vector<16xf32> to vector<1x16xf32>
        tpu.vector_store %arg8[%swap3A_417, %swap3A_418], %swap3A_421 {strides = array<i32>} : memref<8x1024xf32, #tpu.memory_space<vmem>>, vector<1x16xf32>,
        %swap3A_422 = arith.constant 1 : i32
        %swap3A_423 = arith.index_cast %swap3A_422 : i32 to index
        %swap3A_424 = arith.constant 128 : index
        %swap3A_425 = tpu.vector_load %arg8[%swap3A_423, %swap3A_424] {strides = array<i32>} : memref<8x1024xf32, #tpu.memory_space<vmem>>, vector<1x16xf32>,
        %swap3A_426 = vector.shape_cast %swap3A_425 : vector<1x16xf32> to vector<16xf32>
        %swap3A_427 = vector.shape_cast %broadcast_in_dim3A_324 : vector<16xf32> to vector<1x16xf32>
        tpu.vector_store %arg8[%swap3A_423, %swap3A_424], %swap3A_427 {strides = array<i32>} : memref<8x1024xf32, #tpu.memory_space<vmem>>, vector<1x16xf32>,
        %swap3A_428 = arith.constant 1 : i32
        %swap3A_429 = arith.index_cast %swap3A_428 : i32 to index
        %swap3A_430 = arith.constant 144 : index
        %swap3A_431 = tpu.vector_load %arg8[%swap3A_429, %swap3A_430] {strides = array<i32>} : memref<8x1024xf32, #tpu.memory_space<vmem>>, vector<1x16xf32>,
        %swap3A_432 = vector.shape_cast %swap3A_431 : vector<1x16xf32> to vector<16xf32>
        %swap3A_433 = vector.shape_cast %broadcast_in_dim3A_324 : vector<16xf32> to vector<1x16xf32>
        tpu.vector_store %arg8[%swap3A_429, %swap3A_430], %swap3A_433 {strides = array<i32>} : memref<8x1024xf32, #tpu.memory_space<vmem>>, vector<1x16xf32>,
        %swap3A_434 = arith.constant 1 : i32
        %swap3A_435 = arith.index_cast %swap3A_434 : i32 to index
        %swap3A_436 = arith.constant 160 : index
        %swap3A_437 = tpu.vector_load %arg8[%swap3A_435, %swap3A_436] {strides = array<i32>} : memref<8x1024xf32, #tpu.memory_space<vmem>>, vector<1x16xf32>,
        %swap3A_438 = vector.shape_cast %swap3A_437 : vector<1x16xf32> to vector<16xf32>
        %swap3A_439 = vector.shape_cast %broadcast_in_dim3A_324 : vector<16xf32> to vector<1x16xf32>
        tpu.vector_store %arg8[%swap3A_435, %swap3A_436], %swap3A_439 {strides = array<i32>} : memref<8x1024xf32, #tpu.memory_space<vmem>>, vector<1x16xf32>,
        %swap3A_440 = arith.constant 1 : i32
        %swap3A_441 = arith.index_cast %swap3A_440 : i32 to index
        %swap3A_442 = arith.constant 176 : index
        %swap3A_443 = tpu.vector_load %arg8[%swap3A_441, %swap3A_442] {strides = array<i32>} : memref<8x1024xf32, #tpu.memory_space<vmem>>, vector<1x16xf32>,
        %swap3A_444 = vector.shape_cast %swap3A_443 : vector<1x16xf32> to vector<16xf32>
        %swap3A_445 = vector.shape_cast %broadcast_in_dim3A_324 : vector<16xf32> to vector<1x16xf32>
        tpu.vector_store %arg8[%swap3A_441, %swap3A_442], %swap3A_445 {strides = array<i32>} : memref<8x1024xf32, #tpu.memory_space<vmem>>, vector<1x16xf32>,
        %swap3A_446 = arith.constant 1 : i32
        %swap3A_447 = arith.index_cast %swap3A_446 : i32 to index
        %swap3A_448 = arith.constant 192 : index
        %swap3A_449 = tpu.vector_load %arg8[%swap3A_447, %swap3A_448] {strides = array<i32>} : memref<8x1024xf32, #tpu.memory_space<vmem>>, vector<1x16xf32>,
        %swap3A_450 = vector.shape_cast %swap3A_449 : vector<1x16xf32> to vector<16xf32>
        %swap3A_451 = vector.shape_cast %broadcast_in_dim3A_324 : vector<16xf32> to vector<1x16xf32>
        tpu.vector_store %arg8[%swap3A_447, %swap3A_448], %swap3A_451 {strides = array<i32>} : memref<8x1024xf32, #tpu.memory_space<vmem>>, vector<1x16xf32>,
        %swap3A_452 = arith.constant 1 : i32
        %swap3A_453 = arith.index_cast %swap3A_452 : i32 to index
        %swap3A_454 = arith.constant 208 : index
        %swap3A_455 = tpu.vector_load %arg8[%swap3A_453, %swap3A_454] {strides = array<i32>} : memref<8x1024xf32, #tpu.memory_space<vmem>>, vector<1x16xf32>,
        %swap3A_456 = vector.shape_cast %swap3A_455 : vector<1x16xf32> to vector<16xf32>
        %swap3A_457 = vector.shape_cast %broadcast_in_dim3A_324 : vector<16xf32> to vector<1x16xf32>
        tpu.vector_store %arg8[%swap3A_453, %swap3A_454], %swap3A_457 {strides = array<i32>} : memref<8x1024xf32, #tpu.memory_space<vmem>>, vector<1x16xf32>,
        %swap3A_458 = arith.constant 1 : i32
        %swap3A_459 = arith.index_cast %swap3A_458 : i32 to index
        %swap3A_460 = arith.constant 224 : index
        %swap3A_461 = tpu.vector_load %arg8[%swap3A_459, %swap3A_460] {strides = array<i32>} : memref<8x1024xf32, #tpu.memory_space<vmem>>, vector<1x16xf32>,
        %swap3A_462 = vector.shape_cast %swap3A_461 : vector<1x16xf32> to vector<16xf32>
        %swap3A_463 = vector.shape_cast %broadcast_in_dim3A_324 : vector<16xf32> to vector<1x16xf32>
        tpu.vector_store %arg8[%swap3A_459, %swap3A_460], %swap3A_463 {strides = array<i32>} : memref<8x1024xf32, #tpu.memory_space<vmem>>, vector<1x16xf32>,
        %swap3A_464 = arith.constant 1 : i32
        %swap3A_465 = arith.index_cast %swap3A_464 : i32 to index
        %swap3A_466 = arith.constant 240 : index
        %swap3A_467 = tpu.vector_load %arg8[%swap3A_465, %swap3A_466] {strides = array<i32>} : memref<8x1024xf32, #tpu.memory_space<vmem>>, vector<1x16xf32>,
        %swap3A_468 = vector.shape_cast %swap3A_467 : vector<1x16xf32> to vector<16xf32>
        %swap3A_469 = vector.shape_cast %broadcast_in_dim3A_324 : vector<16xf32> to vector<1x16xf32>
        tpu.vector_store %arg8[%swap3A_465, %swap3A_466], %swap3A_469 {strides = array<i32>} : memref<8x1024xf32, #tpu.memory_space<vmem>>, vector<1x16xf32>,
        %swap3A_470 = arith.constant 1 : i32
        %swap3A_471 = arith.index_cast %swap3A_470 : i32 to index
        %swap3A_472 = arith.constant 256 : index
        %swap3A_473 = tpu.vector_load %arg8[%swap3A_471, %swap3A_472] {strides = array<i32>} : memref<8x1024xf32, #tpu.memory_space<vmem>>, vector<1x16xf32>,
        %swap3A_474 = vector.shape_cast %swap3A_473 : vector<1x16xf32> to vector<16xf32>
        %swap3A_475 = vector.shape_cast %broadcast_in_dim3A_324 : vector<16xf32> to vector<1x16xf32>
        tpu.vector_store %arg8[%swap3A_471, %swap3A_472], %swap3A_475 {strides = array<i32>} : memref<8x1024xf32, #tpu.memory_space<vmem>>, vector<1x16xf32>,
        %swap3A_476 = arith.constant 1 : i32
        %swap3A_477 = arith.index_cast %swap3A_476 : i32 to index
        %swap3A_478 = arith.constant 272 : index
        %swap3A_479 = tpu.vector_load %arg8[%swap3A_477, %swap3A_478] {strides = array<i32>} : memref<8x1024xf32, #tpu.memory_space<vmem>>, vector<1x16xf32>,
        %swap3A_480 = vector.shape_cast %swap3A_479 : vector<1x16xf32> to vector<16xf32>
        %swap3A_481 = vector.shape_cast %broadcast_in_dim3A_324 : vector<16xf32> to vector<1x16xf32>
        tpu.vector_store %arg8[%swap3A_477, %swap3A_478], %swap3A_481 {strides = array<i32>} : memref<8x1024xf32, #tpu.memory_space<vmem>>, vector<1x16xf32>,
        %swap3A_482 = arith.constant 1 : i32
        %swap3A_483 = arith.index_cast %swap3A_482 : i32 to index
        %swap3A_484 = arith.constant 288 : index
        %swap3A_485 = tpu.vector_load %arg8[%swap3A_483, %swap3A_484] {strides = array<i32>} : memref<8x1024xf32, #tpu.memory_space<vmem>>, vector<1x16xf32>,
        %swap3A_486 = vector.shape_cast %swap3A_485 : vector<1x16xf32> to vector<16xf32>
        %swap3A_487 = vector.shape_cast %broadcast_in_dim3A_324 : vector<16xf32> to vector<1x16xf32>
        tpu.vector_store %arg8[%swap3A_483, %swap3A_484], %swap3A_487 {strides = array<i32>} : memref<8x1024xf32, #tpu.memory_space<vmem>>, vector<1x16xf32>,
        %swap3A_488 = arith.constant 1 : i32
        %swap3A_489 = arith.index_cast %swap3A_488 : i32 to index
        %swap3A_490 = arith.constant 304 : index
        %swap3A_491 = tpu.vector_load %arg8[%swap3A_489, %swap3A_490] {strides = array<i32>} : memref<8x1024xf32, #tpu.memory_space<vmem>>, vector<1x16xf32>,
        %swap3A_492 = vector.shape_cast %swap3A_491 : vector<1x16xf32> to vector<16xf32>
        %swap3A_493 = vector.shape_cast %broadcast_in_dim3A_324 : vector<16xf32> to vector<1x16xf32>
        tpu.vector_store %arg8[%swap3A_489, %swap3A_490], %swap3A_493 {strides = array<i32>} : memref<8x1024xf32, #tpu.memory_space<vmem>>, vector<1x16xf32>,
        %swap3A_494 = arith.constant 1 : i32
        %swap3A_495 = arith.index_cast %swap3A_494 : i32 to index
        %swap3A_496 = arith.constant 320 : index
        %swap3A_497 = tpu.vector_load %arg8[%swap3A_495, %swap3A_496] {strides = array<i32>} : memref<8x1024xf32, #tpu.memory_space<vmem>>, vector<1x16xf32>,
        %swap3A_498 = vector.shape_cast %swap3A_497 : vector<1x16xf32> to vector<16xf32>
        %swap3A_499 = vector.shape_cast %broadcast_in_dim3A_324 : vector<16xf32> to vector<1x16xf32>
        tpu.vector_store %arg8[%swap3A_495, %swap3A_496], %swap3A_499 {strides = array<i32>} : memref<8x1024xf32, #tpu.memory_space<vmem>>, vector<1x16xf32>,
        %swap3A_500 = arith.constant 1 : i32
        %swap3A_501 = arith.index_cast %swap3A_500 : i32 to index
        %swap3A_502 = arith.constant 336 : index
        %swap3A_503 = tpu.vector_load %arg8[%swap3A_501, %swap3A_502] {strides = array<i32>} : memref<8x1024xf32, #tpu.memory_space<vmem>>, vector<1x16xf32>,
        %swap3A_504 = vector.shape_cast %swap3A_503 : vector<1x16xf32> to vector<16xf32>
        %swap3A_505 = vector.shape_cast %broadcast_in_dim3A_324 : vector<16xf32> to vector<1x16xf32>
        tpu.vector_store %arg8[%swap3A_501, %swap3A_502], %swap3A_505 {strides = array<i32>} : memref<8x1024xf32, #tpu.memory_space<vmem>>, vector<1x16xf32>,
        %swap3A_506 = arith.constant 1 : i32
        %swap3A_507 = arith.index_cast %swap3A_506 : i32 to index
        %swap3A_508 = arith.constant 352 : index
        %swap3A_509 = tpu.vector_load %arg8[%swap3A_507, %swap3A_508] {strides = array<i32>} : memref<8x1024xf32, #tpu.memory_space<vmem>>, vector<1x16xf32>,
        %swap3A_510 = vector.shape_cast %swap3A_509 : vector<1x16xf32> to vector<16xf32>
        %swap3A_511 = vector.shape_cast %broadcast_in_dim3A_324 : vector<16xf32> to vector<1x16xf32>
        tpu.vector_store %arg8[%swap3A_507, %swap3A_508], %swap3A_511 {strides = array<i32>} : memref<8x1024xf32, #tpu.memory_space<vmem>>, vector<1x16xf32>,
        %swap3A_512 = arith.constant 1 : i32
        %swap3A_513 = arith.index_cast %swap3A_512 : i32 to index
        %swap3A_514 = arith.constant 368 : index
        %swap3A_515 = tpu.vector_load %arg8[%swap3A_513, %swap3A_514] {strides = array<i32>} : memref<8x1024xf32, #tpu.memory_space<vmem>>, vector<1x16xf32>,
        %swap3A_516 = vector.shape_cast %swap3A_515 : vector<1x16xf32> to vector<16xf32>
        %swap3A_517 = vector.shape_cast %broadcast_in_dim3A_324 : vector<16xf32> to vector<1x16xf32>
        tpu.vector_store %arg8[%swap3A_513, %swap3A_514], %swap3A_517 {strides = array<i32>} : memref<8x1024xf32, #tpu.memory_space<vmem>>, vector<1x16xf32>,
        %swap3A_518 = arith.constant 1 : i32
        %swap3A_519 = arith.index_cast %swap3A_518 : i32 to index
        %swap3A_520 = arith.constant 384 : index
        %swap3A_521 = tpu.vector_load %arg8[%swap3A_519, %swap3A_520] {strides = array<i32>} : memref<8x1024xf32, #tpu.memory_space<vmem>>, vector<1x16xf32>,
        %swap3A_522 = vector.shape_cast %swap3A_521 : vector<1x16xf32> to vector<16xf32>
        %swap3A_523 = vector.shape_cast %broadcast_in_dim3A_324 : vector<16xf32> to vector<1x16xf32>
        tpu.vector_store %arg8[%swap3A_519, %swap3A_520], %swap3A_523 {strides = array<i32>} : memref<8x1024xf32, #tpu.memory_space<vmem>>, vector<1x16xf32>,
        %swap3A_524 = arith.constant 1 : i32
        %swap3A_525 = arith.index_cast %swap3A_524 : i32 to index
        %swap3A_526 = arith.constant 400 : index
        %swap3A_527 = tpu.vector_load %arg8[%swap3A_525, %swap3A_526] {strides = array<i32>} : memref<8x1024xf32, #tpu.memory_space<vmem>>, vector<1x16xf32>,
        %swap3A_528 = vector.shape_cast %swap3A_527 : vector<1x16xf32> to vector<16xf32>
        %swap3A_529 = vector.shape_cast %broadcast_in_dim3A_324 : vector<16xf32> to vector<1x16xf32>
        tpu.vector_store %arg8[%swap3A_525, %swap3A_526], %swap3A_529 {strides = array<i32>} : memref<8x1024xf32, #tpu.memory_space<vmem>>, vector<1x16xf32>,
        %swap3A_530 = arith.constant 1 : i32
        %swap3A_531 = arith.index_cast %swap3A_530 : i32 to index
        %swap3A_532 = arith.constant 416 : index
        %swap3A_533 = tpu.vector_load %arg8[%swap3A_531, %swap3A_532] {strides = array<i32>} : memref<8x1024xf32, #tpu.memory_space<vmem>>, vector<1x16xf32>,
        %swap3A_534 = vector.shape_cast %swap3A_533 : vector<1x16xf32> to vector<16xf32>
        %swap3A_535 = vector.shape_cast %broadcast_in_dim3A_324 : vector<16xf32> to vector<1x16xf32>
        tpu.vector_store %arg8[%swap3A_531, %swap3A_532], %swap3A_535 {strides = array<i32>} : memref<8x1024xf32, #tpu.memory_space<vmem>>, vector<1x16xf32>,
        %swap3A_536 = arith.constant 1 : i32
        %swap3A_537 = arith.index_cast %swap3A_536 : i32 to index
        %swap3A_538 = arith.constant 432 : index
        %swap3A_539 = tpu.vector_load %arg8[%swap3A_537, %swap3A_538] {strides = array<i32>} : memref<8x1024xf32, #tpu.memory_space<vmem>>, vector<1x16xf32>,
        %swap3A_540 = vector.shape_cast %swap3A_539 : vector<1x16xf32> to vector<16xf32>
        %swap3A_541 = vector.shape_cast %broadcast_in_dim3A_324 : vector<16xf32> to vector<1x16xf32>
        tpu.vector_store %arg8[%swap3A_537, %swap3A_538], %swap3A_541 {strides = array<i32>} : memref<8x1024xf32, #tpu.memory_space<vmem>>, vector<1x16xf32>,
        %swap3A_542 = arith.constant 1 : i32
        %swap3A_543 = arith.index_cast %swap3A_542 : i32 to index
        %swap3A_544 = arith.constant 448 : index
        %swap3A_545 = tpu.vector_load %arg8[%swap3A_543, %swap3A_544] {strides = array<i32>} : memref<8x1024xf32, #tpu.memory_space<vmem>>, vector<1x16xf32>,
        %swap3A_546 = vector.shape_cast %swap3A_545 : vector<1x16xf32> to vector<16xf32>
        %swap3A_547 = vector.shape_cast %broadcast_in_dim3A_324 : vector<16xf32> to vector<1x16xf32>
        tpu.vector_store %arg8[%swap3A_543, %swap3A_544], %swap3A_547 {strides = array<i32>} : memref<8x1024xf32, #tpu.memory_space<vmem>>, vector<1x16xf32>,
        %swap3A_548 = arith.constant 1 : i32
        %swap3A_549 = arith.index_cast %swap3A_548 : i32 to index
        %swap3A_550 = arith.constant 464 : index
        %swap3A_551 = tpu.vector_load %arg8[%swap3A_549, %swap3A_550] {strides = array<i32>} : memref<8x1024xf32, #tpu.memory_space<vmem>>, vector<1x16xf32>,
        %swap3A_552 = vector.shape_cast %swap3A_551 : vector<1x16xf32> to vector<16xf32>
        %swap3A_553 = vector.shape_cast %broadcast_in_dim3A_324 : vector<16xf32> to vector<1x16xf32>
        tpu.vector_store %arg8[%swap3A_549, %swap3A_550], %swap3A_553 {strides = array<i32>} : memref<8x1024xf32, #tpu.memory_space<vmem>>, vector<1x16xf32>,
        %swap3A_554 = arith.constant 1 : i32
        %swap3A_555 = arith.index_cast %swap3A_554 : i32 to index
        %swap3A_556 = arith.constant 480 : index
        %swap3A_557 = tpu.vector_load %arg8[%swap3A_555, %swap3A_556] {strides = array<i32>} : memref<8x1024xf32, #tpu.memory_space<vmem>>, vector<1x16xf32>,
        %swap3A_558 = vector.shape_cast %swap3A_557 : vector<1x16xf32> to vector<16xf32>
        %swap3A_559 = vector.shape_cast %broadcast_in_dim3A_324 : vector<16xf32> to vector<1x16xf32>
        tpu.vector_store %arg8[%swap3A_555, %swap3A_556], %swap3A_559 {strides = array<i32>} : memref<8x1024xf32, #tpu.memory_space<vmem>>, vector<1x16xf32>,
        %swap3A_560 = arith.constant 1 : i32
        %swap3A_561 = arith.index_cast %swap3A_560 : i32 to index
        %swap3A_562 = arith.constant 496 : index
        %swap3A_563 = tpu.vector_load %arg8[%swap3A_561, %swap3A_562] {strides = array<i32>} : memref<8x1024xf32, #tpu.memory_space<vmem>>, vector<1x16xf32>,
        %swap3A_564 = vector.shape_cast %swap3A_563 : vector<1x16xf32> to vector<16xf32>
        %swap3A_565 = vector.shape_cast %broadcast_in_dim3A_324 : vector<16xf32> to vector<1x16xf32>
        tpu.vector_store %arg8[%swap3A_561, %swap3A_562], %swap3A_565 {strides = array<i32>} : memref<8x1024xf32, #tpu.memory_space<vmem>>, vector<1x16xf32>,
        %swap3A_566 = arith.constant 1 : i32
        %swap3A_567 = arith.index_cast %swap3A_566 : i32 to index
        %swap3A_568 = arith.constant 512 : index
        %swap3A_569 = tpu.vector_load %arg8[%swap3A_567, %swap3A_568] {strides = array<i32>} : memref<8x1024xf32, #tpu.memory_space<vmem>>, vector<1x16xf32>,
        %swap3A_570 = vector.shape_cast %swap3A_569 : vector<1x16xf32> to vector<16xf32>
        %swap3A_571 = vector.shape_cast %broadcast_in_dim3A_324 : vector<16xf32> to vector<1x16xf32>
        tpu.vector_store %arg8[%swap3A_567, %swap3A_568], %swap3A_571 {strides = array<i32>} : memref<8x1024xf32, #tpu.memory_space<vmem>>, vector<1x16xf32>,
        %swap3A_572 = arith.constant 1 : i32
        %swap3A_573 = arith.index_cast %swap3A_572 : i32 to index
        %swap3A_574 = arith.constant 528 : index
        %swap3A_575 = tpu.vector_load %arg8[%swap3A_573, %swap3A_574] {strides = array<i32>} : memref<8x1024xf32, #tpu.memory_space<vmem>>, vector<1x16xf32>,
        %swap3A_576 = vector.shape_cast %swap3A_575 : vector<1x16xf32> to vector<16xf32>
        %swap3A_577 = vector.shape_cast %broadcast_in_dim3A_324 : vector<16xf32> to vector<1x16xf32>
        tpu.vector_store %arg8[%swap3A_573, %swap3A_574], %swap3A_577 {strides = array<i32>} : memref<8x1024xf32, #tpu.memory_space<vmem>>, vector<1x16xf32>,
        %swap3A_578 = arith.constant 1 : i32
        %swap3A_579 = arith.index_cast %swap3A_578 : i32 to index
        %swap3A_580 = arith.constant 544 : index
        %swap3A_581 = tpu.vector_load %arg8[%swap3A_579, %swap3A_580] {strides = array<i32>} : memref<8x1024xf32, #tpu.memory_space<vmem>>, vector<1x16xf32>,
        %swap3A_582 = vector.shape_cast %swap3A_581 : vector<1x16xf32> to vector<16xf32>
        %swap3A_583 = vector.shape_cast %broadcast_in_dim3A_324 : vector<16xf32> to vector<1x16xf32>
        tpu.vector_store %arg8[%swap3A_579, %swap3A_580], %swap3A_583 {strides = array<i32>} : memref<8x1024xf32, #tpu.memory_space<vmem>>, vector<1x16xf32>,
        %swap3A_584 = arith.constant 1 : i32
        %swap3A_585 = arith.index_cast %swap3A_584 : i32 to index
        %swap3A_586 = arith.constant 560 : index
        %swap3A_587 = tpu.vector_load %arg8[%swap3A_585, %swap3A_586] {strides = array<i32>} : memref<8x1024xf32, #tpu.memory_space<vmem>>, vector<1x16xf32>,
        %swap3A_588 = vector.shape_cast %swap3A_587 : vector<1x16xf32> to vector<16xf32>
        %swap3A_589 = vector.shape_cast %broadcast_in_dim3A_324 : vector<16xf32> to vector<1x16xf32>
        tpu.vector_store %arg8[%swap3A_585, %swap3A_586], %swap3A_589 {strides = array<i32>} : memref<8x1024xf32, #tpu.memory_space<vmem>>, vector<1x16xf32>,
        %swap3A_590 = arith.constant 1 : i32
        %swap3A_591 = arith.index_cast %swap3A_590 : i32 to index
        %swap3A_592 = arith.constant 576 : index
        %swap3A_593 = tpu.vector_load %arg8[%swap3A_591, %swap3A_592] {strides = array<i32>} : memref<8x1024xf32, #tpu.memory_space<vmem>>, vector<1x16xf32>,
        %swap3A_594 = vector.shape_cast %swap3A_593 : vector<1x16xf32> to vector<16xf32>
        %swap3A_595 = vector.shape_cast %broadcast_in_dim3A_324 : vector<16xf32> to vector<1x16xf32>
        tpu.vector_store %arg8[%swap3A_591, %swap3A_592], %swap3A_595 {strides = array<i32>} : memref<8x1024xf32, #tpu.memory_space<vmem>>, vector<1x16xf32>,
        %swap3A_596 = arith.constant 1 : i32
        %swap3A_597 = arith.index_cast %swap3A_596 : i32 to index
        %swap3A_598 = arith.constant 592 : index
        %swap3A_599 = tpu.vector_load %arg8[%swap3A_597, %swap3A_598] {strides = array<i32>} : memref<8x1024xf32, #tpu.memory_space<vmem>>, vector<1x16xf32>,
        %swap3A_600 = vector.shape_cast %swap3A_599 : vector<1x16xf32> to vector<16xf32>
        %swap3A_601 = vector.shape_cast %broadcast_in_dim3A_324 : vector<16xf32> to vector<1x16xf32>
        tpu.vector_store %arg8[%swap3A_597, %swap3A_598], %swap3A_601 {strides = array<i32>} : memref<8x1024xf32, #tpu.memory_space<vmem>>, vector<1x16xf32>,
        %swap3A_602 = arith.constant 1 : i32
        %swap3A_603 = arith.index_cast %swap3A_602 : i32 to index
        %swap3A_604 = arith.constant 608 : index
        %swap3A_605 = tpu.vector_load %arg8[%swap3A_603, %swap3A_604] {strides = array<i32>} : memref<8x1024xf32, #tpu.memory_space<vmem>>, vector<1x16xf32>,
        %swap3A_606 = vector.shape_cast %swap3A_605 : vector<1x16xf32> to vector<16xf32>
        %swap3A_607 = vector.shape_cast %broadcast_in_dim3A_324 : vector<16xf32> to vector<1x16xf32>
        tpu.vector_store %arg8[%swap3A_603, %swap3A_604], %swap3A_607 {strides = array<i32>} : memref<8x1024xf32, #tpu.memory_space<vmem>>, vector<1x16xf32>,
        %swap3A_608 = arith.constant 1 : i32
        %swap3A_609 = arith.index_cast %swap3A_608 : i32 to index
        %swap3A_610 = arith.constant 624 : index
        %swap3A_611 = tpu.vector_load %arg8[%swap3A_609, %swap3A_610] {strides = array<i32>} : memref<8x1024xf32, #tpu.memory_space<vmem>>, vector<1x16xf32>,
        %swap3A_612 = vector.shape_cast %swap3A_611 : vector<1x16xf32> to vector<16xf32>
        %swap3A_613 = vector.shape_cast %broadcast_in_dim3A_324 : vector<16xf32> to vector<1x16xf32>
        tpu.vector_store %arg8[%swap3A_609, %swap3A_610], %swap3A_613 {strides = array<i32>} : memref<8x1024xf32, #tpu.memory_space<vmem>>, vector<1x16xf32>,
        %swap3A_614 = arith.constant 1 : i32
        %swap3A_615 = arith.index_cast %swap3A_614 : i32 to index
        %swap3A_616 = arith.constant 640 : index
        %swap3A_617 = tpu.vector_load %arg8[%swap3A_615, %swap3A_616] {strides = array<i32>} : memref<8x1024xf32, #tpu.memory_space<vmem>>, vector<1x16xf32>,
        %swap3A_618 = vector.shape_cast %swap3A_617 : vector<1x16xf32> to vector<16xf32>
        %swap3A_619 = vector.shape_cast %broadcast_in_dim3A_324 : vector<16xf32> to vector<1x16xf32>
        tpu.vector_store %arg8[%swap3A_615, %swap3A_616], %swap3A_619 {strides = array<i32>} : memref<8x1024xf32, #tpu.memory_space<vmem>>, vector<1x16xf32>,
        %swap3A_620 = arith.constant 1 : i32
        %swap3A_621 = arith.index_cast %swap3A_620 : i32 to index
        %swap3A_622 = arith.constant 656 : index
        %swap3A_623 = tpu.vector_load %arg8[%swap3A_621, %swap3A_622] {strides = array<i32>} : memref<8x1024xf32, #tpu.memory_space<vmem>>, vector<1x16xf32>,
        %swap3A_624 = vector.shape_cast %swap3A_623 : vector<1x16xf32> to vector<16xf32>
        %swap3A_625 = vector.shape_cast %broadcast_in_dim3A_324 : vector<16xf32> to vector<1x16xf32>
        tpu.vector_store %arg8[%swap3A_621, %swap3A_622], %swap3A_625 {strides = array<i32>} : memref<8x1024xf32, #tpu.memory_space<vmem>>, vector<1x16xf32>,
        %swap3A_626 = arith.constant 1 : i32
        %swap3A_627 = arith.index_cast %swap3A_626 : i32 to index
        %swap3A_628 = arith.constant 672 : index
        %swap3A_629 = tpu.vector_load %arg8[%swap3A_627, %swap3A_628] {strides = array<i32>} : memref<8x1024xf32, #tpu.memory_space<vmem>>, vector<1x16xf32>,
        %swap3A_630 = vector.shape_cast %swap3A_629 : vector<1x16xf32> to vector<16xf32>
        %swap3A_631 = vector.shape_cast %broadcast_in_dim3A_324 : vector<16xf32> to vector<1x16xf32>
        tpu.vector_store %arg8[%swap3A_627, %swap3A_628], %swap3A_631 {strides = array<i32>} : memref<8x1024xf32, #tpu.memory_space<vmem>>, vector<1x16xf32>,
        %swap3A_632 = arith.constant 1 : i32
        %swap3A_633 = arith.index_cast %swap3A_632 : i32 to index
        %swap3A_634 = arith.constant 688 : index
        %swap3A_635 = tpu.vector_load %arg8[%swap3A_633, %swap3A_634] {strides = array<i32>} : memref<8x1024xf32, #tpu.memory_space<vmem>>, vector<1x16xf32>,
        %swap3A_636 = vector.shape_cast %swap3A_635 : vector<1x16xf32> to vector<16xf32>
        %swap3A_637 = vector.shape_cast %broadcast_in_dim3A_324 : vector<16xf32> to vector<1x16xf32>
        tpu.vector_store %arg8[%swap3A_633, %swap3A_634], %swap3A_637 {strides = array<i32>} : memref<8x1024xf32, #tpu.memory_space<vmem>>, vector<1x16xf32>,
        %swap3A_638 = arith.constant 1 : i32
        %swap3A_639 = arith.index_cast %swap3A_638 : i32 to index
        %swap3A_640 = arith.constant 704 : index
        %swap3A_641 = tpu.vector_load %arg8[%swap3A_639, %swap3A_640] {strides = array<i32>} : memref<8x1024xf32, #tpu.memory_space<vmem>>, vector<1x16xf32>,
        %swap3A_642 = vector.shape_cast %swap3A_641 : vector<1x16xf32> to vector<16xf32>
        %swap3A_643 = vector.shape_cast %broadcast_in_dim3A_324 : vector<16xf32> to vector<1x16xf32>
        tpu.vector_store %arg8[%swap3A_639, %swap3A_640], %swap3A_643 {strides = array<i32>} : memref<8x1024xf32, #tpu.memory_space<vmem>>, vector<1x16xf32>,
        %swap3A_644 = arith.constant 1 : i32
        %swap3A_645 = arith.index_cast %swap3A_644 : i32 to index
        %swap3A_646 = arith.constant 720 : index
        %swap3A_647 = tpu.vector_load %arg8[%swap3A_645, %swap3A_646] {strides = array<i32>} : memref<8x1024xf32, #tpu.memory_space<vmem>>, vector<1x16xf32>,
        %swap3A_648 = vector.shape_cast %swap3A_647 : vector<1x16xf32> to vector<16xf32>
        %swap3A_649 = vector.shape_cast %broadcast_in_dim3A_324 : vector<16xf32> to vector<1x16xf32>
        tpu.vector_store %arg8[%swap3A_645, %swap3A_646], %swap3A_649 {strides = array<i32>} : memref<8x1024xf32, #tpu.memory_space<vmem>>, vector<1x16xf32>,
        %swap3A_650 = arith.constant 1 : i32
        %swap3A_651 = arith.index_cast %swap3A_650 : i32 to index
        %swap3A_652 = arith.constant 736 : index
        %swap3A_653 = tpu.vector_load %arg8[%swap3A_651, %swap3A_652] {strides = array<i32>} : memref<8x1024xf32, #tpu.memory_space<vmem>>, vector<1x16xf32>,
        %swap3A_654 = vector.shape_cast %swap3A_653 : vector<1x16xf32> to vector<16xf32>
        %swap3A_655 = vector.shape_cast %broadcast_in_dim3A_324 : vector<16xf32> to vector<1x16xf32>
        tpu.vector_store %arg8[%swap3A_651, %swap3A_652], %swap3A_655 {strides = array<i32>} : memref<8x1024xf32, #tpu.memory_space<vmem>>, vector<1x16xf32>,
        %swap3A_656 = arith.constant 1 : i32
        %swap3A_657 = arith.index_cast %swap3A_656 : i32 to index
        %swap3A_658 = arith.constant 752 : index
        %swap3A_659 = tpu.vector_load %arg8[%swap3A_657, %swap3A_658] {strides = array<i32>} : memref<8x1024xf32, #tpu.memory_space<vmem>>, vector<1x16xf32>,
        %swap3A_660 = vector.shape_cast %swap3A_659 : vector<1x16xf32> to vector<16xf32>
        %swap3A_661 = vector.shape_cast %broadcast_in_dim3A_324 : vector<16xf32> to vector<1x16xf32>
        tpu.vector_store %arg8[%swap3A_657, %swap3A_658], %swap3A_661 {strides = array<i32>} : memref<8x1024xf32, #tpu.memory_space<vmem>>, vector<1x16xf32>,
        %swap3A_662 = arith.constant 1 : i32
        %swap3A_663 = arith.index_cast %swap3A_662 : i32 to index
        %swap3A_664 = arith.constant 768 : index
        %swap3A_665 = tpu.vector_load %arg8[%swap3A_663, %swap3A_664] {strides = array<i32>} : memref<8x1024xf32, #tpu.memory_space<vmem>>, vector<1x16xf32>,
        %swap3A_666 = vector.shape_cast %swap3A_665 : vector<1x16xf32> to vector<16xf32>
        %swap3A_667 = vector.shape_cast %broadcast_in_dim3A_324 : vector<16xf32> to vector<1x16xf32>
        tpu.vector_store %arg8[%swap3A_663, %swap3A_664], %swap3A_667 {strides = array<i32>} : memref<8x1024xf32, #tpu.memory_space<vmem>>, vector<1x16xf32>,
        %swap3A_668 = arith.constant 1 : i32
        %swap3A_669 = arith.index_cast %swap3A_668 : i32 to index
        %swap3A_670 = arith.constant 784 : index
        %swap3A_671 = tpu.vector_load %arg8[%swap3A_669, %swap3A_670] {strides = array<i32>} : memref<8x1024xf32, #tpu.memory_space<vmem>>, vector<1x16xf32>,
        %swap3A_672 = vector.shape_cast %swap3A_671 : vector<1x16xf32> to vector<16xf32>
        %swap3A_673 = vector.shape_cast %broadcast_in_dim3A_324 : vector<16xf32> to vector<1x16xf32>
        tpu.vector_store %arg8[%swap3A_669, %swap3A_670], %swap3A_673 {strides = array<i32>} : memref<8x1024xf32, #tpu.memory_space<vmem>>, vector<1x16xf32>,
        %swap3A_674 = arith.constant 1 : i32
        %swap3A_675 = arith.index_cast %swap3A_674 : i32 to index
        %swap3A_676 = arith.constant 800 : index
        %swap3A_677 = tpu.vector_load %arg8[%swap3A_675, %swap3A_676] {strides = array<i32>} : memref<8x1024xf32, #tpu.memory_space<vmem>>, vector<1x16xf32>,
        %swap3A_678 = vector.shape_cast %swap3A_677 : vector<1x16xf32> to vector<16xf32>
        %swap3A_679 = vector.shape_cast %broadcast_in_dim3A_324 : vector<16xf32> to vector<1x16xf32>
        tpu.vector_store %arg8[%swap3A_675, %swap3A_676], %swap3A_679 {strides = array<i32>} : memref<8x1024xf32, #tpu.memory_space<vmem>>, vector<1x16xf32>,
        %swap3A_680 = arith.constant 1 : i32
        %swap3A_681 = arith.index_cast %swap3A_680 : i32 to index
        %swap3A_682 = arith.constant 816 : index
        %swap3A_683 = tpu.vector_load %arg8[%swap3A_681, %swap3A_682] {strides = array<i32>} : memref<8x1024xf32, #tpu.memory_space<vmem>>, vector<1x16xf32>,
        %swap3A_684 = vector.shape_cast %swap3A_683 : vector<1x16xf32> to vector<16xf32>
        %swap3A_685 = vector.shape_cast %broadcast_in_dim3A_324 : vector<16xf32> to vector<1x16xf32>
        tpu.vector_store %arg8[%swap3A_681, %swap3A_682], %swap3A_685 {strides = array<i32>} : memref<8x1024xf32, #tpu.memory_space<vmem>>, vector<1x16xf32>,
        %swap3A_686 = arith.constant 1 : i32
        %swap3A_687 = arith.index_cast %swap3A_686 : i32 to index
        %swap3A_688 = arith.constant 832 : index
        %swap3A_689 = tpu.vector_load %arg8[%swap3A_687, %swap3A_688] {strides = array<i32>} : memref<8x1024xf32, #tpu.memory_space<vmem>>, vector<1x16xf32>,
        %swap3A_690 = vector.shape_cast %swap3A_689 : vector<1x16xf32> to vector<16xf32>
        %swap3A_691 = vector.shape_cast %broadcast_in_dim3A_324 : vector<16xf32> to vector<1x16xf32>
        tpu.vector_store %arg8[%swap3A_687, %swap3A_688], %swap3A_691 {strides = array<i32>} : memref<8x1024xf32, #tpu.memory_space<vmem>>, vector<1x16xf32>,
        %swap3A_692 = arith.constant 1 : i32
        %swap3A_693 = arith.index_cast %swap3A_692 : i32 to index
        %swap3A_694 = arith.constant 848 : index
        %swap3A_695 = tpu.vector_load %arg8[%swap3A_693, %swap3A_694] {strides = array<i32>} : memref<8x1024xf32, #tpu.memory_space<vmem>>, vector<1x16xf32>,
        %swap3A_696 = vector.shape_cast %swap3A_695 : vector<1x16xf32> to vector<16xf32>
        %swap3A_697 = vector.shape_cast %broadcast_in_dim3A_324 : vector<16xf32> to vector<1x16xf32>
        tpu.vector_store %arg8[%swap3A_693, %swap3A_694], %swap3A_697 {strides = array<i32>} : memref<8x1024xf32, #tpu.memory_space<vmem>>, vector<1x16xf32>,
        %swap3A_698 = arith.constant 1 : i32
        %swap3A_699 = arith.index_cast %swap3A_698 : i32 to index
        %swap3A_700 = arith.constant 864 : index
        %swap3A_701 = tpu.vector_load %arg8[%swap3A_699, %swap3A_700] {strides = array<i32>} : memref<8x1024xf32, #tpu.memory_space<vmem>>, vector<1x16xf32>,
        %swap3A_702 = vector.shape_cast %swap3A_701 : vector<1x16xf32> to vector<16xf32>
        %swap3A_703 = vector.shape_cast %broadcast_in_dim3A_324 : vector<16xf32> to vector<1x16xf32>
        tpu.vector_store %arg8[%swap3A_699, %swap3A_700], %swap3A_703 {strides = array<i32>} : memref<8x1024xf32, #tpu.memory_space<vmem>>, vector<1x16xf32>,
        %swap3A_704 = arith.constant 1 : i32
        %swap3A_705 = arith.index_cast %swap3A_704 : i32 to index
        %swap3A_706 = arith.constant 880 : index
        %swap3A_707 = tpu.vector_load %arg8[%swap3A_705, %swap3A_706] {strides = array<i32>} : memref<8x1024xf32, #tpu.memory_space<vmem>>, vector<1x16xf32>,
        %swap3A_708 = vector.shape_cast %swap3A_707 : vector<1x16xf32> to vector<16xf32>
        %swap3A_709 = vector.shape_cast %broadcast_in_dim3A_324 : vector<16xf32> to vector<1x16xf32>
        tpu.vector_store %arg8[%swap3A_705, %swap3A_706], %swap3A_709 {strides = array<i32>} : memref<8x1024xf32, #tpu.memory_space<vmem>>, vector<1x16xf32>,
        %swap3A_710 = arith.constant 1 : i32
        %swap3A_711 = arith.index_cast %swap3A_710 : i32 to index
        %swap3A_712 = arith.constant 896 : index
        %swap3A_713 = tpu.vector_load %arg8[%swap3A_711, %swap3A_712] {strides = array<i32>} : memref<8x1024xf32, #tpu.memory_space<vmem>>, vector<1x16xf32>,
        %swap3A_714 = vector.shape_cast %swap3A_713 : vector<1x16xf32> to vector<16xf32>
        %swap3A_715 = vector.shape_cast %broadcast_in_dim3A_324 : vector<16xf32> to vector<1x16xf32>
        tpu.vector_store %arg8[%swap3A_711, %swap3A_712], %swap3A_715 {strides = array<i32>} : memref<8x1024xf32, #tpu.memory_space<vmem>>, vector<1x16xf32>,
        %swap3A_716 = arith.constant 1 : i32
        %swap3A_717 = arith.index_cast %swap3A_716 : i32 to index
        %swap3A_718 = arith.constant 912 : index
        %swap3A_719 = tpu.vector_load %arg8[%swap3A_717, %swap3A_718] {strides = array<i32>} : memref<8x1024xf32, #tpu.memory_space<vmem>>, vector<1x16xf32>,
        %swap3A_720 = vector.shape_cast %swap3A_719 : vector<1x16xf32> to vector<16xf32>
        %swap3A_721 = vector.shape_cast %broadcast_in_dim3A_324 : vector<16xf32> to vector<1x16xf32>
        tpu.vector_store %arg8[%swap3A_717, %swap3A_718], %swap3A_721 {strides = array<i32>} : memref<8x1024xf32, #tpu.memory_space<vmem>>, vector<1x16xf32>,
        %swap3A_722 = arith.constant 1 : i32
        %swap3A_723 = arith.index_cast %swap3A_722 : i32 to index
        %swap3A_724 = arith.constant 928 : index
        %swap3A_725 = tpu.vector_load %arg8[%swap3A_723, %swap3A_724] {strides = array<i32>} : memref<8x1024xf32, #tpu.memory_space<vmem>>, vector<1x16xf32>,
        %swap3A_726 = vector.shape_cast %swap3A_725 : vector<1x16xf32> to vector<16xf32>
        %swap3A_727 = vector.shape_cast %broadcast_in_dim3A_324 : vector<16xf32> to vector<1x16xf32>
        tpu.vector_store %arg8[%swap3A_723, %swap3A_724], %swap3A_727 {strides = array<i32>} : memref<8x1024xf32, #tpu.memory_space<vmem>>, vector<1x16xf32>,
        %swap3A_728 = arith.constant 1 : i32
        %swap3A_729 = arith.index_cast %swap3A_728 : i32 to index
        %swap3A_730 = arith.constant 944 : index
        %swap3A_731 = tpu.vector_load %arg8[%swap3A_729, %swap3A_730] {strides = array<i32>} : memref<8x1024xf32, #tpu.memory_space<vmem>>, vector<1x16xf32>,
        %swap3A_732 = vector.shape_cast %swap3A_731 : vector<1x16xf32> to vector<16xf32>
        %swap3A_733 = vector.shape_cast %broadcast_in_dim3A_324 : vector<16xf32> to vector<1x16xf32>
        tpu.vector_store %arg8[%swap3A_729, %swap3A_730], %swap3A_733 {strides = array<i32>} : memref<8x1024xf32, #tpu.memory_space<vmem>>, vector<1x16xf32>,
        %swap3A_734 = arith.constant 1 : i32
        %swap3A_735 = arith.index_cast %swap3A_734 : i32 to index
        %swap3A_736 = arith.constant 960 : index
        %swap3A_737 = tpu.vector_load %arg8[%swap3A_735, %swap3A_736] {strides = array<i32>} : memref<8x1024xf32, #tpu.memory_space<vmem>>, vector<1x16xf32>,
        %swap3A_738 = vector.shape_cast %swap3A_737 : vector<1x16xf32> to vector<16xf32>
        %swap3A_739 = vector.shape_cast %broadcast_in_dim3A_324 : vector<16xf32> to vector<1x16xf32>
        tpu.vector_store %arg8[%swap3A_735, %swap3A_736], %swap3A_739 {strides = array<i32>} : memref<8x1024xf32, #tpu.memory_space<vmem>>, vector<1x16xf32>,
        %swap3A_740 = arith.constant 1 : i32
        %swap3A_741 = arith.index_cast %swap3A_740 : i32 to index
        %swap3A_742 = arith.constant 976 : index
        %swap3A_743 = tpu.vector_load %arg8[%swap3A_741, %swap3A_742] {strides = array<i32>} : memref<8x1024xf32, #tpu.memory_space<vmem>>, vector<1x16xf32>,
        %swap3A_744 = vector.shape_cast %swap3A_743 : vector<1x16xf32> to vector<16xf32>
        %swap3A_745 = vector.shape_cast %broadcast_in_dim3A_324 : vector<16xf32> to vector<1x16xf32>
        tpu.vector_store %arg8[%swap3A_741, %swap3A_742], %swap3A_745 {strides = array<i32>} : memref<8x1024xf32, #tpu.memory_space<vmem>>, vector<1x16xf32>,
        %swap3A_746 = arith.constant 1 : i32
        %swap3A_747 = arith.index_cast %swap3A_746 : i32 to index
        %swap3A_748 = arith.constant 992 : index
        %swap3A_749 = tpu.vector_load %arg8[%swap3A_747, %swap3A_748] {strides = array<i32>} : memref<8x1024xf32, #tpu.memory_space<vmem>>, vector<1x16xf32>,
        %swap3A_750 = vector.shape_cast %swap3A_749 : vector<1x16xf32> to vector<16xf32>
        %swap3A_751 = vector.shape_cast %broadcast_in_dim3A_324 : vector<16xf32> to vector<1x16xf32>
        tpu.vector_store %arg8[%swap3A_747, %swap3A_748], %swap3A_751 {strides = array<i32>} : memref<8x1024xf32, #tpu.memory_space<vmem>>, vector<1x16xf32>,
        %swap3A_752 = arith.constant 1 : i32
        %swap3A_753 = arith.index_cast %swap3A_752 : i32 to index
        %swap3A_754 = arith.constant 1008 : index
        %swap3A_755 = tpu.vector_load %arg8[%swap3A_753, %swap3A_754] {strides = array<i32>} : memref<8x1024xf32, #tpu.memory_space<vmem>>, vector<1x16xf32>,
        %swap3A_756 = vector.shape_cast %swap3A_755 : vector<1x16xf32> to vector<16xf32>
        %swap3A_757 = vector.shape_cast %select_n3A_332 : vector<16xf32> to vector<1x16xf32>
        tpu.vector_store %arg8[%swap3A_753, %swap3A_754], %swap3A_757 {strides = array<i32>} : memref<8x1024xf32, #tpu.memory_space<vmem>>, vector<1x16xf32>,
      } else {
      }
      %le3A_337 = arith.constant 2 : i32
      %le3A_338 = arith.cmpi sle, %select_n3A_83, %le3A_337 : i32
      %convert_element_type3A_339 = arith.extui %le3A_338 : i1 to i32
      %cond3A_340 = arith.constant 0 : i32
      %cond3A_341 = arith.cmpi ne, %convert_element_type3A_339, %cond3A_340 : i32
      scf.if %cond3A_341 {
        %swap3A = arith.constant 2 : i32
        %swap3A_375 = arith.index_cast %swap3A : i32 to index
        %swap3A_376 = arith.constant 0 : index
        %swap3A_377 = tpu.vector_load %arg8[%swap3A_375, %swap3A_376] {strides = array<i32>} : memref<8x1024xf32, #tpu.memory_space<vmem>>, vector<1x16xf32>,
        %swap3A_378 = vector.shape_cast %swap3A_377 : vector<1x16xf32> to vector<16xf32>
        %swap3A_379 = vector.shape_cast %broadcast_in_dim3A_324 : vector<16xf32> to vector<1x16xf32>
        tpu.vector_store %arg8[%swap3A_375, %swap3A_376], %swap3A_379 {strides = array<i32>} : memref<8x1024xf32, #tpu.memory_space<vmem>>, vector<1x16xf32>,
        %swap3A_380 = arith.constant 2 : i32
        %swap3A_381 = arith.index_cast %swap3A_380 : i32 to index
        %swap3A_382 = arith.constant 16 : index
        %swap3A_383 = tpu.vector_load %arg8[%swap3A_381, %swap3A_382] {strides = array<i32>} : memref<8x1024xf32, #tpu.memory_space<vmem>>, vector<1x16xf32>,
        %swap3A_384 = vector.shape_cast %swap3A_383 : vector<1x16xf32> to vector<16xf32>
        %swap3A_385 = vector.shape_cast %broadcast_in_dim3A_324 : vector<16xf32> to vector<1x16xf32>
        tpu.vector_store %arg8[%swap3A_381, %swap3A_382], %swap3A_385 {strides = array<i32>} : memref<8x1024xf32, #tpu.memory_space<vmem>>, vector<1x16xf32>,
        %swap3A_386 = arith.constant 2 : i32
        %swap3A_387 = arith.index_cast %swap3A_386 : i32 to index
        %swap3A_388 = arith.constant 32 : index
        %swap3A_389 = tpu.vector_load %arg8[%swap3A_387, %swap3A_388] {strides = array<i32>} : memref<8x1024xf32, #tpu.memory_space<vmem>>, vector<1x16xf32>,
        %swap3A_390 = vector.shape_cast %swap3A_389 : vector<1x16xf32> to vector<16xf32>
        %swap3A_391 = vector.shape_cast %broadcast_in_dim3A_324 : vector<16xf32> to vector<1x16xf32>
        tpu.vector_store %arg8[%swap3A_387, %swap3A_388], %swap3A_391 {strides = array<i32>} : memref<8x1024xf32, #tpu.memory_space<vmem>>, vector<1x16xf32>,
        %swap3A_392 = arith.constant 2 : i32
        %swap3A_393 = arith.index_cast %swap3A_392 : i32 to index
        %swap3A_394 = arith.constant 48 : index
        %swap3A_395 = tpu.vector_load %arg8[%swap3A_393, %swap3A_394] {strides = array<i32>} : memref<8x1024xf32, #tpu.memory_space<vmem>>, vector<1x16xf32>,
        %swap3A_396 = vector.shape_cast %swap3A_395 : vector<1x16xf32> to vector<16xf32>
        %swap3A_397 = vector.shape_cast %broadcast_in_dim3A_324 : vector<16xf32> to vector<1x16xf32>
        tpu.vector_store %arg8[%swap3A_393, %swap3A_394], %swap3A_397 {strides = array<i32>} : memref<8x1024xf32, #tpu.memory_space<vmem>>, vector<1x16xf32>,
        %swap3A_398 = arith.constant 2 : i32
        %swap3A_399 = arith.index_cast %swap3A_398 : i32 to index
        %swap3A_400 = arith.constant 64 : index
        %swap3A_401 = tpu.vector_load %arg8[%swap3A_399, %swap3A_400] {strides = array<i32>} : memref<8x1024xf32, #tpu.memory_space<vmem>>, vector<1x16xf32>,
        %swap3A_402 = vector.shape_cast %swap3A_401 : vector<1x16xf32> to vector<16xf32>
        %swap3A_403 = vector.shape_cast %broadcast_in_dim3A_324 : vector<16xf32> to vector<1x16xf32>
        tpu.vector_store %arg8[%swap3A_399, %swap3A_400], %swap3A_403 {strides = array<i32>} : memref<8x1024xf32, #tpu.memory_space<vmem>>, vector<1x16xf32>,
        %swap3A_404 = arith.constant 2 : i32
        %swap3A_405 = arith.index_cast %swap3A_404 : i32 to index
        %swap3A_406 = arith.constant 80 : index
        %swap3A_407 = tpu.vector_load %arg8[%swap3A_405, %swap3A_406] {strides = array<i32>} : memref<8x1024xf32, #tpu.memory_space<vmem>>, vector<1x16xf32>,
        %swap3A_408 = vector.shape_cast %swap3A_407 : vector<1x16xf32> to vector<16xf32>
        %swap3A_409 = vector.shape_cast %broadcast_in_dim3A_324 : vector<16xf32> to vector<1x16xf32>
        tpu.vector_store %arg8[%swap3A_405, %swap3A_406], %swap3A_409 {strides = array<i32>} : memref<8x1024xf32, #tpu.memory_space<vmem>>, vector<1x16xf32>,
        %swap3A_410 = arith.constant 2 : i32
        %swap3A_411 = arith.index_cast %swap3A_410 : i32 to index
        %swap3A_412 = arith.constant 96 : index
        %swap3A_413 = tpu.vector_load %arg8[%swap3A_411, %swap3A_412] {strides = array<i32>} : memref<8x1024xf32, #tpu.memory_space<vmem>>, vector<1x16xf32>,
        %swap3A_414 = vector.shape_cast %swap3A_413 : vector<1x16xf32> to vector<16xf32>
        %swap3A_415 = vector.shape_cast %broadcast_in_dim3A_324 : vector<16xf32> to vector<1x16xf32>
        tpu.vector_store %arg8[%swap3A_411, %swap3A_412], %swap3A_415 {strides = array<i32>} : memref<8x1024xf32, #tpu.memory_space<vmem>>, vector<1x16xf32>,
        %swap3A_416 = arith.constant 2 : i32
        %swap3A_417 = arith.index_cast %swap3A_416 : i32 to index
        %swap3A_418 = arith.constant 112 : index
        %swap3A_419 = tpu.vector_load %arg8[%swap3A_417, %swap3A_418] {strides = array<i32>} : memref<8x1024xf32, #tpu.memory_space<vmem>>, vector<1x16xf32>,
        %swap3A_420 = vector.shape_cast %swap3A_419 : vector<1x16xf32> to vector<16xf32>
        %swap3A_421 = vector.shape_cast %broadcast_in_dim3A_324 : vector<16xf32> to vector<1x16xf32>
        tpu.vector_store %arg8[%swap3A_417, %swap3A_418], %swap3A_421 {strides = array<i32>} : memref<8x1024xf32, #tpu.memory_space<vmem>>, vector<1x16xf32>,
        %swap3A_422 = arith.constant 2 : i32
        %swap3A_423 = arith.index_cast %swap3A_422 : i32 to index
        %swap3A_424 = arith.constant 128 : index
        %swap3A_425 = tpu.vector_load %arg8[%swap3A_423, %swap3A_424] {strides = array<i32>} : memref<8x1024xf32, #tpu.memory_space<vmem>>, vector<1x16xf32>,
        %swap3A_426 = vector.shape_cast %swap3A_425 : vector<1x16xf32> to vector<16xf32>
        %swap3A_427 = vector.shape_cast %broadcast_in_dim3A_324 : vector<16xf32> to vector<1x16xf32>
        tpu.vector_store %arg8[%swap3A_423, %swap3A_424], %swap3A_427 {strides = array<i32>} : memref<8x1024xf32, #tpu.memory_space<vmem>>, vector<1x16xf32>,
        %swap3A_428 = arith.constant 2 : i32
        %swap3A_429 = arith.index_cast %swap3A_428 : i32 to index
        %swap3A_430 = arith.constant 144 : index
        %swap3A_431 = tpu.vector_load %arg8[%swap3A_429, %swap3A_430] {strides = array<i32>} : memref<8x1024xf32, #tpu.memory_space<vmem>>, vector<1x16xf32>,
        %swap3A_432 = vector.shape_cast %swap3A_431 : vector<1x16xf32> to vector<16xf32>
        %swap3A_433 = vector.shape_cast %broadcast_in_dim3A_324 : vector<16xf32> to vector<1x16xf32>
        tpu.vector_store %arg8[%swap3A_429, %swap3A_430], %swap3A_433 {strides = array<i32>} : memref<8x1024xf32, #tpu.memory_space<vmem>>, vector<1x16xf32>,
        %swap3A_434 = arith.constant 2 : i32
        %swap3A_435 = arith.index_cast %swap3A_434 : i32 to index
        %swap3A_436 = arith.constant 160 : index
        %swap3A_437 = tpu.vector_load %arg8[%swap3A_435, %swap3A_436] {strides = array<i32>} : memref<8x1024xf32, #tpu.memory_space<vmem>>, vector<1x16xf32>,
        %swap3A_438 = vector.shape_cast %swap3A_437 : vector<1x16xf32> to vector<16xf32>
        %swap3A_439 = vector.shape_cast %broadcast_in_dim3A_324 : vector<16xf32> to vector<1x16xf32>
        tpu.vector_store %arg8[%swap3A_435, %swap3A_436], %swap3A_439 {strides = array<i32>} : memref<8x1024xf32, #tpu.memory_space<vmem>>, vector<1x16xf32>,
        %swap3A_440 = arith.constant 2 : i32
        %swap3A_441 = arith.index_cast %swap3A_440 : i32 to index
        %swap3A_442 = arith.constant 176 : index
        %swap3A_443 = tpu.vector_load %arg8[%swap3A_441, %swap3A_442] {strides = array<i32>} : memref<8x1024xf32, #tpu.memory_space<vmem>>, vector<1x16xf32>,
        %swap3A_444 = vector.shape_cast %swap3A_443 : vector<1x16xf32> to vector<16xf32>
        %swap3A_445 = vector.shape_cast %broadcast_in_dim3A_324 : vector<16xf32> to vector<1x16xf32>
        tpu.vector_store %arg8[%swap3A_441, %swap3A_442], %swap3A_445 {strides = array<i32>} : memref<8x1024xf32, #tpu.memory_space<vmem>>, vector<1x16xf32>,
        %swap3A_446 = arith.constant 2 : i32
        %swap3A_447 = arith.index_cast %swap3A_446 : i32 to index
        %swap3A_448 = arith.constant 192 : index
        %swap3A_449 = tpu.vector_load %arg8[%swap3A_447, %swap3A_448] {strides = array<i32>} : memref<8x1024xf32, #tpu.memory_space<vmem>>, vector<1x16xf32>,
        %swap3A_450 = vector.shape_cast %swap3A_449 : vector<1x16xf32> to vector<16xf32>
        %swap3A_451 = vector.shape_cast %broadcast_in_dim3A_324 : vector<16xf32> to vector<1x16xf32>
        tpu.vector_store %arg8[%swap3A_447, %swap3A_448], %swap3A_451 {strides = array<i32>} : memref<8x1024xf32, #tpu.memory_space<vmem>>, vector<1x16xf32>,
        %swap3A_452 = arith.constant 2 : i32
        %swap3A_453 = arith.index_cast %swap3A_452 : i32 to index
        %swap3A_454 = arith.constant 208 : index
        %swap3A_455 = tpu.vector_load %arg8[%swap3A_453, %swap3A_454] {strides = array<i32>} : memref<8x1024xf32, #tpu.memory_space<vmem>>, vector<1x16xf32>,
        %swap3A_456 = vector.shape_cast %swap3A_455 : vector<1x16xf32> to vector<16xf32>
        %swap3A_457 = vector.shape_cast %broadcast_in_dim3A_324 : vector<16xf32> to vector<1x16xf32>
        tpu.vector_store %arg8[%swap3A_453, %swap3A_454], %swap3A_457 {strides = array<i32>} : memref<8x1024xf32, #tpu.memory_space<vmem>>, vector<1x16xf32>,
        %swap3A_458 = arith.constant 2 : i32
        %swap3A_459 = arith.index_cast %swap3A_458 : i32 to index
        %swap3A_460 = arith.constant 224 : index
        %swap3A_461 = tpu.vector_load %arg8[%swap3A_459, %swap3A_460] {strides = array<i32>} : memref<8x1024xf32, #tpu.memory_space<vmem>>, vector<1x16xf32>,
        %swap3A_462 = vector.shape_cast %swap3A_461 : vector<1x16xf32> to vector<16xf32>
        %swap3A_463 = vector.shape_cast %broadcast_in_dim3A_324 : vector<16xf32> to vector<1x16xf32>
        tpu.vector_store %arg8[%swap3A_459, %swap3A_460], %swap3A_463 {strides = array<i32>} : memref<8x1024xf32, #tpu.memory_space<vmem>>, vector<1x16xf32>,
        %swap3A_464 = arith.constant 2 : i32
        %swap3A_465 = arith.index_cast %swap3A_464 : i32 to index
        %swap3A_466 = arith.constant 240 : index
        %swap3A_467 = tpu.vector_load %arg8[%swap3A_465, %swap3A_466] {strides = array<i32>} : memref<8x1024xf32, #tpu.memory_space<vmem>>, vector<1x16xf32>,
        %swap3A_468 = vector.shape_cast %swap3A_467 : vector<1x16xf32> to vector<16xf32>
        %swap3A_469 = vector.shape_cast %broadcast_in_dim3A_324 : vector<16xf32> to vector<1x16xf32>
        tpu.vector_store %arg8[%swap3A_465, %swap3A_466], %swap3A_469 {strides = array<i32>} : memref<8x1024xf32, #tpu.memory_space<vmem>>, vector<1x16xf32>,
        %swap3A_470 = arith.constant 2 : i32
        %swap3A_471 = arith.index_cast %swap3A_470 : i32 to index
        %swap3A_472 = arith.constant 256 : index
        %swap3A_473 = tpu.vector_load %arg8[%swap3A_471, %swap3A_472] {strides = array<i32>} : memref<8x1024xf32, #tpu.memory_space<vmem>>, vector<1x16xf32>,
        %swap3A_474 = vector.shape_cast %swap3A_473 : vector<1x16xf32> to vector<16xf32>
        %swap3A_475 = vector.shape_cast %broadcast_in_dim3A_324 : vector<16xf32> to vector<1x16xf32>
        tpu.vector_store %arg8[%swap3A_471, %swap3A_472], %swap3A_475 {strides = array<i32>} : memref<8x1024xf32, #tpu.memory_space<vmem>>, vector<1x16xf32>,
        %swap3A_476 = arith.constant 2 : i32
        %swap3A_477 = arith.index_cast %swap3A_476 : i32 to index
        %swap3A_478 = arith.constant 272 : index
        %swap3A_479 = tpu.vector_load %arg8[%swap3A_477, %swap3A_478] {strides = array<i32>} : memref<8x1024xf32, #tpu.memory_space<vmem>>, vector<1x16xf32>,
        %swap3A_480 = vector.shape_cast %swap3A_479 : vector<1x16xf32> to vector<16xf32>
        %swap3A_481 = vector.shape_cast %broadcast_in_dim3A_324 : vector<16xf32> to vector<1x16xf32>
        tpu.vector_store %arg8[%swap3A_477, %swap3A_478], %swap3A_481 {strides = array<i32>} : memref<8x1024xf32, #tpu.memory_space<vmem>>, vector<1x16xf32>,
        %swap3A_482 = arith.constant 2 : i32
        %swap3A_483 = arith.index_cast %swap3A_482 : i32 to index
        %swap3A_484 = arith.constant 288 : index
        %swap3A_485 = tpu.vector_load %arg8[%swap3A_483, %swap3A_484] {strides = array<i32>} : memref<8x1024xf32, #tpu.memory_space<vmem>>, vector<1x16xf32>,
        %swap3A_486 = vector.shape_cast %swap3A_485 : vector<1x16xf32> to vector<16xf32>
        %swap3A_487 = vector.shape_cast %broadcast_in_dim3A_324 : vector<16xf32> to vector<1x16xf32>
        tpu.vector_store %arg8[%swap3A_483, %swap3A_484], %swap3A_487 {strides = array<i32>} : memref<8x1024xf32, #tpu.memory_space<vmem>>, vector<1x16xf32>,
        %swap3A_488 = arith.constant 2 : i32
        %swap3A_489 = arith.index_cast %swap3A_488 : i32 to index
        %swap3A_490 = arith.constant 304 : index
        %swap3A_491 = tpu.vector_load %arg8[%swap3A_489, %swap3A_490] {strides = array<i32>} : memref<8x1024xf32, #tpu.memory_space<vmem>>, vector<1x16xf32>,
        %swap3A_492 = vector.shape_cast %swap3A_491 : vector<1x16xf32> to vector<16xf32>
        %swap3A_493 = vector.shape_cast %broadcast_in_dim3A_324 : vector<16xf32> to vector<1x16xf32>
        tpu.vector_store %arg8[%swap3A_489, %swap3A_490], %swap3A_493 {strides = array<i32>} : memref<8x1024xf32, #tpu.memory_space<vmem>>, vector<1x16xf32>,
        %swap3A_494 = arith.constant 2 : i32
        %swap3A_495 = arith.index_cast %swap3A_494 : i32 to index
        %swap3A_496 = arith.constant 320 : index
        %swap3A_497 = tpu.vector_load %arg8[%swap3A_495, %swap3A_496] {strides = array<i32>} : memref<8x1024xf32, #tpu.memory_space<vmem>>, vector<1x16xf32>,
        %swap3A_498 = vector.shape_cast %swap3A_497 : vector<1x16xf32> to vector<16xf32>
        %swap3A_499 = vector.shape_cast %broadcast_in_dim3A_324 : vector<16xf32> to vector<1x16xf32>
        tpu.vector_store %arg8[%swap3A_495, %swap3A_496], %swap3A_499 {strides = array<i32>} : memref<8x1024xf32, #tpu.memory_space<vmem>>, vector<1x16xf32>,
        %swap3A_500 = arith.constant 2 : i32
        %swap3A_501 = arith.index_cast %swap3A_500 : i32 to index
        %swap3A_502 = arith.constant 336 : index
        %swap3A_503 = tpu.vector_load %arg8[%swap3A_501, %swap3A_502] {strides = array<i32>} : memref<8x1024xf32, #tpu.memory_space<vmem>>, vector<1x16xf32>,
        %swap3A_504 = vector.shape_cast %swap3A_503 : vector<1x16xf32> to vector<16xf32>
        %swap3A_505 = vector.shape_cast %broadcast_in_dim3A_324 : vector<16xf32> to vector<1x16xf32>
        tpu.vector_store %arg8[%swap3A_501, %swap3A_502], %swap3A_505 {strides = array<i32>} : memref<8x1024xf32, #tpu.memory_space<vmem>>, vector<1x16xf32>,
        %swap3A_506 = arith.constant 2 : i32
        %swap3A_507 = arith.index_cast %swap3A_506 : i32 to index
        %swap3A_508 = arith.constant 352 : index
        %swap3A_509 = tpu.vector_load %arg8[%swap3A_507, %swap3A_508] {strides = array<i32>} : memref<8x1024xf32, #tpu.memory_space<vmem>>, vector<1x16xf32>,
        %swap3A_510 = vector.shape_cast %swap3A_509 : vector<1x16xf32> to vector<16xf32>
        %swap3A_511 = vector.shape_cast %broadcast_in_dim3A_324 : vector<16xf32> to vector<1x16xf32>
        tpu.vector_store %arg8[%swap3A_507, %swap3A_508], %swap3A_511 {strides = array<i32>} : memref<8x1024xf32, #tpu.memory_space<vmem>>, vector<1x16xf32>,
        %swap3A_512 = arith.constant 2 : i32
        %swap3A_513 = arith.index_cast %swap3A_512 : i32 to index
        %swap3A_514 = arith.constant 368 : index
        %swap3A_515 = tpu.vector_load %arg8[%swap3A_513, %swap3A_514] {strides = array<i32>} : memref<8x1024xf32, #tpu.memory_space<vmem>>, vector<1x16xf32>,
        %swap3A_516 = vector.shape_cast %swap3A_515 : vector<1x16xf32> to vector<16xf32>
        %swap3A_517 = vector.shape_cast %broadcast_in_dim3A_324 : vector<16xf32> to vector<1x16xf32>
        tpu.vector_store %arg8[%swap3A_513, %swap3A_514], %swap3A_517 {strides = array<i32>} : memref<8x1024xf32, #tpu.memory_space<vmem>>, vector<1x16xf32>,
        %swap3A_518 = arith.constant 2 : i32
        %swap3A_519 = arith.index_cast %swap3A_518 : i32 to index
        %swap3A_520 = arith.constant 384 : index
        %swap3A_521 = tpu.vector_load %arg8[%swap3A_519, %swap3A_520] {strides = array<i32>} : memref<8x1024xf32, #tpu.memory_space<vmem>>, vector<1x16xf32>,
        %swap3A_522 = vector.shape_cast %swap3A_521 : vector<1x16xf32> to vector<16xf32>
        %swap3A_523 = vector.shape_cast %broadcast_in_dim3A_324 : vector<16xf32> to vector<1x16xf32>
        tpu.vector_store %arg8[%swap3A_519, %swap3A_520], %swap3A_523 {strides = array<i32>} : memref<8x1024xf32, #tpu.memory_space<vmem>>, vector<1x16xf32>,
        %swap3A_524 = arith.constant 2 : i32
        %swap3A_525 = arith.index_cast %swap3A_524 : i32 to index
        %swap3A_526 = arith.constant 400 : index
        %swap3A_527 = tpu.vector_load %arg8[%swap3A_525, %swap3A_526] {strides = array<i32>} : memref<8x1024xf32, #tpu.memory_space<vmem>>, vector<1x16xf32>,
        %swap3A_528 = vector.shape_cast %swap3A_527 : vector<1x16xf32> to vector<16xf32>
        %swap3A_529 = vector.shape_cast %broadcast_in_dim3A_324 : vector<16xf32> to vector<1x16xf32>
        tpu.vector_store %arg8[%swap3A_525, %swap3A_526], %swap3A_529 {strides = array<i32>} : memref<8x1024xf32, #tpu.memory_space<vmem>>, vector<1x16xf32>,
        %swap3A_530 = arith.constant 2 : i32
        %swap3A_531 = arith.index_cast %swap3A_530 : i32 to index
        %swap3A_532 = arith.constant 416 : index
        %swap3A_533 = tpu.vector_load %arg8[%swap3A_531, %swap3A_532] {strides = array<i32>} : memref<8x1024xf32, #tpu.memory_space<vmem>>, vector<1x16xf32>,
        %swap3A_534 = vector.shape_cast %swap3A_533 : vector<1x16xf32> to vector<16xf32>
        %swap3A_535 = vector.shape_cast %broadcast_in_dim3A_324 : vector<16xf32> to vector<1x16xf32>
        tpu.vector_store %arg8[%swap3A_531, %swap3A_532], %swap3A_535 {strides = array<i32>} : memref<8x1024xf32, #tpu.memory_space<vmem>>, vector<1x16xf32>,
        %swap3A_536 = arith.constant 2 : i32
        %swap3A_537 = arith.index_cast %swap3A_536 : i32 to index
        %swap3A_538 = arith.constant 432 : index
        %swap3A_539 = tpu.vector_load %arg8[%swap3A_537, %swap3A_538] {strides = array<i32>} : memref<8x1024xf32, #tpu.memory_space<vmem>>, vector<1x16xf32>,
        %swap3A_540 = vector.shape_cast %swap3A_539 : vector<1x16xf32> to vector<16xf32>
        %swap3A_541 = vector.shape_cast %broadcast_in_dim3A_324 : vector<16xf32> to vector<1x16xf32>
        tpu.vector_store %arg8[%swap3A_537, %swap3A_538], %swap3A_541 {strides = array<i32>} : memref<8x1024xf32, #tpu.memory_space<vmem>>, vector<1x16xf32>,
        %swap3A_542 = arith.constant 2 : i32
        %swap3A_543 = arith.index_cast %swap3A_542 : i32 to index
        %swap3A_544 = arith.constant 448 : index
        %swap3A_545 = tpu.vector_load %arg8[%swap3A_543, %swap3A_544] {strides = array<i32>} : memref<8x1024xf32, #tpu.memory_space<vmem>>, vector<1x16xf32>,
        %swap3A_546 = vector.shape_cast %swap3A_545 : vector<1x16xf32> to vector<16xf32>
        %swap3A_547 = vector.shape_cast %broadcast_in_dim3A_324 : vector<16xf32> to vector<1x16xf32>
        tpu.vector_store %arg8[%swap3A_543, %swap3A_544], %swap3A_547 {strides = array<i32>} : memref<8x1024xf32, #tpu.memory_space<vmem>>, vector<1x16xf32>,
        %swap3A_548 = arith.constant 2 : i32
        %swap3A_549 = arith.index_cast %swap3A_548 : i32 to index
        %swap3A_550 = arith.constant 464 : index
        %swap3A_551 = tpu.vector_load %arg8[%swap3A_549, %swap3A_550] {strides = array<i32>} : memref<8x1024xf32, #tpu.memory_space<vmem>>, vector<1x16xf32>,
        %swap3A_552 = vector.shape_cast %swap3A_551 : vector<1x16xf32> to vector<16xf32>
        %swap3A_553 = vector.shape_cast %broadcast_in_dim3A_324 : vector<16xf32> to vector<1x16xf32>
        tpu.vector_store %arg8[%swap3A_549, %swap3A_550], %swap3A_553 {strides = array<i32>} : memref<8x1024xf32, #tpu.memory_space<vmem>>, vector<1x16xf32>,
        %swap3A_554 = arith.constant 2 : i32
        %swap3A_555 = arith.index_cast %swap3A_554 : i32 to index
        %swap3A_556 = arith.constant 480 : index
        %swap3A_557 = tpu.vector_load %arg8[%swap3A_555, %swap3A_556] {strides = array<i32>} : memref<8x1024xf32, #tpu.memory_space<vmem>>, vector<1x16xf32>,
        %swap3A_558 = vector.shape_cast %swap3A_557 : vector<1x16xf32> to vector<16xf32>
        %swap3A_559 = vector.shape_cast %broadcast_in_dim3A_324 : vector<16xf32> to vector<1x16xf32>
        tpu.vector_store %arg8[%swap3A_555, %swap3A_556], %swap3A_559 {strides = array<i32>} : memref<8x1024xf32, #tpu.memory_space<vmem>>, vector<1x16xf32>,
        %swap3A_560 = arith.constant 2 : i32
        %swap3A_561 = arith.index_cast %swap3A_560 : i32 to index
        %swap3A_562 = arith.constant 496 : index
        %swap3A_563 = tpu.vector_load %arg8[%swap3A_561, %swap3A_562] {strides = array<i32>} : memref<8x1024xf32, #tpu.memory_space<vmem>>, vector<1x16xf32>,
        %swap3A_564 = vector.shape_cast %swap3A_563 : vector<1x16xf32> to vector<16xf32>
        %swap3A_565 = vector.shape_cast %broadcast_in_dim3A_324 : vector<16xf32> to vector<1x16xf32>
        tpu.vector_store %arg8[%swap3A_561, %swap3A_562], %swap3A_565 {strides = array<i32>} : memref<8x1024xf32, #tpu.memory_space<vmem>>, vector<1x16xf32>,
        %swap3A_566 = arith.constant 2 : i32
        %swap3A_567 = arith.index_cast %swap3A_566 : i32 to index
        %swap3A_568 = arith.constant 512 : index
        %swap3A_569 = tpu.vector_load %arg8[%swap3A_567, %swap3A_568] {strides = array<i32>} : memref<8x1024xf32, #tpu.memory_space<vmem>>, vector<1x16xf32>,
        %swap3A_570 = vector.shape_cast %swap3A_569 : vector<1x16xf32> to vector<16xf32>
        %swap3A_571 = vector.shape_cast %broadcast_in_dim3A_324 : vector<16xf32> to vector<1x16xf32>
        tpu.vector_store %arg8[%swap3A_567, %swap3A_568], %swap3A_571 {strides = array<i32>} : memref<8x1024xf32, #tpu.memory_space<vmem>>, vector<1x16xf32>,
        %swap3A_572 = arith.constant 2 : i32
        %swap3A_573 = arith.index_cast %swap3A_572 : i32 to index
        %swap3A_574 = arith.constant 528 : index
        %swap3A_575 = tpu.vector_load %arg8[%swap3A_573, %swap3A_574] {strides = array<i32>} : memref<8x1024xf32, #tpu.memory_space<vmem>>, vector<1x16xf32>,
        %swap3A_576 = vector.shape_cast %swap3A_575 : vector<1x16xf32> to vector<16xf32>
        %swap3A_577 = vector.shape_cast %broadcast_in_dim3A_324 : vector<16xf32> to vector<1x16xf32>
        tpu.vector_store %arg8[%swap3A_573, %swap3A_574], %swap3A_577 {strides = array<i32>} : memref<8x1024xf32, #tpu.memory_space<vmem>>, vector<1x16xf32>,
        %swap3A_578 = arith.constant 2 : i32
        %swap3A_579 = arith.index_cast %swap3A_578 : i32 to index
        %swap3A_580 = arith.constant 544 : index
        %swap3A_581 = tpu.vector_load %arg8[%swap3A_579, %swap3A_580] {strides = array<i32>} : memref<8x1024xf32, #tpu.memory_space<vmem>>, vector<1x16xf32>,
        %swap3A_582 = vector.shape_cast %swap3A_581 : vector<1x16xf32> to vector<16xf32>
        %swap3A_583 = vector.shape_cast %broadcast_in_dim3A_324 : vector<16xf32> to vector<1x16xf32>
        tpu.vector_store %arg8[%swap3A_579, %swap3A_580], %swap3A_583 {strides = array<i32>} : memref<8x1024xf32, #tpu.memory_space<vmem>>, vector<1x16xf32>,
        %swap3A_584 = arith.constant 2 : i32
        %swap3A_585 = arith.index_cast %swap3A_584 : i32 to index
        %swap3A_586 = arith.constant 560 : index
        %swap3A_587 = tpu.vector_load %arg8[%swap3A_585, %swap3A_586] {strides = array<i32>} : memref<8x1024xf32, #tpu.memory_space<vmem>>, vector<1x16xf32>,
        %swap3A_588 = vector.shape_cast %swap3A_587 : vector<1x16xf32> to vector<16xf32>
        %swap3A_589 = vector.shape_cast %broadcast_in_dim3A_324 : vector<16xf32> to vector<1x16xf32>
        tpu.vector_store %arg8[%swap3A_585, %swap3A_586], %swap3A_589 {strides = array<i32>} : memref<8x1024xf32, #tpu.memory_space<vmem>>, vector<1x16xf32>,
        %swap3A_590 = arith.constant 2 : i32
        %swap3A_591 = arith.index_cast %swap3A_590 : i32 to index
        %swap3A_592 = arith.constant 576 : index
        %swap3A_593 = tpu.vector_load %arg8[%swap3A_591, %swap3A_592] {strides = array<i32>} : memref<8x1024xf32, #tpu.memory_space<vmem>>, vector<1x16xf32>,
        %swap3A_594 = vector.shape_cast %swap3A_593 : vector<1x16xf32> to vector<16xf32>
        %swap3A_595 = vector.shape_cast %broadcast_in_dim3A_324 : vector<16xf32> to vector<1x16xf32>
        tpu.vector_store %arg8[%swap3A_591, %swap3A_592], %swap3A_595 {strides = array<i32>} : memref<8x1024xf32, #tpu.memory_space<vmem>>, vector<1x16xf32>,
        %swap3A_596 = arith.constant 2 : i32
        %swap3A_597 = arith.index_cast %swap3A_596 : i32 to index
        %swap3A_598 = arith.constant 592 : index
        %swap3A_599 = tpu.vector_load %arg8[%swap3A_597, %swap3A_598] {strides = array<i32>} : memref<8x1024xf32, #tpu.memory_space<vmem>>, vector<1x16xf32>,
        %swap3A_600 = vector.shape_cast %swap3A_599 : vector<1x16xf32> to vector<16xf32>
        %swap3A_601 = vector.shape_cast %broadcast_in_dim3A_324 : vector<16xf32> to vector<1x16xf32>
        tpu.vector_store %arg8[%swap3A_597, %swap3A_598], %swap3A_601 {strides = array<i32>} : memref<8x1024xf32, #tpu.memory_space<vmem>>, vector<1x16xf32>,
        %swap3A_602 = arith.constant 2 : i32
        %swap3A_603 = arith.index_cast %swap3A_602 : i32 to index
        %swap3A_604 = arith.constant 608 : index
        %swap3A_605 = tpu.vector_load %arg8[%swap3A_603, %swap3A_604] {strides = array<i32>} : memref<8x1024xf32, #tpu.memory_space<vmem>>, vector<1x16xf32>,
        %swap3A_606 = vector.shape_cast %swap3A_605 : vector<1x16xf32> to vector<16xf32>
        %swap3A_607 = vector.shape_cast %broadcast_in_dim3A_324 : vector<16xf32> to vector<1x16xf32>
        tpu.vector_store %arg8[%swap3A_603, %swap3A_604], %swap3A_607 {strides = array<i32>} : memref<8x1024xf32, #tpu.memory_space<vmem>>, vector<1x16xf32>,
        %swap3A_608 = arith.constant 2 : i32
        %swap3A_609 = arith.index_cast %swap3A_608 : i32 to index
        %swap3A_610 = arith.constant 624 : index
        %swap3A_611 = tpu.vector_load %arg8[%swap3A_609, %swap3A_610] {strides = array<i32>} : memref<8x1024xf32, #tpu.memory_space<vmem>>, vector<1x16xf32>,
        %swap3A_612 = vector.shape_cast %swap3A_611 : vector<1x16xf32> to vector<16xf32>
        %swap3A_613 = vector.shape_cast %broadcast_in_dim3A_324 : vector<16xf32> to vector<1x16xf32>
        tpu.vector_store %arg8[%swap3A_609, %swap3A_610], %swap3A_613 {strides = array<i32>} : memref<8x1024xf32, #tpu.memory_space<vmem>>, vector<1x16xf32>,
        %swap3A_614 = arith.constant 2 : i32
        %swap3A_615 = arith.index_cast %swap3A_614 : i32 to index
        %swap3A_616 = arith.constant 640 : index
        %swap3A_617 = tpu.vector_load %arg8[%swap3A_615, %swap3A_616] {strides = array<i32>} : memref<8x1024xf32, #tpu.memory_space<vmem>>, vector<1x16xf32>,
        %swap3A_618 = vector.shape_cast %swap3A_617 : vector<1x16xf32> to vector<16xf32>
        %swap3A_619 = vector.shape_cast %broadcast_in_dim3A_324 : vector<16xf32> to vector<1x16xf32>
        tpu.vector_store %arg8[%swap3A_615, %swap3A_616], %swap3A_619 {strides = array<i32>} : memref<8x1024xf32, #tpu.memory_space<vmem>>, vector<1x16xf32>,
        %swap3A_620 = arith.constant 2 : i32
        %swap3A_621 = arith.index_cast %swap3A_620 : i32 to index
        %swap3A_622 = arith.constant 656 : index
        %swap3A_623 = tpu.vector_load %arg8[%swap3A_621, %swap3A_622] {strides = array<i32>} : memref<8x1024xf32, #tpu.memory_space<vmem>>, vector<1x16xf32>,
        %swap3A_624 = vector.shape_cast %swap3A_623 : vector<1x16xf32> to vector<16xf32>
        %swap3A_625 = vector.shape_cast %broadcast_in_dim3A_324 : vector<16xf32> to vector<1x16xf32>
        tpu.vector_store %arg8[%swap3A_621, %swap3A_622], %swap3A_625 {strides = array<i32>} : memref<8x1024xf32, #tpu.memory_space<vmem>>, vector<1x16xf32>,
        %swap3A_626 = arith.constant 2 : i32
        %swap3A_627 = arith.index_cast %swap3A_626 : i32 to index
        %swap3A_628 = arith.constant 672 : index
        %swap3A_629 = tpu.vector_load %arg8[%swap3A_627, %swap3A_628] {strides = array<i32>} : memref<8x1024xf32, #tpu.memory_space<vmem>>, vector<1x16xf32>,
        %swap3A_630 = vector.shape_cast %swap3A_629 : vector<1x16xf32> to vector<16xf32>
        %swap3A_631 = vector.shape_cast %broadcast_in_dim3A_324 : vector<16xf32> to vector<1x16xf32>
        tpu.vector_store %arg8[%swap3A_627, %swap3A_628], %swap3A_631 {strides = array<i32>} : memref<8x1024xf32, #tpu.memory_space<vmem>>, vector<1x16xf32>,
        %swap3A_632 = arith.constant 2 : i32
        %swap3A_633 = arith.index_cast %swap3A_632 : i32 to index
        %swap3A_634 = arith.constant 688 : index
        %swap3A_635 = tpu.vector_load %arg8[%swap3A_633, %swap3A_634] {strides = array<i32>} : memref<8x1024xf32, #tpu.memory_space<vmem>>, vector<1x16xf32>,
        %swap3A_636 = vector.shape_cast %swap3A_635 : vector<1x16xf32> to vector<16xf32>
        %swap3A_637 = vector.shape_cast %broadcast_in_dim3A_324 : vector<16xf32> to vector<1x16xf32>
        tpu.vector_store %arg8[%swap3A_633, %swap3A_634], %swap3A_637 {strides = array<i32>} : memref<8x1024xf32, #tpu.memory_space<vmem>>, vector<1x16xf32>,
        %swap3A_638 = arith.constant 2 : i32
        %swap3A_639 = arith.index_cast %swap3A_638 : i32 to index
        %swap3A_640 = arith.constant 704 : index
        %swap3A_641 = tpu.vector_load %arg8[%swap3A_639, %swap3A_640] {strides = array<i32>} : memref<8x1024xf32, #tpu.memory_space<vmem>>, vector<1x16xf32>,
        %swap3A_642 = vector.shape_cast %swap3A_641 : vector<1x16xf32> to vector<16xf32>
        %swap3A_643 = vector.shape_cast %broadcast_in_dim3A_324 : vector<16xf32> to vector<1x16xf32>
        tpu.vector_store %arg8[%swap3A_639, %swap3A_640], %swap3A_643 {strides = array<i32>} : memref<8x1024xf32, #tpu.memory_space<vmem>>, vector<1x16xf32>,
        %swap3A_644 = arith.constant 2 : i32
        %swap3A_645 = arith.index_cast %swap3A_644 : i32 to index
        %swap3A_646 = arith.constant 720 : index
        %swap3A_647 = tpu.vector_load %arg8[%swap3A_645, %swap3A_646] {strides = array<i32>} : memref<8x1024xf32, #tpu.memory_space<vmem>>, vector<1x16xf32>,
        %swap3A_648 = vector.shape_cast %swap3A_647 : vector<1x16xf32> to vector<16xf32>
        %swap3A_649 = vector.shape_cast %broadcast_in_dim3A_324 : vector<16xf32> to vector<1x16xf32>
        tpu.vector_store %arg8[%swap3A_645, %swap3A_646], %swap3A_649 {strides = array<i32>} : memref<8x1024xf32, #tpu.memory_space<vmem>>, vector<1x16xf32>,
        %swap3A_650 = arith.constant 2 : i32
        %swap3A_651 = arith.index_cast %swap3A_650 : i32 to index
        %swap3A_652 = arith.constant 736 : index
        %swap3A_653 = tpu.vector_load %arg8[%swap3A_651, %swap3A_652] {strides = array<i32>} : memref<8x1024xf32, #tpu.memory_space<vmem>>, vector<1x16xf32>,
        %swap3A_654 = vector.shape_cast %swap3A_653 : vector<1x16xf32> to vector<16xf32>
        %swap3A_655 = vector.shape_cast %broadcast_in_dim3A_324 : vector<16xf32> to vector<1x16xf32>
        tpu.vector_store %arg8[%swap3A_651, %swap3A_652], %swap3A_655 {strides = array<i32>} : memref<8x1024xf32, #tpu.memory_space<vmem>>, vector<1x16xf32>,
        %swap3A_656 = arith.constant 2 : i32
        %swap3A_657 = arith.index_cast %swap3A_656 : i32 to index
        %swap3A_658 = arith.constant 752 : index
        %swap3A_659 = tpu.vector_load %arg8[%swap3A_657, %swap3A_658] {strides = array<i32>} : memref<8x1024xf32, #tpu.memory_space<vmem>>, vector<1x16xf32>,
        %swap3A_660 = vector.shape_cast %swap3A_659 : vector<1x16xf32> to vector<16xf32>
        %swap3A_661 = vector.shape_cast %broadcast_in_dim3A_324 : vector<16xf32> to vector<1x16xf32>
        tpu.vector_store %arg8[%swap3A_657, %swap3A_658], %swap3A_661 {strides = array<i32>} : memref<8x1024xf32, #tpu.memory_space<vmem>>, vector<1x16xf32>,
        %swap3A_662 = arith.constant 2 : i32
        %swap3A_663 = arith.index_cast %swap3A_662 : i32 to index
        %swap3A_664 = arith.constant 768 : index
        %swap3A_665 = tpu.vector_load %arg8[%swap3A_663, %swap3A_664] {strides = array<i32>} : memref<8x1024xf32, #tpu.memory_space<vmem>>, vector<1x16xf32>,
        %swap3A_666 = vector.shape_cast %swap3A_665 : vector<1x16xf32> to vector<16xf32>
        %swap3A_667 = vector.shape_cast %broadcast_in_dim3A_324 : vector<16xf32> to vector<1x16xf32>
        tpu.vector_store %arg8[%swap3A_663, %swap3A_664], %swap3A_667 {strides = array<i32>} : memref<8x1024xf32, #tpu.memory_space<vmem>>, vector<1x16xf32>,
        %swap3A_668 = arith.constant 2 : i32
        %swap3A_669 = arith.index_cast %swap3A_668 : i32 to index
        %swap3A_670 = arith.constant 784 : index
        %swap3A_671 = tpu.vector_load %arg8[%swap3A_669, %swap3A_670] {strides = array<i32>} : memref<8x1024xf32, #tpu.memory_space<vmem>>, vector<1x16xf32>,
        %swap3A_672 = vector.shape_cast %swap3A_671 : vector<1x16xf32> to vector<16xf32>
        %swap3A_673 = vector.shape_cast %broadcast_in_dim3A_324 : vector<16xf32> to vector<1x16xf32>
        tpu.vector_store %arg8[%swap3A_669, %swap3A_670], %swap3A_673 {strides = array<i32>} : memref<8x1024xf32, #tpu.memory_space<vmem>>, vector<1x16xf32>,
        %swap3A_674 = arith.constant 2 : i32
        %swap3A_675 = arith.index_cast %swap3A_674 : i32 to index
        %swap3A_676 = arith.constant 800 : index
        %swap3A_677 = tpu.vector_load %arg8[%swap3A_675, %swap3A_676] {strides = array<i32>} : memref<8x1024xf32, #tpu.memory_space<vmem>>, vector<1x16xf32>,
        %swap3A_678 = vector.shape_cast %swap3A_677 : vector<1x16xf32> to vector<16xf32>
        %swap3A_679 = vector.shape_cast %broadcast_in_dim3A_324 : vector<16xf32> to vector<1x16xf32>
        tpu.vector_store %arg8[%swap3A_675, %swap3A_676], %swap3A_679 {strides = array<i32>} : memref<8x1024xf32, #tpu.memory_space<vmem>>, vector<1x16xf32>,
        %swap3A_680 = arith.constant 2 : i32
        %swap3A_681 = arith.index_cast %swap3A_680 : i32 to index
        %swap3A_682 = arith.constant 816 : index
        %swap3A_683 = tpu.vector_load %arg8[%swap3A_681, %swap3A_682] {strides = array<i32>} : memref<8x1024xf32, #tpu.memory_space<vmem>>, vector<1x16xf32>,
        %swap3A_684 = vector.shape_cast %swap3A_683 : vector<1x16xf32> to vector<16xf32>
        %swap3A_685 = vector.shape_cast %broadcast_in_dim3A_324 : vector<16xf32> to vector<1x16xf32>
        tpu.vector_store %arg8[%swap3A_681, %swap3A_682], %swap3A_685 {strides = array<i32>} : memref<8x1024xf32, #tpu.memory_space<vmem>>, vector<1x16xf32>,
        %swap3A_686 = arith.constant 2 : i32
        %swap3A_687 = arith.index_cast %swap3A_686 : i32 to index
        %swap3A_688 = arith.constant 832 : index
        %swap3A_689 = tpu.vector_load %arg8[%swap3A_687, %swap3A_688] {strides = array<i32>} : memref<8x1024xf32, #tpu.memory_space<vmem>>, vector<1x16xf32>,
        %swap3A_690 = vector.shape_cast %swap3A_689 : vector<1x16xf32> to vector<16xf32>
        %swap3A_691 = vector.shape_cast %broadcast_in_dim3A_324 : vector<16xf32> to vector<1x16xf32>
        tpu.vector_store %arg8[%swap3A_687, %swap3A_688], %swap3A_691 {strides = array<i32>} : memref<8x1024xf32, #tpu.memory_space<vmem>>, vector<1x16xf32>,
        %swap3A_692 = arith.constant 2 : i32
        %swap3A_693 = arith.index_cast %swap3A_692 : i32 to index
        %swap3A_694 = arith.constant 848 : index
        %swap3A_695 = tpu.vector_load %arg8[%swap3A_693, %swap3A_694] {strides = array<i32>} : memref<8x1024xf32, #tpu.memory_space<vmem>>, vector<1x16xf32>,
        %swap3A_696 = vector.shape_cast %swap3A_695 : vector<1x16xf32> to vector<16xf32>
        %swap3A_697 = vector.shape_cast %broadcast_in_dim3A_324 : vector<16xf32> to vector<1x16xf32>
        tpu.vector_store %arg8[%swap3A_693, %swap3A_694], %swap3A_697 {strides = array<i32>} : memref<8x1024xf32, #tpu.memory_space<vmem>>, vector<1x16xf32>,
        %swap3A_698 = arith.constant 2 : i32
        %swap3A_699 = arith.index_cast %swap3A_698 : i32 to index
        %swap3A_700 = arith.constant 864 : index
        %swap3A_701 = tpu.vector_load %arg8[%swap3A_699, %swap3A_700] {strides = array<i32>} : memref<8x1024xf32, #tpu.memory_space<vmem>>, vector<1x16xf32>,
        %swap3A_702 = vector.shape_cast %swap3A_701 : vector<1x16xf32> to vector<16xf32>
        %swap3A_703 = vector.shape_cast %broadcast_in_dim3A_324 : vector<16xf32> to vector<1x16xf32>
        tpu.vector_store %arg8[%swap3A_699, %swap3A_700], %swap3A_703 {strides = array<i32>} : memref<8x1024xf32, #tpu.memory_space<vmem>>, vector<1x16xf32>,
        %swap3A_704 = arith.constant 2 : i32
        %swap3A_705 = arith.index_cast %swap3A_704 : i32 to index
        %swap3A_706 = arith.constant 880 : index
        %swap3A_707 = tpu.vector_load %arg8[%swap3A_705, %swap3A_706] {strides = array<i32>} : memref<8x1024xf32, #tpu.memory_space<vmem>>, vector<1x16xf32>,
        %swap3A_708 = vector.shape_cast %swap3A_707 : vector<1x16xf32> to vector<16xf32>
        %swap3A_709 = vector.shape_cast %broadcast_in_dim3A_324 : vector<16xf32> to vector<1x16xf32>
        tpu.vector_store %arg8[%swap3A_705, %swap3A_706], %swap3A_709 {strides = array<i32>} : memref<8x1024xf32, #tpu.memory_space<vmem>>, vector<1x16xf32>,
        %swap3A_710 = arith.constant 2 : i32
        %swap3A_711 = arith.index_cast %swap3A_710 : i32 to index
        %swap3A_712 = arith.constant 896 : index
        %swap3A_713 = tpu.vector_load %arg8[%swap3A_711, %swap3A_712] {strides = array<i32>} : memref<8x1024xf32, #tpu.memory_space<vmem>>, vector<1x16xf32>,
        %swap3A_714 = vector.shape_cast %swap3A_713 : vector<1x16xf32> to vector<16xf32>
        %swap3A_715 = vector.shape_cast %broadcast_in_dim3A_324 : vector<16xf32> to vector<1x16xf32>
        tpu.vector_store %arg8[%swap3A_711, %swap3A_712], %swap3A_715 {strides = array<i32>} : memref<8x1024xf32, #tpu.memory_space<vmem>>, vector<1x16xf32>,
        %swap3A_716 = arith.constant 2 : i32
        %swap3A_717 = arith.index_cast %swap3A_716 : i32 to index
        %swap3A_718 = arith.constant 912 : index
        %swap3A_719 = tpu.vector_load %arg8[%swap3A_717, %swap3A_718] {strides = array<i32>} : memref<8x1024xf32, #tpu.memory_space<vmem>>, vector<1x16xf32>,
        %swap3A_720 = vector.shape_cast %swap3A_719 : vector<1x16xf32> to vector<16xf32>
        %swap3A_721 = vector.shape_cast %broadcast_in_dim3A_324 : vector<16xf32> to vector<1x16xf32>
        tpu.vector_store %arg8[%swap3A_717, %swap3A_718], %swap3A_721 {strides = array<i32>} : memref<8x1024xf32, #tpu.memory_space<vmem>>, vector<1x16xf32>,
        %swap3A_722 = arith.constant 2 : i32
        %swap3A_723 = arith.index_cast %swap3A_722 : i32 to index
        %swap3A_724 = arith.constant 928 : index
        %swap3A_725 = tpu.vector_load %arg8[%swap3A_723, %swap3A_724] {strides = array<i32>} : memref<8x1024xf32, #tpu.memory_space<vmem>>, vector<1x16xf32>,
        %swap3A_726 = vector.shape_cast %swap3A_725 : vector<1x16xf32> to vector<16xf32>
        %swap3A_727 = vector.shape_cast %broadcast_in_dim3A_324 : vector<16xf32> to vector<1x16xf32>
        tpu.vector_store %arg8[%swap3A_723, %swap3A_724], %swap3A_727 {strides = array<i32>} : memref<8x1024xf32, #tpu.memory_space<vmem>>, vector<1x16xf32>,
        %swap3A_728 = arith.constant 2 : i32
        %swap3A_729 = arith.index_cast %swap3A_728 : i32 to index
        %swap3A_730 = arith.constant 944 : index
        %swap3A_731 = tpu.vector_load %arg8[%swap3A_729, %swap3A_730] {strides = array<i32>} : memref<8x1024xf32, #tpu.memory_space<vmem>>, vector<1x16xf32>,
        %swap3A_732 = vector.shape_cast %swap3A_731 : vector<1x16xf32> to vector<16xf32>
        %swap3A_733 = vector.shape_cast %broadcast_in_dim3A_324 : vector<16xf32> to vector<1x16xf32>
        tpu.vector_store %arg8[%swap3A_729, %swap3A_730], %swap3A_733 {strides = array<i32>} : memref<8x1024xf32, #tpu.memory_space<vmem>>, vector<1x16xf32>,
        %swap3A_734 = arith.constant 2 : i32
        %swap3A_735 = arith.index_cast %swap3A_734 : i32 to index
        %swap3A_736 = arith.constant 960 : index
        %swap3A_737 = tpu.vector_load %arg8[%swap3A_735, %swap3A_736] {strides = array<i32>} : memref<8x1024xf32, #tpu.memory_space<vmem>>, vector<1x16xf32>,
        %swap3A_738 = vector.shape_cast %swap3A_737 : vector<1x16xf32> to vector<16xf32>
        %swap3A_739 = vector.shape_cast %broadcast_in_dim3A_324 : vector<16xf32> to vector<1x16xf32>
        tpu.vector_store %arg8[%swap3A_735, %swap3A_736], %swap3A_739 {strides = array<i32>} : memref<8x1024xf32, #tpu.memory_space<vmem>>, vector<1x16xf32>,
        %swap3A_740 = arith.constant 2 : i32
        %swap3A_741 = arith.index_cast %swap3A_740 : i32 to index
        %swap3A_742 = arith.constant 976 : index
        %swap3A_743 = tpu.vector_load %arg8[%swap3A_741, %swap3A_742] {strides = array<i32>} : memref<8x1024xf32, #tpu.memory_space<vmem>>, vector<1x16xf32>,
        %swap3A_744 = vector.shape_cast %swap3A_743 : vector<1x16xf32> to vector<16xf32>
        %swap3A_745 = vector.shape_cast %broadcast_in_dim3A_324 : vector<16xf32> to vector<1x16xf32>
        tpu.vector_store %arg8[%swap3A_741, %swap3A_742], %swap3A_745 {strides = array<i32>} : memref<8x1024xf32, #tpu.memory_space<vmem>>, vector<1x16xf32>,
        %swap3A_746 = arith.constant 2 : i32
        %swap3A_747 = arith.index_cast %swap3A_746 : i32 to index
        %swap3A_748 = arith.constant 992 : index
        %swap3A_749 = tpu.vector_load %arg8[%swap3A_747, %swap3A_748] {strides = array<i32>} : memref<8x1024xf32, #tpu.memory_space<vmem>>, vector<1x16xf32>,
        %swap3A_750 = vector.shape_cast %swap3A_749 : vector<1x16xf32> to vector<16xf32>
        %swap3A_751 = vector.shape_cast %broadcast_in_dim3A_324 : vector<16xf32> to vector<1x16xf32>
        tpu.vector_store %arg8[%swap3A_747, %swap3A_748], %swap3A_751 {strides = array<i32>} : memref<8x1024xf32, #tpu.memory_space<vmem>>, vector<1x16xf32>,
        %swap3A_752 = arith.constant 2 : i32
        %swap3A_753 = arith.index_cast %swap3A_752 : i32 to index
        %swap3A_754 = arith.constant 1008 : index
        %swap3A_755 = tpu.vector_load %arg8[%swap3A_753, %swap3A_754] {strides = array<i32>} : memref<8x1024xf32, #tpu.memory_space<vmem>>, vector<1x16xf32>,
        %swap3A_756 = vector.shape_cast %swap3A_755 : vector<1x16xf32> to vector<16xf32>
        %swap3A_757 = vector.shape_cast %select_n3A_332 : vector<16xf32> to vector<1x16xf32>
        tpu.vector_store %arg8[%swap3A_753, %swap3A_754], %swap3A_757 {strides = array<i32>} : memref<8x1024xf32, #tpu.memory_space<vmem>>, vector<1x16xf32>,
      } else {
      }
      %le3A_342 = arith.constant 3 : i32
      %le3A_343 = arith.cmpi sle, %select_n3A_83, %le3A_342 : i32
      %convert_element_type3A_344 = arith.extui %le3A_343 : i1 to i32
      %cond3A_345 = arith.constant 0 : i32
      %cond3A_346 = arith.cmpi ne, %convert_element_type3A_344, %cond3A_345 : i32
      scf.if %cond3A_346 {
        %swap3A = arith.constant 3 : i32
        %swap3A_375 = arith.index_cast %swap3A : i32 to index
        %swap3A_376 = arith.constant 0 : index
        %swap3A_377 = tpu.vector_load %arg8[%swap3A_375, %swap3A_376] {strides = array<i32>} : memref<8x1024xf32, #tpu.memory_space<vmem>>, vector<1x16xf32>,
        %swap3A_378 = vector.shape_cast %swap3A_377 : vector<1x16xf32> to vector<16xf32>
        %swap3A_379 = vector.shape_cast %broadcast_in_dim3A_324 : vector<16xf32> to vector<1x16xf32>
        tpu.vector_store %arg8[%swap3A_375, %swap3A_376], %swap3A_379 {strides = array<i32>} : memref<8x1024xf32, #tpu.memory_space<vmem>>, vector<1x16xf32>,
        %swap3A_380 = arith.constant 3 : i32
        %swap3A_381 = arith.index_cast %swap3A_380 : i32 to index
        %swap3A_382 = arith.constant 16 : index
        %swap3A_383 = tpu.vector_load %arg8[%swap3A_381, %swap3A_382] {strides = array<i32>} : memref<8x1024xf32, #tpu.memory_space<vmem>>, vector<1x16xf32>,
        %swap3A_384 = vector.shape_cast %swap3A_383 : vector<1x16xf32> to vector<16xf32>
        %swap3A_385 = vector.shape_cast %broadcast_in_dim3A_324 : vector<16xf32> to vector<1x16xf32>
        tpu.vector_store %arg8[%swap3A_381, %swap3A_382], %swap3A_385 {strides = array<i32>} : memref<8x1024xf32, #tpu.memory_space<vmem>>, vector<1x16xf32>,
        %swap3A_386 = arith.constant 3 : i32
        %swap3A_387 = arith.index_cast %swap3A_386 : i32 to index
        %swap3A_388 = arith.constant 32 : index
        %swap3A_389 = tpu.vector_load %arg8[%swap3A_387, %swap3A_388] {strides = array<i32>} : memref<8x1024xf32, #tpu.memory_space<vmem>>, vector<1x16xf32>,
        %swap3A_390 = vector.shape_cast %swap3A_389 : vector<1x16xf32> to vector<16xf32>
        %swap3A_391 = vector.shape_cast %broadcast_in_dim3A_324 : vector<16xf32> to vector<1x16xf32>
        tpu.vector_store %arg8[%swap3A_387, %swap3A_388], %swap3A_391 {strides = array<i32>} : memref<8x1024xf32, #tpu.memory_space<vmem>>, vector<1x16xf32>,
        %swap3A_392 = arith.constant 3 : i32
        %swap3A_393 = arith.index_cast %swap3A_392 : i32 to index
        %swap3A_394 = arith.constant 48 : index
        %swap3A_395 = tpu.vector_load %arg8[%swap3A_393, %swap3A_394] {strides = array<i32>} : memref<8x1024xf32, #tpu.memory_space<vmem>>, vector<1x16xf32>,
        %swap3A_396 = vector.shape_cast %swap3A_395 : vector<1x16xf32> to vector<16xf32>
        %swap3A_397 = vector.shape_cast %broadcast_in_dim3A_324 : vector<16xf32> to vector<1x16xf32>
        tpu.vector_store %arg8[%swap3A_393, %swap3A_394], %swap3A_397 {strides = array<i32>} : memref<8x1024xf32, #tpu.memory_space<vmem>>, vector<1x16xf32>,
        %swap3A_398 = arith.constant 3 : i32
        %swap3A_399 = arith.index_cast %swap3A_398 : i32 to index
        %swap3A_400 = arith.constant 64 : index
        %swap3A_401 = tpu.vector_load %arg8[%swap3A_399, %swap3A_400] {strides = array<i32>} : memref<8x1024xf32, #tpu.memory_space<vmem>>, vector<1x16xf32>,
        %swap3A_402 = vector.shape_cast %swap3A_401 : vector<1x16xf32> to vector<16xf32>
        %swap3A_403 = vector.shape_cast %broadcast_in_dim3A_324 : vector<16xf32> to vector<1x16xf32>
        tpu.vector_store %arg8[%swap3A_399, %swap3A_400], %swap3A_403 {strides = array<i32>} : memref<8x1024xf32, #tpu.memory_space<vmem>>, vector<1x16xf32>,
        %swap3A_404 = arith.constant 3 : i32
        %swap3A_405 = arith.index_cast %swap3A_404 : i32 to index
        %swap3A_406 = arith.constant 80 : index
        %swap3A_407 = tpu.vector_load %arg8[%swap3A_405, %swap3A_406] {strides = array<i32>} : memref<8x1024xf32, #tpu.memory_space<vmem>>, vector<1x16xf32>,
        %swap3A_408 = vector.shape_cast %swap3A_407 : vector<1x16xf32> to vector<16xf32>
        %swap3A_409 = vector.shape_cast %broadcast_in_dim3A_324 : vector<16xf32> to vector<1x16xf32>
        tpu.vector_store %arg8[%swap3A_405, %swap3A_406], %swap3A_409 {strides = array<i32>} : memref<8x1024xf32, #tpu.memory_space<vmem>>, vector<1x16xf32>,
        %swap3A_410 = arith.constant 3 : i32
        %swap3A_411 = arith.index_cast %swap3A_410 : i32 to index
        %swap3A_412 = arith.constant 96 : index
        %swap3A_413 = tpu.vector_load %arg8[%swap3A_411, %swap3A_412] {strides = array<i32>} : memref<8x1024xf32, #tpu.memory_space<vmem>>, vector<1x16xf32>,
        %swap3A_414 = vector.shape_cast %swap3A_413 : vector<1x16xf32> to vector<16xf32>
        %swap3A_415 = vector.shape_cast %broadcast_in_dim3A_324 : vector<16xf32> to vector<1x16xf32>
        tpu.vector_store %arg8[%swap3A_411, %swap3A_412], %swap3A_415 {strides = array<i32>} : memref<8x1024xf32, #tpu.memory_space<vmem>>, vector<1x16xf32>,
        %swap3A_416 = arith.constant 3 : i32
        %swap3A_417 = arith.index_cast %swap3A_416 : i32 to index
        %swap3A_418 = arith.constant 112 : index
        %swap3A_419 = tpu.vector_load %arg8[%swap3A_417, %swap3A_418] {strides = array<i32>} : memref<8x1024xf32, #tpu.memory_space<vmem>>, vector<1x16xf32>,
        %swap3A_420 = vector.shape_cast %swap3A_419 : vector<1x16xf32> to vector<16xf32>
        %swap3A_421 = vector.shape_cast %broadcast_in_dim3A_324 : vector<16xf32> to vector<1x16xf32>
        tpu.vector_store %arg8[%swap3A_417, %swap3A_418], %swap3A_421 {strides = array<i32>} : memref<8x1024xf32, #tpu.memory_space<vmem>>, vector<1x16xf32>,
        %swap3A_422 = arith.constant 3 : i32
        %swap3A_423 = arith.index_cast %swap3A_422 : i32 to index
        %swap3A_424 = arith.constant 128 : index
        %swap3A_425 = tpu.vector_load %arg8[%swap3A_423, %swap3A_424] {strides = array<i32>} : memref<8x1024xf32, #tpu.memory_space<vmem>>, vector<1x16xf32>,
        %swap3A_426 = vector.shape_cast %swap3A_425 : vector<1x16xf32> to vector<16xf32>
        %swap3A_427 = vector.shape_cast %broadcast_in_dim3A_324 : vector<16xf32> to vector<1x16xf32>
        tpu.vector_store %arg8[%swap3A_423, %swap3A_424], %swap3A_427 {strides = array<i32>} : memref<8x1024xf32, #tpu.memory_space<vmem>>, vector<1x16xf32>,
        %swap3A_428 = arith.constant 3 : i32
        %swap3A_429 = arith.index_cast %swap3A_428 : i32 to index
        %swap3A_430 = arith.constant 144 : index
        %swap3A_431 = tpu.vector_load %arg8[%swap3A_429, %swap3A_430] {strides = array<i32>} : memref<8x1024xf32, #tpu.memory_space<vmem>>, vector<1x16xf32>,
        %swap3A_432 = vector.shape_cast %swap3A_431 : vector<1x16xf32> to vector<16xf32>
        %swap3A_433 = vector.shape_cast %broadcast_in_dim3A_324 : vector<16xf32> to vector<1x16xf32>
        tpu.vector_store %arg8[%swap3A_429, %swap3A_430], %swap3A_433 {strides = array<i32>} : memref<8x1024xf32, #tpu.memory_space<vmem>>, vector<1x16xf32>,
        %swap3A_434 = arith.constant 3 : i32
        %swap3A_435 = arith.index_cast %swap3A_434 : i32 to index
        %swap3A_436 = arith.constant 160 : index
        %swap3A_437 = tpu.vector_load %arg8[%swap3A_435, %swap3A_436] {strides = array<i32>} : memref<8x1024xf32, #tpu.memory_space<vmem>>, vector<1x16xf32>,
        %swap3A_438 = vector.shape_cast %swap3A_437 : vector<1x16xf32> to vector<16xf32>
        %swap3A_439 = vector.shape_cast %broadcast_in_dim3A_324 : vector<16xf32> to vector<1x16xf32>
        tpu.vector_store %arg8[%swap3A_435, %swap3A_436], %swap3A_439 {strides = array<i32>} : memref<8x1024xf32, #tpu.memory_space<vmem>>, vector<1x16xf32>,
        %swap3A_440 = arith.constant 3 : i32
        %swap3A_441 = arith.index_cast %swap3A_440 : i32 to index
        %swap3A_442 = arith.constant 176 : index
        %swap3A_443 = tpu.vector_load %arg8[%swap3A_441, %swap3A_442] {strides = array<i32>} : memref<8x1024xf32, #tpu.memory_space<vmem>>, vector<1x16xf32>,
        %swap3A_444 = vector.shape_cast %swap3A_443 : vector<1x16xf32> to vector<16xf32>
        %swap3A_445 = vector.shape_cast %broadcast_in_dim3A_324 : vector<16xf32> to vector<1x16xf32>
        tpu.vector_store %arg8[%swap3A_441, %swap3A_442], %swap3A_445 {strides = array<i32>} : memref<8x1024xf32, #tpu.memory_space<vmem>>, vector<1x16xf32>,
        %swap3A_446 = arith.constant 3 : i32
        %swap3A_447 = arith.index_cast %swap3A_446 : i32 to index
        %swap3A_448 = arith.constant 192 : index
        %swap3A_449 = tpu.vector_load %arg8[%swap3A_447, %swap3A_448] {strides = array<i32>} : memref<8x1024xf32, #tpu.memory_space<vmem>>, vector<1x16xf32>,
        %swap3A_450 = vector.shape_cast %swap3A_449 : vector<1x16xf32> to vector<16xf32>
        %swap3A_451 = vector.shape_cast %broadcast_in_dim3A_324 : vector<16xf32> to vector<1x16xf32>
        tpu.vector_store %arg8[%swap3A_447, %swap3A_448], %swap3A_451 {strides = array<i32>} : memref<8x1024xf32, #tpu.memory_space<vmem>>, vector<1x16xf32>,
        %swap3A_452 = arith.constant 3 : i32
        %swap3A_453 = arith.index_cast %swap3A_452 : i32 to index
        %swap3A_454 = arith.constant 208 : index
        %swap3A_455 = tpu.vector_load %arg8[%swap3A_453, %swap3A_454] {strides = array<i32>} : memref<8x1024xf32, #tpu.memory_space<vmem>>, vector<1x16xf32>,
        %swap3A_456 = vector.shape_cast %swap3A_455 : vector<1x16xf32> to vector<16xf32>
        %swap3A_457 = vector.shape_cast %broadcast_in_dim3A_324 : vector<16xf32> to vector<1x16xf32>
        tpu.vector_store %arg8[%swap3A_453, %swap3A_454], %swap3A_457 {strides = array<i32>} : memref<8x1024xf32, #tpu.memory_space<vmem>>, vector<1x16xf32>,
        %swap3A_458 = arith.constant 3 : i32
        %swap3A_459 = arith.index_cast %swap3A_458 : i32 to index
        %swap3A_460 = arith.constant 224 : index
        %swap3A_461 = tpu.vector_load %arg8[%swap3A_459, %swap3A_460] {strides = array<i32>} : memref<8x1024xf32, #tpu.memory_space<vmem>>, vector<1x16xf32>,
        %swap3A_462 = vector.shape_cast %swap3A_461 : vector<1x16xf32> to vector<16xf32>
        %swap3A_463 = vector.shape_cast %broadcast_in_dim3A_324 : vector<16xf32> to vector<1x16xf32>
        tpu.vector_store %arg8[%swap3A_459, %swap3A_460], %swap3A_463 {strides = array<i32>} : memref<8x1024xf32, #tpu.memory_space<vmem>>, vector<1x16xf32>,
        %swap3A_464 = arith.constant 3 : i32
        %swap3A_465 = arith.index_cast %swap3A_464 : i32 to index
        %swap3A_466 = arith.constant 240 : index
        %swap3A_467 = tpu.vector_load %arg8[%swap3A_465, %swap3A_466] {strides = array<i32>} : memref<8x1024xf32, #tpu.memory_space<vmem>>, vector<1x16xf32>,
        %swap3A_468 = vector.shape_cast %swap3A_467 : vector<1x16xf32> to vector<16xf32>
        %swap3A_469 = vector.shape_cast %broadcast_in_dim3A_324 : vector<16xf32> to vector<1x16xf32>
        tpu.vector_store %arg8[%swap3A_465, %swap3A_466], %swap3A_469 {strides = array<i32>} : memref<8x1024xf32, #tpu.memory_space<vmem>>, vector<1x16xf32>,
        %swap3A_470 = arith.constant 3 : i32
        %swap3A_471 = arith.index_cast %swap3A_470 : i32 to index
        %swap3A_472 = arith.constant 256 : index
        %swap3A_473 = tpu.vector_load %arg8[%swap3A_471, %swap3A_472] {strides = array<i32>} : memref<8x1024xf32, #tpu.memory_space<vmem>>, vector<1x16xf32>,
        %swap3A_474 = vector.shape_cast %swap3A_473 : vector<1x16xf32> to vector<16xf32>
        %swap3A_475 = vector.shape_cast %broadcast_in_dim3A_324 : vector<16xf32> to vector<1x16xf32>
        tpu.vector_store %arg8[%swap3A_471, %swap3A_472], %swap3A_475 {strides = array<i32>} : memref<8x1024xf32, #tpu.memory_space<vmem>>, vector<1x16xf32>,
        %swap3A_476 = arith.constant 3 : i32
        %swap3A_477 = arith.index_cast %swap3A_476 : i32 to index
        %swap3A_478 = arith.constant 272 : index
        %swap3A_479 = tpu.vector_load %arg8[%swap3A_477, %swap3A_478] {strides = array<i32>} : memref<8x1024xf32, #tpu.memory_space<vmem>>, vector<1x16xf32>,
        %swap3A_480 = vector.shape_cast %swap3A_479 : vector<1x16xf32> to vector<16xf32>
        %swap3A_481 = vector.shape_cast %broadcast_in_dim3A_324 : vector<16xf32> to vector<1x16xf32>
        tpu.vector_store %arg8[%swap3A_477, %swap3A_478], %swap3A_481 {strides = array<i32>} : memref<8x1024xf32, #tpu.memory_space<vmem>>, vector<1x16xf32>,
        %swap3A_482 = arith.constant 3 : i32
        %swap3A_483 = arith.index_cast %swap3A_482 : i32 to index
        %swap3A_484 = arith.constant 288 : index
        %swap3A_485 = tpu.vector_load %arg8[%swap3A_483, %swap3A_484] {strides = array<i32>} : memref<8x1024xf32, #tpu.memory_space<vmem>>, vector<1x16xf32>,
        %swap3A_486 = vector.shape_cast %swap3A_485 : vector<1x16xf32> to vector<16xf32>
        %swap3A_487 = vector.shape_cast %broadcast_in_dim3A_324 : vector<16xf32> to vector<1x16xf32>
        tpu.vector_store %arg8[%swap3A_483, %swap3A_484], %swap3A_487 {strides = array<i32>} : memref<8x1024xf32, #tpu.memory_space<vmem>>, vector<1x16xf32>,
        %swap3A_488 = arith.constant 3 : i32
        %swap3A_489 = arith.index_cast %swap3A_488 : i32 to index
        %swap3A_490 = arith.constant 304 : index
        %swap3A_491 = tpu.vector_load %arg8[%swap3A_489, %swap3A_490] {strides = array<i32>} : memref<8x1024xf32, #tpu.memory_space<vmem>>, vector<1x16xf32>,
        %swap3A_492 = vector.shape_cast %swap3A_491 : vector<1x16xf32> to vector<16xf32>
        %swap3A_493 = vector.shape_cast %broadcast_in_dim3A_324 : vector<16xf32> to vector<1x16xf32>
        tpu.vector_store %arg8[%swap3A_489, %swap3A_490], %swap3A_493 {strides = array<i32>} : memref<8x1024xf32, #tpu.memory_space<vmem>>, vector<1x16xf32>,
        %swap3A_494 = arith.constant 3 : i32
        %swap3A_495 = arith.index_cast %swap3A_494 : i32 to index
        %swap3A_496 = arith.constant 320 : index
        %swap3A_497 = tpu.vector_load %arg8[%swap3A_495, %swap3A_496] {strides = array<i32>} : memref<8x1024xf32, #tpu.memory_space<vmem>>, vector<1x16xf32>,
        %swap3A_498 = vector.shape_cast %swap3A_497 : vector<1x16xf32> to vector<16xf32>
        %swap3A_499 = vector.shape_cast %broadcast_in_dim3A_324 : vector<16xf32> to vector<1x16xf32>
        tpu.vector_store %arg8[%swap3A_495, %swap3A_496], %swap3A_499 {strides = array<i32>} : memref<8x1024xf32, #tpu.memory_space<vmem>>, vector<1x16xf32>,
        %swap3A_500 = arith.constant 3 : i32
        %swap3A_501 = arith.index_cast %swap3A_500 : i32 to index
        %swap3A_502 = arith.constant 336 : index
        %swap3A_503 = tpu.vector_load %arg8[%swap3A_501, %swap3A_502] {strides = array<i32>} : memref<8x1024xf32, #tpu.memory_space<vmem>>, vector<1x16xf32>,
        %swap3A_504 = vector.shape_cast %swap3A_503 : vector<1x16xf32> to vector<16xf32>
        %swap3A_505 = vector.shape_cast %broadcast_in_dim3A_324 : vector<16xf32> to vector<1x16xf32>
        tpu.vector_store %arg8[%swap3A_501, %swap3A_502], %swap3A_505 {strides = array<i32>} : memref<8x1024xf32, #tpu.memory_space<vmem>>, vector<1x16xf32>,
        %swap3A_506 = arith.constant 3 : i32
        %swap3A_507 = arith.index_cast %swap3A_506 : i32 to index
        %swap3A_508 = arith.constant 352 : index
        %swap3A_509 = tpu.vector_load %arg8[%swap3A_507, %swap3A_508] {strides = array<i32>} : memref<8x1024xf32, #tpu.memory_space<vmem>>, vector<1x16xf32>,
        %swap3A_510 = vector.shape_cast %swap3A_509 : vector<1x16xf32> to vector<16xf32>
        %swap3A_511 = vector.shape_cast %broadcast_in_dim3A_324 : vector<16xf32> to vector<1x16xf32>
        tpu.vector_store %arg8[%swap3A_507, %swap3A_508], %swap3A_511 {strides = array<i32>} : memref<8x1024xf32, #tpu.memory_space<vmem>>, vector<1x16xf32>,
        %swap3A_512 = arith.constant 3 : i32
        %swap3A_513 = arith.index_cast %swap3A_512 : i32 to index
        %swap3A_514 = arith.constant 368 : index
        %swap3A_515 = tpu.vector_load %arg8[%swap3A_513, %swap3A_514] {strides = array<i32>} : memref<8x1024xf32, #tpu.memory_space<vmem>>, vector<1x16xf32>,
        %swap3A_516 = vector.shape_cast %swap3A_515 : vector<1x16xf32> to vector<16xf32>
        %swap3A_517 = vector.shape_cast %broadcast_in_dim3A_324 : vector<16xf32> to vector<1x16xf32>
        tpu.vector_store %arg8[%swap3A_513, %swap3A_514], %swap3A_517 {strides = array<i32>} : memref<8x1024xf32, #tpu.memory_space<vmem>>, vector<1x16xf32>,
        %swap3A_518 = arith.constant 3 : i32
        %swap3A_519 = arith.index_cast %swap3A_518 : i32 to index
        %swap3A_520 = arith.constant 384 : index
        %swap3A_521 = tpu.vector_load %arg8[%swap3A_519, %swap3A_520] {strides = array<i32>} : memref<8x1024xf32, #tpu.memory_space<vmem>>, vector<1x16xf32>,
        %swap3A_522 = vector.shape_cast %swap3A_521 : vector<1x16xf32> to vector<16xf32>
        %swap3A_523 = vector.shape_cast %broadcast_in_dim3A_324 : vector<16xf32> to vector<1x16xf32>
        tpu.vector_store %arg8[%swap3A_519, %swap3A_520], %swap3A_523 {strides = array<i32>} : memref<8x1024xf32, #tpu.memory_space<vmem>>, vector<1x16xf32>,
        %swap3A_524 = arith.constant 3 : i32
        %swap3A_525 = arith.index_cast %swap3A_524 : i32 to index
        %swap3A_526 = arith.constant 400 : index
        %swap3A_527 = tpu.vector_load %arg8[%swap3A_525, %swap3A_526] {strides = array<i32>} : memref<8x1024xf32, #tpu.memory_space<vmem>>, vector<1x16xf32>,
        %swap3A_528 = vector.shape_cast %swap3A_527 : vector<1x16xf32> to vector<16xf32>
        %swap3A_529 = vector.shape_cast %broadcast_in_dim3A_324 : vector<16xf32> to vector<1x16xf32>
        tpu.vector_store %arg8[%swap3A_525, %swap3A_526], %swap3A_529 {strides = array<i32>} : memref<8x1024xf32, #tpu.memory_space<vmem>>, vector<1x16xf32>,
        %swap3A_530 = arith.constant 3 : i32
        %swap3A_531 = arith.index_cast %swap3A_530 : i32 to index
        %swap3A_532 = arith.constant 416 : index
        %swap3A_533 = tpu.vector_load %arg8[%swap3A_531, %swap3A_532] {strides = array<i32>} : memref<8x1024xf32, #tpu.memory_space<vmem>>, vector<1x16xf32>,
        %swap3A_534 = vector.shape_cast %swap3A_533 : vector<1x16xf32> to vector<16xf32>
        %swap3A_535 = vector.shape_cast %broadcast_in_dim3A_324 : vector<16xf32> to vector<1x16xf32>
        tpu.vector_store %arg8[%swap3A_531, %swap3A_532], %swap3A_535 {strides = array<i32>} : memref<8x1024xf32, #tpu.memory_space<vmem>>, vector<1x16xf32>,
        %swap3A_536 = arith.constant 3 : i32
        %swap3A_537 = arith.index_cast %swap3A_536 : i32 to index
        %swap3A_538 = arith.constant 432 : index
        %swap3A_539 = tpu.vector_load %arg8[%swap3A_537, %swap3A_538] {strides = array<i32>} : memref<8x1024xf32, #tpu.memory_space<vmem>>, vector<1x16xf32>,
        %swap3A_540 = vector.shape_cast %swap3A_539 : vector<1x16xf32> to vector<16xf32>
        %swap3A_541 = vector.shape_cast %broadcast_in_dim3A_324 : vector<16xf32> to vector<1x16xf32>
        tpu.vector_store %arg8[%swap3A_537, %swap3A_538], %swap3A_541 {strides = array<i32>} : memref<8x1024xf32, #tpu.memory_space<vmem>>, vector<1x16xf32>,
        %swap3A_542 = arith.constant 3 : i32
        %swap3A_543 = arith.index_cast %swap3A_542 : i32 to index
        %swap3A_544 = arith.constant 448 : index
        %swap3A_545 = tpu.vector_load %arg8[%swap3A_543, %swap3A_544] {strides = array<i32>} : memref<8x1024xf32, #tpu.memory_space<vmem>>, vector<1x16xf32>,
        %swap3A_546 = vector.shape_cast %swap3A_545 : vector<1x16xf32> to vector<16xf32>
        %swap3A_547 = vector.shape_cast %broadcast_in_dim3A_324 : vector<16xf32> to vector<1x16xf32>
        tpu.vector_store %arg8[%swap3A_543, %swap3A_544], %swap3A_547 {strides = array<i32>} : memref<8x1024xf32, #tpu.memory_space<vmem>>, vector<1x16xf32>,
        %swap3A_548 = arith.constant 3 : i32
        %swap3A_549 = arith.index_cast %swap3A_548 : i32 to index
        %swap3A_550 = arith.constant 464 : index
        %swap3A_551 = tpu.vector_load %arg8[%swap3A_549, %swap3A_550] {strides = array<i32>} : memref<8x1024xf32, #tpu.memory_space<vmem>>, vector<1x16xf32>,
        %swap3A_552 = vector.shape_cast %swap3A_551 : vector<1x16xf32> to vector<16xf32>
        %swap3A_553 = vector.shape_cast %broadcast_in_dim3A_324 : vector<16xf32> to vector<1x16xf32>
        tpu.vector_store %arg8[%swap3A_549, %swap3A_550], %swap3A_553 {strides = array<i32>} : memref<8x1024xf32, #tpu.memory_space<vmem>>, vector<1x16xf32>,
        %swap3A_554 = arith.constant 3 : i32
        %swap3A_555 = arith.index_cast %swap3A_554 : i32 to index
        %swap3A_556 = arith.constant 480 : index
        %swap3A_557 = tpu.vector_load %arg8[%swap3A_555, %swap3A_556] {strides = array<i32>} : memref<8x1024xf32, #tpu.memory_space<vmem>>, vector<1x16xf32>,
        %swap3A_558 = vector.shape_cast %swap3A_557 : vector<1x16xf32> to vector<16xf32>
        %swap3A_559 = vector.shape_cast %broadcast_in_dim3A_324 : vector<16xf32> to vector<1x16xf32>
        tpu.vector_store %arg8[%swap3A_555, %swap3A_556], %swap3A_559 {strides = array<i32>} : memref<8x1024xf32, #tpu.memory_space<vmem>>, vector<1x16xf32>,
        %swap3A_560 = arith.constant 3 : i32
        %swap3A_561 = arith.index_cast %swap3A_560 : i32 to index
        %swap3A_562 = arith.constant 496 : index
        %swap3A_563 = tpu.vector_load %arg8[%swap3A_561, %swap3A_562] {strides = array<i32>} : memref<8x1024xf32, #tpu.memory_space<vmem>>, vector<1x16xf32>,
        %swap3A_564 = vector.shape_cast %swap3A_563 : vector<1x16xf32> to vector<16xf32>
        %swap3A_565 = vector.shape_cast %broadcast_in_dim3A_324 : vector<16xf32> to vector<1x16xf32>
        tpu.vector_store %arg8[%swap3A_561, %swap3A_562], %swap3A_565 {strides = array<i32>} : memref<8x1024xf32, #tpu.memory_space<vmem>>, vector<1x16xf32>,
        %swap3A_566 = arith.constant 3 : i32
        %swap3A_567 = arith.index_cast %swap3A_566 : i32 to index
        %swap3A_568 = arith.constant 512 : index
        %swap3A_569 = tpu.vector_load %arg8[%swap3A_567, %swap3A_568] {strides = array<i32>} : memref<8x1024xf32, #tpu.memory_space<vmem>>, vector<1x16xf32>,
        %swap3A_570 = vector.shape_cast %swap3A_569 : vector<1x16xf32> to vector<16xf32>
        %swap3A_571 = vector.shape_cast %broadcast_in_dim3A_324 : vector<16xf32> to vector<1x16xf32>
        tpu.vector_store %arg8[%swap3A_567, %swap3A_568], %swap3A_571 {strides = array<i32>} : memref<8x1024xf32, #tpu.memory_space<vmem>>, vector<1x16xf32>,
        %swap3A_572 = arith.constant 3 : i32
        %swap3A_573 = arith.index_cast %swap3A_572 : i32 to index
        %swap3A_574 = arith.constant 528 : index
        %swap3A_575 = tpu.vector_load %arg8[%swap3A_573, %swap3A_574] {strides = array<i32>} : memref<8x1024xf32, #tpu.memory_space<vmem>>, vector<1x16xf32>,
        %swap3A_576 = vector.shape_cast %swap3A_575 : vector<1x16xf32> to vector<16xf32>
        %swap3A_577 = vector.shape_cast %broadcast_in_dim3A_324 : vector<16xf32> to vector<1x16xf32>
        tpu.vector_store %arg8[%swap3A_573, %swap3A_574], %swap3A_577 {strides = array<i32>} : memref<8x1024xf32, #tpu.memory_space<vmem>>, vector<1x16xf32>,
        %swap3A_578 = arith.constant 3 : i32
        %swap3A_579 = arith.index_cast %swap3A_578 : i32 to index
        %swap3A_580 = arith.constant 544 : index
        %swap3A_581 = tpu.vector_load %arg8[%swap3A_579, %swap3A_580] {strides = array<i32>} : memref<8x1024xf32, #tpu.memory_space<vmem>>, vector<1x16xf32>,
        %swap3A_582 = vector.shape_cast %swap3A_581 : vector<1x16xf32> to vector<16xf32>
        %swap3A_583 = vector.shape_cast %broadcast_in_dim3A_324 : vector<16xf32> to vector<1x16xf32>
        tpu.vector_store %arg8[%swap3A_579, %swap3A_580], %swap3A_583 {strides = array<i32>} : memref<8x1024xf32, #tpu.memory_space<vmem>>, vector<1x16xf32>,
        %swap3A_584 = arith.constant 3 : i32
        %swap3A_585 = arith.index_cast %swap3A_584 : i32 to index
        %swap3A_586 = arith.constant 560 : index
        %swap3A_587 = tpu.vector_load %arg8[%swap3A_585, %swap3A_586] {strides = array<i32>} : memref<8x1024xf32, #tpu.memory_space<vmem>>, vector<1x16xf32>,
        %swap3A_588 = vector.shape_cast %swap3A_587 : vector<1x16xf32> to vector<16xf32>
        %swap3A_589 = vector.shape_cast %broadcast_in_dim3A_324 : vector<16xf32> to vector<1x16xf32>
        tpu.vector_store %arg8[%swap3A_585, %swap3A_586], %swap3A_589 {strides = array<i32>} : memref<8x1024xf32, #tpu.memory_space<vmem>>, vector<1x16xf32>,
        %swap3A_590 = arith.constant 3 : i32
        %swap3A_591 = arith.index_cast %swap3A_590 : i32 to index
        %swap3A_592 = arith.constant 576 : index
        %swap3A_593 = tpu.vector_load %arg8[%swap3A_591, %swap3A_592] {strides = array<i32>} : memref<8x1024xf32, #tpu.memory_space<vmem>>, vector<1x16xf32>,
        %swap3A_594 = vector.shape_cast %swap3A_593 : vector<1x16xf32> to vector<16xf32>
        %swap3A_595 = vector.shape_cast %broadcast_in_dim3A_324 : vector<16xf32> to vector<1x16xf32>
        tpu.vector_store %arg8[%swap3A_591, %swap3A_592], %swap3A_595 {strides = array<i32>} : memref<8x1024xf32, #tpu.memory_space<vmem>>, vector<1x16xf32>,
        %swap3A_596 = arith.constant 3 : i32
        %swap3A_597 = arith.index_cast %swap3A_596 : i32 to index
        %swap3A_598 = arith.constant 592 : index
        %swap3A_599 = tpu.vector_load %arg8[%swap3A_597, %swap3A_598] {strides = array<i32>} : memref<8x1024xf32, #tpu.memory_space<vmem>>, vector<1x16xf32>,
        %swap3A_600 = vector.shape_cast %swap3A_599 : vector<1x16xf32> to vector<16xf32>
        %swap3A_601 = vector.shape_cast %broadcast_in_dim3A_324 : vector<16xf32> to vector<1x16xf32>
        tpu.vector_store %arg8[%swap3A_597, %swap3A_598], %swap3A_601 {strides = array<i32>} : memref<8x1024xf32, #tpu.memory_space<vmem>>, vector<1x16xf32>,
        %swap3A_602 = arith.constant 3 : i32
        %swap3A_603 = arith.index_cast %swap3A_602 : i32 to index
        %swap3A_604 = arith.constant 608 : index
        %swap3A_605 = tpu.vector_load %arg8[%swap3A_603, %swap3A_604] {strides = array<i32>} : memref<8x1024xf32, #tpu.memory_space<vmem>>, vector<1x16xf32>,
        %swap3A_606 = vector.shape_cast %swap3A_605 : vector<1x16xf32> to vector<16xf32>
        %swap3A_607 = vector.shape_cast %broadcast_in_dim3A_324 : vector<16xf32> to vector<1x16xf32>
        tpu.vector_store %arg8[%swap3A_603, %swap3A_604], %swap3A_607 {strides = array<i32>} : memref<8x1024xf32, #tpu.memory_space<vmem>>, vector<1x16xf32>,
        %swap3A_608 = arith.constant 3 : i32
        %swap3A_609 = arith.index_cast %swap3A_608 : i32 to index
        %swap3A_610 = arith.constant 624 : index
        %swap3A_611 = tpu.vector_load %arg8[%swap3A_609, %swap3A_610] {strides = array<i32>} : memref<8x1024xf32, #tpu.memory_space<vmem>>, vector<1x16xf32>,
        %swap3A_612 = vector.shape_cast %swap3A_611 : vector<1x16xf32> to vector<16xf32>
        %swap3A_613 = vector.shape_cast %broadcast_in_dim3A_324 : vector<16xf32> to vector<1x16xf32>
        tpu.vector_store %arg8[%swap3A_609, %swap3A_610], %swap3A_613 {strides = array<i32>} : memref<8x1024xf32, #tpu.memory_space<vmem>>, vector<1x16xf32>,
        %swap3A_614 = arith.constant 3 : i32
        %swap3A_615 = arith.index_cast %swap3A_614 : i32 to index
        %swap3A_616 = arith.constant 640 : index
        %swap3A_617 = tpu.vector_load %arg8[%swap3A_615, %swap3A_616] {strides = array<i32>} : memref<8x1024xf32, #tpu.memory_space<vmem>>, vector<1x16xf32>,
        %swap3A_618 = vector.shape_cast %swap3A_617 : vector<1x16xf32> to vector<16xf32>
        %swap3A_619 = vector.shape_cast %broadcast_in_dim3A_324 : vector<16xf32> to vector<1x16xf32>
        tpu.vector_store %arg8[%swap3A_615, %swap3A_616], %swap3A_619 {strides = array<i32>} : memref<8x1024xf32, #tpu.memory_space<vmem>>, vector<1x16xf32>,
        %swap3A_620 = arith.constant 3 : i32
        %swap3A_621 = arith.index_cast %swap3A_620 : i32 to index
        %swap3A_622 = arith.constant 656 : index
        %swap3A_623 = tpu.vector_load %arg8[%swap3A_621, %swap3A_622] {strides = array<i32>} : memref<8x1024xf32, #tpu.memory_space<vmem>>, vector<1x16xf32>,
        %swap3A_624 = vector.shape_cast %swap3A_623 : vector<1x16xf32> to vector<16xf32>
        %swap3A_625 = vector.shape_cast %broadcast_in_dim3A_324 : vector<16xf32> to vector<1x16xf32>
        tpu.vector_store %arg8[%swap3A_621, %swap3A_622], %swap3A_625 {strides = array<i32>} : memref<8x1024xf32, #tpu.memory_space<vmem>>, vector<1x16xf32>,
        %swap3A_626 = arith.constant 3 : i32
        %swap3A_627 = arith.index_cast %swap3A_626 : i32 to index
        %swap3A_628 = arith.constant 672 : index
        %swap3A_629 = tpu.vector_load %arg8[%swap3A_627, %swap3A_628] {strides = array<i32>} : memref<8x1024xf32, #tpu.memory_space<vmem>>, vector<1x16xf32>,
        %swap3A_630 = vector.shape_cast %swap3A_629 : vector<1x16xf32> to vector<16xf32>
        %swap3A_631 = vector.shape_cast %broadcast_in_dim3A_324 : vector<16xf32> to vector<1x16xf32>
        tpu.vector_store %arg8[%swap3A_627, %swap3A_628], %swap3A_631 {strides = array<i32>} : memref<8x1024xf32, #tpu.memory_space<vmem>>, vector<1x16xf32>,
        %swap3A_632 = arith.constant 3 : i32
        %swap3A_633 = arith.index_cast %swap3A_632 : i32 to index
        %swap3A_634 = arith.constant 688 : index
        %swap3A_635 = tpu.vector_load %arg8[%swap3A_633, %swap3A_634] {strides = array<i32>} : memref<8x1024xf32, #tpu.memory_space<vmem>>, vector<1x16xf32>,
        %swap3A_636 = vector.shape_cast %swap3A_635 : vector<1x16xf32> to vector<16xf32>
        %swap3A_637 = vector.shape_cast %broadcast_in_dim3A_324 : vector<16xf32> to vector<1x16xf32>
        tpu.vector_store %arg8[%swap3A_633, %swap3A_634], %swap3A_637 {strides = array<i32>} : memref<8x1024xf32, #tpu.memory_space<vmem>>, vector<1x16xf32>,
        %swap3A_638 = arith.constant 3 : i32
        %swap3A_639 = arith.index_cast %swap3A_638 : i32 to index
        %swap3A_640 = arith.constant 704 : index
        %swap3A_641 = tpu.vector_load %arg8[%swap3A_639, %swap3A_640] {strides = array<i32>} : memref<8x1024xf32, #tpu.memory_space<vmem>>, vector<1x16xf32>,
        %swap3A_642 = vector.shape_cast %swap3A_641 : vector<1x16xf32> to vector<16xf32>
        %swap3A_643 = vector.shape_cast %broadcast_in_dim3A_324 : vector<16xf32> to vector<1x16xf32>
        tpu.vector_store %arg8[%swap3A_639, %swap3A_640], %swap3A_643 {strides = array<i32>} : memref<8x1024xf32, #tpu.memory_space<vmem>>, vector<1x16xf32>,
        %swap3A_644 = arith.constant 3 : i32
        %swap3A_645 = arith.index_cast %swap3A_644 : i32 to index
        %swap3A_646 = arith.constant 720 : index
        %swap3A_647 = tpu.vector_load %arg8[%swap3A_645, %swap3A_646] {strides = array<i32>} : memref<8x1024xf32, #tpu.memory_space<vmem>>, vector<1x16xf32>,
        %swap3A_648 = vector.shape_cast %swap3A_647 : vector<1x16xf32> to vector<16xf32>
        %swap3A_649 = vector.shape_cast %broadcast_in_dim3A_324 : vector<16xf32> to vector<1x16xf32>
        tpu.vector_store %arg8[%swap3A_645, %swap3A_646], %swap3A_649 {strides = array<i32>} : memref<8x1024xf32, #tpu.memory_space<vmem>>, vector<1x16xf32>,
        %swap3A_650 = arith.constant 3 : i32
        %swap3A_651 = arith.index_cast %swap3A_650 : i32 to index
        %swap3A_652 = arith.constant 736 : index
        %swap3A_653 = tpu.vector_load %arg8[%swap3A_651, %swap3A_652] {strides = array<i32>} : memref<8x1024xf32, #tpu.memory_space<vmem>>, vector<1x16xf32>,
        %swap3A_654 = vector.shape_cast %swap3A_653 : vector<1x16xf32> to vector<16xf32>
        %swap3A_655 = vector.shape_cast %broadcast_in_dim3A_324 : vector<16xf32> to vector<1x16xf32>
        tpu.vector_store %arg8[%swap3A_651, %swap3A_652], %swap3A_655 {strides = array<i32>} : memref<8x1024xf32, #tpu.memory_space<vmem>>, vector<1x16xf32>,
        %swap3A_656 = arith.constant 3 : i32
        %swap3A_657 = arith.index_cast %swap3A_656 : i32 to index
        %swap3A_658 = arith.constant 752 : index
        %swap3A_659 = tpu.vector_load %arg8[%swap3A_657, %swap3A_658] {strides = array<i32>} : memref<8x1024xf32, #tpu.memory_space<vmem>>, vector<1x16xf32>,
        %swap3A_660 = vector.shape_cast %swap3A_659 : vector<1x16xf32> to vector<16xf32>
        %swap3A_661 = vector.shape_cast %broadcast_in_dim3A_324 : vector<16xf32> to vector<1x16xf32>
        tpu.vector_store %arg8[%swap3A_657, %swap3A_658], %swap3A_661 {strides = array<i32>} : memref<8x1024xf32, #tpu.memory_space<vmem>>, vector<1x16xf32>,
        %swap3A_662 = arith.constant 3 : i32
        %swap3A_663 = arith.index_cast %swap3A_662 : i32 to index
        %swap3A_664 = arith.constant 768 : index
        %swap3A_665 = tpu.vector_load %arg8[%swap3A_663, %swap3A_664] {strides = array<i32>} : memref<8x1024xf32, #tpu.memory_space<vmem>>, vector<1x16xf32>,
        %swap3A_666 = vector.shape_cast %swap3A_665 : vector<1x16xf32> to vector<16xf32>
        %swap3A_667 = vector.shape_cast %broadcast_in_dim3A_324 : vector<16xf32> to vector<1x16xf32>
        tpu.vector_store %arg8[%swap3A_663, %swap3A_664], %swap3A_667 {strides = array<i32>} : memref<8x1024xf32, #tpu.memory_space<vmem>>, vector<1x16xf32>,
        %swap3A_668 = arith.constant 3 : i32
        %swap3A_669 = arith.index_cast %swap3A_668 : i32 to index
        %swap3A_670 = arith.constant 784 : index
        %swap3A_671 = tpu.vector_load %arg8[%swap3A_669, %swap3A_670] {strides = array<i32>} : memref<8x1024xf32, #tpu.memory_space<vmem>>, vector<1x16xf32>,
        %swap3A_672 = vector.shape_cast %swap3A_671 : vector<1x16xf32> to vector<16xf32>
        %swap3A_673 = vector.shape_cast %broadcast_in_dim3A_324 : vector<16xf32> to vector<1x16xf32>
        tpu.vector_store %arg8[%swap3A_669, %swap3A_670], %swap3A_673 {strides = array<i32>} : memref<8x1024xf32, #tpu.memory_space<vmem>>, vector<1x16xf32>,
        %swap3A_674 = arith.constant 3 : i32
        %swap3A_675 = arith.index_cast %swap3A_674 : i32 to index
        %swap3A_676 = arith.constant 800 : index
        %swap3A_677 = tpu.vector_load %arg8[%swap3A_675, %swap3A_676] {strides = array<i32>} : memref<8x1024xf32, #tpu.memory_space<vmem>>, vector<1x16xf32>,
        %swap3A_678 = vector.shape_cast %swap3A_677 : vector<1x16xf32> to vector<16xf32>
        %swap3A_679 = vector.shape_cast %broadcast_in_dim3A_324 : vector<16xf32> to vector<1x16xf32>
        tpu.vector_store %arg8[%swap3A_675, %swap3A_676], %swap3A_679 {strides = array<i32>} : memref<8x1024xf32, #tpu.memory_space<vmem>>, vector<1x16xf32>,
        %swap3A_680 = arith.constant 3 : i32
        %swap3A_681 = arith.index_cast %swap3A_680 : i32 to index
        %swap3A_682 = arith.constant 816 : index
        %swap3A_683 = tpu.vector_load %arg8[%swap3A_681, %swap3A_682] {strides = array<i32>} : memref<8x1024xf32, #tpu.memory_space<vmem>>, vector<1x16xf32>,
        %swap3A_684 = vector.shape_cast %swap3A_683 : vector<1x16xf32> to vector<16xf32>
        %swap3A_685 = vector.shape_cast %broadcast_in_dim3A_324 : vector<16xf32> to vector<1x16xf32>
        tpu.vector_store %arg8[%swap3A_681, %swap3A_682], %swap3A_685 {strides = array<i32>} : memref<8x1024xf32, #tpu.memory_space<vmem>>, vector<1x16xf32>,
        %swap3A_686 = arith.constant 3 : i32
        %swap3A_687 = arith.index_cast %swap3A_686 : i32 to index
        %swap3A_688 = arith.constant 832 : index
        %swap3A_689 = tpu.vector_load %arg8[%swap3A_687, %swap3A_688] {strides = array<i32>} : memref<8x1024xf32, #tpu.memory_space<vmem>>, vector<1x16xf32>,
        %swap3A_690 = vector.shape_cast %swap3A_689 : vector<1x16xf32> to vector<16xf32>
        %swap3A_691 = vector.shape_cast %broadcast_in_dim3A_324 : vector<16xf32> to vector<1x16xf32>
        tpu.vector_store %arg8[%swap3A_687, %swap3A_688], %swap3A_691 {strides = array<i32>} : memref<8x1024xf32, #tpu.memory_space<vmem>>, vector<1x16xf32>,
        %swap3A_692 = arith.constant 3 : i32
        %swap3A_693 = arith.index_cast %swap3A_692 : i32 to index
        %swap3A_694 = arith.constant 848 : index
        %swap3A_695 = tpu.vector_load %arg8[%swap3A_693, %swap3A_694] {strides = array<i32>} : memref<8x1024xf32, #tpu.memory_space<vmem>>, vector<1x16xf32>,
        %swap3A_696 = vector.shape_cast %swap3A_695 : vector<1x16xf32> to vector<16xf32>
        %swap3A_697 = vector.shape_cast %broadcast_in_dim3A_324 : vector<16xf32> to vector<1x16xf32>
        tpu.vector_store %arg8[%swap3A_693, %swap3A_694], %swap3A_697 {strides = array<i32>} : memref<8x1024xf32, #tpu.memory_space<vmem>>, vector<1x16xf32>,
        %swap3A_698 = arith.constant 3 : i32
        %swap3A_699 = arith.index_cast %swap3A_698 : i32 to index
        %swap3A_700 = arith.constant 864 : index
        %swap3A_701 = tpu.vector_load %arg8[%swap3A_699, %swap3A_700] {strides = array<i32>} : memref<8x1024xf32, #tpu.memory_space<vmem>>, vector<1x16xf32>,
        %swap3A_702 = vector.shape_cast %swap3A_701 : vector<1x16xf32> to vector<16xf32>
        %swap3A_703 = vector.shape_cast %broadcast_in_dim3A_324 : vector<16xf32> to vector<1x16xf32>
        tpu.vector_store %arg8[%swap3A_699, %swap3A_700], %swap3A_703 {strides = array<i32>} : memref<8x1024xf32, #tpu.memory_space<vmem>>, vector<1x16xf32>,
        %swap3A_704 = arith.constant 3 : i32
        %swap3A_705 = arith.index_cast %swap3A_704 : i32 to index
        %swap3A_706 = arith.constant 880 : index
        %swap3A_707 = tpu.vector_load %arg8[%swap3A_705, %swap3A_706] {strides = array<i32>} : memref<8x1024xf32, #tpu.memory_space<vmem>>, vector<1x16xf32>,
        %swap3A_708 = vector.shape_cast %swap3A_707 : vector<1x16xf32> to vector<16xf32>
        %swap3A_709 = vector.shape_cast %broadcast_in_dim3A_324 : vector<16xf32> to vector<1x16xf32>
        tpu.vector_store %arg8[%swap3A_705, %swap3A_706], %swap3A_709 {strides = array<i32>} : memref<8x1024xf32, #tpu.memory_space<vmem>>, vector<1x16xf32>,
        %swap3A_710 = arith.constant 3 : i32
        %swap3A_711 = arith.index_cast %swap3A_710 : i32 to index
        %swap3A_712 = arith.constant 896 : index
        %swap3A_713 = tpu.vector_load %arg8[%swap3A_711, %swap3A_712] {strides = array<i32>} : memref<8x1024xf32, #tpu.memory_space<vmem>>, vector<1x16xf32>,
        %swap3A_714 = vector.shape_cast %swap3A_713 : vector<1x16xf32> to vector<16xf32>
        %swap3A_715 = vector.shape_cast %broadcast_in_dim3A_324 : vector<16xf32> to vector<1x16xf32>
        tpu.vector_store %arg8[%swap3A_711, %swap3A_712], %swap3A_715 {strides = array<i32>} : memref<8x1024xf32, #tpu.memory_space<vmem>>, vector<1x16xf32>,
        %swap3A_716 = arith.constant 3 : i32
        %swap3A_717 = arith.index_cast %swap3A_716 : i32 to index
        %swap3A_718 = arith.constant 912 : index
        %swap3A_719 = tpu.vector_load %arg8[%swap3A_717, %swap3A_718] {strides = array<i32>} : memref<8x1024xf32, #tpu.memory_space<vmem>>, vector<1x16xf32>,
        %swap3A_720 = vector.shape_cast %swap3A_719 : vector<1x16xf32> to vector<16xf32>
        %swap3A_721 = vector.shape_cast %broadcast_in_dim3A_324 : vector<16xf32> to vector<1x16xf32>
        tpu.vector_store %arg8[%swap3A_717, %swap3A_718], %swap3A_721 {strides = array<i32>} : memref<8x1024xf32, #tpu.memory_space<vmem>>, vector<1x16xf32>,
        %swap3A_722 = arith.constant 3 : i32
        %swap3A_723 = arith.index_cast %swap3A_722 : i32 to index
        %swap3A_724 = arith.constant 928 : index
        %swap3A_725 = tpu.vector_load %arg8[%swap3A_723, %swap3A_724] {strides = array<i32>} : memref<8x1024xf32, #tpu.memory_space<vmem>>, vector<1x16xf32>,
        %swap3A_726 = vector.shape_cast %swap3A_725 : vector<1x16xf32> to vector<16xf32>
        %swap3A_727 = vector.shape_cast %broadcast_in_dim3A_324 : vector<16xf32> to vector<1x16xf32>
        tpu.vector_store %arg8[%swap3A_723, %swap3A_724], %swap3A_727 {strides = array<i32>} : memref<8x1024xf32, #tpu.memory_space<vmem>>, vector<1x16xf32>,
        %swap3A_728 = arith.constant 3 : i32
        %swap3A_729 = arith.index_cast %swap3A_728 : i32 to index
        %swap3A_730 = arith.constant 944 : index
        %swap3A_731 = tpu.vector_load %arg8[%swap3A_729, %swap3A_730] {strides = array<i32>} : memref<8x1024xf32, #tpu.memory_space<vmem>>, vector<1x16xf32>,
        %swap3A_732 = vector.shape_cast %swap3A_731 : vector<1x16xf32> to vector<16xf32>
        %swap3A_733 = vector.shape_cast %broadcast_in_dim3A_324 : vector<16xf32> to vector<1x16xf32>
        tpu.vector_store %arg8[%swap3A_729, %swap3A_730], %swap3A_733 {strides = array<i32>} : memref<8x1024xf32, #tpu.memory_space<vmem>>, vector<1x16xf32>,
        %swap3A_734 = arith.constant 3 : i32
        %swap3A_735 = arith.index_cast %swap3A_734 : i32 to index
        %swap3A_736 = arith.constant 960 : index
        %swap3A_737 = tpu.vector_load %arg8[%swap3A_735, %swap3A_736] {strides = array<i32>} : memref<8x1024xf32, #tpu.memory_space<vmem>>, vector<1x16xf32>,
        %swap3A_738 = vector.shape_cast %swap3A_737 : vector<1x16xf32> to vector<16xf32>
        %swap3A_739 = vector.shape_cast %broadcast_in_dim3A_324 : vector<16xf32> to vector<1x16xf32>
        tpu.vector_store %arg8[%swap3A_735, %swap3A_736], %swap3A_739 {strides = array<i32>} : memref<8x1024xf32, #tpu.memory_space<vmem>>, vector<1x16xf32>,
        %swap3A_740 = arith.constant 3 : i32
        %swap3A_741 = arith.index_cast %swap3A_740 : i32 to index
        %swap3A_742 = arith.constant 976 : index
        %swap3A_743 = tpu.vector_load %arg8[%swap3A_741, %swap3A_742] {strides = array<i32>} : memref<8x1024xf32, #tpu.memory_space<vmem>>, vector<1x16xf32>,
        %swap3A_744 = vector.shape_cast %swap3A_743 : vector<1x16xf32> to vector<16xf32>
        %swap3A_745 = vector.shape_cast %broadcast_in_dim3A_324 : vector<16xf32> to vector<1x16xf32>
        tpu.vector_store %arg8[%swap3A_741, %swap3A_742], %swap3A_745 {strides = array<i32>} : memref<8x1024xf32, #tpu.memory_space<vmem>>, vector<1x16xf32>,
        %swap3A_746 = arith.constant 3 : i32
        %swap3A_747 = arith.index_cast %swap3A_746 : i32 to index
        %swap3A_748 = arith.constant 992 : index
        %swap3A_749 = tpu.vector_load %arg8[%swap3A_747, %swap3A_748] {strides = array<i32>} : memref<8x1024xf32, #tpu.memory_space<vmem>>, vector<1x16xf32>,
        %swap3A_750 = vector.shape_cast %swap3A_749 : vector<1x16xf32> to vector<16xf32>
        %swap3A_751 = vector.shape_cast %broadcast_in_dim3A_324 : vector<16xf32> to vector<1x16xf32>
        tpu.vector_store %arg8[%swap3A_747, %swap3A_748], %swap3A_751 {strides = array<i32>} : memref<8x1024xf32, #tpu.memory_space<vmem>>, vector<1x16xf32>,
        %swap3A_752 = arith.constant 3 : i32
        %swap3A_753 = arith.index_cast %swap3A_752 : i32 to index
        %swap3A_754 = arith.constant 1008 : index
        %swap3A_755 = tpu.vector_load %arg8[%swap3A_753, %swap3A_754] {strides = array<i32>} : memref<8x1024xf32, #tpu.memory_space<vmem>>, vector<1x16xf32>,
        %swap3A_756 = vector.shape_cast %swap3A_755 : vector<1x16xf32> to vector<16xf32>
        %swap3A_757 = vector.shape_cast %select_n3A_332 : vector<16xf32> to vector<1x16xf32>
        tpu.vector_store %arg8[%swap3A_753, %swap3A_754], %swap3A_757 {strides = array<i32>} : memref<8x1024xf32, #tpu.memory_space<vmem>>, vector<1x16xf32>,
      } else {
      }
      %le3A_347 = arith.constant 4 : i32
      %le3A_348 = arith.cmpi sle, %select_n3A_83, %le3A_347 : i32
      %convert_element_type3A_349 = arith.extui %le3A_348 : i1 to i32
      %cond3A_350 = arith.constant 0 : i32
      %cond3A_351 = arith.cmpi ne, %convert_element_type3A_349, %cond3A_350 : i32
      scf.if %cond3A_351 {
        %swap3A = arith.constant 4 : i32
        %swap3A_375 = arith.index_cast %swap3A : i32 to index
        %swap3A_376 = arith.constant 0 : index
        %swap3A_377 = tpu.vector_load %arg8[%swap3A_375, %swap3A_376] {strides = array<i32>} : memref<8x1024xf32, #tpu.memory_space<vmem>>, vector<1x16xf32>,
        %swap3A_378 = vector.shape_cast %swap3A_377 : vector<1x16xf32> to vector<16xf32>
        %swap3A_379 = vector.shape_cast %broadcast_in_dim3A_324 : vector<16xf32> to vector<1x16xf32>
        tpu.vector_store %arg8[%swap3A_375, %swap3A_376], %swap3A_379 {strides = array<i32>} : memref<8x1024xf32, #tpu.memory_space<vmem>>, vector<1x16xf32>,
        %swap3A_380 = arith.constant 4 : i32
        %swap3A_381 = arith.index_cast %swap3A_380 : i32 to index
        %swap3A_382 = arith.constant 16 : index
        %swap3A_383 = tpu.vector_load %arg8[%swap3A_381, %swap3A_382] {strides = array<i32>} : memref<8x1024xf32, #tpu.memory_space<vmem>>, vector<1x16xf32>,
        %swap3A_384 = vector.shape_cast %swap3A_383 : vector<1x16xf32> to vector<16xf32>
        %swap3A_385 = vector.shape_cast %broadcast_in_dim3A_324 : vector<16xf32> to vector<1x16xf32>
        tpu.vector_store %arg8[%swap3A_381, %swap3A_382], %swap3A_385 {strides = array<i32>} : memref<8x1024xf32, #tpu.memory_space<vmem>>, vector<1x16xf32>,
        %swap3A_386 = arith.constant 4 : i32
        %swap3A_387 = arith.index_cast %swap3A_386 : i32 to index
        %swap3A_388 = arith.constant 32 : index
        %swap3A_389 = tpu.vector_load %arg8[%swap3A_387, %swap3A_388] {strides = array<i32>} : memref<8x1024xf32, #tpu.memory_space<vmem>>, vector<1x16xf32>,
        %swap3A_390 = vector.shape_cast %swap3A_389 : vector<1x16xf32> to vector<16xf32>
        %swap3A_391 = vector.shape_cast %broadcast_in_dim3A_324 : vector<16xf32> to vector<1x16xf32>
        tpu.vector_store %arg8[%swap3A_387, %swap3A_388], %swap3A_391 {strides = array<i32>} : memref<8x1024xf32, #tpu.memory_space<vmem>>, vector<1x16xf32>,
        %swap3A_392 = arith.constant 4 : i32
        %swap3A_393 = arith.index_cast %swap3A_392 : i32 to index
        %swap3A_394 = arith.constant 48 : index
        %swap3A_395 = tpu.vector_load %arg8[%swap3A_393, %swap3A_394] {strides = array<i32>} : memref<8x1024xf32, #tpu.memory_space<vmem>>, vector<1x16xf32>,
        %swap3A_396 = vector.shape_cast %swap3A_395 : vector<1x16xf32> to vector<16xf32>
        %swap3A_397 = vector.shape_cast %broadcast_in_dim3A_324 : vector<16xf32> to vector<1x16xf32>
        tpu.vector_store %arg8[%swap3A_393, %swap3A_394], %swap3A_397 {strides = array<i32>} : memref<8x1024xf32, #tpu.memory_space<vmem>>, vector<1x16xf32>,
        %swap3A_398 = arith.constant 4 : i32
        %swap3A_399 = arith.index_cast %swap3A_398 : i32 to index
        %swap3A_400 = arith.constant 64 : index
        %swap3A_401 = tpu.vector_load %arg8[%swap3A_399, %swap3A_400] {strides = array<i32>} : memref<8x1024xf32, #tpu.memory_space<vmem>>, vector<1x16xf32>,
        %swap3A_402 = vector.shape_cast %swap3A_401 : vector<1x16xf32> to vector<16xf32>
        %swap3A_403 = vector.shape_cast %broadcast_in_dim3A_324 : vector<16xf32> to vector<1x16xf32>
        tpu.vector_store %arg8[%swap3A_399, %swap3A_400], %swap3A_403 {strides = array<i32>} : memref<8x1024xf32, #tpu.memory_space<vmem>>, vector<1x16xf32>,
        %swap3A_404 = arith.constant 4 : i32
        %swap3A_405 = arith.index_cast %swap3A_404 : i32 to index
        %swap3A_406 = arith.constant 80 : index
        %swap3A_407 = tpu.vector_load %arg8[%swap3A_405, %swap3A_406] {strides = array<i32>} : memref<8x1024xf32, #tpu.memory_space<vmem>>, vector<1x16xf32>,
        %swap3A_408 = vector.shape_cast %swap3A_407 : vector<1x16xf32> to vector<16xf32>
        %swap3A_409 = vector.shape_cast %broadcast_in_dim3A_324 : vector<16xf32> to vector<1x16xf32>
        tpu.vector_store %arg8[%swap3A_405, %swap3A_406], %swap3A_409 {strides = array<i32>} : memref<8x1024xf32, #tpu.memory_space<vmem>>, vector<1x16xf32>,
        %swap3A_410 = arith.constant 4 : i32
        %swap3A_411 = arith.index_cast %swap3A_410 : i32 to index
        %swap3A_412 = arith.constant 96 : index
        %swap3A_413 = tpu.vector_load %arg8[%swap3A_411, %swap3A_412] {strides = array<i32>} : memref<8x1024xf32, #tpu.memory_space<vmem>>, vector<1x16xf32>,
        %swap3A_414 = vector.shape_cast %swap3A_413 : vector<1x16xf32> to vector<16xf32>
        %swap3A_415 = vector.shape_cast %broadcast_in_dim3A_324 : vector<16xf32> to vector<1x16xf32>
        tpu.vector_store %arg8[%swap3A_411, %swap3A_412], %swap3A_415 {strides = array<i32>} : memref<8x1024xf32, #tpu.memory_space<vmem>>, vector<1x16xf32>,
        %swap3A_416 = arith.constant 4 : i32
        %swap3A_417 = arith.index_cast %swap3A_416 : i32 to index
        %swap3A_418 = arith.constant 112 : index
        %swap3A_419 = tpu.vector_load %arg8[%swap3A_417, %swap3A_418] {strides = array<i32>} : memref<8x1024xf32, #tpu.memory_space<vmem>>, vector<1x16xf32>,
        %swap3A_420 = vector.shape_cast %swap3A_419 : vector<1x16xf32> to vector<16xf32>
        %swap3A_421 = vector.shape_cast %broadcast_in_dim3A_324 : vector<16xf32> to vector<1x16xf32>
        tpu.vector_store %arg8[%swap3A_417, %swap3A_418], %swap3A_421 {strides = array<i32>} : memref<8x1024xf32, #tpu.memory_space<vmem>>, vector<1x16xf32>,
        %swap3A_422 = arith.constant 4 : i32
        %swap3A_423 = arith.index_cast %swap3A_422 : i32 to index
        %swap3A_424 = arith.constant 128 : index
        %swap3A_425 = tpu.vector_load %arg8[%swap3A_423, %swap3A_424] {strides = array<i32>} : memref<8x1024xf32, #tpu.memory_space<vmem>>, vector<1x16xf32>,
        %swap3A_426 = vector.shape_cast %swap3A_425 : vector<1x16xf32> to vector<16xf32>
        %swap3A_427 = vector.shape_cast %broadcast_in_dim3A_324 : vector<16xf32> to vector<1x16xf32>
        tpu.vector_store %arg8[%swap3A_423, %swap3A_424], %swap3A_427 {strides = array<i32>} : memref<8x1024xf32, #tpu.memory_space<vmem>>, vector<1x16xf32>,
        %swap3A_428 = arith.constant 4 : i32
        %swap3A_429 = arith.index_cast %swap3A_428 : i32 to index
        %swap3A_430 = arith.constant 144 : index
        %swap3A_431 = tpu.vector_load %arg8[%swap3A_429, %swap3A_430] {strides = array<i32>} : memref<8x1024xf32, #tpu.memory_space<vmem>>, vector<1x16xf32>,
        %swap3A_432 = vector.shape_cast %swap3A_431 : vector<1x16xf32> to vector<16xf32>
        %swap3A_433 = vector.shape_cast %broadcast_in_dim3A_324 : vector<16xf32> to vector<1x16xf32>
        tpu.vector_store %arg8[%swap3A_429, %swap3A_430], %swap3A_433 {strides = array<i32>} : memref<8x1024xf32, #tpu.memory_space<vmem>>, vector<1x16xf32>,
        %swap3A_434 = arith.constant 4 : i32
        %swap3A_435 = arith.index_cast %swap3A_434 : i32 to index
        %swap3A_436 = arith.constant 160 : index
        %swap3A_437 = tpu.vector_load %arg8[%swap3A_435, %swap3A_436] {strides = array<i32>} : memref<8x1024xf32, #tpu.memory_space<vmem>>, vector<1x16xf32>,
        %swap3A_438 = vector.shape_cast %swap3A_437 : vector<1x16xf32> to vector<16xf32>
        %swap3A_439 = vector.shape_cast %broadcast_in_dim3A_324 : vector<16xf32> to vector<1x16xf32>
        tpu.vector_store %arg8[%swap3A_435, %swap3A_436], %swap3A_439 {strides = array<i32>} : memref<8x1024xf32, #tpu.memory_space<vmem>>, vector<1x16xf32>,
        %swap3A_440 = arith.constant 4 : i32
        %swap3A_441 = arith.index_cast %swap3A_440 : i32 to index
        %swap3A_442 = arith.constant 176 : index
        %swap3A_443 = tpu.vector_load %arg8[%swap3A_441, %swap3A_442] {strides = array<i32>} : memref<8x1024xf32, #tpu.memory_space<vmem>>, vector<1x16xf32>,
        %swap3A_444 = vector.shape_cast %swap3A_443 : vector<1x16xf32> to vector<16xf32>
        %swap3A_445 = vector.shape_cast %broadcast_in_dim3A_324 : vector<16xf32> to vector<1x16xf32>
        tpu.vector_store %arg8[%swap3A_441, %swap3A_442], %swap3A_445 {strides = array<i32>} : memref<8x1024xf32, #tpu.memory_space<vmem>>, vector<1x16xf32>,
        %swap3A_446 = arith.constant 4 : i32
        %swap3A_447 = arith.index_cast %swap3A_446 : i32 to index
        %swap3A_448 = arith.constant 192 : index
        %swap3A_449 = tpu.vector_load %arg8[%swap3A_447, %swap3A_448] {strides = array<i32>} : memref<8x1024xf32, #tpu.memory_space<vmem>>, vector<1x16xf32>,
        %swap3A_450 = vector.shape_cast %swap3A_449 : vector<1x16xf32> to vector<16xf32>
        %swap3A_451 = vector.shape_cast %broadcast_in_dim3A_324 : vector<16xf32> to vector<1x16xf32>
        tpu.vector_store %arg8[%swap3A_447, %swap3A_448], %swap3A_451 {strides = array<i32>} : memref<8x1024xf32, #tpu.memory_space<vmem>>, vector<1x16xf32>,
        %swap3A_452 = arith.constant 4 : i32
        %swap3A_453 = arith.index_cast %swap3A_452 : i32 to index
        %swap3A_454 = arith.constant 208 : index
        %swap3A_455 = tpu.vector_load %arg8[%swap3A_453, %swap3A_454] {strides = array<i32>} : memref<8x1024xf32, #tpu.memory_space<vmem>>, vector<1x16xf32>,
        %swap3A_456 = vector.shape_cast %swap3A_455 : vector<1x16xf32> to vector<16xf32>
        %swap3A_457 = vector.shape_cast %broadcast_in_dim3A_324 : vector<16xf32> to vector<1x16xf32>
        tpu.vector_store %arg8[%swap3A_453, %swap3A_454], %swap3A_457 {strides = array<i32>} : memref<8x1024xf32, #tpu.memory_space<vmem>>, vector<1x16xf32>,
        %swap3A_458 = arith.constant 4 : i32
        %swap3A_459 = arith.index_cast %swap3A_458 : i32 to index
        %swap3A_460 = arith.constant 224 : index
        %swap3A_461 = tpu.vector_load %arg8[%swap3A_459, %swap3A_460] {strides = array<i32>} : memref<8x1024xf32, #tpu.memory_space<vmem>>, vector<1x16xf32>,
        %swap3A_462 = vector.shape_cast %swap3A_461 : vector<1x16xf32> to vector<16xf32>
        %swap3A_463 = vector.shape_cast %broadcast_in_dim3A_324 : vector<16xf32> to vector<1x16xf32>
        tpu.vector_store %arg8[%swap3A_459, %swap3A_460], %swap3A_463 {strides = array<i32>} : memref<8x1024xf32, #tpu.memory_space<vmem>>, vector<1x16xf32>,
        %swap3A_464 = arith.constant 4 : i32
        %swap3A_465 = arith.index_cast %swap3A_464 : i32 to index
        %swap3A_466 = arith.constant 240 : index
        %swap3A_467 = tpu.vector_load %arg8[%swap3A_465, %swap3A_466] {strides = array<i32>} : memref<8x1024xf32, #tpu.memory_space<vmem>>, vector<1x16xf32>,
        %swap3A_468 = vector.shape_cast %swap3A_467 : vector<1x16xf32> to vector<16xf32>
        %swap3A_469 = vector.shape_cast %broadcast_in_dim3A_324 : vector<16xf32> to vector<1x16xf32>
        tpu.vector_store %arg8[%swap3A_465, %swap3A_466], %swap3A_469 {strides = array<i32>} : memref<8x1024xf32, #tpu.memory_space<vmem>>, vector<1x16xf32>,
        %swap3A_470 = arith.constant 4 : i32
        %swap3A_471 = arith.index_cast %swap3A_470 : i32 to index
        %swap3A_472 = arith.constant 256 : index
        %swap3A_473 = tpu.vector_load %arg8[%swap3A_471, %swap3A_472] {strides = array<i32>} : memref<8x1024xf32, #tpu.memory_space<vmem>>, vector<1x16xf32>,
        %swap3A_474 = vector.shape_cast %swap3A_473 : vector<1x16xf32> to vector<16xf32>
        %swap3A_475 = vector.shape_cast %broadcast_in_dim3A_324 : vector<16xf32> to vector<1x16xf32>
        tpu.vector_store %arg8[%swap3A_471, %swap3A_472], %swap3A_475 {strides = array<i32>} : memref<8x1024xf32, #tpu.memory_space<vmem>>, vector<1x16xf32>,
        %swap3A_476 = arith.constant 4 : i32
        %swap3A_477 = arith.index_cast %swap3A_476 : i32 to index
        %swap3A_478 = arith.constant 272 : index
        %swap3A_479 = tpu.vector_load %arg8[%swap3A_477, %swap3A_478] {strides = array<i32>} : memref<8x1024xf32, #tpu.memory_space<vmem>>, vector<1x16xf32>,
        %swap3A_480 = vector.shape_cast %swap3A_479 : vector<1x16xf32> to vector<16xf32>
        %swap3A_481 = vector.shape_cast %broadcast_in_dim3A_324 : vector<16xf32> to vector<1x16xf32>
        tpu.vector_store %arg8[%swap3A_477, %swap3A_478], %swap3A_481 {strides = array<i32>} : memref<8x1024xf32, #tpu.memory_space<vmem>>, vector<1x16xf32>,
        %swap3A_482 = arith.constant 4 : i32
        %swap3A_483 = arith.index_cast %swap3A_482 : i32 to index
        %swap3A_484 = arith.constant 288 : index
        %swap3A_485 = tpu.vector_load %arg8[%swap3A_483, %swap3A_484] {strides = array<i32>} : memref<8x1024xf32, #tpu.memory_space<vmem>>, vector<1x16xf32>,
        %swap3A_486 = vector.shape_cast %swap3A_485 : vector<1x16xf32> to vector<16xf32>
        %swap3A_487 = vector.shape_cast %broadcast_in_dim3A_324 : vector<16xf32> to vector<1x16xf32>
        tpu.vector_store %arg8[%swap3A_483, %swap3A_484], %swap3A_487 {strides = array<i32>} : memref<8x1024xf32, #tpu.memory_space<vmem>>, vector<1x16xf32>,
        %swap3A_488 = arith.constant 4 : i32
        %swap3A_489 = arith.index_cast %swap3A_488 : i32 to index
        %swap3A_490 = arith.constant 304 : index
        %swap3A_491 = tpu.vector_load %arg8[%swap3A_489, %swap3A_490] {strides = array<i32>} : memref<8x1024xf32, #tpu.memory_space<vmem>>, vector<1x16xf32>,
        %swap3A_492 = vector.shape_cast %swap3A_491 : vector<1x16xf32> to vector<16xf32>
        %swap3A_493 = vector.shape_cast %broadcast_in_dim3A_324 : vector<16xf32> to vector<1x16xf32>
        tpu.vector_store %arg8[%swap3A_489, %swap3A_490], %swap3A_493 {strides = array<i32>} : memref<8x1024xf32, #tpu.memory_space<vmem>>, vector<1x16xf32>,
        %swap3A_494 = arith.constant 4 : i32
        %swap3A_495 = arith.index_cast %swap3A_494 : i32 to index
        %swap3A_496 = arith.constant 320 : index
        %swap3A_497 = tpu.vector_load %arg8[%swap3A_495, %swap3A_496] {strides = array<i32>} : memref<8x1024xf32, #tpu.memory_space<vmem>>, vector<1x16xf32>,
        %swap3A_498 = vector.shape_cast %swap3A_497 : vector<1x16xf32> to vector<16xf32>
        %swap3A_499 = vector.shape_cast %broadcast_in_dim3A_324 : vector<16xf32> to vector<1x16xf32>
        tpu.vector_store %arg8[%swap3A_495, %swap3A_496], %swap3A_499 {strides = array<i32>} : memref<8x1024xf32, #tpu.memory_space<vmem>>, vector<1x16xf32>,
        %swap3A_500 = arith.constant 4 : i32
        %swap3A_501 = arith.index_cast %swap3A_500 : i32 to index
        %swap3A_502 = arith.constant 336 : index
        %swap3A_503 = tpu.vector_load %arg8[%swap3A_501, %swap3A_502] {strides = array<i32>} : memref<8x1024xf32, #tpu.memory_space<vmem>>, vector<1x16xf32>,
        %swap3A_504 = vector.shape_cast %swap3A_503 : vector<1x16xf32> to vector<16xf32>
        %swap3A_505 = vector.shape_cast %broadcast_in_dim3A_324 : vector<16xf32> to vector<1x16xf32>
        tpu.vector_store %arg8[%swap3A_501, %swap3A_502], %swap3A_505 {strides = array<i32>} : memref<8x1024xf32, #tpu.memory_space<vmem>>, vector<1x16xf32>,
        %swap3A_506 = arith.constant 4 : i32
        %swap3A_507 = arith.index_cast %swap3A_506 : i32 to index
        %swap3A_508 = arith.constant 352 : index
        %swap3A_509 = tpu.vector_load %arg8[%swap3A_507, %swap3A_508] {strides = array<i32>} : memref<8x1024xf32, #tpu.memory_space<vmem>>, vector<1x16xf32>,
        %swap3A_510 = vector.shape_cast %swap3A_509 : vector<1x16xf32> to vector<16xf32>
        %swap3A_511 = vector.shape_cast %broadcast_in_dim3A_324 : vector<16xf32> to vector<1x16xf32>
        tpu.vector_store %arg8[%swap3A_507, %swap3A_508], %swap3A_511 {strides = array<i32>} : memref<8x1024xf32, #tpu.memory_space<vmem>>, vector<1x16xf32>,
        %swap3A_512 = arith.constant 4 : i32
        %swap3A_513 = arith.index_cast %swap3A_512 : i32 to index
        %swap3A_514 = arith.constant 368 : index
        %swap3A_515 = tpu.vector_load %arg8[%swap3A_513, %swap3A_514] {strides = array<i32>} : memref<8x1024xf32, #tpu.memory_space<vmem>>, vector<1x16xf32>,
        %swap3A_516 = vector.shape_cast %swap3A_515 : vector<1x16xf32> to vector<16xf32>
        %swap3A_517 = vector.shape_cast %broadcast_in_dim3A_324 : vector<16xf32> to vector<1x16xf32>
        tpu.vector_store %arg8[%swap3A_513, %swap3A_514], %swap3A_517 {strides = array<i32>} : memref<8x1024xf32, #tpu.memory_space<vmem>>, vector<1x16xf32>,
        %swap3A_518 = arith.constant 4 : i32
        %swap3A_519 = arith.index_cast %swap3A_518 : i32 to index
        %swap3A_520 = arith.constant 384 : index
        %swap3A_521 = tpu.vector_load %arg8[%swap3A_519, %swap3A_520] {strides = array<i32>} : memref<8x1024xf32, #tpu.memory_space<vmem>>, vector<1x16xf32>,
        %swap3A_522 = vector.shape_cast %swap3A_521 : vector<1x16xf32> to vector<16xf32>
        %swap3A_523 = vector.shape_cast %broadcast_in_dim3A_324 : vector<16xf32> to vector<1x16xf32>
        tpu.vector_store %arg8[%swap3A_519, %swap3A_520], %swap3A_523 {strides = array<i32>} : memref<8x1024xf32, #tpu.memory_space<vmem>>, vector<1x16xf32>,
        %swap3A_524 = arith.constant 4 : i32
        %swap3A_525 = arith.index_cast %swap3A_524 : i32 to index
        %swap3A_526 = arith.constant 400 : index
        %swap3A_527 = tpu.vector_load %arg8[%swap3A_525, %swap3A_526] {strides = array<i32>} : memref<8x1024xf32, #tpu.memory_space<vmem>>, vector<1x16xf32>,
        %swap3A_528 = vector.shape_cast %swap3A_527 : vector<1x16xf32> to vector<16xf32>
        %swap3A_529 = vector.shape_cast %broadcast_in_dim3A_324 : vector<16xf32> to vector<1x16xf32>
        tpu.vector_store %arg8[%swap3A_525, %swap3A_526], %swap3A_529 {strides = array<i32>} : memref<8x1024xf32, #tpu.memory_space<vmem>>, vector<1x16xf32>,
        %swap3A_530 = arith.constant 4 : i32
        %swap3A_531 = arith.index_cast %swap3A_530 : i32 to index
        %swap3A_532 = arith.constant 416 : index
        %swap3A_533 = tpu.vector_load %arg8[%swap3A_531, %swap3A_532] {strides = array<i32>} : memref<8x1024xf32, #tpu.memory_space<vmem>>, vector<1x16xf32>,
        %swap3A_534 = vector.shape_cast %swap3A_533 : vector<1x16xf32> to vector<16xf32>
        %swap3A_535 = vector.shape_cast %broadcast_in_dim3A_324 : vector<16xf32> to vector<1x16xf32>
        tpu.vector_store %arg8[%swap3A_531, %swap3A_532], %swap3A_535 {strides = array<i32>} : memref<8x1024xf32, #tpu.memory_space<vmem>>, vector<1x16xf32>,
        %swap3A_536 = arith.constant 4 : i32
        %swap3A_537 = arith.index_cast %swap3A_536 : i32 to index
        %swap3A_538 = arith.constant 432 : index
        %swap3A_539 = tpu.vector_load %arg8[%swap3A_537, %swap3A_538] {strides = array<i32>} : memref<8x1024xf32, #tpu.memory_space<vmem>>, vector<1x16xf32>,
        %swap3A_540 = vector.shape_cast %swap3A_539 : vector<1x16xf32> to vector<16xf32>
        %swap3A_541 = vector.shape_cast %broadcast_in_dim3A_324 : vector<16xf32> to vector<1x16xf32>
        tpu.vector_store %arg8[%swap3A_537, %swap3A_538], %swap3A_541 {strides = array<i32>} : memref<8x1024xf32, #tpu.memory_space<vmem>>, vector<1x16xf32>,
        %swap3A_542 = arith.constant 4 : i32
        %swap3A_543 = arith.index_cast %swap3A_542 : i32 to index
        %swap3A_544 = arith.constant 448 : index
        %swap3A_545 = tpu.vector_load %arg8[%swap3A_543, %swap3A_544] {strides = array<i32>} : memref<8x1024xf32, #tpu.memory_space<vmem>>, vector<1x16xf32>,
        %swap3A_546 = vector.shape_cast %swap3A_545 : vector<1x16xf32> to vector<16xf32>
        %swap3A_547 = vector.shape_cast %broadcast_in_dim3A_324 : vector<16xf32> to vector<1x16xf32>
        tpu.vector_store %arg8[%swap3A_543, %swap3A_544], %swap3A_547 {strides = array<i32>} : memref<8x1024xf32, #tpu.memory_space<vmem>>, vector<1x16xf32>,
        %swap3A_548 = arith.constant 4 : i32
        %swap3A_549 = arith.index_cast %swap3A_548 : i32 to index
        %swap3A_550 = arith.constant 464 : index
        %swap3A_551 = tpu.vector_load %arg8[%swap3A_549, %swap3A_550] {strides = array<i32>} : memref<8x1024xf32, #tpu.memory_space<vmem>>, vector<1x16xf32>,
        %swap3A_552 = vector.shape_cast %swap3A_551 : vector<1x16xf32> to vector<16xf32>
        %swap3A_553 = vector.shape_cast %broadcast_in_dim3A_324 : vector<16xf32> to vector<1x16xf32>
        tpu.vector_store %arg8[%swap3A_549, %swap3A_550], %swap3A_553 {strides = array<i32>} : memref<8x1024xf32, #tpu.memory_space<vmem>>, vector<1x16xf32>,
        %swap3A_554 = arith.constant 4 : i32
        %swap3A_555 = arith.index_cast %swap3A_554 : i32 to index
        %swap3A_556 = arith.constant 480 : index
        %swap3A_557 = tpu.vector_load %arg8[%swap3A_555, %swap3A_556] {strides = array<i32>} : memref<8x1024xf32, #tpu.memory_space<vmem>>, vector<1x16xf32>,
        %swap3A_558 = vector.shape_cast %swap3A_557 : vector<1x16xf32> to vector<16xf32>
        %swap3A_559 = vector.shape_cast %broadcast_in_dim3A_324 : vector<16xf32> to vector<1x16xf32>
        tpu.vector_store %arg8[%swap3A_555, %swap3A_556], %swap3A_559 {strides = array<i32>} : memref<8x1024xf32, #tpu.memory_space<vmem>>, vector<1x16xf32>,
        %swap3A_560 = arith.constant 4 : i32
        %swap3A_561 = arith.index_cast %swap3A_560 : i32 to index
        %swap3A_562 = arith.constant 496 : index
        %swap3A_563 = tpu.vector_load %arg8[%swap3A_561, %swap3A_562] {strides = array<i32>} : memref<8x1024xf32, #tpu.memory_space<vmem>>, vector<1x16xf32>,
        %swap3A_564 = vector.shape_cast %swap3A_563 : vector<1x16xf32> to vector<16xf32>
        %swap3A_565 = vector.shape_cast %broadcast_in_dim3A_324 : vector<16xf32> to vector<1x16xf32>
        tpu.vector_store %arg8[%swap3A_561, %swap3A_562], %swap3A_565 {strides = array<i32>} : memref<8x1024xf32, #tpu.memory_space<vmem>>, vector<1x16xf32>,
        %swap3A_566 = arith.constant 4 : i32
        %swap3A_567 = arith.index_cast %swap3A_566 : i32 to index
        %swap3A_568 = arith.constant 512 : index
        %swap3A_569 = tpu.vector_load %arg8[%swap3A_567, %swap3A_568] {strides = array<i32>} : memref<8x1024xf32, #tpu.memory_space<vmem>>, vector<1x16xf32>,
        %swap3A_570 = vector.shape_cast %swap3A_569 : vector<1x16xf32> to vector<16xf32>
        %swap3A_571 = vector.shape_cast %broadcast_in_dim3A_324 : vector<16xf32> to vector<1x16xf32>
        tpu.vector_store %arg8[%swap3A_567, %swap3A_568], %swap3A_571 {strides = array<i32>} : memref<8x1024xf32, #tpu.memory_space<vmem>>, vector<1x16xf32>,
        %swap3A_572 = arith.constant 4 : i32
        %swap3A_573 = arith.index_cast %swap3A_572 : i32 to index
        %swap3A_574 = arith.constant 528 : index
        %swap3A_575 = tpu.vector_load %arg8[%swap3A_573, %swap3A_574] {strides = array<i32>} : memref<8x1024xf32, #tpu.memory_space<vmem>>, vector<1x16xf32>,
        %swap3A_576 = vector.shape_cast %swap3A_575 : vector<1x16xf32> to vector<16xf32>
        %swap3A_577 = vector.shape_cast %broadcast_in_dim3A_324 : vector<16xf32> to vector<1x16xf32>
        tpu.vector_store %arg8[%swap3A_573, %swap3A_574], %swap3A_577 {strides = array<i32>} : memref<8x1024xf32, #tpu.memory_space<vmem>>, vector<1x16xf32>,
        %swap3A_578 = arith.constant 4 : i32
        %swap3A_579 = arith.index_cast %swap3A_578 : i32 to index
        %swap3A_580 = arith.constant 544 : index
        %swap3A_581 = tpu.vector_load %arg8[%swap3A_579, %swap3A_580] {strides = array<i32>} : memref<8x1024xf32, #tpu.memory_space<vmem>>, vector<1x16xf32>,
        %swap3A_582 = vector.shape_cast %swap3A_581 : vector<1x16xf32> to vector<16xf32>
        %swap3A_583 = vector.shape_cast %broadcast_in_dim3A_324 : vector<16xf32> to vector<1x16xf32>
        tpu.vector_store %arg8[%swap3A_579, %swap3A_580], %swap3A_583 {strides = array<i32>} : memref<8x1024xf32, #tpu.memory_space<vmem>>, vector<1x16xf32>,
        %swap3A_584 = arith.constant 4 : i32
        %swap3A_585 = arith.index_cast %swap3A_584 : i32 to index
        %swap3A_586 = arith.constant 560 : index
        %swap3A_587 = tpu.vector_load %arg8[%swap3A_585, %swap3A_586] {strides = array<i32>} : memref<8x1024xf32, #tpu.memory_space<vmem>>, vector<1x16xf32>,
        %swap3A_588 = vector.shape_cast %swap3A_587 : vector<1x16xf32> to vector<16xf32>
        %swap3A_589 = vector.shape_cast %broadcast_in_dim3A_324 : vector<16xf32> to vector<1x16xf32>
        tpu.vector_store %arg8[%swap3A_585, %swap3A_586], %swap3A_589 {strides = array<i32>} : memref<8x1024xf32, #tpu.memory_space<vmem>>, vector<1x16xf32>,
        %swap3A_590 = arith.constant 4 : i32
        %swap3A_591 = arith.index_cast %swap3A_590 : i32 to index
        %swap3A_592 = arith.constant 576 : index
        %swap3A_593 = tpu.vector_load %arg8[%swap3A_591, %swap3A_592] {strides = array<i32>} : memref<8x1024xf32, #tpu.memory_space<vmem>>, vector<1x16xf32>,
        %swap3A_594 = vector.shape_cast %swap3A_593 : vector<1x16xf32> to vector<16xf32>
        %swap3A_595 = vector.shape_cast %broadcast_in_dim3A_324 : vector<16xf32> to vector<1x16xf32>
        tpu.vector_store %arg8[%swap3A_591, %swap3A_592], %swap3A_595 {strides = array<i32>} : memref<8x1024xf32, #tpu.memory_space<vmem>>, vector<1x16xf32>,
        %swap3A_596 = arith.constant 4 : i32
        %swap3A_597 = arith.index_cast %swap3A_596 : i32 to index
        %swap3A_598 = arith.constant 592 : index
        %swap3A_599 = tpu.vector_load %arg8[%swap3A_597, %swap3A_598] {strides = array<i32>} : memref<8x1024xf32, #tpu.memory_space<vmem>>, vector<1x16xf32>,
        %swap3A_600 = vector.shape_cast %swap3A_599 : vector<1x16xf32> to vector<16xf32>
        %swap3A_601 = vector.shape_cast %broadcast_in_dim3A_324 : vector<16xf32> to vector<1x16xf32>
        tpu.vector_store %arg8[%swap3A_597, %swap3A_598], %swap3A_601 {strides = array<i32>} : memref<8x1024xf32, #tpu.memory_space<vmem>>, vector<1x16xf32>,
        %swap3A_602 = arith.constant 4 : i32
        %swap3A_603 = arith.index_cast %swap3A_602 : i32 to index
        %swap3A_604 = arith.constant 608 : index
        %swap3A_605 = tpu.vector_load %arg8[%swap3A_603, %swap3A_604] {strides = array<i32>} : memref<8x1024xf32, #tpu.memory_space<vmem>>, vector<1x16xf32>,
        %swap3A_606 = vector.shape_cast %swap3A_605 : vector<1x16xf32> to vector<16xf32>
        %swap3A_607 = vector.shape_cast %broadcast_in_dim3A_324 : vector<16xf32> to vector<1x16xf32>
        tpu.vector_store %arg8[%swap3A_603, %swap3A_604], %swap3A_607 {strides = array<i32>} : memref<8x1024xf32, #tpu.memory_space<vmem>>, vector<1x16xf32>,
        %swap3A_608 = arith.constant 4 : i32
        %swap3A_609 = arith.index_cast %swap3A_608 : i32 to index
        %swap3A_610 = arith.constant 624 : index
        %swap3A_611 = tpu.vector_load %arg8[%swap3A_609, %swap3A_610] {strides = array<i32>} : memref<8x1024xf32, #tpu.memory_space<vmem>>, vector<1x16xf32>,
        %swap3A_612 = vector.shape_cast %swap3A_611 : vector<1x16xf32> to vector<16xf32>
        %swap3A_613 = vector.shape_cast %broadcast_in_dim3A_324 : vector<16xf32> to vector<1x16xf32>
        tpu.vector_store %arg8[%swap3A_609, %swap3A_610], %swap3A_613 {strides = array<i32>} : memref<8x1024xf32, #tpu.memory_space<vmem>>, vector<1x16xf32>,
        %swap3A_614 = arith.constant 4 : i32
        %swap3A_615 = arith.index_cast %swap3A_614 : i32 to index
        %swap3A_616 = arith.constant 640 : index
        %swap3A_617 = tpu.vector_load %arg8[%swap3A_615, %swap3A_616] {strides = array<i32>} : memref<8x1024xf32, #tpu.memory_space<vmem>>, vector<1x16xf32>,
        %swap3A_618 = vector.shape_cast %swap3A_617 : vector<1x16xf32> to vector<16xf32>
        %swap3A_619 = vector.shape_cast %broadcast_in_dim3A_324 : vector<16xf32> to vector<1x16xf32>
        tpu.vector_store %arg8[%swap3A_615, %swap3A_616], %swap3A_619 {strides = array<i32>} : memref<8x1024xf32, #tpu.memory_space<vmem>>, vector<1x16xf32>,
        %swap3A_620 = arith.constant 4 : i32
        %swap3A_621 = arith.index_cast %swap3A_620 : i32 to index
        %swap3A_622 = arith.constant 656 : index
        %swap3A_623 = tpu.vector_load %arg8[%swap3A_621, %swap3A_622] {strides = array<i32>} : memref<8x1024xf32, #tpu.memory_space<vmem>>, vector<1x16xf32>,
        %swap3A_624 = vector.shape_cast %swap3A_623 : vector<1x16xf32> to vector<16xf32>
        %swap3A_625 = vector.shape_cast %broadcast_in_dim3A_324 : vector<16xf32> to vector<1x16xf32>
        tpu.vector_store %arg8[%swap3A_621, %swap3A_622], %swap3A_625 {strides = array<i32>} : memref<8x1024xf32, #tpu.memory_space<vmem>>, vector<1x16xf32>,
        %swap3A_626 = arith.constant 4 : i32
        %swap3A_627 = arith.index_cast %swap3A_626 : i32 to index
        %swap3A_628 = arith.constant 672 : index
        %swap3A_629 = tpu.vector_load %arg8[%swap3A_627, %swap3A_628] {strides = array<i32>} : memref<8x1024xf32, #tpu.memory_space<vmem>>, vector<1x16xf32>,
        %swap3A_630 = vector.shape_cast %swap3A_629 : vector<1x16xf32> to vector<16xf32>
        %swap3A_631 = vector.shape_cast %broadcast_in_dim3A_324 : vector<16xf32> to vector<1x16xf32>
        tpu.vector_store %arg8[%swap3A_627, %swap3A_628], %swap3A_631 {strides = array<i32>} : memref<8x1024xf32, #tpu.memory_space<vmem>>, vector<1x16xf32>,
        %swap3A_632 = arith.constant 4 : i32
        %swap3A_633 = arith.index_cast %swap3A_632 : i32 to index
        %swap3A_634 = arith.constant 688 : index
        %swap3A_635 = tpu.vector_load %arg8[%swap3A_633, %swap3A_634] {strides = array<i32>} : memref<8x1024xf32, #tpu.memory_space<vmem>>, vector<1x16xf32>,
        %swap3A_636 = vector.shape_cast %swap3A_635 : vector<1x16xf32> to vector<16xf32>
        %swap3A_637 = vector.shape_cast %broadcast_in_dim3A_324 : vector<16xf32> to vector<1x16xf32>
        tpu.vector_store %arg8[%swap3A_633, %swap3A_634], %swap3A_637 {strides = array<i32>} : memref<8x1024xf32, #tpu.memory_space<vmem>>, vector<1x16xf32>,
        %swap3A_638 = arith.constant 4 : i32
        %swap3A_639 = arith.index_cast %swap3A_638 : i32 to index
        %swap3A_640 = arith.constant 704 : index
        %swap3A_641 = tpu.vector_load %arg8[%swap3A_639, %swap3A_640] {strides = array<i32>} : memref<8x1024xf32, #tpu.memory_space<vmem>>, vector<1x16xf32>,
        %swap3A_642 = vector.shape_cast %swap3A_641 : vector<1x16xf32> to vector<16xf32>
        %swap3A_643 = vector.shape_cast %broadcast_in_dim3A_324 : vector<16xf32> to vector<1x16xf32>
        tpu.vector_store %arg8[%swap3A_639, %swap3A_640], %swap3A_643 {strides = array<i32>} : memref<8x1024xf32, #tpu.memory_space<vmem>>, vector<1x16xf32>,
        %swap3A_644 = arith.constant 4 : i32
        %swap3A_645 = arith.index_cast %swap3A_644 : i32 to index
        %swap3A_646 = arith.constant 720 : index
        %swap3A_647 = tpu.vector_load %arg8[%swap3A_645, %swap3A_646] {strides = array<i32>} : memref<8x1024xf32, #tpu.memory_space<vmem>>, vector<1x16xf32>,
        %swap3A_648 = vector.shape_cast %swap3A_647 : vector<1x16xf32> to vector<16xf32>
        %swap3A_649 = vector.shape_cast %broadcast_in_dim3A_324 : vector<16xf32> to vector<1x16xf32>
        tpu.vector_store %arg8[%swap3A_645, %swap3A_646], %swap3A_649 {strides = array<i32>} : memref<8x1024xf32, #tpu.memory_space<vmem>>, vector<1x16xf32>,
        %swap3A_650 = arith.constant 4 : i32
        %swap3A_651 = arith.index_cast %swap3A_650 : i32 to index
        %swap3A_652 = arith.constant 736 : index
        %swap3A_653 = tpu.vector_load %arg8[%swap3A_651, %swap3A_652] {strides = array<i32>} : memref<8x1024xf32, #tpu.memory_space<vmem>>, vector<1x16xf32>,
        %swap3A_654 = vector.shape_cast %swap3A_653 : vector<1x16xf32> to vector<16xf32>
        %swap3A_655 = vector.shape_cast %broadcast_in_dim3A_324 : vector<16xf32> to vector<1x16xf32>
        tpu.vector_store %arg8[%swap3A_651, %swap3A_652], %swap3A_655 {strides = array<i32>} : memref<8x1024xf32, #tpu.memory_space<vmem>>, vector<1x16xf32>,
        %swap3A_656 = arith.constant 4 : i32
        %swap3A_657 = arith.index_cast %swap3A_656 : i32 to index
        %swap3A_658 = arith.constant 752 : index
        %swap3A_659 = tpu.vector_load %arg8[%swap3A_657, %swap3A_658] {strides = array<i32>} : memref<8x1024xf32, #tpu.memory_space<vmem>>, vector<1x16xf32>,
        %swap3A_660 = vector.shape_cast %swap3A_659 : vector<1x16xf32> to vector<16xf32>
        %swap3A_661 = vector.shape_cast %broadcast_in_dim3A_324 : vector<16xf32> to vector<1x16xf32>
        tpu.vector_store %arg8[%swap3A_657, %swap3A_658], %swap3A_661 {strides = array<i32>} : memref<8x1024xf32, #tpu.memory_space<vmem>>, vector<1x16xf32>,
        %swap3A_662 = arith.constant 4 : i32
        %swap3A_663 = arith.index_cast %swap3A_662 : i32 to index
        %swap3A_664 = arith.constant 768 : index
        %swap3A_665 = tpu.vector_load %arg8[%swap3A_663, %swap3A_664] {strides = array<i32>} : memref<8x1024xf32, #tpu.memory_space<vmem>>, vector<1x16xf32>,
        %swap3A_666 = vector.shape_cast %swap3A_665 : vector<1x16xf32> to vector<16xf32>
        %swap3A_667 = vector.shape_cast %broadcast_in_dim3A_324 : vector<16xf32> to vector<1x16xf32>
        tpu.vector_store %arg8[%swap3A_663, %swap3A_664], %swap3A_667 {strides = array<i32>} : memref<8x1024xf32, #tpu.memory_space<vmem>>, vector<1x16xf32>,
        %swap3A_668 = arith.constant 4 : i32
        %swap3A_669 = arith.index_cast %swap3A_668 : i32 to index
        %swap3A_670 = arith.constant 784 : index
        %swap3A_671 = tpu.vector_load %arg8[%swap3A_669, %swap3A_670] {strides = array<i32>} : memref<8x1024xf32, #tpu.memory_space<vmem>>, vector<1x16xf32>,
        %swap3A_672 = vector.shape_cast %swap3A_671 : vector<1x16xf32> to vector<16xf32>
        %swap3A_673 = vector.shape_cast %broadcast_in_dim3A_324 : vector<16xf32> to vector<1x16xf32>
        tpu.vector_store %arg8[%swap3A_669, %swap3A_670], %swap3A_673 {strides = array<i32>} : memref<8x1024xf32, #tpu.memory_space<vmem>>, vector<1x16xf32>,
        %swap3A_674 = arith.constant 4 : i32
        %swap3A_675 = arith.index_cast %swap3A_674 : i32 to index
        %swap3A_676 = arith.constant 800 : index
        %swap3A_677 = tpu.vector_load %arg8[%swap3A_675, %swap3A_676] {strides = array<i32>} : memref<8x1024xf32, #tpu.memory_space<vmem>>, vector<1x16xf32>,
        %swap3A_678 = vector.shape_cast %swap3A_677 : vector<1x16xf32> to vector<16xf32>
        %swap3A_679 = vector.shape_cast %broadcast_in_dim3A_324 : vector<16xf32> to vector<1x16xf32>
        tpu.vector_store %arg8[%swap3A_675, %swap3A_676], %swap3A_679 {strides = array<i32>} : memref<8x1024xf32, #tpu.memory_space<vmem>>, vector<1x16xf32>,
        %swap3A_680 = arith.constant 4 : i32
        %swap3A_681 = arith.index_cast %swap3A_680 : i32 to index
        %swap3A_682 = arith.constant 816 : index
        %swap3A_683 = tpu.vector_load %arg8[%swap3A_681, %swap3A_682] {strides = array<i32>} : memref<8x1024xf32, #tpu.memory_space<vmem>>, vector<1x16xf32>,
        %swap3A_684 = vector.shape_cast %swap3A_683 : vector<1x16xf32> to vector<16xf32>
        %swap3A_685 = vector.shape_cast %broadcast_in_dim3A_324 : vector<16xf32> to vector<1x16xf32>
        tpu.vector_store %arg8[%swap3A_681, %swap3A_682], %swap3A_685 {strides = array<i32>} : memref<8x1024xf32, #tpu.memory_space<vmem>>, vector<1x16xf32>,
        %swap3A_686 = arith.constant 4 : i32
        %swap3A_687 = arith.index_cast %swap3A_686 : i32 to index
        %swap3A_688 = arith.constant 832 : index
        %swap3A_689 = tpu.vector_load %arg8[%swap3A_687, %swap3A_688] {strides = array<i32>} : memref<8x1024xf32, #tpu.memory_space<vmem>>, vector<1x16xf32>,
        %swap3A_690 = vector.shape_cast %swap3A_689 : vector<1x16xf32> to vector<16xf32>
        %swap3A_691 = vector.shape_cast %broadcast_in_dim3A_324 : vector<16xf32> to vector<1x16xf32>
        tpu.vector_store %arg8[%swap3A_687, %swap3A_688], %swap3A_691 {strides = array<i32>} : memref<8x1024xf32, #tpu.memory_space<vmem>>, vector<1x16xf32>,
        %swap3A_692 = arith.constant 4 : i32
        %swap3A_693 = arith.index_cast %swap3A_692 : i32 to index
        %swap3A_694 = arith.constant 848 : index
        %swap3A_695 = tpu.vector_load %arg8[%swap3A_693, %swap3A_694] {strides = array<i32>} : memref<8x1024xf32, #tpu.memory_space<vmem>>, vector<1x16xf32>,
        %swap3A_696 = vector.shape_cast %swap3A_695 : vector<1x16xf32> to vector<16xf32>
        %swap3A_697 = vector.shape_cast %broadcast_in_dim3A_324 : vector<16xf32> to vector<1x16xf32>
        tpu.vector_store %arg8[%swap3A_693, %swap3A_694], %swap3A_697 {strides = array<i32>} : memref<8x1024xf32, #tpu.memory_space<vmem>>, vector<1x16xf32>,
        %swap3A_698 = arith.constant 4 : i32
        %swap3A_699 = arith.index_cast %swap3A_698 : i32 to index
        %swap3A_700 = arith.constant 864 : index
        %swap3A_701 = tpu.vector_load %arg8[%swap3A_699, %swap3A_700] {strides = array<i32>} : memref<8x1024xf32, #tpu.memory_space<vmem>>, vector<1x16xf32>,
        %swap3A_702 = vector.shape_cast %swap3A_701 : vector<1x16xf32> to vector<16xf32>
        %swap3A_703 = vector.shape_cast %broadcast_in_dim3A_324 : vector<16xf32> to vector<1x16xf32>
        tpu.vector_store %arg8[%swap3A_699, %swap3A_700], %swap3A_703 {strides = array<i32>} : memref<8x1024xf32, #tpu.memory_space<vmem>>, vector<1x16xf32>,
        %swap3A_704 = arith.constant 4 : i32
        %swap3A_705 = arith.index_cast %swap3A_704 : i32 to index
        %swap3A_706 = arith.constant 880 : index
        %swap3A_707 = tpu.vector_load %arg8[%swap3A_705, %swap3A_706] {strides = array<i32>} : memref<8x1024xf32, #tpu.memory_space<vmem>>, vector<1x16xf32>,
        %swap3A_708 = vector.shape_cast %swap3A_707 : vector<1x16xf32> to vector<16xf32>
        %swap3A_709 = vector.shape_cast %broadcast_in_dim3A_324 : vector<16xf32> to vector<1x16xf32>
        tpu.vector_store %arg8[%swap3A_705, %swap3A_706], %swap3A_709 {strides = array<i32>} : memref<8x1024xf32, #tpu.memory_space<vmem>>, vector<1x16xf32>,
        %swap3A_710 = arith.constant 4 : i32
        %swap3A_711 = arith.index_cast %swap3A_710 : i32 to index
        %swap3A_712 = arith.constant 896 : index
        %swap3A_713 = tpu.vector_load %arg8[%swap3A_711, %swap3A_712] {strides = array<i32>} : memref<8x1024xf32, #tpu.memory_space<vmem>>, vector<1x16xf32>,
        %swap3A_714 = vector.shape_cast %swap3A_713 : vector<1x16xf32> to vector<16xf32>
        %swap3A_715 = vector.shape_cast %broadcast_in_dim3A_324 : vector<16xf32> to vector<1x16xf32>
        tpu.vector_store %arg8[%swap3A_711, %swap3A_712], %swap3A_715 {strides = array<i32>} : memref<8x1024xf32, #tpu.memory_space<vmem>>, vector<1x16xf32>,
        %swap3A_716 = arith.constant 4 : i32
        %swap3A_717 = arith.index_cast %swap3A_716 : i32 to index
        %swap3A_718 = arith.constant 912 : index
        %swap3A_719 = tpu.vector_load %arg8[%swap3A_717, %swap3A_718] {strides = array<i32>} : memref<8x1024xf32, #tpu.memory_space<vmem>>, vector<1x16xf32>,
        %swap3A_720 = vector.shape_cast %swap3A_719 : vector<1x16xf32> to vector<16xf32>
        %swap3A_721 = vector.shape_cast %broadcast_in_dim3A_324 : vector<16xf32> to vector<1x16xf32>
        tpu.vector_store %arg8[%swap3A_717, %swap3A_718], %swap3A_721 {strides = array<i32>} : memref<8x1024xf32, #tpu.memory_space<vmem>>, vector<1x16xf32>,
        %swap3A_722 = arith.constant 4 : i32
        %swap3A_723 = arith.index_cast %swap3A_722 : i32 to index
        %swap3A_724 = arith.constant 928 : index
        %swap3A_725 = tpu.vector_load %arg8[%swap3A_723, %swap3A_724] {strides = array<i32>} : memref<8x1024xf32, #tpu.memory_space<vmem>>, vector<1x16xf32>,
        %swap3A_726 = vector.shape_cast %swap3A_725 : vector<1x16xf32> to vector<16xf32>
        %swap3A_727 = vector.shape_cast %broadcast_in_dim3A_324 : vector<16xf32> to vector<1x16xf32>
        tpu.vector_store %arg8[%swap3A_723, %swap3A_724], %swap3A_727 {strides = array<i32>} : memref<8x1024xf32, #tpu.memory_space<vmem>>, vector<1x16xf32>,
        %swap3A_728 = arith.constant 4 : i32
        %swap3A_729 = arith.index_cast %swap3A_728 : i32 to index
        %swap3A_730 = arith.constant 944 : index
        %swap3A_731 = tpu.vector_load %arg8[%swap3A_729, %swap3A_730] {strides = array<i32>} : memref<8x1024xf32, #tpu.memory_space<vmem>>, vector<1x16xf32>,
        %swap3A_732 = vector.shape_cast %swap3A_731 : vector<1x16xf32> to vector<16xf32>
        %swap3A_733 = vector.shape_cast %broadcast_in_dim3A_324 : vector<16xf32> to vector<1x16xf32>
        tpu.vector_store %arg8[%swap3A_729, %swap3A_730], %swap3A_733 {strides = array<i32>} : memref<8x1024xf32, #tpu.memory_space<vmem>>, vector<1x16xf32>,
        %swap3A_734 = arith.constant 4 : i32
        %swap3A_735 = arith.index_cast %swap3A_734 : i32 to index
        %swap3A_736 = arith.constant 960 : index
        %swap3A_737 = tpu.vector_load %arg8[%swap3A_735, %swap3A_736] {strides = array<i32>} : memref<8x1024xf32, #tpu.memory_space<vmem>>, vector<1x16xf32>,
        %swap3A_738 = vector.shape_cast %swap3A_737 : vector<1x16xf32> to vector<16xf32>
        %swap3A_739 = vector.shape_cast %broadcast_in_dim3A_324 : vector<16xf32> to vector<1x16xf32>
        tpu.vector_store %arg8[%swap3A_735, %swap3A_736], %swap3A_739 {strides = array<i32>} : memref<8x1024xf32, #tpu.memory_space<vmem>>, vector<1x16xf32>,
        %swap3A_740 = arith.constant 4 : i32
        %swap3A_741 = arith.index_cast %swap3A_740 : i32 to index
        %swap3A_742 = arith.constant 976 : index
        %swap3A_743 = tpu.vector_load %arg8[%swap3A_741, %swap3A_742] {strides = array<i32>} : memref<8x1024xf32, #tpu.memory_space<vmem>>, vector<1x16xf32>,
        %swap3A_744 = vector.shape_cast %swap3A_743 : vector<1x16xf32> to vector<16xf32>
        %swap3A_745 = vector.shape_cast %broadcast_in_dim3A_324 : vector<16xf32> to vector<1x16xf32>
        tpu.vector_store %arg8[%swap3A_741, %swap3A_742], %swap3A_745 {strides = array<i32>} : memref<8x1024xf32, #tpu.memory_space<vmem>>, vector<1x16xf32>,
        %swap3A_746 = arith.constant 4 : i32
        %swap3A_747 = arith.index_cast %swap3A_746 : i32 to index
        %swap3A_748 = arith.constant 992 : index
        %swap3A_749 = tpu.vector_load %arg8[%swap3A_747, %swap3A_748] {strides = array<i32>} : memref<8x1024xf32, #tpu.memory_space<vmem>>, vector<1x16xf32>,
        %swap3A_750 = vector.shape_cast %swap3A_749 : vector<1x16xf32> to vector<16xf32>
        %swap3A_751 = vector.shape_cast %broadcast_in_dim3A_324 : vector<16xf32> to vector<1x16xf32>
        tpu.vector_store %arg8[%swap3A_747, %swap3A_748], %swap3A_751 {strides = array<i32>} : memref<8x1024xf32, #tpu.memory_space<vmem>>, vector<1x16xf32>,
        %swap3A_752 = arith.constant 4 : i32
        %swap3A_753 = arith.index_cast %swap3A_752 : i32 to index
        %swap3A_754 = arith.constant 1008 : index
        %swap3A_755 = tpu.vector_load %arg8[%swap3A_753, %swap3A_754] {strides = array<i32>} : memref<8x1024xf32, #tpu.memory_space<vmem>>, vector<1x16xf32>,
        %swap3A_756 = vector.shape_cast %swap3A_755 : vector<1x16xf32> to vector<16xf32>
        %swap3A_757 = vector.shape_cast %select_n3A_332 : vector<16xf32> to vector<1x16xf32>
        tpu.vector_store %arg8[%swap3A_753, %swap3A_754], %swap3A_757 {strides = array<i32>} : memref<8x1024xf32, #tpu.memory_space<vmem>>, vector<1x16xf32>,
      } else {
      }
      %le3A_352 = arith.constant 5 : i32
      %le3A_353 = arith.cmpi sle, %select_n3A_83, %le3A_352 : i32
      %convert_element_type3A_354 = arith.extui %le3A_353 : i1 to i32
      %cond3A_355 = arith.constant 0 : i32
      %cond3A_356 = arith.cmpi ne, %convert_element_type3A_354, %cond3A_355 : i32
      scf.if %cond3A_356 {
        %swap3A = arith.constant 5 : i32
        %swap3A_375 = arith.index_cast %swap3A : i32 to index
        %swap3A_376 = arith.constant 0 : index
        %swap3A_377 = tpu.vector_load %arg8[%swap3A_375, %swap3A_376] {strides = array<i32>} : memref<8x1024xf32, #tpu.memory_space<vmem>>, vector<1x16xf32>,
        %swap3A_378 = vector.shape_cast %swap3A_377 : vector<1x16xf32> to vector<16xf32>
        %swap3A_379 = vector.shape_cast %broadcast_in_dim3A_324 : vector<16xf32> to vector<1x16xf32>
        tpu.vector_store %arg8[%swap3A_375, %swap3A_376], %swap3A_379 {strides = array<i32>} : memref<8x1024xf32, #tpu.memory_space<vmem>>, vector<1x16xf32>,
        %swap3A_380 = arith.constant 5 : i32
        %swap3A_381 = arith.index_cast %swap3A_380 : i32 to index
        %swap3A_382 = arith.constant 16 : index
        %swap3A_383 = tpu.vector_load %arg8[%swap3A_381, %swap3A_382] {strides = array<i32>} : memref<8x1024xf32, #tpu.memory_space<vmem>>, vector<1x16xf32>,
        %swap3A_384 = vector.shape_cast %swap3A_383 : vector<1x16xf32> to vector<16xf32>
        %swap3A_385 = vector.shape_cast %broadcast_in_dim3A_324 : vector<16xf32> to vector<1x16xf32>
        tpu.vector_store %arg8[%swap3A_381, %swap3A_382], %swap3A_385 {strides = array<i32>} : memref<8x1024xf32, #tpu.memory_space<vmem>>, vector<1x16xf32>,
        %swap3A_386 = arith.constant 5 : i32
        %swap3A_387 = arith.index_cast %swap3A_386 : i32 to index
        %swap3A_388 = arith.constant 32 : index
        %swap3A_389 = tpu.vector_load %arg8[%swap3A_387, %swap3A_388] {strides = array<i32>} : memref<8x1024xf32, #tpu.memory_space<vmem>>, vector<1x16xf32>,
        %swap3A_390 = vector.shape_cast %swap3A_389 : vector<1x16xf32> to vector<16xf32>
        %swap3A_391 = vector.shape_cast %broadcast_in_dim3A_324 : vector<16xf32> to vector<1x16xf32>
        tpu.vector_store %arg8[%swap3A_387, %swap3A_388], %swap3A_391 {strides = array<i32>} : memref<8x1024xf32, #tpu.memory_space<vmem>>, vector<1x16xf32>,
        %swap3A_392 = arith.constant 5 : i32
        %swap3A_393 = arith.index_cast %swap3A_392 : i32 to index
        %swap3A_394 = arith.constant 48 : index
        %swap3A_395 = tpu.vector_load %arg8[%swap3A_393, %swap3A_394] {strides = array<i32>} : memref<8x1024xf32, #tpu.memory_space<vmem>>, vector<1x16xf32>,
        %swap3A_396 = vector.shape_cast %swap3A_395 : vector<1x16xf32> to vector<16xf32>
        %swap3A_397 = vector.shape_cast %broadcast_in_dim3A_324 : vector<16xf32> to vector<1x16xf32>
        tpu.vector_store %arg8[%swap3A_393, %swap3A_394], %swap3A_397 {strides = array<i32>} : memref<8x1024xf32, #tpu.memory_space<vmem>>, vector<1x16xf32>,
        %swap3A_398 = arith.constant 5 : i32
        %swap3A_399 = arith.index_cast %swap3A_398 : i32 to index
        %swap3A_400 = arith.constant 64 : index
        %swap3A_401 = tpu.vector_load %arg8[%swap3A_399, %swap3A_400] {strides = array<i32>} : memref<8x1024xf32, #tpu.memory_space<vmem>>, vector<1x16xf32>,
        %swap3A_402 = vector.shape_cast %swap3A_401 : vector<1x16xf32> to vector<16xf32>
        %swap3A_403 = vector.shape_cast %broadcast_in_dim3A_324 : vector<16xf32> to vector<1x16xf32>
        tpu.vector_store %arg8[%swap3A_399, %swap3A_400], %swap3A_403 {strides = array<i32>} : memref<8x1024xf32, #tpu.memory_space<vmem>>, vector<1x16xf32>,
        %swap3A_404 = arith.constant 5 : i32
        %swap3A_405 = arith.index_cast %swap3A_404 : i32 to index
        %swap3A_406 = arith.constant 80 : index
        %swap3A_407 = tpu.vector_load %arg8[%swap3A_405, %swap3A_406] {strides = array<i32>} : memref<8x1024xf32, #tpu.memory_space<vmem>>, vector<1x16xf32>,
        %swap3A_408 = vector.shape_cast %swap3A_407 : vector<1x16xf32> to vector<16xf32>
        %swap3A_409 = vector.shape_cast %broadcast_in_dim3A_324 : vector<16xf32> to vector<1x16xf32>
        tpu.vector_store %arg8[%swap3A_405, %swap3A_406], %swap3A_409 {strides = array<i32>} : memref<8x1024xf32, #tpu.memory_space<vmem>>, vector<1x16xf32>,
        %swap3A_410 = arith.constant 5 : i32
        %swap3A_411 = arith.index_cast %swap3A_410 : i32 to index
        %swap3A_412 = arith.constant 96 : index
        %swap3A_413 = tpu.vector_load %arg8[%swap3A_411, %swap3A_412] {strides = array<i32>} : memref<8x1024xf32, #tpu.memory_space<vmem>>, vector<1x16xf32>,
        %swap3A_414 = vector.shape_cast %swap3A_413 : vector<1x16xf32> to vector<16xf32>
        %swap3A_415 = vector.shape_cast %broadcast_in_dim3A_324 : vector<16xf32> to vector<1x16xf32>
        tpu.vector_store %arg8[%swap3A_411, %swap3A_412], %swap3A_415 {strides = array<i32>} : memref<8x1024xf32, #tpu.memory_space<vmem>>, vector<1x16xf32>,
        %swap3A_416 = arith.constant 5 : i32
        %swap3A_417 = arith.index_cast %swap3A_416 : i32 to index
        %swap3A_418 = arith.constant 112 : index
        %swap3A_419 = tpu.vector_load %arg8[%swap3A_417, %swap3A_418] {strides = array<i32>} : memref<8x1024xf32, #tpu.memory_space<vmem>>, vector<1x16xf32>,
        %swap3A_420 = vector.shape_cast %swap3A_419 : vector<1x16xf32> to vector<16xf32>
        %swap3A_421 = vector.shape_cast %broadcast_in_dim3A_324 : vector<16xf32> to vector<1x16xf32>
        tpu.vector_store %arg8[%swap3A_417, %swap3A_418], %swap3A_421 {strides = array<i32>} : memref<8x1024xf32, #tpu.memory_space<vmem>>, vector<1x16xf32>,
        %swap3A_422 = arith.constant 5 : i32
        %swap3A_423 = arith.index_cast %swap3A_422 : i32 to index
        %swap3A_424 = arith.constant 128 : index
        %swap3A_425 = tpu.vector_load %arg8[%swap3A_423, %swap3A_424] {strides = array<i32>} : memref<8x1024xf32, #tpu.memory_space<vmem>>, vector<1x16xf32>,
        %swap3A_426 = vector.shape_cast %swap3A_425 : vector<1x16xf32> to vector<16xf32>
        %swap3A_427 = vector.shape_cast %broadcast_in_dim3A_324 : vector<16xf32> to vector<1x16xf32>
        tpu.vector_store %arg8[%swap3A_423, %swap3A_424], %swap3A_427 {strides = array<i32>} : memref<8x1024xf32, #tpu.memory_space<vmem>>, vector<1x16xf32>,
        %swap3A_428 = arith.constant 5 : i32
        %swap3A_429 = arith.index_cast %swap3A_428 : i32 to index
        %swap3A_430 = arith.constant 144 : index
        %swap3A_431 = tpu.vector_load %arg8[%swap3A_429, %swap3A_430] {strides = array<i32>} : memref<8x1024xf32, #tpu.memory_space<vmem>>, vector<1x16xf32>,
        %swap3A_432 = vector.shape_cast %swap3A_431 : vector<1x16xf32> to vector<16xf32>
        %swap3A_433 = vector.shape_cast %broadcast_in_dim3A_324 : vector<16xf32> to vector<1x16xf32>
        tpu.vector_store %arg8[%swap3A_429, %swap3A_430], %swap3A_433 {strides = array<i32>} : memref<8x1024xf32, #tpu.memory_space<vmem>>, vector<1x16xf32>,
        %swap3A_434 = arith.constant 5 : i32
        %swap3A_435 = arith.index_cast %swap3A_434 : i32 to index
        %swap3A_436 = arith.constant 160 : index
        %swap3A_437 = tpu.vector_load %arg8[%swap3A_435, %swap3A_436] {strides = array<i32>} : memref<8x1024xf32, #tpu.memory_space<vmem>>, vector<1x16xf32>,
        %swap3A_438 = vector.shape_cast %swap3A_437 : vector<1x16xf32> to vector<16xf32>
        %swap3A_439 = vector.shape_cast %broadcast_in_dim3A_324 : vector<16xf32> to vector<1x16xf32>
        tpu.vector_store %arg8[%swap3A_435, %swap3A_436], %swap3A_439 {strides = array<i32>} : memref<8x1024xf32, #tpu.memory_space<vmem>>, vector<1x16xf32>,
        %swap3A_440 = arith.constant 5 : i32
        %swap3A_441 = arith.index_cast %swap3A_440 : i32 to index
        %swap3A_442 = arith.constant 176 : index
        %swap3A_443 = tpu.vector_load %arg8[%swap3A_441, %swap3A_442] {strides = array<i32>} : memref<8x1024xf32, #tpu.memory_space<vmem>>, vector<1x16xf32>,
        %swap3A_444 = vector.shape_cast %swap3A_443 : vector<1x16xf32> to vector<16xf32>
        %swap3A_445 = vector.shape_cast %broadcast_in_dim3A_324 : vector<16xf32> to vector<1x16xf32>
        tpu.vector_store %arg8[%swap3A_441, %swap3A_442], %swap3A_445 {strides = array<i32>} : memref<8x1024xf32, #tpu.memory_space<vmem>>, vector<1x16xf32>,
        %swap3A_446 = arith.constant 5 : i32
        %swap3A_447 = arith.index_cast %swap3A_446 : i32 to index
        %swap3A_448 = arith.constant 192 : index
        %swap3A_449 = tpu.vector_load %arg8[%swap3A_447, %swap3A_448] {strides = array<i32>} : memref<8x1024xf32, #tpu.memory_space<vmem>>, vector<1x16xf32>,
        %swap3A_450 = vector.shape_cast %swap3A_449 : vector<1x16xf32> to vector<16xf32>
        %swap3A_451 = vector.shape_cast %broadcast_in_dim3A_324 : vector<16xf32> to vector<1x16xf32>
        tpu.vector_store %arg8[%swap3A_447, %swap3A_448], %swap3A_451 {strides = array<i32>} : memref<8x1024xf32, #tpu.memory_space<vmem>>, vector<1x16xf32>,
        %swap3A_452 = arith.constant 5 : i32
        %swap3A_453 = arith.index_cast %swap3A_452 : i32 to index
        %swap3A_454 = arith.constant 208 : index
        %swap3A_455 = tpu.vector_load %arg8[%swap3A_453, %swap3A_454] {strides = array<i32>} : memref<8x1024xf32, #tpu.memory_space<vmem>>, vector<1x16xf32>,
        %swap3A_456 = vector.shape_cast %swap3A_455 : vector<1x16xf32> to vector<16xf32>
        %swap3A_457 = vector.shape_cast %broadcast_in_dim3A_324 : vector<16xf32> to vector<1x16xf32>
        tpu.vector_store %arg8[%swap3A_453, %swap3A_454], %swap3A_457 {strides = array<i32>} : memref<8x1024xf32, #tpu.memory_space<vmem>>, vector<1x16xf32>,
        %swap3A_458 = arith.constant 5 : i32
        %swap3A_459 = arith.index_cast %swap3A_458 : i32 to index
        %swap3A_460 = arith.constant 224 : index
        %swap3A_461 = tpu.vector_load %arg8[%swap3A_459, %swap3A_460] {strides = array<i32>} : memref<8x1024xf32, #tpu.memory_space<vmem>>, vector<1x16xf32>,
        %swap3A_462 = vector.shape_cast %swap3A_461 : vector<1x16xf32> to vector<16xf32>
        %swap3A_463 = vector.shape_cast %broadcast_in_dim3A_324 : vector<16xf32> to vector<1x16xf32>
        tpu.vector_store %arg8[%swap3A_459, %swap3A_460], %swap3A_463 {strides = array<i32>} : memref<8x1024xf32, #tpu.memory_space<vmem>>, vector<1x16xf32>,
        %swap3A_464 = arith.constant 5 : i32
        %swap3A_465 = arith.index_cast %swap3A_464 : i32 to index
        %swap3A_466 = arith.constant 240 : index
        %swap3A_467 = tpu.vector_load %arg8[%swap3A_465, %swap3A_466] {strides = array<i32>} : memref<8x1024xf32, #tpu.memory_space<vmem>>, vector<1x16xf32>,
        %swap3A_468 = vector.shape_cast %swap3A_467 : vector<1x16xf32> to vector<16xf32>
        %swap3A_469 = vector.shape_cast %broadcast_in_dim3A_324 : vector<16xf32> to vector<1x16xf32>
        tpu.vector_store %arg8[%swap3A_465, %swap3A_466], %swap3A_469 {strides = array<i32>} : memref<8x1024xf32, #tpu.memory_space<vmem>>, vector<1x16xf32>,
        %swap3A_470 = arith.constant 5 : i32
        %swap3A_471 = arith.index_cast %swap3A_470 : i32 to index
        %swap3A_472 = arith.constant 256 : index
        %swap3A_473 = tpu.vector_load %arg8[%swap3A_471, %swap3A_472] {strides = array<i32>} : memref<8x1024xf32, #tpu.memory_space<vmem>>, vector<1x16xf32>,
        %swap3A_474 = vector.shape_cast %swap3A_473 : vector<1x16xf32> to vector<16xf32>
        %swap3A_475 = vector.shape_cast %broadcast_in_dim3A_324 : vector<16xf32> to vector<1x16xf32>
        tpu.vector_store %arg8[%swap3A_471, %swap3A_472], %swap3A_475 {strides = array<i32>} : memref<8x1024xf32, #tpu.memory_space<vmem>>, vector<1x16xf32>,
        %swap3A_476 = arith.constant 5 : i32
        %swap3A_477 = arith.index_cast %swap3A_476 : i32 to index
        %swap3A_478 = arith.constant 272 : index
        %swap3A_479 = tpu.vector_load %arg8[%swap3A_477, %swap3A_478] {strides = array<i32>} : memref<8x1024xf32, #tpu.memory_space<vmem>>, vector<1x16xf32>,
        %swap3A_480 = vector.shape_cast %swap3A_479 : vector<1x16xf32> to vector<16xf32>
        %swap3A_481 = vector.shape_cast %broadcast_in_dim3A_324 : vector<16xf32> to vector<1x16xf32>
        tpu.vector_store %arg8[%swap3A_477, %swap3A_478], %swap3A_481 {strides = array<i32>} : memref<8x1024xf32, #tpu.memory_space<vmem>>, vector<1x16xf32>,
        %swap3A_482 = arith.constant 5 : i32
        %swap3A_483 = arith.index_cast %swap3A_482 : i32 to index
        %swap3A_484 = arith.constant 288 : index
        %swap3A_485 = tpu.vector_load %arg8[%swap3A_483, %swap3A_484] {strides = array<i32>} : memref<8x1024xf32, #tpu.memory_space<vmem>>, vector<1x16xf32>,
        %swap3A_486 = vector.shape_cast %swap3A_485 : vector<1x16xf32> to vector<16xf32>
        %swap3A_487 = vector.shape_cast %broadcast_in_dim3A_324 : vector<16xf32> to vector<1x16xf32>
        tpu.vector_store %arg8[%swap3A_483, %swap3A_484], %swap3A_487 {strides = array<i32>} : memref<8x1024xf32, #tpu.memory_space<vmem>>, vector<1x16xf32>,
        %swap3A_488 = arith.constant 5 : i32
        %swap3A_489 = arith.index_cast %swap3A_488 : i32 to index
        %swap3A_490 = arith.constant 304 : index
        %swap3A_491 = tpu.vector_load %arg8[%swap3A_489, %swap3A_490] {strides = array<i32>} : memref<8x1024xf32, #tpu.memory_space<vmem>>, vector<1x16xf32>,
        %swap3A_492 = vector.shape_cast %swap3A_491 : vector<1x16xf32> to vector<16xf32>
        %swap3A_493 = vector.shape_cast %broadcast_in_dim3A_324 : vector<16xf32> to vector<1x16xf32>
        tpu.vector_store %arg8[%swap3A_489, %swap3A_490], %swap3A_493 {strides = array<i32>} : memref<8x1024xf32, #tpu.memory_space<vmem>>, vector<1x16xf32>,
        %swap3A_494 = arith.constant 5 : i32
        %swap3A_495 = arith.index_cast %swap3A_494 : i32 to index
        %swap3A_496 = arith.constant 320 : index
        %swap3A_497 = tpu.vector_load %arg8[%swap3A_495, %swap3A_496] {strides = array<i32>} : memref<8x1024xf32, #tpu.memory_space<vmem>>, vector<1x16xf32>,
        %swap3A_498 = vector.shape_cast %swap3A_497 : vector<1x16xf32> to vector<16xf32>
        %swap3A_499 = vector.shape_cast %broadcast_in_dim3A_324 : vector<16xf32> to vector<1x16xf32>
        tpu.vector_store %arg8[%swap3A_495, %swap3A_496], %swap3A_499 {strides = array<i32>} : memref<8x1024xf32, #tpu.memory_space<vmem>>, vector<1x16xf32>,
        %swap3A_500 = arith.constant 5 : i32
        %swap3A_501 = arith.index_cast %swap3A_500 : i32 to index
        %swap3A_502 = arith.constant 336 : index
        %swap3A_503 = tpu.vector_load %arg8[%swap3A_501, %swap3A_502] {strides = array<i32>} : memref<8x1024xf32, #tpu.memory_space<vmem>>, vector<1x16xf32>,
        %swap3A_504 = vector.shape_cast %swap3A_503 : vector<1x16xf32> to vector<16xf32>
        %swap3A_505 = vector.shape_cast %broadcast_in_dim3A_324 : vector<16xf32> to vector<1x16xf32>
        tpu.vector_store %arg8[%swap3A_501, %swap3A_502], %swap3A_505 {strides = array<i32>} : memref<8x1024xf32, #tpu.memory_space<vmem>>, vector<1x16xf32>,
        %swap3A_506 = arith.constant 5 : i32
        %swap3A_507 = arith.index_cast %swap3A_506 : i32 to index
        %swap3A_508 = arith.constant 352 : index
        %swap3A_509 = tpu.vector_load %arg8[%swap3A_507, %swap3A_508] {strides = array<i32>} : memref<8x1024xf32, #tpu.memory_space<vmem>>, vector<1x16xf32>,
        %swap3A_510 = vector.shape_cast %swap3A_509 : vector<1x16xf32> to vector<16xf32>
        %swap3A_511 = vector.shape_cast %broadcast_in_dim3A_324 : vector<16xf32> to vector<1x16xf32>
        tpu.vector_store %arg8[%swap3A_507, %swap3A_508], %swap3A_511 {strides = array<i32>} : memref<8x1024xf32, #tpu.memory_space<vmem>>, vector<1x16xf32>,
        %swap3A_512 = arith.constant 5 : i32
        %swap3A_513 = arith.index_cast %swap3A_512 : i32 to index
        %swap3A_514 = arith.constant 368 : index
        %swap3A_515 = tpu.vector_load %arg8[%swap3A_513, %swap3A_514] {strides = array<i32>} : memref<8x1024xf32, #tpu.memory_space<vmem>>, vector<1x16xf32>,
        %swap3A_516 = vector.shape_cast %swap3A_515 : vector<1x16xf32> to vector<16xf32>
        %swap3A_517 = vector.shape_cast %broadcast_in_dim3A_324 : vector<16xf32> to vector<1x16xf32>
        tpu.vector_store %arg8[%swap3A_513, %swap3A_514], %swap3A_517 {strides = array<i32>} : memref<8x1024xf32, #tpu.memory_space<vmem>>, vector<1x16xf32>,
        %swap3A_518 = arith.constant 5 : i32
        %swap3A_519 = arith.index_cast %swap3A_518 : i32 to index
        %swap3A_520 = arith.constant 384 : index
        %swap3A_521 = tpu.vector_load %arg8[%swap3A_519, %swap3A_520] {strides = array<i32>} : memref<8x1024xf32, #tpu.memory_space<vmem>>, vector<1x16xf32>,
        %swap3A_522 = vector.shape_cast %swap3A_521 : vector<1x16xf32> to vector<16xf32>
        %swap3A_523 = vector.shape_cast %broadcast_in_dim3A_324 : vector<16xf32> to vector<1x16xf32>
        tpu.vector_store %arg8[%swap3A_519, %swap3A_520], %swap3A_523 {strides = array<i32>} : memref<8x1024xf32, #tpu.memory_space<vmem>>, vector<1x16xf32>,
        %swap3A_524 = arith.constant 5 : i32
        %swap3A_525 = arith.index_cast %swap3A_524 : i32 to index
        %swap3A_526 = arith.constant 400 : index
        %swap3A_527 = tpu.vector_load %arg8[%swap3A_525, %swap3A_526] {strides = array<i32>} : memref<8x1024xf32, #tpu.memory_space<vmem>>, vector<1x16xf32>,
        %swap3A_528 = vector.shape_cast %swap3A_527 : vector<1x16xf32> to vector<16xf32>
        %swap3A_529 = vector.shape_cast %broadcast_in_dim3A_324 : vector<16xf32> to vector<1x16xf32>
        tpu.vector_store %arg8[%swap3A_525, %swap3A_526], %swap3A_529 {strides = array<i32>} : memref<8x1024xf32, #tpu.memory_space<vmem>>, vector<1x16xf32>,
        %swap3A_530 = arith.constant 5 : i32
        %swap3A_531 = arith.index_cast %swap3A_530 : i32 to index
        %swap3A_532 = arith.constant 416 : index
        %swap3A_533 = tpu.vector_load %arg8[%swap3A_531, %swap3A_532] {strides = array<i32>} : memref<8x1024xf32, #tpu.memory_space<vmem>>, vector<1x16xf32>,
        %swap3A_534 = vector.shape_cast %swap3A_533 : vector<1x16xf32> to vector<16xf32>
        %swap3A_535 = vector.shape_cast %broadcast_in_dim3A_324 : vector<16xf32> to vector<1x16xf32>
        tpu.vector_store %arg8[%swap3A_531, %swap3A_532], %swap3A_535 {strides = array<i32>} : memref<8x1024xf32, #tpu.memory_space<vmem>>, vector<1x16xf32>,
        %swap3A_536 = arith.constant 5 : i32
        %swap3A_537 = arith.index_cast %swap3A_536 : i32 to index
        %swap3A_538 = arith.constant 432 : index
        %swap3A_539 = tpu.vector_load %arg8[%swap3A_537, %swap3A_538] {strides = array<i32>} : memref<8x1024xf32, #tpu.memory_space<vmem>>, vector<1x16xf32>,
        %swap3A_540 = vector.shape_cast %swap3A_539 : vector<1x16xf32> to vector<16xf32>
        %swap3A_541 = vector.shape_cast %broadcast_in_dim3A_324 : vector<16xf32> to vector<1x16xf32>
        tpu.vector_store %arg8[%swap3A_537, %swap3A_538], %swap3A_541 {strides = array<i32>} : memref<8x1024xf32, #tpu.memory_space<vmem>>, vector<1x16xf32>,
        %swap3A_542 = arith.constant 5 : i32
        %swap3A_543 = arith.index_cast %swap3A_542 : i32 to index
        %swap3A_544 = arith.constant 448 : index
        %swap3A_545 = tpu.vector_load %arg8[%swap3A_543, %swap3A_544] {strides = array<i32>} : memref<8x1024xf32, #tpu.memory_space<vmem>>, vector<1x16xf32>,
        %swap3A_546 = vector.shape_cast %swap3A_545 : vector<1x16xf32> to vector<16xf32>
        %swap3A_547 = vector.shape_cast %broadcast_in_dim3A_324 : vector<16xf32> to vector<1x16xf32>
        tpu.vector_store %arg8[%swap3A_543, %swap3A_544], %swap3A_547 {strides = array<i32>} : memref<8x1024xf32, #tpu.memory_space<vmem>>, vector<1x16xf32>,
        %swap3A_548 = arith.constant 5 : i32
        %swap3A_549 = arith.index_cast %swap3A_548 : i32 to index
        %swap3A_550 = arith.constant 464 : index
        %swap3A_551 = tpu.vector_load %arg8[%swap3A_549, %swap3A_550] {strides = array<i32>} : memref<8x1024xf32, #tpu.memory_space<vmem>>, vector<1x16xf32>,
        %swap3A_552 = vector.shape_cast %swap3A_551 : vector<1x16xf32> to vector<16xf32>
        %swap3A_553 = vector.shape_cast %broadcast_in_dim3A_324 : vector<16xf32> to vector<1x16xf32>
        tpu.vector_store %arg8[%swap3A_549, %swap3A_550], %swap3A_553 {strides = array<i32>} : memref<8x1024xf32, #tpu.memory_space<vmem>>, vector<1x16xf32>,
        %swap3A_554 = arith.constant 5 : i32
        %swap3A_555 = arith.index_cast %swap3A_554 : i32 to index
        %swap3A_556 = arith.constant 480 : index
        %swap3A_557 = tpu.vector_load %arg8[%swap3A_555, %swap3A_556] {strides = array<i32>} : memref<8x1024xf32, #tpu.memory_space<vmem>>, vector<1x16xf32>,
        %swap3A_558 = vector.shape_cast %swap3A_557 : vector<1x16xf32> to vector<16xf32>
        %swap3A_559 = vector.shape_cast %broadcast_in_dim3A_324 : vector<16xf32> to vector<1x16xf32>
        tpu.vector_store %arg8[%swap3A_555, %swap3A_556], %swap3A_559 {strides = array<i32>} : memref<8x1024xf32, #tpu.memory_space<vmem>>, vector<1x16xf32>,
        %swap3A_560 = arith.constant 5 : i32
        %swap3A_561 = arith.index_cast %swap3A_560 : i32 to index
        %swap3A_562 = arith.constant 496 : index
        %swap3A_563 = tpu.vector_load %arg8[%swap3A_561, %swap3A_562] {strides = array<i32>} : memref<8x1024xf32, #tpu.memory_space<vmem>>, vector<1x16xf32>,
        %swap3A_564 = vector.shape_cast %swap3A_563 : vector<1x16xf32> to vector<16xf32>
        %swap3A_565 = vector.shape_cast %broadcast_in_dim3A_324 : vector<16xf32> to vector<1x16xf32>
        tpu.vector_store %arg8[%swap3A_561, %swap3A_562], %swap3A_565 {strides = array<i32>} : memref<8x1024xf32, #tpu.memory_space<vmem>>, vector<1x16xf32>,
        %swap3A_566 = arith.constant 5 : i32
        %swap3A_567 = arith.index_cast %swap3A_566 : i32 to index
        %swap3A_568 = arith.constant 512 : index
        %swap3A_569 = tpu.vector_load %arg8[%swap3A_567, %swap3A_568] {strides = array<i32>} : memref<8x1024xf32, #tpu.memory_space<vmem>>, vector<1x16xf32>,
        %swap3A_570 = vector.shape_cast %swap3A_569 : vector<1x16xf32> to vector<16xf32>
        %swap3A_571 = vector.shape_cast %broadcast_in_dim3A_324 : vector<16xf32> to vector<1x16xf32>
        tpu.vector_store %arg8[%swap3A_567, %swap3A_568], %swap3A_571 {strides = array<i32>} : memref<8x1024xf32, #tpu.memory_space<vmem>>, vector<1x16xf32>,
        %swap3A_572 = arith.constant 5 : i32
        %swap3A_573 = arith.index_cast %swap3A_572 : i32 to index
        %swap3A_574 = arith.constant 528 : index
        %swap3A_575 = tpu.vector_load %arg8[%swap3A_573, %swap3A_574] {strides = array<i32>} : memref<8x1024xf32, #tpu.memory_space<vmem>>, vector<1x16xf32>,
        %swap3A_576 = vector.shape_cast %swap3A_575 : vector<1x16xf32> to vector<16xf32>
        %swap3A_577 = vector.shape_cast %broadcast_in_dim3A_324 : vector<16xf32> to vector<1x16xf32>
        tpu.vector_store %arg8[%swap3A_573, %swap3A_574], %swap3A_577 {strides = array<i32>} : memref<8x1024xf32, #tpu.memory_space<vmem>>, vector<1x16xf32>,
        %swap3A_578 = arith.constant 5 : i32
        %swap3A_579 = arith.index_cast %swap3A_578 : i32 to index
        %swap3A_580 = arith.constant 544 : index
        %swap3A_581 = tpu.vector_load %arg8[%swap3A_579, %swap3A_580] {strides = array<i32>} : memref<8x1024xf32, #tpu.memory_space<vmem>>, vector<1x16xf32>,
        %swap3A_582 = vector.shape_cast %swap3A_581 : vector<1x16xf32> to vector<16xf32>
        %swap3A_583 = vector.shape_cast %broadcast_in_dim3A_324 : vector<16xf32> to vector<1x16xf32>
        tpu.vector_store %arg8[%swap3A_579, %swap3A_580], %swap3A_583 {strides = array<i32>} : memref<8x1024xf32, #tpu.memory_space<vmem>>, vector<1x16xf32>,
        %swap3A_584 = arith.constant 5 : i32
        %swap3A_585 = arith.index_cast %swap3A_584 : i32 to index
        %swap3A_586 = arith.constant 560 : index
        %swap3A_587 = tpu.vector_load %arg8[%swap3A_585, %swap3A_586] {strides = array<i32>} : memref<8x1024xf32, #tpu.memory_space<vmem>>, vector<1x16xf32>,
        %swap3A_588 = vector.shape_cast %swap3A_587 : vector<1x16xf32> to vector<16xf32>
        %swap3A_589 = vector.shape_cast %broadcast_in_dim3A_324 : vector<16xf32> to vector<1x16xf32>
        tpu.vector_store %arg8[%swap3A_585, %swap3A_586], %swap3A_589 {strides = array<i32>} : memref<8x1024xf32, #tpu.memory_space<vmem>>, vector<1x16xf32>,
        %swap3A_590 = arith.constant 5 : i32
        %swap3A_591 = arith.index_cast %swap3A_590 : i32 to index
        %swap3A_592 = arith.constant 576 : index
        %swap3A_593 = tpu.vector_load %arg8[%swap3A_591, %swap3A_592] {strides = array<i32>} : memref<8x1024xf32, #tpu.memory_space<vmem>>, vector<1x16xf32>,
        %swap3A_594 = vector.shape_cast %swap3A_593 : vector<1x16xf32> to vector<16xf32>
        %swap3A_595 = vector.shape_cast %broadcast_in_dim3A_324 : vector<16xf32> to vector<1x16xf32>
        tpu.vector_store %arg8[%swap3A_591, %swap3A_592], %swap3A_595 {strides = array<i32>} : memref<8x1024xf32, #tpu.memory_space<vmem>>, vector<1x16xf32>,
        %swap3A_596 = arith.constant 5 : i32
        %swap3A_597 = arith.index_cast %swap3A_596 : i32 to index
        %swap3A_598 = arith.constant 592 : index
        %swap3A_599 = tpu.vector_load %arg8[%swap3A_597, %swap3A_598] {strides = array<i32>} : memref<8x1024xf32, #tpu.memory_space<vmem>>, vector<1x16xf32>,
        %swap3A_600 = vector.shape_cast %swap3A_599 : vector<1x16xf32> to vector<16xf32>
        %swap3A_601 = vector.shape_cast %broadcast_in_dim3A_324 : vector<16xf32> to vector<1x16xf32>
        tpu.vector_store %arg8[%swap3A_597, %swap3A_598], %swap3A_601 {strides = array<i32>} : memref<8x1024xf32, #tpu.memory_space<vmem>>, vector<1x16xf32>,
        %swap3A_602 = arith.constant 5 : i32
        %swap3A_603 = arith.index_cast %swap3A_602 : i32 to index
        %swap3A_604 = arith.constant 608 : index
        %swap3A_605 = tpu.vector_load %arg8[%swap3A_603, %swap3A_604] {strides = array<i32>} : memref<8x1024xf32, #tpu.memory_space<vmem>>, vector<1x16xf32>,
        %swap3A_606 = vector.shape_cast %swap3A_605 : vector<1x16xf32> to vector<16xf32>
        %swap3A_607 = vector.shape_cast %broadcast_in_dim3A_324 : vector<16xf32> to vector<1x16xf32>
        tpu.vector_store %arg8[%swap3A_603, %swap3A_604], %swap3A_607 {strides = array<i32>} : memref<8x1024xf32, #tpu.memory_space<vmem>>, vector<1x16xf32>,
        %swap3A_608 = arith.constant 5 : i32
        %swap3A_609 = arith.index_cast %swap3A_608 : i32 to index
        %swap3A_610 = arith.constant 624 : index
        %swap3A_611 = tpu.vector_load %arg8[%swap3A_609, %swap3A_610] {strides = array<i32>} : memref<8x1024xf32, #tpu.memory_space<vmem>>, vector<1x16xf32>,
        %swap3A_612 = vector.shape_cast %swap3A_611 : vector<1x16xf32> to vector<16xf32>
        %swap3A_613 = vector.shape_cast %broadcast_in_dim3A_324 : vector<16xf32> to vector<1x16xf32>
        tpu.vector_store %arg8[%swap3A_609, %swap3A_610], %swap3A_613 {strides = array<i32>} : memref<8x1024xf32, #tpu.memory_space<vmem>>, vector<1x16xf32>,
        %swap3A_614 = arith.constant 5 : i32
        %swap3A_615 = arith.index_cast %swap3A_614 : i32 to index
        %swap3A_616 = arith.constant 640 : index
        %swap3A_617 = tpu.vector_load %arg8[%swap3A_615, %swap3A_616] {strides = array<i32>} : memref<8x1024xf32, #tpu.memory_space<vmem>>, vector<1x16xf32>,
        %swap3A_618 = vector.shape_cast %swap3A_617 : vector<1x16xf32> to vector<16xf32>
        %swap3A_619 = vector.shape_cast %broadcast_in_dim3A_324 : vector<16xf32> to vector<1x16xf32>
        tpu.vector_store %arg8[%swap3A_615, %swap3A_616], %swap3A_619 {strides = array<i32>} : memref<8x1024xf32, #tpu.memory_space<vmem>>, vector<1x16xf32>,
        %swap3A_620 = arith.constant 5 : i32
        %swap3A_621 = arith.index_cast %swap3A_620 : i32 to index
        %swap3A_622 = arith.constant 656 : index
        %swap3A_623 = tpu.vector_load %arg8[%swap3A_621, %swap3A_622] {strides = array<i32>} : memref<8x1024xf32, #tpu.memory_space<vmem>>, vector<1x16xf32>,
        %swap3A_624 = vector.shape_cast %swap3A_623 : vector<1x16xf32> to vector<16xf32>
        %swap3A_625 = vector.shape_cast %broadcast_in_dim3A_324 : vector<16xf32> to vector<1x16xf32>
        tpu.vector_store %arg8[%swap3A_621, %swap3A_622], %swap3A_625 {strides = array<i32>} : memref<8x1024xf32, #tpu.memory_space<vmem>>, vector<1x16xf32>,
        %swap3A_626 = arith.constant 5 : i32
        %swap3A_627 = arith.index_cast %swap3A_626 : i32 to index
        %swap3A_628 = arith.constant 672 : index
        %swap3A_629 = tpu.vector_load %arg8[%swap3A_627, %swap3A_628] {strides = array<i32>} : memref<8x1024xf32, #tpu.memory_space<vmem>>, vector<1x16xf32>,
        %swap3A_630 = vector.shape_cast %swap3A_629 : vector<1x16xf32> to vector<16xf32>
        %swap3A_631 = vector.shape_cast %broadcast_in_dim3A_324 : vector<16xf32> to vector<1x16xf32>
        tpu.vector_store %arg8[%swap3A_627, %swap3A_628], %swap3A_631 {strides = array<i32>} : memref<8x1024xf32, #tpu.memory_space<vmem>>, vector<1x16xf32>,
        %swap3A_632 = arith.constant 5 : i32
        %swap3A_633 = arith.index_cast %swap3A_632 : i32 to index
        %swap3A_634 = arith.constant 688 : index
        %swap3A_635 = tpu.vector_load %arg8[%swap3A_633, %swap3A_634] {strides = array<i32>} : memref<8x1024xf32, #tpu.memory_space<vmem>>, vector<1x16xf32>,
        %swap3A_636 = vector.shape_cast %swap3A_635 : vector<1x16xf32> to vector<16xf32>
        %swap3A_637 = vector.shape_cast %broadcast_in_dim3A_324 : vector<16xf32> to vector<1x16xf32>
        tpu.vector_store %arg8[%swap3A_633, %swap3A_634], %swap3A_637 {strides = array<i32>} : memref<8x1024xf32, #tpu.memory_space<vmem>>, vector<1x16xf32>,
        %swap3A_638 = arith.constant 5 : i32
        %swap3A_639 = arith.index_cast %swap3A_638 : i32 to index
        %swap3A_640 = arith.constant 704 : index
        %swap3A_641 = tpu.vector_load %arg8[%swap3A_639, %swap3A_640] {strides = array<i32>} : memref<8x1024xf32, #tpu.memory_space<vmem>>, vector<1x16xf32>,
        %swap3A_642 = vector.shape_cast %swap3A_641 : vector<1x16xf32> to vector<16xf32>
        %swap3A_643 = vector.shape_cast %broadcast_in_dim3A_324 : vector<16xf32> to vector<1x16xf32>
        tpu.vector_store %arg8[%swap3A_639, %swap3A_640], %swap3A_643 {strides = array<i32>} : memref<8x1024xf32, #tpu.memory_space<vmem>>, vector<1x16xf32>,
        %swap3A_644 = arith.constant 5 : i32
        %swap3A_645 = arith.index_cast %swap3A_644 : i32 to index
        %swap3A_646 = arith.constant 720 : index
        %swap3A_647 = tpu.vector_load %arg8[%swap3A_645, %swap3A_646] {strides = array<i32>} : memref<8x1024xf32, #tpu.memory_space<vmem>>, vector<1x16xf32>,
        %swap3A_648 = vector.shape_cast %swap3A_647 : vector<1x16xf32> to vector<16xf32>
        %swap3A_649 = vector.shape_cast %broadcast_in_dim3A_324 : vector<16xf32> to vector<1x16xf32>
        tpu.vector_store %arg8[%swap3A_645, %swap3A_646], %swap3A_649 {strides = array<i32>} : memref<8x1024xf32, #tpu.memory_space<vmem>>, vector<1x16xf32>,
        %swap3A_650 = arith.constant 5 : i32
        %swap3A_651 = arith.index_cast %swap3A_650 : i32 to index
        %swap3A_652 = arith.constant 736 : index
        %swap3A_653 = tpu.vector_load %arg8[%swap3A_651, %swap3A_652] {strides = array<i32>} : memref<8x1024xf32, #tpu.memory_space<vmem>>, vector<1x16xf32>,
        %swap3A_654 = vector.shape_cast %swap3A_653 : vector<1x16xf32> to vector<16xf32>
        %swap3A_655 = vector.shape_cast %broadcast_in_dim3A_324 : vector<16xf32> to vector<1x16xf32>
        tpu.vector_store %arg8[%swap3A_651, %swap3A_652], %swap3A_655 {strides = array<i32>} : memref<8x1024xf32, #tpu.memory_space<vmem>>, vector<1x16xf32>,
        %swap3A_656 = arith.constant 5 : i32
        %swap3A_657 = arith.index_cast %swap3A_656 : i32 to index
        %swap3A_658 = arith.constant 752 : index
        %swap3A_659 = tpu.vector_load %arg8[%swap3A_657, %swap3A_658] {strides = array<i32>} : memref<8x1024xf32, #tpu.memory_space<vmem>>, vector<1x16xf32>,
        %swap3A_660 = vector.shape_cast %swap3A_659 : vector<1x16xf32> to vector<16xf32>
        %swap3A_661 = vector.shape_cast %broadcast_in_dim3A_324 : vector<16xf32> to vector<1x16xf32>
        tpu.vector_store %arg8[%swap3A_657, %swap3A_658], %swap3A_661 {strides = array<i32>} : memref<8x1024xf32, #tpu.memory_space<vmem>>, vector<1x16xf32>,
        %swap3A_662 = arith.constant 5 : i32
        %swap3A_663 = arith.index_cast %swap3A_662 : i32 to index
        %swap3A_664 = arith.constant 768 : index
        %swap3A_665 = tpu.vector_load %arg8[%swap3A_663, %swap3A_664] {strides = array<i32>} : memref<8x1024xf32, #tpu.memory_space<vmem>>, vector<1x16xf32>,
        %swap3A_666 = vector.shape_cast %swap3A_665 : vector<1x16xf32> to vector<16xf32>
        %swap3A_667 = vector.shape_cast %broadcast_in_dim3A_324 : vector<16xf32> to vector<1x16xf32>
        tpu.vector_store %arg8[%swap3A_663, %swap3A_664], %swap3A_667 {strides = array<i32>} : memref<8x1024xf32, #tpu.memory_space<vmem>>, vector<1x16xf32>,
        %swap3A_668 = arith.constant 5 : i32
        %swap3A_669 = arith.index_cast %swap3A_668 : i32 to index
        %swap3A_670 = arith.constant 784 : index
        %swap3A_671 = tpu.vector_load %arg8[%swap3A_669, %swap3A_670] {strides = array<i32>} : memref<8x1024xf32, #tpu.memory_space<vmem>>, vector<1x16xf32>,
        %swap3A_672 = vector.shape_cast %swap3A_671 : vector<1x16xf32> to vector<16xf32>
        %swap3A_673 = vector.shape_cast %broadcast_in_dim3A_324 : vector<16xf32> to vector<1x16xf32>
        tpu.vector_store %arg8[%swap3A_669, %swap3A_670], %swap3A_673 {strides = array<i32>} : memref<8x1024xf32, #tpu.memory_space<vmem>>, vector<1x16xf32>,
        %swap3A_674 = arith.constant 5 : i32
        %swap3A_675 = arith.index_cast %swap3A_674 : i32 to index
        %swap3A_676 = arith.constant 800 : index
        %swap3A_677 = tpu.vector_load %arg8[%swap3A_675, %swap3A_676] {strides = array<i32>} : memref<8x1024xf32, #tpu.memory_space<vmem>>, vector<1x16xf32>,
        %swap3A_678 = vector.shape_cast %swap3A_677 : vector<1x16xf32> to vector<16xf32>
        %swap3A_679 = vector.shape_cast %broadcast_in_dim3A_324 : vector<16xf32> to vector<1x16xf32>
        tpu.vector_store %arg8[%swap3A_675, %swap3A_676], %swap3A_679 {strides = array<i32>} : memref<8x1024xf32, #tpu.memory_space<vmem>>, vector<1x16xf32>,
        %swap3A_680 = arith.constant 5 : i32
        %swap3A_681 = arith.index_cast %swap3A_680 : i32 to index
        %swap3A_682 = arith.constant 816 : index
        %swap3A_683 = tpu.vector_load %arg8[%swap3A_681, %swap3A_682] {strides = array<i32>} : memref<8x1024xf32, #tpu.memory_space<vmem>>, vector<1x16xf32>,
        %swap3A_684 = vector.shape_cast %swap3A_683 : vector<1x16xf32> to vector<16xf32>
        %swap3A_685 = vector.shape_cast %broadcast_in_dim3A_324 : vector<16xf32> to vector<1x16xf32>
        tpu.vector_store %arg8[%swap3A_681, %swap3A_682], %swap3A_685 {strides = array<i32>} : memref<8x1024xf32, #tpu.memory_space<vmem>>, vector<1x16xf32>,
        %swap3A_686 = arith.constant 5 : i32
        %swap3A_687 = arith.index_cast %swap3A_686 : i32 to index
        %swap3A_688 = arith.constant 832 : index
        %swap3A_689 = tpu.vector_load %arg8[%swap3A_687, %swap3A_688] {strides = array<i32>} : memref<8x1024xf32, #tpu.memory_space<vmem>>, vector<1x16xf32>,
        %swap3A_690 = vector.shape_cast %swap3A_689 : vector<1x16xf32> to vector<16xf32>
        %swap3A_691 = vector.shape_cast %broadcast_in_dim3A_324 : vector<16xf32> to vector<1x16xf32>
        tpu.vector_store %arg8[%swap3A_687, %swap3A_688], %swap3A_691 {strides = array<i32>} : memref<8x1024xf32, #tpu.memory_space<vmem>>, vector<1x16xf32>,
        %swap3A_692 = arith.constant 5 : i32
        %swap3A_693 = arith.index_cast %swap3A_692 : i32 to index
        %swap3A_694 = arith.constant 848 : index
        %swap3A_695 = tpu.vector_load %arg8[%swap3A_693, %swap3A_694] {strides = array<i32>} : memref<8x1024xf32, #tpu.memory_space<vmem>>, vector<1x16xf32>,
        %swap3A_696 = vector.shape_cast %swap3A_695 : vector<1x16xf32> to vector<16xf32>
        %swap3A_697 = vector.shape_cast %broadcast_in_dim3A_324 : vector<16xf32> to vector<1x16xf32>
        tpu.vector_store %arg8[%swap3A_693, %swap3A_694], %swap3A_697 {strides = array<i32>} : memref<8x1024xf32, #tpu.memory_space<vmem>>, vector<1x16xf32>,
        %swap3A_698 = arith.constant 5 : i32
        %swap3A_699 = arith.index_cast %swap3A_698 : i32 to index
        %swap3A_700 = arith.constant 864 : index
        %swap3A_701 = tpu.vector_load %arg8[%swap3A_699, %swap3A_700] {strides = array<i32>} : memref<8x1024xf32, #tpu.memory_space<vmem>>, vector<1x16xf32>,
        %swap3A_702 = vector.shape_cast %swap3A_701 : vector<1x16xf32> to vector<16xf32>
        %swap3A_703 = vector.shape_cast %broadcast_in_dim3A_324 : vector<16xf32> to vector<1x16xf32>
        tpu.vector_store %arg8[%swap3A_699, %swap3A_700], %swap3A_703 {strides = array<i32>} : memref<8x1024xf32, #tpu.memory_space<vmem>>, vector<1x16xf32>,
        %swap3A_704 = arith.constant 5 : i32
        %swap3A_705 = arith.index_cast %swap3A_704 : i32 to index
        %swap3A_706 = arith.constant 880 : index
        %swap3A_707 = tpu.vector_load %arg8[%swap3A_705, %swap3A_706] {strides = array<i32>} : memref<8x1024xf32, #tpu.memory_space<vmem>>, vector<1x16xf32>,
        %swap3A_708 = vector.shape_cast %swap3A_707 : vector<1x16xf32> to vector<16xf32>
        %swap3A_709 = vector.shape_cast %broadcast_in_dim3A_324 : vector<16xf32> to vector<1x16xf32>
        tpu.vector_store %arg8[%swap3A_705, %swap3A_706], %swap3A_709 {strides = array<i32>} : memref<8x1024xf32, #tpu.memory_space<vmem>>, vector<1x16xf32>,
        %swap3A_710 = arith.constant 5 : i32
        %swap3A_711 = arith.index_cast %swap3A_710 : i32 to index
        %swap3A_712 = arith.constant 896 : index
        %swap3A_713 = tpu.vector_load %arg8[%swap3A_711, %swap3A_712] {strides = array<i32>} : memref<8x1024xf32, #tpu.memory_space<vmem>>, vector<1x16xf32>,
        %swap3A_714 = vector.shape_cast %swap3A_713 : vector<1x16xf32> to vector<16xf32>
        %swap3A_715 = vector.shape_cast %broadcast_in_dim3A_324 : vector<16xf32> to vector<1x16xf32>
        tpu.vector_store %arg8[%swap3A_711, %swap3A_712], %swap3A_715 {strides = array<i32>} : memref<8x1024xf32, #tpu.memory_space<vmem>>, vector<1x16xf32>,
        %swap3A_716 = arith.constant 5 : i32
        %swap3A_717 = arith.index_cast %swap3A_716 : i32 to index
        %swap3A_718 = arith.constant 912 : index
        %swap3A_719 = tpu.vector_load %arg8[%swap3A_717, %swap3A_718] {strides = array<i32>} : memref<8x1024xf32, #tpu.memory_space<vmem>>, vector<1x16xf32>,
        %swap3A_720 = vector.shape_cast %swap3A_719 : vector<1x16xf32> to vector<16xf32>
        %swap3A_721 = vector.shape_cast %broadcast_in_dim3A_324 : vector<16xf32> to vector<1x16xf32>
        tpu.vector_store %arg8[%swap3A_717, %swap3A_718], %swap3A_721 {strides = array<i32>} : memref<8x1024xf32, #tpu.memory_space<vmem>>, vector<1x16xf32>,
        %swap3A_722 = arith.constant 5 : i32
        %swap3A_723 = arith.index_cast %swap3A_722 : i32 to index
        %swap3A_724 = arith.constant 928 : index
        %swap3A_725 = tpu.vector_load %arg8[%swap3A_723, %swap3A_724] {strides = array<i32>} : memref<8x1024xf32, #tpu.memory_space<vmem>>, vector<1x16xf32>,
        %swap3A_726 = vector.shape_cast %swap3A_725 : vector<1x16xf32> to vector<16xf32>
        %swap3A_727 = vector.shape_cast %broadcast_in_dim3A_324 : vector<16xf32> to vector<1x16xf32>
        tpu.vector_store %arg8[%swap3A_723, %swap3A_724], %swap3A_727 {strides = array<i32>} : memref<8x1024xf32, #tpu.memory_space<vmem>>, vector<1x16xf32>,
        %swap3A_728 = arith.constant 5 : i32
        %swap3A_729 = arith.index_cast %swap3A_728 : i32 to index
        %swap3A_730 = arith.constant 944 : index
        %swap3A_731 = tpu.vector_load %arg8[%swap3A_729, %swap3A_730] {strides = array<i32>} : memref<8x1024xf32, #tpu.memory_space<vmem>>, vector<1x16xf32>,
        %swap3A_732 = vector.shape_cast %swap3A_731 : vector<1x16xf32> to vector<16xf32>
        %swap3A_733 = vector.shape_cast %broadcast_in_dim3A_324 : vector<16xf32> to vector<1x16xf32>
        tpu.vector_store %arg8[%swap3A_729, %swap3A_730], %swap3A_733 {strides = array<i32>} : memref<8x1024xf32, #tpu.memory_space<vmem>>, vector<1x16xf32>,
        %swap3A_734 = arith.constant 5 : i32
        %swap3A_735 = arith.index_cast %swap3A_734 : i32 to index
        %swap3A_736 = arith.constant 960 : index
        %swap3A_737 = tpu.vector_load %arg8[%swap3A_735, %swap3A_736] {strides = array<i32>} : memref<8x1024xf32, #tpu.memory_space<vmem>>, vector<1x16xf32>,
        %swap3A_738 = vector.shape_cast %swap3A_737 : vector<1x16xf32> to vector<16xf32>
        %swap3A_739 = vector.shape_cast %broadcast_in_dim3A_324 : vector<16xf32> to vector<1x16xf32>
        tpu.vector_store %arg8[%swap3A_735, %swap3A_736], %swap3A_739 {strides = array<i32>} : memref<8x1024xf32, #tpu.memory_space<vmem>>, vector<1x16xf32>,
        %swap3A_740 = arith.constant 5 : i32
        %swap3A_741 = arith.index_cast %swap3A_740 : i32 to index
        %swap3A_742 = arith.constant 976 : index
        %swap3A_743 = tpu.vector_load %arg8[%swap3A_741, %swap3A_742] {strides = array<i32>} : memref<8x1024xf32, #tpu.memory_space<vmem>>, vector<1x16xf32>,
        %swap3A_744 = vector.shape_cast %swap3A_743 : vector<1x16xf32> to vector<16xf32>
        %swap3A_745 = vector.shape_cast %broadcast_in_dim3A_324 : vector<16xf32> to vector<1x16xf32>
        tpu.vector_store %arg8[%swap3A_741, %swap3A_742], %swap3A_745 {strides = array<i32>} : memref<8x1024xf32, #tpu.memory_space<vmem>>, vector<1x16xf32>,
        %swap3A_746 = arith.constant 5 : i32
        %swap3A_747 = arith.index_cast %swap3A_746 : i32 to index
        %swap3A_748 = arith.constant 992 : index
        %swap3A_749 = tpu.vector_load %arg8[%swap3A_747, %swap3A_748] {strides = array<i32>} : memref<8x1024xf32, #tpu.memory_space<vmem>>, vector<1x16xf32>,
        %swap3A_750 = vector.shape_cast %swap3A_749 : vector<1x16xf32> to vector<16xf32>
        %swap3A_751 = vector.shape_cast %broadcast_in_dim3A_324 : vector<16xf32> to vector<1x16xf32>
        tpu.vector_store %arg8[%swap3A_747, %swap3A_748], %swap3A_751 {strides = array<i32>} : memref<8x1024xf32, #tpu.memory_space<vmem>>, vector<1x16xf32>,
        %swap3A_752 = arith.constant 5 : i32
        %swap3A_753 = arith.index_cast %swap3A_752 : i32 to index
        %swap3A_754 = arith.constant 1008 : index
        %swap3A_755 = tpu.vector_load %arg8[%swap3A_753, %swap3A_754] {strides = array<i32>} : memref<8x1024xf32, #tpu.memory_space<vmem>>, vector<1x16xf32>,
        %swap3A_756 = vector.shape_cast %swap3A_755 : vector<1x16xf32> to vector<16xf32>
        %swap3A_757 = vector.shape_cast %select_n3A_332 : vector<16xf32> to vector<1x16xf32>
        tpu.vector_store %arg8[%swap3A_753, %swap3A_754], %swap3A_757 {strides = array<i32>} : memref<8x1024xf32, #tpu.memory_space<vmem>>, vector<1x16xf32>,
      } else {
      }
      %le3A_357 = arith.constant 6 : i32
      %le3A_358 = arith.cmpi sle, %select_n3A_83, %le3A_357 : i32
      %convert_element_type3A_359 = arith.extui %le3A_358 : i1 to i32
      %cond3A_360 = arith.constant 0 : i32
      %cond3A_361 = arith.cmpi ne, %convert_element_type3A_359, %cond3A_360 : i32
      scf.if %cond3A_361 {
        %swap3A = arith.constant 6 : i32
        %swap3A_375 = arith.index_cast %swap3A : i32 to index
        %swap3A_376 = arith.constant 0 : index
        %swap3A_377 = tpu.vector_load %arg8[%swap3A_375, %swap3A_376] {strides = array<i32>} : memref<8x1024xf32, #tpu.memory_space<vmem>>, vector<1x16xf32>,
        %swap3A_378 = vector.shape_cast %swap3A_377 : vector<1x16xf32> to vector<16xf32>
        %swap3A_379 = vector.shape_cast %broadcast_in_dim3A_324 : vector<16xf32> to vector<1x16xf32>
        tpu.vector_store %arg8[%swap3A_375, %swap3A_376], %swap3A_379 {strides = array<i32>} : memref<8x1024xf32, #tpu.memory_space<vmem>>, vector<1x16xf32>,
        %swap3A_380 = arith.constant 6 : i32
        %swap3A_381 = arith.index_cast %swap3A_380 : i32 to index
        %swap3A_382 = arith.constant 16 : index
        %swap3A_383 = tpu.vector_load %arg8[%swap3A_381, %swap3A_382] {strides = array<i32>} : memref<8x1024xf32, #tpu.memory_space<vmem>>, vector<1x16xf32>,
        %swap3A_384 = vector.shape_cast %swap3A_383 : vector<1x16xf32> to vector<16xf32>
        %swap3A_385 = vector.shape_cast %broadcast_in_dim3A_324 : vector<16xf32> to vector<1x16xf32>
        tpu.vector_store %arg8[%swap3A_381, %swap3A_382], %swap3A_385 {strides = array<i32>} : memref<8x1024xf32, #tpu.memory_space<vmem>>, vector<1x16xf32>,
        %swap3A_386 = arith.constant 6 : i32
        %swap3A_387 = arith.index_cast %swap3A_386 : i32 to index
        %swap3A_388 = arith.constant 32 : index
        %swap3A_389 = tpu.vector_load %arg8[%swap3A_387, %swap3A_388] {strides = array<i32>} : memref<8x1024xf32, #tpu.memory_space<vmem>>, vector<1x16xf32>,
        %swap3A_390 = vector.shape_cast %swap3A_389 : vector<1x16xf32> to vector<16xf32>
        %swap3A_391 = vector.shape_cast %broadcast_in_dim3A_324 : vector<16xf32> to vector<1x16xf32>
        tpu.vector_store %arg8[%swap3A_387, %swap3A_388], %swap3A_391 {strides = array<i32>} : memref<8x1024xf32, #tpu.memory_space<vmem>>, vector<1x16xf32>,
        %swap3A_392 = arith.constant 6 : i32
        %swap3A_393 = arith.index_cast %swap3A_392 : i32 to index
        %swap3A_394 = arith.constant 48 : index
        %swap3A_395 = tpu.vector_load %arg8[%swap3A_393, %swap3A_394] {strides = array<i32>} : memref<8x1024xf32, #tpu.memory_space<vmem>>, vector<1x16xf32>,
        %swap3A_396 = vector.shape_cast %swap3A_395 : vector<1x16xf32> to vector<16xf32>
        %swap3A_397 = vector.shape_cast %broadcast_in_dim3A_324 : vector<16xf32> to vector<1x16xf32>
        tpu.vector_store %arg8[%swap3A_393, %swap3A_394], %swap3A_397 {strides = array<i32>} : memref<8x1024xf32, #tpu.memory_space<vmem>>, vector<1x16xf32>,
        %swap3A_398 = arith.constant 6 : i32
        %swap3A_399 = arith.index_cast %swap3A_398 : i32 to index
        %swap3A_400 = arith.constant 64 : index
        %swap3A_401 = tpu.vector_load %arg8[%swap3A_399, %swap3A_400] {strides = array<i32>} : memref<8x1024xf32, #tpu.memory_space<vmem>>, vector<1x16xf32>,
        %swap3A_402 = vector.shape_cast %swap3A_401 : vector<1x16xf32> to vector<16xf32>
        %swap3A_403 = vector.shape_cast %broadcast_in_dim3A_324 : vector<16xf32> to vector<1x16xf32>
        tpu.vector_store %arg8[%swap3A_399, %swap3A_400], %swap3A_403 {strides = array<i32>} : memref<8x1024xf32, #tpu.memory_space<vmem>>, vector<1x16xf32>,
        %swap3A_404 = arith.constant 6 : i32
        %swap3A_405 = arith.index_cast %swap3A_404 : i32 to index
        %swap3A_406 = arith.constant 80 : index
        %swap3A_407 = tpu.vector_load %arg8[%swap3A_405, %swap3A_406] {strides = array<i32>} : memref<8x1024xf32, #tpu.memory_space<vmem>>, vector<1x16xf32>,
        %swap3A_408 = vector.shape_cast %swap3A_407 : vector<1x16xf32> to vector<16xf32>
        %swap3A_409 = vector.shape_cast %broadcast_in_dim3A_324 : vector<16xf32> to vector<1x16xf32>
        tpu.vector_store %arg8[%swap3A_405, %swap3A_406], %swap3A_409 {strides = array<i32>} : memref<8x1024xf32, #tpu.memory_space<vmem>>, vector<1x16xf32>,
        %swap3A_410 = arith.constant 6 : i32
        %swap3A_411 = arith.index_cast %swap3A_410 : i32 to index
        %swap3A_412 = arith.constant 96 : index
        %swap3A_413 = tpu.vector_load %arg8[%swap3A_411, %swap3A_412] {strides = array<i32>} : memref<8x1024xf32, #tpu.memory_space<vmem>>, vector<1x16xf32>,
        %swap3A_414 = vector.shape_cast %swap3A_413 : vector<1x16xf32> to vector<16xf32>
        %swap3A_415 = vector.shape_cast %broadcast_in_dim3A_324 : vector<16xf32> to vector<1x16xf32>
        tpu.vector_store %arg8[%swap3A_411, %swap3A_412], %swap3A_415 {strides = array<i32>} : memref<8x1024xf32, #tpu.memory_space<vmem>>, vector<1x16xf32>,
        %swap3A_416 = arith.constant 6 : i32
        %swap3A_417 = arith.index_cast %swap3A_416 : i32 to index
        %swap3A_418 = arith.constant 112 : index
        %swap3A_419 = tpu.vector_load %arg8[%swap3A_417, %swap3A_418] {strides = array<i32>} : memref<8x1024xf32, #tpu.memory_space<vmem>>, vector<1x16xf32>,
        %swap3A_420 = vector.shape_cast %swap3A_419 : vector<1x16xf32> to vector<16xf32>
        %swap3A_421 = vector.shape_cast %broadcast_in_dim3A_324 : vector<16xf32> to vector<1x16xf32>
        tpu.vector_store %arg8[%swap3A_417, %swap3A_418], %swap3A_421 {strides = array<i32>} : memref<8x1024xf32, #tpu.memory_space<vmem>>, vector<1x16xf32>,
        %swap3A_422 = arith.constant 6 : i32
        %swap3A_423 = arith.index_cast %swap3A_422 : i32 to index
        %swap3A_424 = arith.constant 128 : index
        %swap3A_425 = tpu.vector_load %arg8[%swap3A_423, %swap3A_424] {strides = array<i32>} : memref<8x1024xf32, #tpu.memory_space<vmem>>, vector<1x16xf32>,
        %swap3A_426 = vector.shape_cast %swap3A_425 : vector<1x16xf32> to vector<16xf32>
        %swap3A_427 = vector.shape_cast %broadcast_in_dim3A_324 : vector<16xf32> to vector<1x16xf32>
        tpu.vector_store %arg8[%swap3A_423, %swap3A_424], %swap3A_427 {strides = array<i32>} : memref<8x1024xf32, #tpu.memory_space<vmem>>, vector<1x16xf32>,
        %swap3A_428 = arith.constant 6 : i32
        %swap3A_429 = arith.index_cast %swap3A_428 : i32 to index
        %swap3A_430 = arith.constant 144 : index
        %swap3A_431 = tpu.vector_load %arg8[%swap3A_429, %swap3A_430] {strides = array<i32>} : memref<8x1024xf32, #tpu.memory_space<vmem>>, vector<1x16xf32>,
        %swap3A_432 = vector.shape_cast %swap3A_431 : vector<1x16xf32> to vector<16xf32>
        %swap3A_433 = vector.shape_cast %broadcast_in_dim3A_324 : vector<16xf32> to vector<1x16xf32>
        tpu.vector_store %arg8[%swap3A_429, %swap3A_430], %swap3A_433 {strides = array<i32>} : memref<8x1024xf32, #tpu.memory_space<vmem>>, vector<1x16xf32>,
        %swap3A_434 = arith.constant 6 : i32
        %swap3A_435 = arith.index_cast %swap3A_434 : i32 to index
        %swap3A_436 = arith.constant 160 : index
        %swap3A_437 = tpu.vector_load %arg8[%swap3A_435, %swap3A_436] {strides = array<i32>} : memref<8x1024xf32, #tpu.memory_space<vmem>>, vector<1x16xf32>,
        %swap3A_438 = vector.shape_cast %swap3A_437 : vector<1x16xf32> to vector<16xf32>
        %swap3A_439 = vector.shape_cast %broadcast_in_dim3A_324 : vector<16xf32> to vector<1x16xf32>
        tpu.vector_store %arg8[%swap3A_435, %swap3A_436], %swap3A_439 {strides = array<i32>} : memref<8x1024xf32, #tpu.memory_space<vmem>>, vector<1x16xf32>,
        %swap3A_440 = arith.constant 6 : i32
        %swap3A_441 = arith.index_cast %swap3A_440 : i32 to index
        %swap3A_442 = arith.constant 176 : index
        %swap3A_443 = tpu.vector_load %arg8[%swap3A_441, %swap3A_442] {strides = array<i32>} : memref<8x1024xf32, #tpu.memory_space<vmem>>, vector<1x16xf32>,
        %swap3A_444 = vector.shape_cast %swap3A_443 : vector<1x16xf32> to vector<16xf32>
        %swap3A_445 = vector.shape_cast %broadcast_in_dim3A_324 : vector<16xf32> to vector<1x16xf32>
        tpu.vector_store %arg8[%swap3A_441, %swap3A_442], %swap3A_445 {strides = array<i32>} : memref<8x1024xf32, #tpu.memory_space<vmem>>, vector<1x16xf32>,
        %swap3A_446 = arith.constant 6 : i32
        %swap3A_447 = arith.index_cast %swap3A_446 : i32 to index
        %swap3A_448 = arith.constant 192 : index
        %swap3A_449 = tpu.vector_load %arg8[%swap3A_447, %swap3A_448] {strides = array<i32>} : memref<8x1024xf32, #tpu.memory_space<vmem>>, vector<1x16xf32>,
        %swap3A_450 = vector.shape_cast %swap3A_449 : vector<1x16xf32> to vector<16xf32>
        %swap3A_451 = vector.shape_cast %broadcast_in_dim3A_324 : vector<16xf32> to vector<1x16xf32>
        tpu.vector_store %arg8[%swap3A_447, %swap3A_448], %swap3A_451 {strides = array<i32>} : memref<8x1024xf32, #tpu.memory_space<vmem>>, vector<1x16xf32>,
        %swap3A_452 = arith.constant 6 : i32
        %swap3A_453 = arith.index_cast %swap3A_452 : i32 to index
        %swap3A_454 = arith.constant 208 : index
        %swap3A_455 = tpu.vector_load %arg8[%swap3A_453, %swap3A_454] {strides = array<i32>} : memref<8x1024xf32, #tpu.memory_space<vmem>>, vector<1x16xf32>,
        %swap3A_456 = vector.shape_cast %swap3A_455 : vector<1x16xf32> to vector<16xf32>
        %swap3A_457 = vector.shape_cast %broadcast_in_dim3A_324 : vector<16xf32> to vector<1x16xf32>
        tpu.vector_store %arg8[%swap3A_453, %swap3A_454], %swap3A_457 {strides = array<i32>} : memref<8x1024xf32, #tpu.memory_space<vmem>>, vector<1x16xf32>,
        %swap3A_458 = arith.constant 6 : i32
        %swap3A_459 = arith.index_cast %swap3A_458 : i32 to index
        %swap3A_460 = arith.constant 224 : index
        %swap3A_461 = tpu.vector_load %arg8[%swap3A_459, %swap3A_460] {strides = array<i32>} : memref<8x1024xf32, #tpu.memory_space<vmem>>, vector<1x16xf32>,
        %swap3A_462 = vector.shape_cast %swap3A_461 : vector<1x16xf32> to vector<16xf32>
        %swap3A_463 = vector.shape_cast %broadcast_in_dim3A_324 : vector<16xf32> to vector<1x16xf32>
        tpu.vector_store %arg8[%swap3A_459, %swap3A_460], %swap3A_463 {strides = array<i32>} : memref<8x1024xf32, #tpu.memory_space<vmem>>, vector<1x16xf32>,
        %swap3A_464 = arith.constant 6 : i32
        %swap3A_465 = arith.index_cast %swap3A_464 : i32 to index
        %swap3A_466 = arith.constant 240 : index
        %swap3A_467 = tpu.vector_load %arg8[%swap3A_465, %swap3A_466] {strides = array<i32>} : memref<8x1024xf32, #tpu.memory_space<vmem>>, vector<1x16xf32>,
        %swap3A_468 = vector.shape_cast %swap3A_467 : vector<1x16xf32> to vector<16xf32>
        %swap3A_469 = vector.shape_cast %broadcast_in_dim3A_324 : vector<16xf32> to vector<1x16xf32>
        tpu.vector_store %arg8[%swap3A_465, %swap3A_466], %swap3A_469 {strides = array<i32>} : memref<8x1024xf32, #tpu.memory_space<vmem>>, vector<1x16xf32>,
        %swap3A_470 = arith.constant 6 : i32
        %swap3A_471 = arith.index_cast %swap3A_470 : i32 to index
        %swap3A_472 = arith.constant 256 : index
        %swap3A_473 = tpu.vector_load %arg8[%swap3A_471, %swap3A_472] {strides = array<i32>} : memref<8x1024xf32, #tpu.memory_space<vmem>>, vector<1x16xf32>,
        %swap3A_474 = vector.shape_cast %swap3A_473 : vector<1x16xf32> to vector<16xf32>
        %swap3A_475 = vector.shape_cast %broadcast_in_dim3A_324 : vector<16xf32> to vector<1x16xf32>
        tpu.vector_store %arg8[%swap3A_471, %swap3A_472], %swap3A_475 {strides = array<i32>} : memref<8x1024xf32, #tpu.memory_space<vmem>>, vector<1x16xf32>,
        %swap3A_476 = arith.constant 6 : i32
        %swap3A_477 = arith.index_cast %swap3A_476 : i32 to index
        %swap3A_478 = arith.constant 272 : index
        %swap3A_479 = tpu.vector_load %arg8[%swap3A_477, %swap3A_478] {strides = array<i32>} : memref<8x1024xf32, #tpu.memory_space<vmem>>, vector<1x16xf32>,
        %swap3A_480 = vector.shape_cast %swap3A_479 : vector<1x16xf32> to vector<16xf32>
        %swap3A_481 = vector.shape_cast %broadcast_in_dim3A_324 : vector<16xf32> to vector<1x16xf32>
        tpu.vector_store %arg8[%swap3A_477, %swap3A_478], %swap3A_481 {strides = array<i32>} : memref<8x1024xf32, #tpu.memory_space<vmem>>, vector<1x16xf32>,
        %swap3A_482 = arith.constant 6 : i32
        %swap3A_483 = arith.index_cast %swap3A_482 : i32 to index
        %swap3A_484 = arith.constant 288 : index
        %swap3A_485 = tpu.vector_load %arg8[%swap3A_483, %swap3A_484] {strides = array<i32>} : memref<8x1024xf32, #tpu.memory_space<vmem>>, vector<1x16xf32>,
        %swap3A_486 = vector.shape_cast %swap3A_485 : vector<1x16xf32> to vector<16xf32>
        %swap3A_487 = vector.shape_cast %broadcast_in_dim3A_324 : vector<16xf32> to vector<1x16xf32>
        tpu.vector_store %arg8[%swap3A_483, %swap3A_484], %swap3A_487 {strides = array<i32>} : memref<8x1024xf32, #tpu.memory_space<vmem>>, vector<1x16xf32>,
        %swap3A_488 = arith.constant 6 : i32
        %swap3A_489 = arith.index_cast %swap3A_488 : i32 to index
        %swap3A_490 = arith.constant 304 : index
        %swap3A_491 = tpu.vector_load %arg8[%swap3A_489, %swap3A_490] {strides = array<i32>} : memref<8x1024xf32, #tpu.memory_space<vmem>>, vector<1x16xf32>,
        %swap3A_492 = vector.shape_cast %swap3A_491 : vector<1x16xf32> to vector<16xf32>
        %swap3A_493 = vector.shape_cast %broadcast_in_dim3A_324 : vector<16xf32> to vector<1x16xf32>
        tpu.vector_store %arg8[%swap3A_489, %swap3A_490], %swap3A_493 {strides = array<i32>} : memref<8x1024xf32, #tpu.memory_space<vmem>>, vector<1x16xf32>,
        %swap3A_494 = arith.constant 6 : i32
        %swap3A_495 = arith.index_cast %swap3A_494 : i32 to index
        %swap3A_496 = arith.constant 320 : index
        %swap3A_497 = tpu.vector_load %arg8[%swap3A_495, %swap3A_496] {strides = array<i32>} : memref<8x1024xf32, #tpu.memory_space<vmem>>, vector<1x16xf32>,
        %swap3A_498 = vector.shape_cast %swap3A_497 : vector<1x16xf32> to vector<16xf32>
        %swap3A_499 = vector.shape_cast %broadcast_in_dim3A_324 : vector<16xf32> to vector<1x16xf32>
        tpu.vector_store %arg8[%swap3A_495, %swap3A_496], %swap3A_499 {strides = array<i32>} : memref<8x1024xf32, #tpu.memory_space<vmem>>, vector<1x16xf32>,
        %swap3A_500 = arith.constant 6 : i32
        %swap3A_501 = arith.index_cast %swap3A_500 : i32 to index
        %swap3A_502 = arith.constant 336 : index
        %swap3A_503 = tpu.vector_load %arg8[%swap3A_501, %swap3A_502] {strides = array<i32>} : memref<8x1024xf32, #tpu.memory_space<vmem>>, vector<1x16xf32>,
        %swap3A_504 = vector.shape_cast %swap3A_503 : vector<1x16xf32> to vector<16xf32>
        %swap3A_505 = vector.shape_cast %broadcast_in_dim3A_324 : vector<16xf32> to vector<1x16xf32>
        tpu.vector_store %arg8[%swap3A_501, %swap3A_502], %swap3A_505 {strides = array<i32>} : memref<8x1024xf32, #tpu.memory_space<vmem>>, vector<1x16xf32>,
        %swap3A_506 = arith.constant 6 : i32
        %swap3A_507 = arith.index_cast %swap3A_506 : i32 to index
        %swap3A_508 = arith.constant 352 : index
        %swap3A_509 = tpu.vector_load %arg8[%swap3A_507, %swap3A_508] {strides = array<i32>} : memref<8x1024xf32, #tpu.memory_space<vmem>>, vector<1x16xf32>,
        %swap3A_510 = vector.shape_cast %swap3A_509 : vector<1x16xf32> to vector<16xf32>
        %swap3A_511 = vector.shape_cast %broadcast_in_dim3A_324 : vector<16xf32> to vector<1x16xf32>
        tpu.vector_store %arg8[%swap3A_507, %swap3A_508], %swap3A_511 {strides = array<i32>} : memref<8x1024xf32, #tpu.memory_space<vmem>>, vector<1x16xf32>,
        %swap3A_512 = arith.constant 6 : i32
        %swap3A_513 = arith.index_cast %swap3A_512 : i32 to index
        %swap3A_514 = arith.constant 368 : index
        %swap3A_515 = tpu.vector_load %arg8[%swap3A_513, %swap3A_514] {strides = array<i32>} : memref<8x1024xf32, #tpu.memory_space<vmem>>, vector<1x16xf32>,
        %swap3A_516 = vector.shape_cast %swap3A_515 : vector<1x16xf32> to vector<16xf32>
        %swap3A_517 = vector.shape_cast %broadcast_in_dim3A_324 : vector<16xf32> to vector<1x16xf32>
        tpu.vector_store %arg8[%swap3A_513, %swap3A_514], %swap3A_517 {strides = array<i32>} : memref<8x1024xf32, #tpu.memory_space<vmem>>, vector<1x16xf32>,
        %swap3A_518 = arith.constant 6 : i32
        %swap3A_519 = arith.index_cast %swap3A_518 : i32 to index
        %swap3A_520 = arith.constant 384 : index
        %swap3A_521 = tpu.vector_load %arg8[%swap3A_519, %swap3A_520] {strides = array<i32>} : memref<8x1024xf32, #tpu.memory_space<vmem>>, vector<1x16xf32>,
        %swap3A_522 = vector.shape_cast %swap3A_521 : vector<1x16xf32> to vector<16xf32>
        %swap3A_523 = vector.shape_cast %broadcast_in_dim3A_324 : vector<16xf32> to vector<1x16xf32>
        tpu.vector_store %arg8[%swap3A_519, %swap3A_520], %swap3A_523 {strides = array<i32>} : memref<8x1024xf32, #tpu.memory_space<vmem>>, vector<1x16xf32>,
        %swap3A_524 = arith.constant 6 : i32
        %swap3A_525 = arith.index_cast %swap3A_524 : i32 to index
        %swap3A_526 = arith.constant 400 : index
        %swap3A_527 = tpu.vector_load %arg8[%swap3A_525, %swap3A_526] {strides = array<i32>} : memref<8x1024xf32, #tpu.memory_space<vmem>>, vector<1x16xf32>,
        %swap3A_528 = vector.shape_cast %swap3A_527 : vector<1x16xf32> to vector<16xf32>
        %swap3A_529 = vector.shape_cast %broadcast_in_dim3A_324 : vector<16xf32> to vector<1x16xf32>
        tpu.vector_store %arg8[%swap3A_525, %swap3A_526], %swap3A_529 {strides = array<i32>} : memref<8x1024xf32, #tpu.memory_space<vmem>>, vector<1x16xf32>,
        %swap3A_530 = arith.constant 6 : i32
        %swap3A_531 = arith.index_cast %swap3A_530 : i32 to index
        %swap3A_532 = arith.constant 416 : index
        %swap3A_533 = tpu.vector_load %arg8[%swap3A_531, %swap3A_532] {strides = array<i32>} : memref<8x1024xf32, #tpu.memory_space<vmem>>, vector<1x16xf32>,
        %swap3A_534 = vector.shape_cast %swap3A_533 : vector<1x16xf32> to vector<16xf32>
        %swap3A_535 = vector.shape_cast %broadcast_in_dim3A_324 : vector<16xf32> to vector<1x16xf32>
        tpu.vector_store %arg8[%swap3A_531, %swap3A_532], %swap3A_535 {strides = array<i32>} : memref<8x1024xf32, #tpu.memory_space<vmem>>, vector<1x16xf32>,
        %swap3A_536 = arith.constant 6 : i32
        %swap3A_537 = arith.index_cast %swap3A_536 : i32 to index
        %swap3A_538 = arith.constant 432 : index
        %swap3A_539 = tpu.vector_load %arg8[%swap3A_537, %swap3A_538] {strides = array<i32>} : memref<8x1024xf32, #tpu.memory_space<vmem>>, vector<1x16xf32>,
        %swap3A_540 = vector.shape_cast %swap3A_539 : vector<1x16xf32> to vector<16xf32>
        %swap3A_541 = vector.shape_cast %broadcast_in_dim3A_324 : vector<16xf32> to vector<1x16xf32>
        tpu.vector_store %arg8[%swap3A_537, %swap3A_538], %swap3A_541 {strides = array<i32>} : memref<8x1024xf32, #tpu.memory_space<vmem>>, vector<1x16xf32>,
        %swap3A_542 = arith.constant 6 : i32
        %swap3A_543 = arith.index_cast %swap3A_542 : i32 to index
        %swap3A_544 = arith.constant 448 : index
        %swap3A_545 = tpu.vector_load %arg8[%swap3A_543, %swap3A_544] {strides = array<i32>} : memref<8x1024xf32, #tpu.memory_space<vmem>>, vector<1x16xf32>,
        %swap3A_546 = vector.shape_cast %swap3A_545 : vector<1x16xf32> to vector<16xf32>
        %swap3A_547 = vector.shape_cast %broadcast_in_dim3A_324 : vector<16xf32> to vector<1x16xf32>
        tpu.vector_store %arg8[%swap3A_543, %swap3A_544], %swap3A_547 {strides = array<i32>} : memref<8x1024xf32, #tpu.memory_space<vmem>>, vector<1x16xf32>,
        %swap3A_548 = arith.constant 6 : i32
        %swap3A_549 = arith.index_cast %swap3A_548 : i32 to index
        %swap3A_550 = arith.constant 464 : index
        %swap3A_551 = tpu.vector_load %arg8[%swap3A_549, %swap3A_550] {strides = array<i32>} : memref<8x1024xf32, #tpu.memory_space<vmem>>, vector<1x16xf32>,
        %swap3A_552 = vector.shape_cast %swap3A_551 : vector<1x16xf32> to vector<16xf32>
        %swap3A_553 = vector.shape_cast %broadcast_in_dim3A_324 : vector<16xf32> to vector<1x16xf32>
        tpu.vector_store %arg8[%swap3A_549, %swap3A_550], %swap3A_553 {strides = array<i32>} : memref<8x1024xf32, #tpu.memory_space<vmem>>, vector<1x16xf32>,
        %swap3A_554 = arith.constant 6 : i32
        %swap3A_555 = arith.index_cast %swap3A_554 : i32 to index
        %swap3A_556 = arith.constant 480 : index
        %swap3A_557 = tpu.vector_load %arg8[%swap3A_555, %swap3A_556] {strides = array<i32>} : memref<8x1024xf32, #tpu.memory_space<vmem>>, vector<1x16xf32>,
        %swap3A_558 = vector.shape_cast %swap3A_557 : vector<1x16xf32> to vector<16xf32>
        %swap3A_559 = vector.shape_cast %broadcast_in_dim3A_324 : vector<16xf32> to vector<1x16xf32>
        tpu.vector_store %arg8[%swap3A_555, %swap3A_556], %swap3A_559 {strides = array<i32>} : memref<8x1024xf32, #tpu.memory_space<vmem>>, vector<1x16xf32>,
        %swap3A_560 = arith.constant 6 : i32
        %swap3A_561 = arith.index_cast %swap3A_560 : i32 to index
        %swap3A_562 = arith.constant 496 : index
        %swap3A_563 = tpu.vector_load %arg8[%swap3A_561, %swap3A_562] {strides = array<i32>} : memref<8x1024xf32, #tpu.memory_space<vmem>>, vector<1x16xf32>,
        %swap3A_564 = vector.shape_cast %swap3A_563 : vector<1x16xf32> to vector<16xf32>
        %swap3A_565 = vector.shape_cast %broadcast_in_dim3A_324 : vector<16xf32> to vector<1x16xf32>
        tpu.vector_store %arg8[%swap3A_561, %swap3A_562], %swap3A_565 {strides = array<i32>} : memref<8x1024xf32, #tpu.memory_space<vmem>>, vector<1x16xf32>,
        %swap3A_566 = arith.constant 6 : i32
        %swap3A_567 = arith.index_cast %swap3A_566 : i32 to index
        %swap3A_568 = arith.constant 512 : index
        %swap3A_569 = tpu.vector_load %arg8[%swap3A_567, %swap3A_568] {strides = array<i32>} : memref<8x1024xf32, #tpu.memory_space<vmem>>, vector<1x16xf32>,
        %swap3A_570 = vector.shape_cast %swap3A_569 : vector<1x16xf32> to vector<16xf32>
        %swap3A_571 = vector.shape_cast %broadcast_in_dim3A_324 : vector<16xf32> to vector<1x16xf32>
        tpu.vector_store %arg8[%swap3A_567, %swap3A_568], %swap3A_571 {strides = array<i32>} : memref<8x1024xf32, #tpu.memory_space<vmem>>, vector<1x16xf32>,
        %swap3A_572 = arith.constant 6 : i32
        %swap3A_573 = arith.index_cast %swap3A_572 : i32 to index
        %swap3A_574 = arith.constant 528 : index
        %swap3A_575 = tpu.vector_load %arg8[%swap3A_573, %swap3A_574] {strides = array<i32>} : memref<8x1024xf32, #tpu.memory_space<vmem>>, vector<1x16xf32>,
        %swap3A_576 = vector.shape_cast %swap3A_575 : vector<1x16xf32> to vector<16xf32>
        %swap3A_577 = vector.shape_cast %broadcast_in_dim3A_324 : vector<16xf32> to vector<1x16xf32>
        tpu.vector_store %arg8[%swap3A_573, %swap3A_574], %swap3A_577 {strides = array<i32>} : memref<8x1024xf32, #tpu.memory_space<vmem>>, vector<1x16xf32>,
        %swap3A_578 = arith.constant 6 : i32
        %swap3A_579 = arith.index_cast %swap3A_578 : i32 to index
        %swap3A_580 = arith.constant 544 : index
        %swap3A_581 = tpu.vector_load %arg8[%swap3A_579, %swap3A_580] {strides = array<i32>} : memref<8x1024xf32, #tpu.memory_space<vmem>>, vector<1x16xf32>,
        %swap3A_582 = vector.shape_cast %swap3A_581 : vector<1x16xf32> to vector<16xf32>
        %swap3A_583 = vector.shape_cast %broadcast_in_dim3A_324 : vector<16xf32> to vector<1x16xf32>
        tpu.vector_store %arg8[%swap3A_579, %swap3A_580], %swap3A_583 {strides = array<i32>} : memref<8x1024xf32, #tpu.memory_space<vmem>>, vector<1x16xf32>,
        %swap3A_584 = arith.constant 6 : i32
        %swap3A_585 = arith.index_cast %swap3A_584 : i32 to index
        %swap3A_586 = arith.constant 560 : index
        %swap3A_587 = tpu.vector_load %arg8[%swap3A_585, %swap3A_586] {strides = array<i32>} : memref<8x1024xf32, #tpu.memory_space<vmem>>, vector<1x16xf32>,
        %swap3A_588 = vector.shape_cast %swap3A_587 : vector<1x16xf32> to vector<16xf32>
        %swap3A_589 = vector.shape_cast %broadcast_in_dim3A_324 : vector<16xf32> to vector<1x16xf32>
        tpu.vector_store %arg8[%swap3A_585, %swap3A_586], %swap3A_589 {strides = array<i32>} : memref<8x1024xf32, #tpu.memory_space<vmem>>, vector<1x16xf32>,
        %swap3A_590 = arith.constant 6 : i32
        %swap3A_591 = arith.index_cast %swap3A_590 : i32 to index
        %swap3A_592 = arith.constant 576 : index
        %swap3A_593 = tpu.vector_load %arg8[%swap3A_591, %swap3A_592] {strides = array<i32>} : memref<8x1024xf32, #tpu.memory_space<vmem>>, vector<1x16xf32>,
        %swap3A_594 = vector.shape_cast %swap3A_593 : vector<1x16xf32> to vector<16xf32>
        %swap3A_595 = vector.shape_cast %broadcast_in_dim3A_324 : vector<16xf32> to vector<1x16xf32>
        tpu.vector_store %arg8[%swap3A_591, %swap3A_592], %swap3A_595 {strides = array<i32>} : memref<8x1024xf32, #tpu.memory_space<vmem>>, vector<1x16xf32>,
        %swap3A_596 = arith.constant 6 : i32
        %swap3A_597 = arith.index_cast %swap3A_596 : i32 to index
        %swap3A_598 = arith.constant 592 : index
        %swap3A_599 = tpu.vector_load %arg8[%swap3A_597, %swap3A_598] {strides = array<i32>} : memref<8x1024xf32, #tpu.memory_space<vmem>>, vector<1x16xf32>,
        %swap3A_600 = vector.shape_cast %swap3A_599 : vector<1x16xf32> to vector<16xf32>
        %swap3A_601 = vector.shape_cast %broadcast_in_dim3A_324 : vector<16xf32> to vector<1x16xf32>
        tpu.vector_store %arg8[%swap3A_597, %swap3A_598], %swap3A_601 {strides = array<i32>} : memref<8x1024xf32, #tpu.memory_space<vmem>>, vector<1x16xf32>,
        %swap3A_602 = arith.constant 6 : i32
        %swap3A_603 = arith.index_cast %swap3A_602 : i32 to index
        %swap3A_604 = arith.constant 608 : index
        %swap3A_605 = tpu.vector_load %arg8[%swap3A_603, %swap3A_604] {strides = array<i32>} : memref<8x1024xf32, #tpu.memory_space<vmem>>, vector<1x16xf32>,
        %swap3A_606 = vector.shape_cast %swap3A_605 : vector<1x16xf32> to vector<16xf32>
        %swap3A_607 = vector.shape_cast %broadcast_in_dim3A_324 : vector<16xf32> to vector<1x16xf32>
        tpu.vector_store %arg8[%swap3A_603, %swap3A_604], %swap3A_607 {strides = array<i32>} : memref<8x1024xf32, #tpu.memory_space<vmem>>, vector<1x16xf32>,
        %swap3A_608 = arith.constant 6 : i32
        %swap3A_609 = arith.index_cast %swap3A_608 : i32 to index
        %swap3A_610 = arith.constant 624 : index
        %swap3A_611 = tpu.vector_load %arg8[%swap3A_609, %swap3A_610] {strides = array<i32>} : memref<8x1024xf32, #tpu.memory_space<vmem>>, vector<1x16xf32>,
        %swap3A_612 = vector.shape_cast %swap3A_611 : vector<1x16xf32> to vector<16xf32>
        %swap3A_613 = vector.shape_cast %broadcast_in_dim3A_324 : vector<16xf32> to vector<1x16xf32>
        tpu.vector_store %arg8[%swap3A_609, %swap3A_610], %swap3A_613 {strides = array<i32>} : memref<8x1024xf32, #tpu.memory_space<vmem>>, vector<1x16xf32>,
        %swap3A_614 = arith.constant 6 : i32
        %swap3A_615 = arith.index_cast %swap3A_614 : i32 to index
        %swap3A_616 = arith.constant 640 : index
        %swap3A_617 = tpu.vector_load %arg8[%swap3A_615, %swap3A_616] {strides = array<i32>} : memref<8x1024xf32, #tpu.memory_space<vmem>>, vector<1x16xf32>,
        %swap3A_618 = vector.shape_cast %swap3A_617 : vector<1x16xf32> to vector<16xf32>
        %swap3A_619 = vector.shape_cast %broadcast_in_dim3A_324 : vector<16xf32> to vector<1x16xf32>
        tpu.vector_store %arg8[%swap3A_615, %swap3A_616], %swap3A_619 {strides = array<i32>} : memref<8x1024xf32, #tpu.memory_space<vmem>>, vector<1x16xf32>,
        %swap3A_620 = arith.constant 6 : i32
        %swap3A_621 = arith.index_cast %swap3A_620 : i32 to index
        %swap3A_622 = arith.constant 656 : index
        %swap3A_623 = tpu.vector_load %arg8[%swap3A_621, %swap3A_622] {strides = array<i32>} : memref<8x1024xf32, #tpu.memory_space<vmem>>, vector<1x16xf32>,
        %swap3A_624 = vector.shape_cast %swap3A_623 : vector<1x16xf32> to vector<16xf32>
        %swap3A_625 = vector.shape_cast %broadcast_in_dim3A_324 : vector<16xf32> to vector<1x16xf32>
        tpu.vector_store %arg8[%swap3A_621, %swap3A_622], %swap3A_625 {strides = array<i32>} : memref<8x1024xf32, #tpu.memory_space<vmem>>, vector<1x16xf32>,
        %swap3A_626 = arith.constant 6 : i32
        %swap3A_627 = arith.index_cast %swap3A_626 : i32 to index
        %swap3A_628 = arith.constant 672 : index
        %swap3A_629 = tpu.vector_load %arg8[%swap3A_627, %swap3A_628] {strides = array<i32>} : memref<8x1024xf32, #tpu.memory_space<vmem>>, vector<1x16xf32>,
        %swap3A_630 = vector.shape_cast %swap3A_629 : vector<1x16xf32> to vector<16xf32>
        %swap3A_631 = vector.shape_cast %broadcast_in_dim3A_324 : vector<16xf32> to vector<1x16xf32>
        tpu.vector_store %arg8[%swap3A_627, %swap3A_628], %swap3A_631 {strides = array<i32>} : memref<8x1024xf32, #tpu.memory_space<vmem>>, vector<1x16xf32>,
        %swap3A_632 = arith.constant 6 : i32
        %swap3A_633 = arith.index_cast %swap3A_632 : i32 to index
        %swap3A_634 = arith.constant 688 : index
        %swap3A_635 = tpu.vector_load %arg8[%swap3A_633, %swap3A_634] {strides = array<i32>} : memref<8x1024xf32, #tpu.memory_space<vmem>>, vector<1x16xf32>,
        %swap3A_636 = vector.shape_cast %swap3A_635 : vector<1x16xf32> to vector<16xf32>
        %swap3A_637 = vector.shape_cast %broadcast_in_dim3A_324 : vector<16xf32> to vector<1x16xf32>
        tpu.vector_store %arg8[%swap3A_633, %swap3A_634], %swap3A_637 {strides = array<i32>} : memref<8x1024xf32, #tpu.memory_space<vmem>>, vector<1x16xf32>,
        %swap3A_638 = arith.constant 6 : i32
        %swap3A_639 = arith.index_cast %swap3A_638 : i32 to index
        %swap3A_640 = arith.constant 704 : index
        %swap3A_641 = tpu.vector_load %arg8[%swap3A_639, %swap3A_640] {strides = array<i32>} : memref<8x1024xf32, #tpu.memory_space<vmem>>, vector<1x16xf32>,
        %swap3A_642 = vector.shape_cast %swap3A_641 : vector<1x16xf32> to vector<16xf32>
        %swap3A_643 = vector.shape_cast %broadcast_in_dim3A_324 : vector<16xf32> to vector<1x16xf32>
        tpu.vector_store %arg8[%swap3A_639, %swap3A_640], %swap3A_643 {strides = array<i32>} : memref<8x1024xf32, #tpu.memory_space<vmem>>, vector<1x16xf32>,
        %swap3A_644 = arith.constant 6 : i32
        %swap3A_645 = arith.index_cast %swap3A_644 : i32 to index
        %swap3A_646 = arith.constant 720 : index
        %swap3A_647 = tpu.vector_load %arg8[%swap3A_645, %swap3A_646] {strides = array<i32>} : memref<8x1024xf32, #tpu.memory_space<vmem>>, vector<1x16xf32>,
        %swap3A_648 = vector.shape_cast %swap3A_647 : vector<1x16xf32> to vector<16xf32>
        %swap3A_649 = vector.shape_cast %broadcast_in_dim3A_324 : vector<16xf32> to vector<1x16xf32>
        tpu.vector_store %arg8[%swap3A_645, %swap3A_646], %swap3A_649 {strides = array<i32>} : memref<8x1024xf32, #tpu.memory_space<vmem>>, vector<1x16xf32>,
        %swap3A_650 = arith.constant 6 : i32
        %swap3A_651 = arith.index_cast %swap3A_650 : i32 to index
        %swap3A_652 = arith.constant 736 : index
        %swap3A_653 = tpu.vector_load %arg8[%swap3A_651, %swap3A_652] {strides = array<i32>} : memref<8x1024xf32, #tpu.memory_space<vmem>>, vector<1x16xf32>,
        %swap3A_654 = vector.shape_cast %swap3A_653 : vector<1x16xf32> to vector<16xf32>
        %swap3A_655 = vector.shape_cast %broadcast_in_dim3A_324 : vector<16xf32> to vector<1x16xf32>
        tpu.vector_store %arg8[%swap3A_651, %swap3A_652], %swap3A_655 {strides = array<i32>} : memref<8x1024xf32, #tpu.memory_space<vmem>>, vector<1x16xf32>,
        %swap3A_656 = arith.constant 6 : i32
        %swap3A_657 = arith.index_cast %swap3A_656 : i32 to index
        %swap3A_658 = arith.constant 752 : index
        %swap3A_659 = tpu.vector_load %arg8[%swap3A_657, %swap3A_658] {strides = array<i32>} : memref<8x1024xf32, #tpu.memory_space<vmem>>, vector<1x16xf32>,
        %swap3A_660 = vector.shape_cast %swap3A_659 : vector<1x16xf32> to vector<16xf32>
        %swap3A_661 = vector.shape_cast %broadcast_in_dim3A_324 : vector<16xf32> to vector<1x16xf32>
        tpu.vector_store %arg8[%swap3A_657, %swap3A_658], %swap3A_661 {strides = array<i32>} : memref<8x1024xf32, #tpu.memory_space<vmem>>, vector<1x16xf32>,
        %swap3A_662 = arith.constant 6 : i32
        %swap3A_663 = arith.index_cast %swap3A_662 : i32 to index
        %swap3A_664 = arith.constant 768 : index
        %swap3A_665 = tpu.vector_load %arg8[%swap3A_663, %swap3A_664] {strides = array<i32>} : memref<8x1024xf32, #tpu.memory_space<vmem>>, vector<1x16xf32>,
        %swap3A_666 = vector.shape_cast %swap3A_665 : vector<1x16xf32> to vector<16xf32>
        %swap3A_667 = vector.shape_cast %broadcast_in_dim3A_324 : vector<16xf32> to vector<1x16xf32>
        tpu.vector_store %arg8[%swap3A_663, %swap3A_664], %swap3A_667 {strides = array<i32>} : memref<8x1024xf32, #tpu.memory_space<vmem>>, vector<1x16xf32>,
        %swap3A_668 = arith.constant 6 : i32
        %swap3A_669 = arith.index_cast %swap3A_668 : i32 to index
        %swap3A_670 = arith.constant 784 : index
        %swap3A_671 = tpu.vector_load %arg8[%swap3A_669, %swap3A_670] {strides = array<i32>} : memref<8x1024xf32, #tpu.memory_space<vmem>>, vector<1x16xf32>,
        %swap3A_672 = vector.shape_cast %swap3A_671 : vector<1x16xf32> to vector<16xf32>
        %swap3A_673 = vector.shape_cast %broadcast_in_dim3A_324 : vector<16xf32> to vector<1x16xf32>
        tpu.vector_store %arg8[%swap3A_669, %swap3A_670], %swap3A_673 {strides = array<i32>} : memref<8x1024xf32, #tpu.memory_space<vmem>>, vector<1x16xf32>,
        %swap3A_674 = arith.constant 6 : i32
        %swap3A_675 = arith.index_cast %swap3A_674 : i32 to index
        %swap3A_676 = arith.constant 800 : index
        %swap3A_677 = tpu.vector_load %arg8[%swap3A_675, %swap3A_676] {strides = array<i32>} : memref<8x1024xf32, #tpu.memory_space<vmem>>, vector<1x16xf32>,
        %swap3A_678 = vector.shape_cast %swap3A_677 : vector<1x16xf32> to vector<16xf32>
        %swap3A_679 = vector.shape_cast %broadcast_in_dim3A_324 : vector<16xf32> to vector<1x16xf32>
        tpu.vector_store %arg8[%swap3A_675, %swap3A_676], %swap3A_679 {strides = array<i32>} : memref<8x1024xf32, #tpu.memory_space<vmem>>, vector<1x16xf32>,
        %swap3A_680 = arith.constant 6 : i32
        %swap3A_681 = arith.index_cast %swap3A_680 : i32 to index
        %swap3A_682 = arith.constant 816 : index
        %swap3A_683 = tpu.vector_load %arg8[%swap3A_681, %swap3A_682] {strides = array<i32>} : memref<8x1024xf32, #tpu.memory_space<vmem>>, vector<1x16xf32>,
        %swap3A_684 = vector.shape_cast %swap3A_683 : vector<1x16xf32> to vector<16xf32>
        %swap3A_685 = vector.shape_cast %broadcast_in_dim3A_324 : vector<16xf32> to vector<1x16xf32>
        tpu.vector_store %arg8[%swap3A_681, %swap3A_682], %swap3A_685 {strides = array<i32>} : memref<8x1024xf32, #tpu.memory_space<vmem>>, vector<1x16xf32>,
        %swap3A_686 = arith.constant 6 : i32
        %swap3A_687 = arith.index_cast %swap3A_686 : i32 to index
        %swap3A_688 = arith.constant 832 : index
        %swap3A_689 = tpu.vector_load %arg8[%swap3A_687, %swap3A_688] {strides = array<i32>} : memref<8x1024xf32, #tpu.memory_space<vmem>>, vector<1x16xf32>,
        %swap3A_690 = vector.shape_cast %swap3A_689 : vector<1x16xf32> to vector<16xf32>
        %swap3A_691 = vector.shape_cast %broadcast_in_dim3A_324 : vector<16xf32> to vector<1x16xf32>
        tpu.vector_store %arg8[%swap3A_687, %swap3A_688], %swap3A_691 {strides = array<i32>} : memref<8x1024xf32, #tpu.memory_space<vmem>>, vector<1x16xf32>,
        %swap3A_692 = arith.constant 6 : i32
        %swap3A_693 = arith.index_cast %swap3A_692 : i32 to index
        %swap3A_694 = arith.constant 848 : index
        %swap3A_695 = tpu.vector_load %arg8[%swap3A_693, %swap3A_694] {strides = array<i32>} : memref<8x1024xf32, #tpu.memory_space<vmem>>, vector<1x16xf32>,
        %swap3A_696 = vector.shape_cast %swap3A_695 : vector<1x16xf32> to vector<16xf32>
        %swap3A_697 = vector.shape_cast %broadcast_in_dim3A_324 : vector<16xf32> to vector<1x16xf32>
        tpu.vector_store %arg8[%swap3A_693, %swap3A_694], %swap3A_697 {strides = array<i32>} : memref<8x1024xf32, #tpu.memory_space<vmem>>, vector<1x16xf32>,
        %swap3A_698 = arith.constant 6 : i32
        %swap3A_699 = arith.index_cast %swap3A_698 : i32 to index
        %swap3A_700 = arith.constant 864 : index
        %swap3A_701 = tpu.vector_load %arg8[%swap3A_699, %swap3A_700] {strides = array<i32>} : memref<8x1024xf32, #tpu.memory_space<vmem>>, vector<1x16xf32>,
        %swap3A_702 = vector.shape_cast %swap3A_701 : vector<1x16xf32> to vector<16xf32>
        %swap3A_703 = vector.shape_cast %broadcast_in_dim3A_324 : vector<16xf32> to vector<1x16xf32>
        tpu.vector_store %arg8[%swap3A_699, %swap3A_700], %swap3A_703 {strides = array<i32>} : memref<8x1024xf32, #tpu.memory_space<vmem>>, vector<1x16xf32>,
        %swap3A_704 = arith.constant 6 : i32
        %swap3A_705 = arith.index_cast %swap3A_704 : i32 to index
        %swap3A_706 = arith.constant 880 : index
        %swap3A_707 = tpu.vector_load %arg8[%swap3A_705, %swap3A_706] {strides = array<i32>} : memref<8x1024xf32, #tpu.memory_space<vmem>>, vector<1x16xf32>,
        %swap3A_708 = vector.shape_cast %swap3A_707 : vector<1x16xf32> to vector<16xf32>
        %swap3A_709 = vector.shape_cast %broadcast_in_dim3A_324 : vector<16xf32> to vector<1x16xf32>
        tpu.vector_store %arg8[%swap3A_705, %swap3A_706], %swap3A_709 {strides = array<i32>} : memref<8x1024xf32, #tpu.memory_space<vmem>>, vector<1x16xf32>,
        %swap3A_710 = arith.constant 6 : i32
        %swap3A_711 = arith.index_cast %swap3A_710 : i32 to index
        %swap3A_712 = arith.constant 896 : index
        %swap3A_713 = tpu.vector_load %arg8[%swap3A_711, %swap3A_712] {strides = array<i32>} : memref<8x1024xf32, #tpu.memory_space<vmem>>, vector<1x16xf32>,
        %swap3A_714 = vector.shape_cast %swap3A_713 : vector<1x16xf32> to vector<16xf32>
        %swap3A_715 = vector.shape_cast %broadcast_in_dim3A_324 : vector<16xf32> to vector<1x16xf32>
        tpu.vector_store %arg8[%swap3A_711, %swap3A_712], %swap3A_715 {strides = array<i32>} : memref<8x1024xf32, #tpu.memory_space<vmem>>, vector<1x16xf32>,
        %swap3A_716 = arith.constant 6 : i32
        %swap3A_717 = arith.index_cast %swap3A_716 : i32 to index
        %swap3A_718 = arith.constant 912 : index
        %swap3A_719 = tpu.vector_load %arg8[%swap3A_717, %swap3A_718] {strides = array<i32>} : memref<8x1024xf32, #tpu.memory_space<vmem>>, vector<1x16xf32>,
        %swap3A_720 = vector.shape_cast %swap3A_719 : vector<1x16xf32> to vector<16xf32>
        %swap3A_721 = vector.shape_cast %broadcast_in_dim3A_324 : vector<16xf32> to vector<1x16xf32>
        tpu.vector_store %arg8[%swap3A_717, %swap3A_718], %swap3A_721 {strides = array<i32>} : memref<8x1024xf32, #tpu.memory_space<vmem>>, vector<1x16xf32>,
        %swap3A_722 = arith.constant 6 : i32
        %swap3A_723 = arith.index_cast %swap3A_722 : i32 to index
        %swap3A_724 = arith.constant 928 : index
        %swap3A_725 = tpu.vector_load %arg8[%swap3A_723, %swap3A_724] {strides = array<i32>} : memref<8x1024xf32, #tpu.memory_space<vmem>>, vector<1x16xf32>,
        %swap3A_726 = vector.shape_cast %swap3A_725 : vector<1x16xf32> to vector<16xf32>
        %swap3A_727 = vector.shape_cast %broadcast_in_dim3A_324 : vector<16xf32> to vector<1x16xf32>
        tpu.vector_store %arg8[%swap3A_723, %swap3A_724], %swap3A_727 {strides = array<i32>} : memref<8x1024xf32, #tpu.memory_space<vmem>>, vector<1x16xf32>,
        %swap3A_728 = arith.constant 6 : i32
        %swap3A_729 = arith.index_cast %swap3A_728 : i32 to index
        %swap3A_730 = arith.constant 944 : index
        %swap3A_731 = tpu.vector_load %arg8[%swap3A_729, %swap3A_730] {strides = array<i32>} : memref<8x1024xf32, #tpu.memory_space<vmem>>, vector<1x16xf32>,
        %swap3A_732 = vector.shape_cast %swap3A_731 : vector<1x16xf32> to vector<16xf32>
        %swap3A_733 = vector.shape_cast %broadcast_in_dim3A_324 : vector<16xf32> to vector<1x16xf32>
        tpu.vector_store %arg8[%swap3A_729, %swap3A_730], %swap3A_733 {strides = array<i32>} : memref<8x1024xf32, #tpu.memory_space<vmem>>, vector<1x16xf32>,
        %swap3A_734 = arith.constant 6 : i32
        %swap3A_735 = arith.index_cast %swap3A_734 : i32 to index
        %swap3A_736 = arith.constant 960 : index
        %swap3A_737 = tpu.vector_load %arg8[%swap3A_735, %swap3A_736] {strides = array<i32>} : memref<8x1024xf32, #tpu.memory_space<vmem>>, vector<1x16xf32>,
        %swap3A_738 = vector.shape_cast %swap3A_737 : vector<1x16xf32> to vector<16xf32>
        %swap3A_739 = vector.shape_cast %broadcast_in_dim3A_324 : vector<16xf32> to vector<1x16xf32>
        tpu.vector_store %arg8[%swap3A_735, %swap3A_736], %swap3A_739 {strides = array<i32>} : memref<8x1024xf32, #tpu.memory_space<vmem>>, vector<1x16xf32>,
        %swap3A_740 = arith.constant 6 : i32
        %swap3A_741 = arith.index_cast %swap3A_740 : i32 to index
        %swap3A_742 = arith.constant 976 : index
        %swap3A_743 = tpu.vector_load %arg8[%swap3A_741, %swap3A_742] {strides = array<i32>} : memref<8x1024xf32, #tpu.memory_space<vmem>>, vector<1x16xf32>,
        %swap3A_744 = vector.shape_cast %swap3A_743 : vector<1x16xf32> to vector<16xf32>
        %swap3A_745 = vector.shape_cast %broadcast_in_dim3A_324 : vector<16xf32> to vector<1x16xf32>
        tpu.vector_store %arg8[%swap3A_741, %swap3A_742], %swap3A_745 {strides = array<i32>} : memref<8x1024xf32, #tpu.memory_space<vmem>>, vector<1x16xf32>,
        %swap3A_746 = arith.constant 6 : i32
        %swap3A_747 = arith.index_cast %swap3A_746 : i32 to index
        %swap3A_748 = arith.constant 992 : index
        %swap3A_749 = tpu.vector_load %arg8[%swap3A_747, %swap3A_748] {strides = array<i32>} : memref<8x1024xf32, #tpu.memory_space<vmem>>, vector<1x16xf32>,
        %swap3A_750 = vector.shape_cast %swap3A_749 : vector<1x16xf32> to vector<16xf32>
        %swap3A_751 = vector.shape_cast %broadcast_in_dim3A_324 : vector<16xf32> to vector<1x16xf32>
        tpu.vector_store %arg8[%swap3A_747, %swap3A_748], %swap3A_751 {strides = array<i32>} : memref<8x1024xf32, #tpu.memory_space<vmem>>, vector<1x16xf32>,
        %swap3A_752 = arith.constant 6 : i32
        %swap3A_753 = arith.index_cast %swap3A_752 : i32 to index
        %swap3A_754 = arith.constant 1008 : index
        %swap3A_755 = tpu.vector_load %arg8[%swap3A_753, %swap3A_754] {strides = array<i32>} : memref<8x1024xf32, #tpu.memory_space<vmem>>, vector<1x16xf32>,
        %swap3A_756 = vector.shape_cast %swap3A_755 : vector<1x16xf32> to vector<16xf32>
        %swap3A_757 = vector.shape_cast %select_n3A_332 : vector<16xf32> to vector<1x16xf32>
        tpu.vector_store %arg8[%swap3A_753, %swap3A_754], %swap3A_757 {strides = array<i32>} : memref<8x1024xf32, #tpu.memory_space<vmem>>, vector<1x16xf32>,
      } else {
      }
      %le3A_362 = arith.constant 7 : i32
      %le3A_363 = arith.cmpi sle, %select_n3A_83, %le3A_362 : i32
      %convert_element_type3A_364 = arith.extui %le3A_363 : i1 to i32
      %cond3A_365 = arith.constant 0 : i32
      %cond3A_366 = arith.cmpi ne, %convert_element_type3A_364, %cond3A_365 : i32
      scf.if %cond3A_366 {
        %swap3A = arith.constant 7 : i32
        %swap3A_375 = arith.index_cast %swap3A : i32 to index
        %swap3A_376 = arith.constant 0 : index
        %swap3A_377 = tpu.vector_load %arg8[%swap3A_375, %swap3A_376] {strides = array<i32>} : memref<8x1024xf32, #tpu.memory_space<vmem>>, vector<1x16xf32>,
        %swap3A_378 = vector.shape_cast %swap3A_377 : vector<1x16xf32> to vector<16xf32>
        %swap3A_379 = vector.shape_cast %broadcast_in_dim3A_324 : vector<16xf32> to vector<1x16xf32>
        tpu.vector_store %arg8[%swap3A_375, %swap3A_376], %swap3A_379 {strides = array<i32>} : memref<8x1024xf32, #tpu.memory_space<vmem>>, vector<1x16xf32>,
        %swap3A_380 = arith.constant 7 : i32
        %swap3A_381 = arith.index_cast %swap3A_380 : i32 to index
        %swap3A_382 = arith.constant 16 : index
        %swap3A_383 = tpu.vector_load %arg8[%swap3A_381, %swap3A_382] {strides = array<i32>} : memref<8x1024xf32, #tpu.memory_space<vmem>>, vector<1x16xf32>,
        %swap3A_384 = vector.shape_cast %swap3A_383 : vector<1x16xf32> to vector<16xf32>
        %swap3A_385 = vector.shape_cast %broadcast_in_dim3A_324 : vector<16xf32> to vector<1x16xf32>
        tpu.vector_store %arg8[%swap3A_381, %swap3A_382], %swap3A_385 {strides = array<i32>} : memref<8x1024xf32, #tpu.memory_space<vmem>>, vector<1x16xf32>,
        %swap3A_386 = arith.constant 7 : i32
        %swap3A_387 = arith.index_cast %swap3A_386 : i32 to index
        %swap3A_388 = arith.constant 32 : index
        %swap3A_389 = tpu.vector_load %arg8[%swap3A_387, %swap3A_388] {strides = array<i32>} : memref<8x1024xf32, #tpu.memory_space<vmem>>, vector<1x16xf32>,
        %swap3A_390 = vector.shape_cast %swap3A_389 : vector<1x16xf32> to vector<16xf32>
        %swap3A_391 = vector.shape_cast %broadcast_in_dim3A_324 : vector<16xf32> to vector<1x16xf32>
        tpu.vector_store %arg8[%swap3A_387, %swap3A_388], %swap3A_391 {strides = array<i32>} : memref<8x1024xf32, #tpu.memory_space<vmem>>, vector<1x16xf32>,
        %swap3A_392 = arith.constant 7 : i32
        %swap3A_393 = arith.index_cast %swap3A_392 : i32 to index
        %swap3A_394 = arith.constant 48 : index
        %swap3A_395 = tpu.vector_load %arg8[%swap3A_393, %swap3A_394] {strides = array<i32>} : memref<8x1024xf32, #tpu.memory_space<vmem>>, vector<1x16xf32>,
        %swap3A_396 = vector.shape_cast %swap3A_395 : vector<1x16xf32> to vector<16xf32>
        %swap3A_397 = vector.shape_cast %broadcast_in_dim3A_324 : vector<16xf32> to vector<1x16xf32>
        tpu.vector_store %arg8[%swap3A_393, %swap3A_394], %swap3A_397 {strides = array<i32>} : memref<8x1024xf32, #tpu.memory_space<vmem>>, vector<1x16xf32>,
        %swap3A_398 = arith.constant 7 : i32
        %swap3A_399 = arith.index_cast %swap3A_398 : i32 to index
        %swap3A_400 = arith.constant 64 : index
        %swap3A_401 = tpu.vector_load %arg8[%swap3A_399, %swap3A_400] {strides = array<i32>} : memref<8x1024xf32, #tpu.memory_space<vmem>>, vector<1x16xf32>,
        %swap3A_402 = vector.shape_cast %swap3A_401 : vector<1x16xf32> to vector<16xf32>
        %swap3A_403 = vector.shape_cast %broadcast_in_dim3A_324 : vector<16xf32> to vector<1x16xf32>
        tpu.vector_store %arg8[%swap3A_399, %swap3A_400], %swap3A_403 {strides = array<i32>} : memref<8x1024xf32, #tpu.memory_space<vmem>>, vector<1x16xf32>,
        %swap3A_404 = arith.constant 7 : i32
        %swap3A_405 = arith.index_cast %swap3A_404 : i32 to index
        %swap3A_406 = arith.constant 80 : index
        %swap3A_407 = tpu.vector_load %arg8[%swap3A_405, %swap3A_406] {strides = array<i32>} : memref<8x1024xf32, #tpu.memory_space<vmem>>, vector<1x16xf32>,
        %swap3A_408 = vector.shape_cast %swap3A_407 : vector<1x16xf32> to vector<16xf32>
        %swap3A_409 = vector.shape_cast %broadcast_in_dim3A_324 : vector<16xf32> to vector<1x16xf32>
        tpu.vector_store %arg8[%swap3A_405, %swap3A_406], %swap3A_409 {strides = array<i32>} : memref<8x1024xf32, #tpu.memory_space<vmem>>, vector<1x16xf32>,
        %swap3A_410 = arith.constant 7 : i32
        %swap3A_411 = arith.index_cast %swap3A_410 : i32 to index
        %swap3A_412 = arith.constant 96 : index
        %swap3A_413 = tpu.vector_load %arg8[%swap3A_411, %swap3A_412] {strides = array<i32>} : memref<8x1024xf32, #tpu.memory_space<vmem>>, vector<1x16xf32>,
        %swap3A_414 = vector.shape_cast %swap3A_413 : vector<1x16xf32> to vector<16xf32>
        %swap3A_415 = vector.shape_cast %broadcast_in_dim3A_324 : vector<16xf32> to vector<1x16xf32>
        tpu.vector_store %arg8[%swap3A_411, %swap3A_412], %swap3A_415 {strides = array<i32>} : memref<8x1024xf32, #tpu.memory_space<vmem>>, vector<1x16xf32>,
        %swap3A_416 = arith.constant 7 : i32
        %swap3A_417 = arith.index_cast %swap3A_416 : i32 to index
        %swap3A_418 = arith.constant 112 : index
        %swap3A_419 = tpu.vector_load %arg8[%swap3A_417, %swap3A_418] {strides = array<i32>} : memref<8x1024xf32, #tpu.memory_space<vmem>>, vector<1x16xf32>,
        %swap3A_420 = vector.shape_cast %swap3A_419 : vector<1x16xf32> to vector<16xf32>
        %swap3A_421 = vector.shape_cast %broadcast_in_dim3A_324 : vector<16xf32> to vector<1x16xf32>
        tpu.vector_store %arg8[%swap3A_417, %swap3A_418], %swap3A_421 {strides = array<i32>} : memref<8x1024xf32, #tpu.memory_space<vmem>>, vector<1x16xf32>,
        %swap3A_422 = arith.constant 7 : i32
        %swap3A_423 = arith.index_cast %swap3A_422 : i32 to index
        %swap3A_424 = arith.constant 128 : index
        %swap3A_425 = tpu.vector_load %arg8[%swap3A_423, %swap3A_424] {strides = array<i32>} : memref<8x1024xf32, #tpu.memory_space<vmem>>, vector<1x16xf32>,
        %swap3A_426 = vector.shape_cast %swap3A_425 : vector<1x16xf32> to vector<16xf32>
        %swap3A_427 = vector.shape_cast %broadcast_in_dim3A_324 : vector<16xf32> to vector<1x16xf32>
        tpu.vector_store %arg8[%swap3A_423, %swap3A_424], %swap3A_427 {strides = array<i32>} : memref<8x1024xf32, #tpu.memory_space<vmem>>, vector<1x16xf32>,
        %swap3A_428 = arith.constant 7 : i32
        %swap3A_429 = arith.index_cast %swap3A_428 : i32 to index
        %swap3A_430 = arith.constant 144 : index
        %swap3A_431 = tpu.vector_load %arg8[%swap3A_429, %swap3A_430] {strides = array<i32>} : memref<8x1024xf32, #tpu.memory_space<vmem>>, vector<1x16xf32>,
        %swap3A_432 = vector.shape_cast %swap3A_431 : vector<1x16xf32> to vector<16xf32>
        %swap3A_433 = vector.shape_cast %broadcast_in_dim3A_324 : vector<16xf32> to vector<1x16xf32>
        tpu.vector_store %arg8[%swap3A_429, %swap3A_430], %swap3A_433 {strides = array<i32>} : memref<8x1024xf32, #tpu.memory_space<vmem>>, vector<1x16xf32>,
        %swap3A_434 = arith.constant 7 : i32
        %swap3A_435 = arith.index_cast %swap3A_434 : i32 to index
        %swap3A_436 = arith.constant 160 : index
        %swap3A_437 = tpu.vector_load %arg8[%swap3A_435, %swap3A_436] {strides = array<i32>} : memref<8x1024xf32, #tpu.memory_space<vmem>>, vector<1x16xf32>,
        %swap3A_438 = vector.shape_cast %swap3A_437 : vector<1x16xf32> to vector<16xf32>
        %swap3A_439 = vector.shape_cast %broadcast_in_dim3A_324 : vector<16xf32> to vector<1x16xf32>
        tpu.vector_store %arg8[%swap3A_435, %swap3A_436], %swap3A_439 {strides = array<i32>} : memref<8x1024xf32, #tpu.memory_space<vmem>>, vector<1x16xf32>,
        %swap3A_440 = arith.constant 7 : i32
        %swap3A_441 = arith.index_cast %swap3A_440 : i32 to index
        %swap3A_442 = arith.constant 176 : index
        %swap3A_443 = tpu.vector_load %arg8[%swap3A_441, %swap3A_442] {strides = array<i32>} : memref<8x1024xf32, #tpu.memory_space<vmem>>, vector<1x16xf32>,
        %swap3A_444 = vector.shape_cast %swap3A_443 : vector<1x16xf32> to vector<16xf32>
        %swap3A_445 = vector.shape_cast %broadcast_in_dim3A_324 : vector<16xf32> to vector<1x16xf32>
        tpu.vector_store %arg8[%swap3A_441, %swap3A_442], %swap3A_445 {strides = array<i32>} : memref<8x1024xf32, #tpu.memory_space<vmem>>, vector<1x16xf32>,
        %swap3A_446 = arith.constant 7 : i32
        %swap3A_447 = arith.index_cast %swap3A_446 : i32 to index
        %swap3A_448 = arith.constant 192 : index
        %swap3A_449 = tpu.vector_load %arg8[%swap3A_447, %swap3A_448] {strides = array<i32>} : memref<8x1024xf32, #tpu.memory_space<vmem>>, vector<1x16xf32>,
        %swap3A_450 = vector.shape_cast %swap3A_449 : vector<1x16xf32> to vector<16xf32>
        %swap3A_451 = vector.shape_cast %broadcast_in_dim3A_324 : vector<16xf32> to vector<1x16xf32>
        tpu.vector_store %arg8[%swap3A_447, %swap3A_448], %swap3A_451 {strides = array<i32>} : memref<8x1024xf32, #tpu.memory_space<vmem>>, vector<1x16xf32>,
        %swap3A_452 = arith.constant 7 : i32
        %swap3A_453 = arith.index_cast %swap3A_452 : i32 to index
        %swap3A_454 = arith.constant 208 : index
        %swap3A_455 = tpu.vector_load %arg8[%swap3A_453, %swap3A_454] {strides = array<i32>} : memref<8x1024xf32, #tpu.memory_space<vmem>>, vector<1x16xf32>,
        %swap3A_456 = vector.shape_cast %swap3A_455 : vector<1x16xf32> to vector<16xf32>
        %swap3A_457 = vector.shape_cast %broadcast_in_dim3A_324 : vector<16xf32> to vector<1x16xf32>
        tpu.vector_store %arg8[%swap3A_453, %swap3A_454], %swap3A_457 {strides = array<i32>} : memref<8x1024xf32, #tpu.memory_space<vmem>>, vector<1x16xf32>,
        %swap3A_458 = arith.constant 7 : i32
        %swap3A_459 = arith.index_cast %swap3A_458 : i32 to index
        %swap3A_460 = arith.constant 224 : index
        %swap3A_461 = tpu.vector_load %arg8[%swap3A_459, %swap3A_460] {strides = array<i32>} : memref<8x1024xf32, #tpu.memory_space<vmem>>, vector<1x16xf32>,
        %swap3A_462 = vector.shape_cast %swap3A_461 : vector<1x16xf32> to vector<16xf32>
        %swap3A_463 = vector.shape_cast %broadcast_in_dim3A_324 : vector<16xf32> to vector<1x16xf32>
        tpu.vector_store %arg8[%swap3A_459, %swap3A_460], %swap3A_463 {strides = array<i32>} : memref<8x1024xf32, #tpu.memory_space<vmem>>, vector<1x16xf32>,
        %swap3A_464 = arith.constant 7 : i32
        %swap3A_465 = arith.index_cast %swap3A_464 : i32 to index
        %swap3A_466 = arith.constant 240 : index
        %swap3A_467 = tpu.vector_load %arg8[%swap3A_465, %swap3A_466] {strides = array<i32>} : memref<8x1024xf32, #tpu.memory_space<vmem>>, vector<1x16xf32>,
        %swap3A_468 = vector.shape_cast %swap3A_467 : vector<1x16xf32> to vector<16xf32>
        %swap3A_469 = vector.shape_cast %broadcast_in_dim3A_324 : vector<16xf32> to vector<1x16xf32>
        tpu.vector_store %arg8[%swap3A_465, %swap3A_466], %swap3A_469 {strides = array<i32>} : memref<8x1024xf32, #tpu.memory_space<vmem>>, vector<1x16xf32>,
        %swap3A_470 = arith.constant 7 : i32
        %swap3A_471 = arith.index_cast %swap3A_470 : i32 to index
        %swap3A_472 = arith.constant 256 : index
        %swap3A_473 = tpu.vector_load %arg8[%swap3A_471, %swap3A_472] {strides = array<i32>} : memref<8x1024xf32, #tpu.memory_space<vmem>>, vector<1x16xf32>,
        %swap3A_474 = vector.shape_cast %swap3A_473 : vector<1x16xf32> to vector<16xf32>
        %swap3A_475 = vector.shape_cast %broadcast_in_dim3A_324 : vector<16xf32> to vector<1x16xf32>
        tpu.vector_store %arg8[%swap3A_471, %swap3A_472], %swap3A_475 {strides = array<i32>} : memref<8x1024xf32, #tpu.memory_space<vmem>>, vector<1x16xf32>,
        %swap3A_476 = arith.constant 7 : i32
        %swap3A_477 = arith.index_cast %swap3A_476 : i32 to index
        %swap3A_478 = arith.constant 272 : index
        %swap3A_479 = tpu.vector_load %arg8[%swap3A_477, %swap3A_478] {strides = array<i32>} : memref<8x1024xf32, #tpu.memory_space<vmem>>, vector<1x16xf32>,
        %swap3A_480 = vector.shape_cast %swap3A_479 : vector<1x16xf32> to vector<16xf32>
        %swap3A_481 = vector.shape_cast %broadcast_in_dim3A_324 : vector<16xf32> to vector<1x16xf32>
        tpu.vector_store %arg8[%swap3A_477, %swap3A_478], %swap3A_481 {strides = array<i32>} : memref<8x1024xf32, #tpu.memory_space<vmem>>, vector<1x16xf32>,
        %swap3A_482 = arith.constant 7 : i32
        %swap3A_483 = arith.index_cast %swap3A_482 : i32 to index
        %swap3A_484 = arith.constant 288 : index
        %swap3A_485 = tpu.vector_load %arg8[%swap3A_483, %swap3A_484] {strides = array<i32>} : memref<8x1024xf32, #tpu.memory_space<vmem>>, vector<1x16xf32>,
        %swap3A_486 = vector.shape_cast %swap3A_485 : vector<1x16xf32> to vector<16xf32>
        %swap3A_487 = vector.shape_cast %broadcast_in_dim3A_324 : vector<16xf32> to vector<1x16xf32>
        tpu.vector_store %arg8[%swap3A_483, %swap3A_484], %swap3A_487 {strides = array<i32>} : memref<8x1024xf32, #tpu.memory_space<vmem>>, vector<1x16xf32>,
        %swap3A_488 = arith.constant 7 : i32
        %swap3A_489 = arith.index_cast %swap3A_488 : i32 to index
        %swap3A_490 = arith.constant 304 : index
        %swap3A_491 = tpu.vector_load %arg8[%swap3A_489, %swap3A_490] {strides = array<i32>} : memref<8x1024xf32, #tpu.memory_space<vmem>>, vector<1x16xf32>,
        %swap3A_492 = vector.shape_cast %swap3A_491 : vector<1x16xf32> to vector<16xf32>
        %swap3A_493 = vector.shape_cast %broadcast_in_dim3A_324 : vector<16xf32> to vector<1x16xf32>
        tpu.vector_store %arg8[%swap3A_489, %swap3A_490], %swap3A_493 {strides = array<i32>} : memref<8x1024xf32, #tpu.memory_space<vmem>>, vector<1x16xf32>,
        %swap3A_494 = arith.constant 7 : i32
        %swap3A_495 = arith.index_cast %swap3A_494 : i32 to index
        %swap3A_496 = arith.constant 320 : index
        %swap3A_497 = tpu.vector_load %arg8[%swap3A_495, %swap3A_496] {strides = array<i32>} : memref<8x1024xf32, #tpu.memory_space<vmem>>, vector<1x16xf32>,
        %swap3A_498 = vector.shape_cast %swap3A_497 : vector<1x16xf32> to vector<16xf32>
        %swap3A_499 = vector.shape_cast %broadcast_in_dim3A_324 : vector<16xf32> to vector<1x16xf32>
        tpu.vector_store %arg8[%swap3A_495, %swap3A_496], %swap3A_499 {strides = array<i32>} : memref<8x1024xf32, #tpu.memory_space<vmem>>, vector<1x16xf32>,
        %swap3A_500 = arith.constant 7 : i32
        %swap3A_501 = arith.index_cast %swap3A_500 : i32 to index
        %swap3A_502 = arith.constant 336 : index
        %swap3A_503 = tpu.vector_load %arg8[%swap3A_501, %swap3A_502] {strides = array<i32>} : memref<8x1024xf32, #tpu.memory_space<vmem>>, vector<1x16xf32>,
        %swap3A_504 = vector.shape_cast %swap3A_503 : vector<1x16xf32> to vector<16xf32>
        %swap3A_505 = vector.shape_cast %broadcast_in_dim3A_324 : vector<16xf32> to vector<1x16xf32>
        tpu.vector_store %arg8[%swap3A_501, %swap3A_502], %swap3A_505 {strides = array<i32>} : memref<8x1024xf32, #tpu.memory_space<vmem>>, vector<1x16xf32>,
        %swap3A_506 = arith.constant 7 : i32
        %swap3A_507 = arith.index_cast %swap3A_506 : i32 to index
        %swap3A_508 = arith.constant 352 : index
        %swap3A_509 = tpu.vector_load %arg8[%swap3A_507, %swap3A_508] {strides = array<i32>} : memref<8x1024xf32, #tpu.memory_space<vmem>>, vector<1x16xf32>,
        %swap3A_510 = vector.shape_cast %swap3A_509 : vector<1x16xf32> to vector<16xf32>
        %swap3A_511 = vector.shape_cast %broadcast_in_dim3A_324 : vector<16xf32> to vector<1x16xf32>
        tpu.vector_store %arg8[%swap3A_507, %swap3A_508], %swap3A_511 {strides = array<i32>} : memref<8x1024xf32, #tpu.memory_space<vmem>>, vector<1x16xf32>,
        %swap3A_512 = arith.constant 7 : i32
        %swap3A_513 = arith.index_cast %swap3A_512 : i32 to index
        %swap3A_514 = arith.constant 368 : index
        %swap3A_515 = tpu.vector_load %arg8[%swap3A_513, %swap3A_514] {strides = array<i32>} : memref<8x1024xf32, #tpu.memory_space<vmem>>, vector<1x16xf32>,
        %swap3A_516 = vector.shape_cast %swap3A_515 : vector<1x16xf32> to vector<16xf32>
        %swap3A_517 = vector.shape_cast %broadcast_in_dim3A_324 : vector<16xf32> to vector<1x16xf32>
        tpu.vector_store %arg8[%swap3A_513, %swap3A_514], %swap3A_517 {strides = array<i32>} : memref<8x1024xf32, #tpu.memory_space<vmem>>, vector<1x16xf32>,
        %swap3A_518 = arith.constant 7 : i32
        %swap3A_519 = arith.index_cast %swap3A_518 : i32 to index
        %swap3A_520 = arith.constant 384 : index
        %swap3A_521 = tpu.vector_load %arg8[%swap3A_519, %swap3A_520] {strides = array<i32>} : memref<8x1024xf32, #tpu.memory_space<vmem>>, vector<1x16xf32>,
        %swap3A_522 = vector.shape_cast %swap3A_521 : vector<1x16xf32> to vector<16xf32>
        %swap3A_523 = vector.shape_cast %broadcast_in_dim3A_324 : vector<16xf32> to vector<1x16xf32>
        tpu.vector_store %arg8[%swap3A_519, %swap3A_520], %swap3A_523 {strides = array<i32>} : memref<8x1024xf32, #tpu.memory_space<vmem>>, vector<1x16xf32>,
        %swap3A_524 = arith.constant 7 : i32
        %swap3A_525 = arith.index_cast %swap3A_524 : i32 to index
        %swap3A_526 = arith.constant 400 : index
        %swap3A_527 = tpu.vector_load %arg8[%swap3A_525, %swap3A_526] {strides = array<i32>} : memref<8x1024xf32, #tpu.memory_space<vmem>>, vector<1x16xf32>,
        %swap3A_528 = vector.shape_cast %swap3A_527 : vector<1x16xf32> to vector<16xf32>
        %swap3A_529 = vector.shape_cast %broadcast_in_dim3A_324 : vector<16xf32> to vector<1x16xf32>
        tpu.vector_store %arg8[%swap3A_525, %swap3A_526], %swap3A_529 {strides = array<i32>} : memref<8x1024xf32, #tpu.memory_space<vmem>>, vector<1x16xf32>,
        %swap3A_530 = arith.constant 7 : i32
        %swap3A_531 = arith.index_cast %swap3A_530 : i32 to index
        %swap3A_532 = arith.constant 416 : index
        %swap3A_533 = tpu.vector_load %arg8[%swap3A_531, %swap3A_532] {strides = array<i32>} : memref<8x1024xf32, #tpu.memory_space<vmem>>, vector<1x16xf32>,
        %swap3A_534 = vector.shape_cast %swap3A_533 : vector<1x16xf32> to vector<16xf32>
        %swap3A_535 = vector.shape_cast %broadcast_in_dim3A_324 : vector<16xf32> to vector<1x16xf32>
        tpu.vector_store %arg8[%swap3A_531, %swap3A_532], %swap3A_535 {strides = array<i32>} : memref<8x1024xf32, #tpu.memory_space<vmem>>, vector<1x16xf32>,
        %swap3A_536 = arith.constant 7 : i32
        %swap3A_537 = arith.index_cast %swap3A_536 : i32 to index
        %swap3A_538 = arith.constant 432 : index
        %swap3A_539 = tpu.vector_load %arg8[%swap3A_537, %swap3A_538] {strides = array<i32>} : memref<8x1024xf32, #tpu.memory_space<vmem>>, vector<1x16xf32>,
        %swap3A_540 = vector.shape_cast %swap3A_539 : vector<1x16xf32> to vector<16xf32>
        %swap3A_541 = vector.shape_cast %broadcast_in_dim3A_324 : vector<16xf32> to vector<1x16xf32>
        tpu.vector_store %arg8[%swap3A_537, %swap3A_538], %swap3A_541 {strides = array<i32>} : memref<8x1024xf32, #tpu.memory_space<vmem>>, vector<1x16xf32>,
        %swap3A_542 = arith.constant 7 : i32
        %swap3A_543 = arith.index_cast %swap3A_542 : i32 to index
        %swap3A_544 = arith.constant 448 : index
        %swap3A_545 = tpu.vector_load %arg8[%swap3A_543, %swap3A_544] {strides = array<i32>} : memref<8x1024xf32, #tpu.memory_space<vmem>>, vector<1x16xf32>,
        %swap3A_546 = vector.shape_cast %swap3A_545 : vector<1x16xf32> to vector<16xf32>
        %swap3A_547 = vector.shape_cast %broadcast_in_dim3A_324 : vector<16xf32> to vector<1x16xf32>
        tpu.vector_store %arg8[%swap3A_543, %swap3A_544], %swap3A_547 {strides = array<i32>} : memref<8x1024xf32, #tpu.memory_space<vmem>>, vector<1x16xf32>,
        %swap3A_548 = arith.constant 7 : i32
        %swap3A_549 = arith.index_cast %swap3A_548 : i32 to index
        %swap3A_550 = arith.constant 464 : index
        %swap3A_551 = tpu.vector_load %arg8[%swap3A_549, %swap3A_550] {strides = array<i32>} : memref<8x1024xf32, #tpu.memory_space<vmem>>, vector<1x16xf32>,
        %swap3A_552 = vector.shape_cast %swap3A_551 : vector<1x16xf32> to vector<16xf32>
        %swap3A_553 = vector.shape_cast %broadcast_in_dim3A_324 : vector<16xf32> to vector<1x16xf32>
        tpu.vector_store %arg8[%swap3A_549, %swap3A_550], %swap3A_553 {strides = array<i32>} : memref<8x1024xf32, #tpu.memory_space<vmem>>, vector<1x16xf32>,
        %swap3A_554 = arith.constant 7 : i32
        %swap3A_555 = arith.index_cast %swap3A_554 : i32 to index
        %swap3A_556 = arith.constant 480 : index
        %swap3A_557 = tpu.vector_load %arg8[%swap3A_555, %swap3A_556] {strides = array<i32>} : memref<8x1024xf32, #tpu.memory_space<vmem>>, vector<1x16xf32>,
        %swap3A_558 = vector.shape_cast %swap3A_557 : vector<1x16xf32> to vector<16xf32>
        %swap3A_559 = vector.shape_cast %broadcast_in_dim3A_324 : vector<16xf32> to vector<1x16xf32>
        tpu.vector_store %arg8[%swap3A_555, %swap3A_556], %swap3A_559 {strides = array<i32>} : memref<8x1024xf32, #tpu.memory_space<vmem>>, vector<1x16xf32>,
        %swap3A_560 = arith.constant 7 : i32
        %swap3A_561 = arith.index_cast %swap3A_560 : i32 to index
        %swap3A_562 = arith.constant 496 : index
        %swap3A_563 = tpu.vector_load %arg8[%swap3A_561, %swap3A_562] {strides = array<i32>} : memref<8x1024xf32, #tpu.memory_space<vmem>>, vector<1x16xf32>,
        %swap3A_564 = vector.shape_cast %swap3A_563 : vector<1x16xf32> to vector<16xf32>
        %swap3A_565 = vector.shape_cast %broadcast_in_dim3A_324 : vector<16xf32> to vector<1x16xf32>
        tpu.vector_store %arg8[%swap3A_561, %swap3A_562], %swap3A_565 {strides = array<i32>} : memref<8x1024xf32, #tpu.memory_space<vmem>>, vector<1x16xf32>,
        %swap3A_566 = arith.constant 7 : i32
        %swap3A_567 = arith.index_cast %swap3A_566 : i32 to index
        %swap3A_568 = arith.constant 512 : index
        %swap3A_569 = tpu.vector_load %arg8[%swap3A_567, %swap3A_568] {strides = array<i32>} : memref<8x1024xf32, #tpu.memory_space<vmem>>, vector<1x16xf32>,
        %swap3A_570 = vector.shape_cast %swap3A_569 : vector<1x16xf32> to vector<16xf32>
        %swap3A_571 = vector.shape_cast %broadcast_in_dim3A_324 : vector<16xf32> to vector<1x16xf32>
        tpu.vector_store %arg8[%swap3A_567, %swap3A_568], %swap3A_571 {strides = array<i32>} : memref<8x1024xf32, #tpu.memory_space<vmem>>, vector<1x16xf32>,
        %swap3A_572 = arith.constant 7 : i32
        %swap3A_573 = arith.index_cast %swap3A_572 : i32 to index
        %swap3A_574 = arith.constant 528 : index
        %swap3A_575 = tpu.vector_load %arg8[%swap3A_573, %swap3A_574] {strides = array<i32>} : memref<8x1024xf32, #tpu.memory_space<vmem>>, vector<1x16xf32>,
        %swap3A_576 = vector.shape_cast %swap3A_575 : vector<1x16xf32> to vector<16xf32>
        %swap3A_577 = vector.shape_cast %broadcast_in_dim3A_324 : vector<16xf32> to vector<1x16xf32>
        tpu.vector_store %arg8[%swap3A_573, %swap3A_574], %swap3A_577 {strides = array<i32>} : memref<8x1024xf32, #tpu.memory_space<vmem>>, vector<1x16xf32>,
        %swap3A_578 = arith.constant 7 : i32
        %swap3A_579 = arith.index_cast %swap3A_578 : i32 to index
        %swap3A_580 = arith.constant 544 : index
        %swap3A_581 = tpu.vector_load %arg8[%swap3A_579, %swap3A_580] {strides = array<i32>} : memref<8x1024xf32, #tpu.memory_space<vmem>>, vector<1x16xf32>,
        %swap3A_582 = vector.shape_cast %swap3A_581 : vector<1x16xf32> to vector<16xf32>
        %swap3A_583 = vector.shape_cast %broadcast_in_dim3A_324 : vector<16xf32> to vector<1x16xf32>
        tpu.vector_store %arg8[%swap3A_579, %swap3A_580], %swap3A_583 {strides = array<i32>} : memref<8x1024xf32, #tpu.memory_space<vmem>>, vector<1x16xf32>,
        %swap3A_584 = arith.constant 7 : i32
        %swap3A_585 = arith.index_cast %swap3A_584 : i32 to index
        %swap3A_586 = arith.constant 560 : index
        %swap3A_587 = tpu.vector_load %arg8[%swap3A_585, %swap3A_586] {strides = array<i32>} : memref<8x1024xf32, #tpu.memory_space<vmem>>, vector<1x16xf32>,
        %swap3A_588 = vector.shape_cast %swap3A_587 : vector<1x16xf32> to vector<16xf32>
        %swap3A_589 = vector.shape_cast %broadcast_in_dim3A_324 : vector<16xf32> to vector<1x16xf32>
        tpu.vector_store %arg8[%swap3A_585, %swap3A_586], %swap3A_589 {strides = array<i32>} : memref<8x1024xf32, #tpu.memory_space<vmem>>, vector<1x16xf32>,
        %swap3A_590 = arith.constant 7 : i32
        %swap3A_591 = arith.index_cast %swap3A_590 : i32 to index
        %swap3A_592 = arith.constant 576 : index
        %swap3A_593 = tpu.vector_load %arg8[%swap3A_591, %swap3A_592] {strides = array<i32>} : memref<8x1024xf32, #tpu.memory_space<vmem>>, vector<1x16xf32>,
        %swap3A_594 = vector.shape_cast %swap3A_593 : vector<1x16xf32> to vector<16xf32>
        %swap3A_595 = vector.shape_cast %broadcast_in_dim3A_324 : vector<16xf32> to vector<1x16xf32>
        tpu.vector_store %arg8[%swap3A_591, %swap3A_592], %swap3A_595 {strides = array<i32>} : memref<8x1024xf32, #tpu.memory_space<vmem>>, vector<1x16xf32>,
        %swap3A_596 = arith.constant 7 : i32
        %swap3A_597 = arith.index_cast %swap3A_596 : i32 to index
        %swap3A_598 = arith.constant 592 : index
        %swap3A_599 = tpu.vector_load %arg8[%swap3A_597, %swap3A_598] {strides = array<i32>} : memref<8x1024xf32, #tpu.memory_space<vmem>>, vector<1x16xf32>,
        %swap3A_600 = vector.shape_cast %swap3A_599 : vector<1x16xf32> to vector<16xf32>
        %swap3A_601 = vector.shape_cast %broadcast_in_dim3A_324 : vector<16xf32> to vector<1x16xf32>
        tpu.vector_store %arg8[%swap3A_597, %swap3A_598], %swap3A_601 {strides = array<i32>} : memref<8x1024xf32, #tpu.memory_space<vmem>>, vector<1x16xf32>,
        %swap3A_602 = arith.constant 7 : i32
        %swap3A_603 = arith.index_cast %swap3A_602 : i32 to index
        %swap3A_604 = arith.constant 608 : index
        %swap3A_605 = tpu.vector_load %arg8[%swap3A_603, %swap3A_604] {strides = array<i32>} : memref<8x1024xf32, #tpu.memory_space<vmem>>, vector<1x16xf32>,
        %swap3A_606 = vector.shape_cast %swap3A_605 : vector<1x16xf32> to vector<16xf32>
        %swap3A_607 = vector.shape_cast %broadcast_in_dim3A_324 : vector<16xf32> to vector<1x16xf32>
        tpu.vector_store %arg8[%swap3A_603, %swap3A_604], %swap3A_607 {strides = array<i32>} : memref<8x1024xf32, #tpu.memory_space<vmem>>, vector<1x16xf32>,
        %swap3A_608 = arith.constant 7 : i32
        %swap3A_609 = arith.index_cast %swap3A_608 : i32 to index
        %swap3A_610 = arith.constant 624 : index
        %swap3A_611 = tpu.vector_load %arg8[%swap3A_609, %swap3A_610] {strides = array<i32>} : memref<8x1024xf32, #tpu.memory_space<vmem>>, vector<1x16xf32>,
        %swap3A_612 = vector.shape_cast %swap3A_611 : vector<1x16xf32> to vector<16xf32>
        %swap3A_613 = vector.shape_cast %broadcast_in_dim3A_324 : vector<16xf32> to vector<1x16xf32>
        tpu.vector_store %arg8[%swap3A_609, %swap3A_610], %swap3A_613 {strides = array<i32>} : memref<8x1024xf32, #tpu.memory_space<vmem>>, vector<1x16xf32>,
        %swap3A_614 = arith.constant 7 : i32
        %swap3A_615 = arith.index_cast %swap3A_614 : i32 to index
        %swap3A_616 = arith.constant 640 : index
        %swap3A_617 = tpu.vector_load %arg8[%swap3A_615, %swap3A_616] {strides = array<i32>} : memref<8x1024xf32, #tpu.memory_space<vmem>>, vector<1x16xf32>,
        %swap3A_618 = vector.shape_cast %swap3A_617 : vector<1x16xf32> to vector<16xf32>
        %swap3A_619 = vector.shape_cast %broadcast_in_dim3A_324 : vector<16xf32> to vector<1x16xf32>
        tpu.vector_store %arg8[%swap3A_615, %swap3A_616], %swap3A_619 {strides = array<i32>} : memref<8x1024xf32, #tpu.memory_space<vmem>>, vector<1x16xf32>,
        %swap3A_620 = arith.constant 7 : i32
        %swap3A_621 = arith.index_cast %swap3A_620 : i32 to index
        %swap3A_622 = arith.constant 656 : index
        %swap3A_623 = tpu.vector_load %arg8[%swap3A_621, %swap3A_622] {strides = array<i32>} : memref<8x1024xf32, #tpu.memory_space<vmem>>, vector<1x16xf32>,
        %swap3A_624 = vector.shape_cast %swap3A_623 : vector<1x16xf32> to vector<16xf32>
        %swap3A_625 = vector.shape_cast %broadcast_in_dim3A_324 : vector<16xf32> to vector<1x16xf32>
        tpu.vector_store %arg8[%swap3A_621, %swap3A_622], %swap3A_625 {strides = array<i32>} : memref<8x1024xf32, #tpu.memory_space<vmem>>, vector<1x16xf32>,
        %swap3A_626 = arith.constant 7 : i32
        %swap3A_627 = arith.index_cast %swap3A_626 : i32 to index
        %swap3A_628 = arith.constant 672 : index
        %swap3A_629 = tpu.vector_load %arg8[%swap3A_627, %swap3A_628] {strides = array<i32>} : memref<8x1024xf32, #tpu.memory_space<vmem>>, vector<1x16xf32>,
        %swap3A_630 = vector.shape_cast %swap3A_629 : vector<1x16xf32> to vector<16xf32>
        %swap3A_631 = vector.shape_cast %broadcast_in_dim3A_324 : vector<16xf32> to vector<1x16xf32>
        tpu.vector_store %arg8[%swap3A_627, %swap3A_628], %swap3A_631 {strides = array<i32>} : memref<8x1024xf32, #tpu.memory_space<vmem>>, vector<1x16xf32>,
        %swap3A_632 = arith.constant 7 : i32
        %swap3A_633 = arith.index_cast %swap3A_632 : i32 to index
        %swap3A_634 = arith.constant 688 : index
        %swap3A_635 = tpu.vector_load %arg8[%swap3A_633, %swap3A_634] {strides = array<i32>} : memref<8x1024xf32, #tpu.memory_space<vmem>>, vector<1x16xf32>,
        %swap3A_636 = vector.shape_cast %swap3A_635 : vector<1x16xf32> to vector<16xf32>
        %swap3A_637 = vector.shape_cast %broadcast_in_dim3A_324 : vector<16xf32> to vector<1x16xf32>
        tpu.vector_store %arg8[%swap3A_633, %swap3A_634], %swap3A_637 {strides = array<i32>} : memref<8x1024xf32, #tpu.memory_space<vmem>>, vector<1x16xf32>,
        %swap3A_638 = arith.constant 7 : i32
        %swap3A_639 = arith.index_cast %swap3A_638 : i32 to index
        %swap3A_640 = arith.constant 704 : index
        %swap3A_641 = tpu.vector_load %arg8[%swap3A_639, %swap3A_640] {strides = array<i32>} : memref<8x1024xf32, #tpu.memory_space<vmem>>, vector<1x16xf32>,
        %swap3A_642 = vector.shape_cast %swap3A_641 : vector<1x16xf32> to vector<16xf32>
        %swap3A_643 = vector.shape_cast %broadcast_in_dim3A_324 : vector<16xf32> to vector<1x16xf32>
        tpu.vector_store %arg8[%swap3A_639, %swap3A_640], %swap3A_643 {strides = array<i32>} : memref<8x1024xf32, #tpu.memory_space<vmem>>, vector<1x16xf32>,
        %swap3A_644 = arith.constant 7 : i32
        %swap3A_645 = arith.index_cast %swap3A_644 : i32 to index
        %swap3A_646 = arith.constant 720 : index
        %swap3A_647 = tpu.vector_load %arg8[%swap3A_645, %swap3A_646] {strides = array<i32>} : memref<8x1024xf32, #tpu.memory_space<vmem>>, vector<1x16xf32>,
        %swap3A_648 = vector.shape_cast %swap3A_647 : vector<1x16xf32> to vector<16xf32>
        %swap3A_649 = vector.shape_cast %broadcast_in_dim3A_324 : vector<16xf32> to vector<1x16xf32>
        tpu.vector_store %arg8[%swap3A_645, %swap3A_646], %swap3A_649 {strides = array<i32>} : memref<8x1024xf32, #tpu.memory_space<vmem>>, vector<1x16xf32>,
        %swap3A_650 = arith.constant 7 : i32
        %swap3A_651 = arith.index_cast %swap3A_650 : i32 to index
        %swap3A_652 = arith.constant 736 : index
        %swap3A_653 = tpu.vector_load %arg8[%swap3A_651, %swap3A_652] {strides = array<i32>} : memref<8x1024xf32, #tpu.memory_space<vmem>>, vector<1x16xf32>,
        %swap3A_654 = vector.shape_cast %swap3A_653 : vector<1x16xf32> to vector<16xf32>
        %swap3A_655 = vector.shape_cast %broadcast_in_dim3A_324 : vector<16xf32> to vector<1x16xf32>
        tpu.vector_store %arg8[%swap3A_651, %swap3A_652], %swap3A_655 {strides = array<i32>} : memref<8x1024xf32, #tpu.memory_space<vmem>>, vector<1x16xf32>,
        %swap3A_656 = arith.constant 7 : i32
        %swap3A_657 = arith.index_cast %swap3A_656 : i32 to index
        %swap3A_658 = arith.constant 752 : index
        %swap3A_659 = tpu.vector_load %arg8[%swap3A_657, %swap3A_658] {strides = array<i32>} : memref<8x1024xf32, #tpu.memory_space<vmem>>, vector<1x16xf32>,
        %swap3A_660 = vector.shape_cast %swap3A_659 : vector<1x16xf32> to vector<16xf32>
        %swap3A_661 = vector.shape_cast %broadcast_in_dim3A_324 : vector<16xf32> to vector<1x16xf32>
        tpu.vector_store %arg8[%swap3A_657, %swap3A_658], %swap3A_661 {strides = array<i32>} : memref<8x1024xf32, #tpu.memory_space<vmem>>, vector<1x16xf32>,
        %swap3A_662 = arith.constant 7 : i32
        %swap3A_663 = arith.index_cast %swap3A_662 : i32 to index
        %swap3A_664 = arith.constant 768 : index
        %swap3A_665 = tpu.vector_load %arg8[%swap3A_663, %swap3A_664] {strides = array<i32>} : memref<8x1024xf32, #tpu.memory_space<vmem>>, vector<1x16xf32>,
        %swap3A_666 = vector.shape_cast %swap3A_665 : vector<1x16xf32> to vector<16xf32>
        %swap3A_667 = vector.shape_cast %broadcast_in_dim3A_324 : vector<16xf32> to vector<1x16xf32>
        tpu.vector_store %arg8[%swap3A_663, %swap3A_664], %swap3A_667 {strides = array<i32>} : memref<8x1024xf32, #tpu.memory_space<vmem>>, vector<1x16xf32>,
        %swap3A_668 = arith.constant 7 : i32
        %swap3A_669 = arith.index_cast %swap3A_668 : i32 to index
        %swap3A_670 = arith.constant 784 : index
        %swap3A_671 = tpu.vector_load %arg8[%swap3A_669, %swap3A_670] {strides = array<i32>} : memref<8x1024xf32, #tpu.memory_space<vmem>>, vector<1x16xf32>,
        %swap3A_672 = vector.shape_cast %swap3A_671 : vector<1x16xf32> to vector<16xf32>
        %swap3A_673 = vector.shape_cast %broadcast_in_dim3A_324 : vector<16xf32> to vector<1x16xf32>
        tpu.vector_store %arg8[%swap3A_669, %swap3A_670], %swap3A_673 {strides = array<i32>} : memref<8x1024xf32, #tpu.memory_space<vmem>>, vector<1x16xf32>,
        %swap3A_674 = arith.constant 7 : i32
        %swap3A_675 = arith.index_cast %swap3A_674 : i32 to index
        %swap3A_676 = arith.constant 800 : index
        %swap3A_677 = tpu.vector_load %arg8[%swap3A_675, %swap3A_676] {strides = array<i32>} : memref<8x1024xf32, #tpu.memory_space<vmem>>, vector<1x16xf32>,
        %swap3A_678 = vector.shape_cast %swap3A_677 : vector<1x16xf32> to vector<16xf32>
        %swap3A_679 = vector.shape_cast %broadcast_in_dim3A_324 : vector<16xf32> to vector<1x16xf32>
        tpu.vector_store %arg8[%swap3A_675, %swap3A_676], %swap3A_679 {strides = array<i32>} : memref<8x1024xf32, #tpu.memory_space<vmem>>, vector<1x16xf32>,
        %swap3A_680 = arith.constant 7 : i32
        %swap3A_681 = arith.index_cast %swap3A_680 : i32 to index
        %swap3A_682 = arith.constant 816 : index
        %swap3A_683 = tpu.vector_load %arg8[%swap3A_681, %swap3A_682] {strides = array<i32>} : memref<8x1024xf32, #tpu.memory_space<vmem>>, vector<1x16xf32>,
        %swap3A_684 = vector.shape_cast %swap3A_683 : vector<1x16xf32> to vector<16xf32>
        %swap3A_685 = vector.shape_cast %broadcast_in_dim3A_324 : vector<16xf32> to vector<1x16xf32>
        tpu.vector_store %arg8[%swap3A_681, %swap3A_682], %swap3A_685 {strides = array<i32>} : memref<8x1024xf32, #tpu.memory_space<vmem>>, vector<1x16xf32>,
        %swap3A_686 = arith.constant 7 : i32
        %swap3A_687 = arith.index_cast %swap3A_686 : i32 to index
        %swap3A_688 = arith.constant 832 : index
        %swap3A_689 = tpu.vector_load %arg8[%swap3A_687, %swap3A_688] {strides = array<i32>} : memref<8x1024xf32, #tpu.memory_space<vmem>>, vector<1x16xf32>,
        %swap3A_690 = vector.shape_cast %swap3A_689 : vector<1x16xf32> to vector<16xf32>
        %swap3A_691 = vector.shape_cast %broadcast_in_dim3A_324 : vector<16xf32> to vector<1x16xf32>
        tpu.vector_store %arg8[%swap3A_687, %swap3A_688], %swap3A_691 {strides = array<i32>} : memref<8x1024xf32, #tpu.memory_space<vmem>>, vector<1x16xf32>,
        %swap3A_692 = arith.constant 7 : i32
        %swap3A_693 = arith.index_cast %swap3A_692 : i32 to index
        %swap3A_694 = arith.constant 848 : index
        %swap3A_695 = tpu.vector_load %arg8[%swap3A_693, %swap3A_694] {strides = array<i32>} : memref<8x1024xf32, #tpu.memory_space<vmem>>, vector<1x16xf32>,
        %swap3A_696 = vector.shape_cast %swap3A_695 : vector<1x16xf32> to vector<16xf32>
        %swap3A_697 = vector.shape_cast %broadcast_in_dim3A_324 : vector<16xf32> to vector<1x16xf32>
        tpu.vector_store %arg8[%swap3A_693, %swap3A_694], %swap3A_697 {strides = array<i32>} : memref<8x1024xf32, #tpu.memory_space<vmem>>, vector<1x16xf32>,
        %swap3A_698 = arith.constant 7 : i32
        %swap3A_699 = arith.index_cast %swap3A_698 : i32 to index
        %swap3A_700 = arith.constant 864 : index
        %swap3A_701 = tpu.vector_load %arg8[%swap3A_699, %swap3A_700] {strides = array<i32>} : memref<8x1024xf32, #tpu.memory_space<vmem>>, vector<1x16xf32>,
        %swap3A_702 = vector.shape_cast %swap3A_701 : vector<1x16xf32> to vector<16xf32>
        %swap3A_703 = vector.shape_cast %broadcast_in_dim3A_324 : vector<16xf32> to vector<1x16xf32>
        tpu.vector_store %arg8[%swap3A_699, %swap3A_700], %swap3A_703 {strides = array<i32>} : memref<8x1024xf32, #tpu.memory_space<vmem>>, vector<1x16xf32>,
        %swap3A_704 = arith.constant 7 : i32
        %swap3A_705 = arith.index_cast %swap3A_704 : i32 to index
        %swap3A_706 = arith.constant 880 : index
        %swap3A_707 = tpu.vector_load %arg8[%swap3A_705, %swap3A_706] {strides = array<i32>} : memref<8x1024xf32, #tpu.memory_space<vmem>>, vector<1x16xf32>,
        %swap3A_708 = vector.shape_cast %swap3A_707 : vector<1x16xf32> to vector<16xf32>
        %swap3A_709 = vector.shape_cast %broadcast_in_dim3A_324 : vector<16xf32> to vector<1x16xf32>
        tpu.vector_store %arg8[%swap3A_705, %swap3A_706], %swap3A_709 {strides = array<i32>} : memref<8x1024xf32, #tpu.memory_space<vmem>>, vector<1x16xf32>,
        %swap3A_710 = arith.constant 7 : i32
        %swap3A_711 = arith.index_cast %swap3A_710 : i32 to index
        %swap3A_712 = arith.constant 896 : index
        %swap3A_713 = tpu.vector_load %arg8[%swap3A_711, %swap3A_712] {strides = array<i32>} : memref<8x1024xf32, #tpu.memory_space<vmem>>, vector<1x16xf32>,
        %swap3A_714 = vector.shape_cast %swap3A_713 : vector<1x16xf32> to vector<16xf32>
        %swap3A_715 = vector.shape_cast %broadcast_in_dim3A_324 : vector<16xf32> to vector<1x16xf32>
        tpu.vector_store %arg8[%swap3A_711, %swap3A_712], %swap3A_715 {strides = array<i32>} : memref<8x1024xf32, #tpu.memory_space<vmem>>, vector<1x16xf32>,
        %swap3A_716 = arith.constant 7 : i32
        %swap3A_717 = arith.index_cast %swap3A_716 : i32 to index
        %swap3A_718 = arith.constant 912 : index
        %swap3A_719 = tpu.vector_load %arg8[%swap3A_717, %swap3A_718] {strides = array<i32>} : memref<8x1024xf32, #tpu.memory_space<vmem>>, vector<1x16xf32>,
        %swap3A_720 = vector.shape_cast %swap3A_719 : vector<1x16xf32> to vector<16xf32>
        %swap3A_721 = vector.shape_cast %broadcast_in_dim3A_324 : vector<16xf32> to vector<1x16xf32>
        tpu.vector_store %arg8[%swap3A_717, %swap3A_718], %swap3A_721 {strides = array<i32>} : memref<8x1024xf32, #tpu.memory_space<vmem>>, vector<1x16xf32>,
        %swap3A_722 = arith.constant 7 : i32
        %swap3A_723 = arith.index_cast %swap3A_722 : i32 to index
        %swap3A_724 = arith.constant 928 : index
        %swap3A_725 = tpu.vector_load %arg8[%swap3A_723, %swap3A_724] {strides = array<i32>} : memref<8x1024xf32, #tpu.memory_space<vmem>>, vector<1x16xf32>,
        %swap3A_726 = vector.shape_cast %swap3A_725 : vector<1x16xf32> to vector<16xf32>
        %swap3A_727 = vector.shape_cast %broadcast_in_dim3A_324 : vector<16xf32> to vector<1x16xf32>
        tpu.vector_store %arg8[%swap3A_723, %swap3A_724], %swap3A_727 {strides = array<i32>} : memref<8x1024xf32, #tpu.memory_space<vmem>>, vector<1x16xf32>,
        %swap3A_728 = arith.constant 7 : i32
        %swap3A_729 = arith.index_cast %swap3A_728 : i32 to index
        %swap3A_730 = arith.constant 944 : index
        %swap3A_731 = tpu.vector_load %arg8[%swap3A_729, %swap3A_730] {strides = array<i32>} : memref<8x1024xf32, #tpu.memory_space<vmem>>, vector<1x16xf32>,
        %swap3A_732 = vector.shape_cast %swap3A_731 : vector<1x16xf32> to vector<16xf32>
        %swap3A_733 = vector.shape_cast %broadcast_in_dim3A_324 : vector<16xf32> to vector<1x16xf32>
        tpu.vector_store %arg8[%swap3A_729, %swap3A_730], %swap3A_733 {strides = array<i32>} : memref<8x1024xf32, #tpu.memory_space<vmem>>, vector<1x16xf32>,
        %swap3A_734 = arith.constant 7 : i32
        %swap3A_735 = arith.index_cast %swap3A_734 : i32 to index
        %swap3A_736 = arith.constant 960 : index
        %swap3A_737 = tpu.vector_load %arg8[%swap3A_735, %swap3A_736] {strides = array<i32>} : memref<8x1024xf32, #tpu.memory_space<vmem>>, vector<1x16xf32>,
        %swap3A_738 = vector.shape_cast %swap3A_737 : vector<1x16xf32> to vector<16xf32>
        %swap3A_739 = vector.shape_cast %broadcast_in_dim3A_324 : vector<16xf32> to vector<1x16xf32>
        tpu.vector_store %arg8[%swap3A_735, %swap3A_736], %swap3A_739 {strides = array<i32>} : memref<8x1024xf32, #tpu.memory_space<vmem>>, vector<1x16xf32>,
        %swap3A_740 = arith.constant 7 : i32
        %swap3A_741 = arith.index_cast %swap3A_740 : i32 to index
        %swap3A_742 = arith.constant 976 : index
        %swap3A_743 = tpu.vector_load %arg8[%swap3A_741, %swap3A_742] {strides = array<i32>} : memref<8x1024xf32, #tpu.memory_space<vmem>>, vector<1x16xf32>,
        %swap3A_744 = vector.shape_cast %swap3A_743 : vector<1x16xf32> to vector<16xf32>
        %swap3A_745 = vector.shape_cast %broadcast_in_dim3A_324 : vector<16xf32> to vector<1x16xf32>
        tpu.vector_store %arg8[%swap3A_741, %swap3A_742], %swap3A_745 {strides = array<i32>} : memref<8x1024xf32, #tpu.memory_space<vmem>>, vector<1x16xf32>,
        %swap3A_746 = arith.constant 7 : i32
        %swap3A_747 = arith.index_cast %swap3A_746 : i32 to index
        %swap3A_748 = arith.constant 992 : index
        %swap3A_749 = tpu.vector_load %arg8[%swap3A_747, %swap3A_748] {strides = array<i32>} : memref<8x1024xf32, #tpu.memory_space<vmem>>, vector<1x16xf32>,
        %swap3A_750 = vector.shape_cast %swap3A_749 : vector<1x16xf32> to vector<16xf32>
        %swap3A_751 = vector.shape_cast %broadcast_in_dim3A_324 : vector<16xf32> to vector<1x16xf32>
        tpu.vector_store %arg8[%swap3A_747, %swap3A_748], %swap3A_751 {strides = array<i32>} : memref<8x1024xf32, #tpu.memory_space<vmem>>, vector<1x16xf32>,
        %swap3A_752 = arith.constant 7 : i32
        %swap3A_753 = arith.index_cast %swap3A_752 : i32 to index
        %swap3A_754 = arith.constant 1008 : index
        %swap3A_755 = tpu.vector_load %arg8[%swap3A_753, %swap3A_754] {strides = array<i32>} : memref<8x1024xf32, #tpu.memory_space<vmem>>, vector<1x16xf32>,
        %swap3A_756 = vector.shape_cast %swap3A_755 : vector<1x16xf32> to vector<16xf32>
        %swap3A_757 = vector.shape_cast %select_n3A_332 : vector<16xf32> to vector<1x16xf32>
        tpu.vector_store %arg8[%swap3A_753, %swap3A_754], %swap3A_757 {strides = array<i32>} : memref<8x1024xf32, #tpu.memory_space<vmem>>, vector<1x16xf32>,
      } else {
      }
      %dma_start3A_367 = arith.constant 0 : i32
      %dma_start3A_368 = tpu.memref_slice %arg5[%multiple_of3A_315, %dma_start3A_367] : memref<65536x1024xf32, #tpu.memory_space<hbm>> -> memref<8x1024xf32, #tpu.memory_space<hbm>>
      %dma_start3A_369 = arith.constant 0 : i32
      %dma_start3A_370 = tpu.memref_slice %arg5[%multiple_of3A_315, %dma_start3A_369] : memref<65536x1024xf32, #tpu.memory_space<hbm>> -> memref<8x1024xf32, #tpu.memory_space<hbm>>
      tpu.enqueue_dma source(%arg8 : memref<8x1024xf32, #tpu.memory_space<vmem>>) target(%dma_start3A_370 : memref<8x1024xf32, #tpu.memory_space<hbm>>) target_semaphore(%arg15 : memref<!tpu.dma_semaphore, #tpu.memory_space<semaphore_mem>>)
      %dma_wait3A_371 = arith.constant 0 : i32
      %dma_wait3A_372 = tpu.memref_slice %arg5[%multiple_of3A_315, %dma_wait3A_371] : memref<65536x1024xf32, #tpu.memory_space<hbm>> -> memref<8x1024xf32, #tpu.memory_space<hbm>>
      %dma_wait3A_373 = arith.constant 0 : i32
      %dma_wait3A_374 = tpu.memref_slice %arg5[%multiple_of3A_315, %dma_wait3A_373] : memref<65536x1024xf32, #tpu.memory_space<hbm>> -> memref<8x1024xf32, #tpu.memory_space<hbm>>
      tpu.wait_dma2 semaphore(%arg15 : memref<!tpu.dma_semaphore, #tpu.memory_space<semaphore_mem>>) src(%arg8 : memref<8x1024xf32, #tpu.memory_space<vmem>>) dst(%dma_wait3A_374 : memref<8x1024xf32, #tpu.memory_space<hbm>>)
    } else {
    }
    %jit3A_162 = arith.constant 48 : i32
    %div3A_163 = arith.divsi %multiple_of3A_85, %jit3A_162 : i32
    %sign3A_164 = arith.constant 0 : i32
    %sign3A_165 = arith.cmpi sgt, %multiple_of3A_85, %sign3A_164 : i32
    %sign3A_166 = arith.extui %sign3A_165 : i1 to i32
    %sign3A_167 = arith.constant 0 : i32
    %sign3A_168 = arith.cmpi slt, %multiple_of3A_85, %sign3A_167 : i32
    %sign3A_169 = arith.extui %sign3A_168 : i1 to i32
    %sign3A_170 = arith.subi %sign3A_166, %sign3A_169 : i32
    %sign3A_171 = arith.constant 0 : i32
    %sign3A_172 = arith.cmpi sgt, %jit3A_162, %sign3A_171 : i32
    %sign3A_173 = arith.extui %sign3A_172 : i1 to i32
    %sign3A_174 = arith.constant 0 : i32
    %sign3A_175 = arith.cmpi slt, %jit3A_162, %sign3A_174 : i32
    %sign3A_176 = arith.extui %sign3A_175 : i1 to i32
    %sign3A_177 = arith.subi %sign3A_173, %sign3A_176 : i32
    %ne3A_178 = arith.cmpi ne, %sign3A_170, %sign3A_177 : i32
    %rem3A_179 = arith.remsi %multiple_of3A_85, %jit3A_162 : i32
    %ne3A_180 = arith.constant 0 : i32
    %ne3A_181 = arith.cmpi ne, %rem3A_179, %ne3A_180 : i32
    %and3A_182 = arith.andi %ne3A_178, %ne3A_181 : i1
    %sub3A_183 = arith.constant 1 : i32
    %sub3A_184 = arith.subi %div3A_163, %sub3A_183 : i32
    %select_n3A_185 = arith.select %and3A_182, %sub3A_184, %div3A_163 : i32
    %gt3A = arith.constant 0 : i32
    %gt3A_186 = arith.cmpi sgt, %select_n3A_185, %gt3A : i32
    %convert_element_type3A_187 = arith.extui %gt3A_186 : i1 to i32
    %cond3A_188 = arith.constant 0 : i32
    %cond3A_189 = arith.cmpi ne, %convert_element_type3A_187, %cond3A_188 : i32
    scf.if %cond3A_189 {
      %dma_start3A_314 = arith.constant 0 : i32
      %dma_start3A_315 = tpu.memref_slice %arg2[%multiple_of3A, %dma_start3A_314] : memref<65536x1024xf32, #tpu.memory_space<hbm>> -> memref<48x1024xf32, #tpu.memory_space<hbm>>
      %dma_start3A_316 = arith.constant 0 : i32
      %dma_start3A_317 = tpu.memref_slice %arg2[%multiple_of3A, %dma_start3A_316] : memref<65536x1024xf32, #tpu.memory_space<hbm>> -> memref<48x1024xf32, #tpu.memory_space<hbm>>
      tpu.enqueue_dma source(%dma_start3A_317 : memref<48x1024xf32, #tpu.memory_space<hbm>>) target(%arg9 : memref<48x1024xf32, #tpu.memory_space<vmem>>) target_semaphore(%arg13 : memref<!tpu.dma_semaphore, #tpu.memory_space<semaphore_mem>>)
    } else {
    }
    %gt3A_190 = arith.constant 1 : i32
    %gt3A_191 = arith.cmpi sgt, %select_n3A_185, %gt3A_190 : i32
    %convert_element_type3A_192 = arith.extui %gt3A_191 : i1 to i32
    %cond3A_193 = arith.constant 0 : i32
    %cond3A_194 = arith.cmpi ne, %convert_element_type3A_192, %cond3A_193 : i32
    scf.if %cond3A_194 {
      %add3A_314 = arith.constant 48 : i32
      %add3A_315 = arith.addi %multiple_of3A, %add3A_314 : i32
      %multiple_of3A_316 = tpu.assume_multiple %add3A_315, 8 : i32
      %dma_start3A_317 = arith.constant 0 : i32
      %dma_start3A_318 = tpu.memref_slice %arg2[%multiple_of3A_316, %dma_start3A_317] : memref<65536x1024xf32, #tpu.memory_space<hbm>> -> memref<48x1024xf32, #tpu.memory_space<hbm>>
      %dma_start3A_319 = arith.constant 0 : i32
      %dma_start3A_320 = tpu.memref_slice %arg2[%multiple_of3A_316, %dma_start3A_319] : memref<65536x1024xf32, #tpu.memory_space<hbm>> -> memref<48x1024xf32, #tpu.memory_space<hbm>>
      tpu.enqueue_dma source(%dma_start3A_320 : memref<48x1024xf32, #tpu.memory_space<hbm>>) target(%arg10 : memref<48x1024xf32, #tpu.memory_space<vmem>>) target_semaphore(%arg14 : memref<!tpu.dma_semaphore, #tpu.memory_space<semaphore_mem>>)
    } else {
    }
    %add3A_195 = arith.constant 1 : i32
    %add3A_196 = arith.addi %select_n3A_185, %add3A_195 : i32
    %jit3A_197 = arith.constant 2 : i32
    %div3A_198 = arith.divsi %add3A_196, %jit3A_197 : i32
    %sign3A_199 = arith.constant 0 : i32
    %sign3A_200 = arith.cmpi sgt, %add3A_196, %sign3A_199 : i32
    %sign3A_201 = arith.extui %sign3A_200 : i1 to i32
    %sign3A_202 = arith.constant 0 : i32
    %sign3A_203 = arith.cmpi slt, %add3A_196, %sign3A_202 : i32
    %sign3A_204 = arith.extui %sign3A_203 : i1 to i32
    %sign3A_205 = arith.subi %sign3A_201, %sign3A_204 : i32
    %sign3A_206 = arith.constant 0 : i32
    %sign3A_207 = arith.cmpi sgt, %jit3A_197, %sign3A_206 : i32
    %sign3A_208 = arith.extui %sign3A_207 : i1 to i32
    %sign3A_209 = arith.constant 0 : i32
    %sign3A_210 = arith.cmpi slt, %jit3A_197, %sign3A_209 : i32
    %sign3A_211 = arith.extui %sign3A_210 : i1 to i32
    %sign3A_212 = arith.subi %sign3A_208, %sign3A_211 : i32
    %ne3A_213 = arith.cmpi ne, %sign3A_205, %sign3A_212 : i32
    %rem3A_214 = arith.remsi %add3A_196, %jit3A_197 : i32
    %ne3A_215 = arith.constant 0 : i32
    %ne3A_216 = arith.cmpi ne, %rem3A_214, %ne3A_215 : i32
    %and3A_217 = arith.andi %ne3A_213, %ne3A_216 : i1
    %sub3A_218 = arith.constant 1 : i32
    %sub3A_219 = arith.subi %div3A_198, %sub3A_218 : i32
    %select_n3A_220 = arith.select %and3A_217, %sub3A_219, %div3A_198 : i32
    %while3A_221 = arith.constant 0 : i32
    %while3A_222 = arith.constant 0 : i32
    %while3A_223 = arith.subi %select_n3A_220, %while3A_221 : i32
    %while3A_224 = arith.addi %while3A_221, %while3A_223 : i32
    %while3A_225 = arith.constant 1 : i32
    %while3A_226 = arith.divsi %while3A_223, %while3A_225 : i32
    %while3A_227 = arith.muli %while3A_226, %while3A_225 : i32
    %while3A_228 = arith.addi %while3A_221, %while3A_227 : i32
    %while3A_229 = arith.constant 1 : i32
    %while3A_230 = scf.for %while3A_314 = %while3A_221 to %while3A_228 step %while3A_229 iter_args(%while3A_315 = %while3A_222) -> (i32)  : i32 {
      %mul3A_316 = arith.constant 2 : i32
      %mul3A_317 = arith.muli %while3A_314, %mul3A_316 : i32
      %add3A_318 = arith.constant 0 : i32
      %add3A_319 = arith.addi %mul3A_317, %add3A_318 : i32
      %lt3A_320 = arith.cmpi slt, %add3A_319, %select_n3A_185 : i32
      %convert_element_type3A_321 = arith.extui %lt3A_320 : i1 to i32
      %cond3A_322 = arith.constant 0 : i32
      %cond3A_323 = arith.cmpi ne, %convert_element_type3A_321, %cond3A_322 : i32
      scf.if %cond3A_323 {
        %mul3A_345 = arith.constant 48 : i32
        %mul3A_346 = arith.muli %add3A_319, %mul3A_345 : i32
        %add3A_347 = arith.addi %multiple_of3A, %mul3A_346 : i32
        %multiple_of3A_348 = tpu.assume_multiple %add3A_347, 8 : i32
        %dma_wait3A_349 = arith.constant 0 : i32
        %dma_wait3A_350 = tpu.memref_slice %arg2[%multiple_of3A_348, %dma_wait3A_349] : memref<65536x1024xf32, #tpu.memory_space<hbm>> -> memref<48x1024xf32, #tpu.memory_space<hbm>>
        %dma_wait3A_351 = arith.constant 0 : i32
        %dma_wait3A_352 = tpu.memref_slice %arg2[%multiple_of3A_348, %dma_wait3A_351] : memref<65536x1024xf32, #tpu.memory_space<hbm>> -> memref<48x1024xf32, #tpu.memory_space<hbm>>
        tpu.wait_dma2 semaphore(%arg13 : memref<!tpu.dma_semaphore, #tpu.memory_space<semaphore_mem>>) src(%dma_wait3A_352 : memref<48x1024xf32, #tpu.memory_space<hbm>>) dst(%arg9 : memref<48x1024xf32, #tpu.memory_space<vmem>>)
        %dma_start3A_353 = arith.constant 0 : i32
        %dma_start3A_354 = tpu.memref_slice %arg5[%multiple_of3A_348, %dma_start3A_353] : memref<65536x1024xf32, #tpu.memory_space<hbm>> -> memref<48x1024xf32, #tpu.memory_space<hbm>>
        %dma_start3A_355 = arith.constant 0 : i32
        %dma_start3A_356 = tpu.memref_slice %arg5[%multiple_of3A_348, %dma_start3A_355] : memref<65536x1024xf32, #tpu.memory_space<hbm>> -> memref<48x1024xf32, #tpu.memory_space<hbm>>
        tpu.enqueue_dma source(%arg9 : memref<48x1024xf32, #tpu.memory_space<vmem>>) target(%dma_start3A_356 : memref<48x1024xf32, #tpu.memory_space<hbm>>) target_semaphore(%arg15 : memref<!tpu.dma_semaphore, #tpu.memory_space<semaphore_mem>>)
      } else {
      }
      %add3A_324 = arith.constant 2 : i32
      %add3A_325 = arith.addi %add3A_319, %add3A_324 : i32
      %lt3A_326 = arith.cmpi slt, %add3A_325, %select_n3A_185 : i32
      %convert_element_type3A_327 = arith.extui %lt3A_326 : i1 to i32
      %cond3A_328 = arith.constant 0 : i32
      %cond3A_329 = arith.cmpi ne, %convert_element_type3A_327, %cond3A_328 : i32
      scf.if %cond3A_329 {
        %dma_wait3A_345 = arith.constant 0 : i32
        %dma_wait3A_346 = tpu.memref_slice %arg5[%multiple_of3A, %dma_wait3A_345] : memref<65536x1024xf32, #tpu.memory_space<hbm>> -> memref<48x1024xf32, #tpu.memory_space<hbm>>
        %dma_wait3A_347 = arith.constant 0 : i32
        %dma_wait3A_348 = tpu.memref_slice %arg5[%multiple_of3A, %dma_wait3A_347] : memref<65536x1024xf32, #tpu.memory_space<hbm>> -> memref<48x1024xf32, #tpu.memory_space<hbm>>
        tpu.wait_dma2 semaphore(%arg15 : memref<!tpu.dma_semaphore, #tpu.memory_space<semaphore_mem>>) src(%arg9 : memref<48x1024xf32, #tpu.memory_space<vmem>>) dst(%dma_wait3A_348 : memref<48x1024xf32, #tpu.memory_space<hbm>>)
        %add3A_349 = arith.constant 2 : i32
        %add3A_350 = arith.addi %add3A_319, %add3A_349 : i32
        %mul3A_351 = arith.constant 48 : i32
        %mul3A_352 = arith.muli %add3A_350, %mul3A_351 : i32
        %add3A_353 = arith.addi %multiple_of3A, %mul3A_352 : i32
        %multiple_of3A_354 = tpu.assume_multiple %add3A_353, 8 : i32
        %dma_start3A_355 = arith.constant 0 : i32
        %dma_start3A_356 = tpu.memref_slice %arg2[%multiple_of3A_354, %dma_start3A_355] : memref<65536x1024xf32, #tpu.memory_space<hbm>> -> memref<48x1024xf32, #tpu.memory_space<hbm>>
        %dma_start3A_357 = arith.constant 0 : i32
        %dma_start3A_358 = tpu.memref_slice %arg2[%multiple_of3A_354, %dma_start3A_357] : memref<65536x1024xf32, #tpu.memory_space<hbm>> -> memref<48x1024xf32, #tpu.memory_space<hbm>>
        tpu.enqueue_dma source(%dma_start3A_358 : memref<48x1024xf32, #tpu.memory_space<hbm>>) target(%arg9 : memref<48x1024xf32, #tpu.memory_space<vmem>>) target_semaphore(%arg13 : memref<!tpu.dma_semaphore, #tpu.memory_space<semaphore_mem>>)
      } else {
      }
      %mul3A_330 = arith.constant 2 : i32
      %mul3A_331 = arith.muli %while3A_314, %mul3A_330 : i32
      %add3A_332 = arith.constant 1 : i32
      %add3A_333 = arith.addi %mul3A_331, %add3A_332 : i32
      %lt3A_334 = arith.cmpi slt, %add3A_333, %select_n3A_185 : i32
      %convert_element_type3A_335 = arith.extui %lt3A_334 : i1 to i32
      %cond3A_336 = arith.constant 0 : i32
      %cond3A_337 = arith.cmpi ne, %convert_element_type3A_335, %cond3A_336 : i32
      scf.if %cond3A_337 {
        %mul3A_345 = arith.constant 48 : i32
        %mul3A_346 = arith.muli %add3A_333, %mul3A_345 : i32
        %add3A_347 = arith.addi %multiple_of3A, %mul3A_346 : i32
        %multiple_of3A_348 = tpu.assume_multiple %add3A_347, 8 : i32
        %dma_wait3A_349 = arith.constant 0 : i32
        %dma_wait3A_350 = tpu.memref_slice %arg2[%multiple_of3A_348, %dma_wait3A_349] : memref<65536x1024xf32, #tpu.memory_space<hbm>> -> memref<48x1024xf32, #tpu.memory_space<hbm>>
        %dma_wait3A_351 = arith.constant 0 : i32
        %dma_wait3A_352 = tpu.memref_slice %arg2[%multiple_of3A_348, %dma_wait3A_351] : memref<65536x1024xf32, #tpu.memory_space<hbm>> -> memref<48x1024xf32, #tpu.memory_space<hbm>>
        tpu.wait_dma2 semaphore(%arg14 : memref<!tpu.dma_semaphore, #tpu.memory_space<semaphore_mem>>) src(%dma_wait3A_352 : memref<48x1024xf32, #tpu.memory_space<hbm>>) dst(%arg10 : memref<48x1024xf32, #tpu.memory_space<vmem>>)
        %dma_start3A_353 = arith.constant 0 : i32
        %dma_start3A_354 = tpu.memref_slice %arg5[%multiple_of3A_348, %dma_start3A_353] : memref<65536x1024xf32, #tpu.memory_space<hbm>> -> memref<48x1024xf32, #tpu.memory_space<hbm>>
        %dma_start3A_355 = arith.constant 0 : i32
        %dma_start3A_356 = tpu.memref_slice %arg5[%multiple_of3A_348, %dma_start3A_355] : memref<65536x1024xf32, #tpu.memory_space<hbm>> -> memref<48x1024xf32, #tpu.memory_space<hbm>>
        tpu.enqueue_dma source(%arg10 : memref<48x1024xf32, #tpu.memory_space<vmem>>) target(%dma_start3A_356 : memref<48x1024xf32, #tpu.memory_space<hbm>>) target_semaphore(%arg16 : memref<!tpu.dma_semaphore, #tpu.memory_space<semaphore_mem>>)
      } else {
      }
      %add3A_338 = arith.constant 2 : i32
      %add3A_339 = arith.addi %add3A_333, %add3A_338 : i32
      %lt3A_340 = arith.cmpi slt, %add3A_339, %select_n3A_185 : i32
      %convert_element_type3A_341 = arith.extui %lt3A_340 : i1 to i32
      %cond3A_342 = arith.constant 0 : i32
      %cond3A_343 = arith.cmpi ne, %convert_element_type3A_341, %cond3A_342 : i32
      scf.if %cond3A_343 {
        %dma_wait3A_345 = arith.constant 0 : i32
        %dma_wait3A_346 = tpu.memref_slice %arg5[%multiple_of3A, %dma_wait3A_345] : memref<65536x1024xf32, #tpu.memory_space<hbm>> -> memref<48x1024xf32, #tpu.memory_space<hbm>>
        %dma_wait3A_347 = arith.constant 0 : i32
        %dma_wait3A_348 = tpu.memref_slice %arg5[%multiple_of3A, %dma_wait3A_347] : memref<65536x1024xf32, #tpu.memory_space<hbm>> -> memref<48x1024xf32, #tpu.memory_space<hbm>>
        tpu.wait_dma2 semaphore(%arg16 : memref<!tpu.dma_semaphore, #tpu.memory_space<semaphore_mem>>) src(%arg10 : memref<48x1024xf32, #tpu.memory_space<vmem>>) dst(%dma_wait3A_348 : memref<48x1024xf32, #tpu.memory_space<hbm>>)
        %add3A_349 = arith.constant 2 : i32
        %add3A_350 = arith.addi %add3A_333, %add3A_349 : i32
        %mul3A_351 = arith.constant 48 : i32
        %mul3A_352 = arith.muli %add3A_350, %mul3A_351 : i32
        %add3A_353 = arith.addi %multiple_of3A, %mul3A_352 : i32
        %multiple_of3A_354 = tpu.assume_multiple %add3A_353, 8 : i32
        %dma_start3A_355 = arith.constant 0 : i32
        %dma_start3A_356 = tpu.memref_slice %arg2[%multiple_of3A_354, %dma_start3A_355] : memref<65536x1024xf32, #tpu.memory_space<hbm>> -> memref<48x1024xf32, #tpu.memory_space<hbm>>
        %dma_start3A_357 = arith.constant 0 : i32
        %dma_start3A_358 = tpu.memref_slice %arg2[%multiple_of3A_354, %dma_start3A_357] : memref<65536x1024xf32, #tpu.memory_space<hbm>> -> memref<48x1024xf32, #tpu.memory_space<hbm>>
        tpu.enqueue_dma source(%dma_start3A_358 : memref<48x1024xf32, #tpu.memory_space<hbm>>) target(%arg10 : memref<48x1024xf32, #tpu.memory_space<vmem>>) target_semaphore(%arg14 : memref<!tpu.dma_semaphore, #tpu.memory_space<semaphore_mem>>)
      } else {
      }
      %while3A_344 = arith.constant 0 : i32
      scf.yield %while3A_344 : i32
    }
    %while3A_231 = arith.constant 1 : i32
    %while3A_232 = scf.for %while3A_314 = %while3A_228 to %while3A_224 step %while3A_231 iter_args(%while3A_315 = %while3A_230) -> (i32)  : i32 {
      %mul3A_316 = arith.constant 2 : i32
      %mul3A_317 = arith.muli %while3A_314, %mul3A_316 : i32
      %add3A_318 = arith.constant 0 : i32
      %add3A_319 = arith.addi %mul3A_317, %add3A_318 : i32
      %lt3A_320 = arith.cmpi slt, %add3A_319, %select_n3A_185 : i32
      %convert_element_type3A_321 = arith.extui %lt3A_320 : i1 to i32
      %cond3A_322 = arith.constant 0 : i32
      %cond3A_323 = arith.cmpi ne, %convert_element_type3A_321, %cond3A_322 : i32
      scf.if %cond3A_323 {
        %mul3A_345 = arith.constant 48 : i32
        %mul3A_346 = arith.muli %add3A_319, %mul3A_345 : i32
        %add3A_347 = arith.addi %multiple_of3A, %mul3A_346 : i32
        %multiple_of3A_348 = tpu.assume_multiple %add3A_347, 8 : i32
        %dma_wait3A_349 = arith.constant 0 : i32
        %dma_wait3A_350 = tpu.memref_slice %arg2[%multiple_of3A_348, %dma_wait3A_349] : memref<65536x1024xf32, #tpu.memory_space<hbm>> -> memref<48x1024xf32, #tpu.memory_space<hbm>>
        %dma_wait3A_351 = arith.constant 0 : i32
        %dma_wait3A_352 = tpu.memref_slice %arg2[%multiple_of3A_348, %dma_wait3A_351] : memref<65536x1024xf32, #tpu.memory_space<hbm>> -> memref<48x1024xf32, #tpu.memory_space<hbm>>
        tpu.wait_dma2 semaphore(%arg13 : memref<!tpu.dma_semaphore, #tpu.memory_space<semaphore_mem>>) src(%dma_wait3A_352 : memref<48x1024xf32, #tpu.memory_space<hbm>>) dst(%arg9 : memref<48x1024xf32, #tpu.memory_space<vmem>>)
        %dma_start3A_353 = arith.constant 0 : i32
        %dma_start3A_354 = tpu.memref_slice %arg5[%multiple_of3A_348, %dma_start3A_353] : memref<65536x1024xf32, #tpu.memory_space<hbm>> -> memref<48x1024xf32, #tpu.memory_space<hbm>>
        %dma_start3A_355 = arith.constant 0 : i32
        %dma_start3A_356 = tpu.memref_slice %arg5[%multiple_of3A_348, %dma_start3A_355] : memref<65536x1024xf32, #tpu.memory_space<hbm>> -> memref<48x1024xf32, #tpu.memory_space<hbm>>
        tpu.enqueue_dma source(%arg9 : memref<48x1024xf32, #tpu.memory_space<vmem>>) target(%dma_start3A_356 : memref<48x1024xf32, #tpu.memory_space<hbm>>) target_semaphore(%arg15 : memref<!tpu.dma_semaphore, #tpu.memory_space<semaphore_mem>>)
      } else {
      }
      %add3A_324 = arith.constant 2 : i32
      %add3A_325 = arith.addi %add3A_319, %add3A_324 : i32
      %lt3A_326 = arith.cmpi slt, %add3A_325, %select_n3A_185 : i32
      %convert_element_type3A_327 = arith.extui %lt3A_326 : i1 to i32
      %cond3A_328 = arith.constant 0 : i32
      %cond3A_329 = arith.cmpi ne, %convert_element_type3A_327, %cond3A_328 : i32
      scf.if %cond3A_329 {
        %dma_wait3A_345 = arith.constant 0 : i32
        %dma_wait3A_346 = tpu.memref_slice %arg5[%multiple_of3A, %dma_wait3A_345] : memref<65536x1024xf32, #tpu.memory_space<hbm>> -> memref<48x1024xf32, #tpu.memory_space<hbm>>
        %dma_wait3A_347 = arith.constant 0 : i32
        %dma_wait3A_348 = tpu.memref_slice %arg5[%multiple_of3A, %dma_wait3A_347] : memref<65536x1024xf32, #tpu.memory_space<hbm>> -> memref<48x1024xf32, #tpu.memory_space<hbm>>
        tpu.wait_dma2 semaphore(%arg15 : memref<!tpu.dma_semaphore, #tpu.memory_space<semaphore_mem>>) src(%arg9 : memref<48x1024xf32, #tpu.memory_space<vmem>>) dst(%dma_wait3A_348 : memref<48x1024xf32, #tpu.memory_space<hbm>>)
        %add3A_349 = arith.constant 2 : i32
        %add3A_350 = arith.addi %add3A_319, %add3A_349 : i32
        %mul3A_351 = arith.constant 48 : i32
        %mul3A_352 = arith.muli %add3A_350, %mul3A_351 : i32
        %add3A_353 = arith.addi %multiple_of3A, %mul3A_352 : i32
        %multiple_of3A_354 = tpu.assume_multiple %add3A_353, 8 : i32
        %dma_start3A_355 = arith.constant 0 : i32
        %dma_start3A_356 = tpu.memref_slice %arg2[%multiple_of3A_354, %dma_start3A_355] : memref<65536x1024xf32, #tpu.memory_space<hbm>> -> memref<48x1024xf32, #tpu.memory_space<hbm>>
        %dma_start3A_357 = arith.constant 0 : i32
        %dma_start3A_358 = tpu.memref_slice %arg2[%multiple_of3A_354, %dma_start3A_357] : memref<65536x1024xf32, #tpu.memory_space<hbm>> -> memref<48x1024xf32, #tpu.memory_space<hbm>>
        tpu.enqueue_dma source(%dma_start3A_358 : memref<48x1024xf32, #tpu.memory_space<hbm>>) target(%arg9 : memref<48x1024xf32, #tpu.memory_space<vmem>>) target_semaphore(%arg13 : memref<!tpu.dma_semaphore, #tpu.memory_space<semaphore_mem>>)
      } else {
      }
      %mul3A_330 = arith.constant 2 : i32
      %mul3A_331 = arith.muli %while3A_314, %mul3A_330 : i32
      %add3A_332 = arith.constant 1 : i32
      %add3A_333 = arith.addi %mul3A_331, %add3A_332 : i32
      %lt3A_334 = arith.cmpi slt, %add3A_333, %select_n3A_185 : i32
      %convert_element_type3A_335 = arith.extui %lt3A_334 : i1 to i32
      %cond3A_336 = arith.constant 0 : i32
      %cond3A_337 = arith.cmpi ne, %convert_element_type3A_335, %cond3A_336 : i32
      scf.if %cond3A_337 {
        %mul3A_345 = arith.constant 48 : i32
        %mul3A_346 = arith.muli %add3A_333, %mul3A_345 : i32
        %add3A_347 = arith.addi %multiple_of3A, %mul3A_346 : i32
        %multiple_of3A_348 = tpu.assume_multiple %add3A_347, 8 : i32
        %dma_wait3A_349 = arith.constant 0 : i32
        %dma_wait3A_350 = tpu.memref_slice %arg2[%multiple_of3A_348, %dma_wait3A_349] : memref<65536x1024xf32, #tpu.memory_space<hbm>> -> memref<48x1024xf32, #tpu.memory_space<hbm>>
        %dma_wait3A_351 = arith.constant 0 : i32
        %dma_wait3A_352 = tpu.memref_slice %arg2[%multiple_of3A_348, %dma_wait3A_351] : memref<65536x1024xf32, #tpu.memory_space<hbm>> -> memref<48x1024xf32, #tpu.memory_space<hbm>>
        tpu.wait_dma2 semaphore(%arg14 : memref<!tpu.dma_semaphore, #tpu.memory_space<semaphore_mem>>) src(%dma_wait3A_352 : memref<48x1024xf32, #tpu.memory_space<hbm>>) dst(%arg10 : memref<48x1024xf32, #tpu.memory_space<vmem>>)
        %dma_start3A_353 = arith.constant 0 : i32
        %dma_start3A_354 = tpu.memref_slice %arg5[%multiple_of3A_348, %dma_start3A_353] : memref<65536x1024xf32, #tpu.memory_space<hbm>> -> memref<48x1024xf32, #tpu.memory_space<hbm>>
        %dma_start3A_355 = arith.constant 0 : i32
        %dma_start3A_356 = tpu.memref_slice %arg5[%multiple_of3A_348, %dma_start3A_355] : memref<65536x1024xf32, #tpu.memory_space<hbm>> -> memref<48x1024xf32, #tpu.memory_space<hbm>>
        tpu.enqueue_dma source(%arg10 : memref<48x1024xf32, #tpu.memory_space<vmem>>) target(%dma_start3A_356 : memref<48x1024xf32, #tpu.memory_space<hbm>>) target_semaphore(%arg16 : memref<!tpu.dma_semaphore, #tpu.memory_space<semaphore_mem>>)
      } else {
      }
      %add3A_338 = arith.constant 2 : i32
      %add3A_339 = arith.addi %add3A_333, %add3A_338 : i32
      %lt3A_340 = arith.cmpi slt, %add3A_339, %select_n3A_185 : i32
      %convert_element_type3A_341 = arith.extui %lt3A_340 : i1 to i32
      %cond3A_342 = arith.constant 0 : i32
      %cond3A_343 = arith.cmpi ne, %convert_element_type3A_341, %cond3A_342 : i32
      scf.if %cond3A_343 {
        %dma_wait3A_345 = arith.constant 0 : i32
        %dma_wait3A_346 = tpu.memref_slice %arg5[%multiple_of3A, %dma_wait3A_345] : memref<65536x1024xf32, #tpu.memory_space<hbm>> -> memref<48x1024xf32, #tpu.memory_space<hbm>>
        %dma_wait3A_347 = arith.constant 0 : i32
        %dma_wait3A_348 = tpu.memref_slice %arg5[%multiple_of3A, %dma_wait3A_347] : memref<65536x1024xf32, #tpu.memory_space<hbm>> -> memref<48x1024xf32, #tpu.memory_space<hbm>>
        tpu.wait_dma2 semaphore(%arg16 : memref<!tpu.dma_semaphore, #tpu.memory_space<semaphore_mem>>) src(%arg10 : memref<48x1024xf32, #tpu.memory_space<vmem>>) dst(%dma_wait3A_348 : memref<48x1024xf32, #tpu.memory_space<hbm>>)
        %add3A_349 = arith.constant 2 : i32
        %add3A_350 = arith.addi %add3A_333, %add3A_349 : i32
        %mul3A_351 = arith.constant 48 : i32
        %mul3A_352 = arith.muli %add3A_350, %mul3A_351 : i32
        %add3A_353 = arith.addi %multiple_of3A, %mul3A_352 : i32
        %multiple_of3A_354 = tpu.assume_multiple %add3A_353, 8 : i32
        %dma_start3A_355 = arith.constant 0 : i32
        %dma_start3A_356 = tpu.memref_slice %arg2[%multiple_of3A_354, %dma_start3A_355] : memref<65536x1024xf32, #tpu.memory_space<hbm>> -> memref<48x1024xf32, #tpu.memory_space<hbm>>
        %dma_start3A_357 = arith.constant 0 : i32
        %dma_start3A_358 = tpu.memref_slice %arg2[%multiple_of3A_354, %dma_start3A_357] : memref<65536x1024xf32, #tpu.memory_space<hbm>> -> memref<48x1024xf32, #tpu.memory_space<hbm>>
        tpu.enqueue_dma source(%dma_start3A_358 : memref<48x1024xf32, #tpu.memory_space<hbm>>) target(%arg10 : memref<48x1024xf32, #tpu.memory_space<vmem>>) target_semaphore(%arg14 : memref<!tpu.dma_semaphore, #tpu.memory_space<semaphore_mem>>)
      } else {
      }
      %while3A_344 = arith.constant 0 : i32
      scf.yield %while3A_344 : i32
    }
    %gt3A_233 = arith.constant 0 : i32
    %gt3A_234 = arith.cmpi sgt, %select_n3A_185, %gt3A_233 : i32
    %convert_element_type3A_235 = arith.extui %gt3A_234 : i1 to i32
    %cond3A_236 = arith.constant 0 : i32
    %cond3A_237 = arith.cmpi ne, %convert_element_type3A_235, %cond3A_236 : i32
    scf.if %cond3A_237 {
      %dma_wait3A_314 = arith.constant 0 : i32
      %dma_wait3A_315 = tpu.memref_slice %arg5[%multiple_of3A, %dma_wait3A_314] : memref<65536x1024xf32, #tpu.memory_space<hbm>> -> memref<48x1024xf32, #tpu.memory_space<hbm>>
      %dma_wait3A_316 = arith.constant 0 : i32
      %dma_wait3A_317 = tpu.memref_slice %arg5[%multiple_of3A, %dma_wait3A_316] : memref<65536x1024xf32, #tpu.memory_space<hbm>> -> memref<48x1024xf32, #tpu.memory_space<hbm>>
      tpu.wait_dma2 semaphore(%arg15 : memref<!tpu.dma_semaphore, #tpu.memory_space<semaphore_mem>>) src(%arg9 : memref<48x1024xf32, #tpu.memory_space<vmem>>) dst(%dma_wait3A_317 : memref<48x1024xf32, #tpu.memory_space<hbm>>)
    } else {
    }
    %gt3A_238 = arith.constant 1 : i32
    %gt3A_239 = arith.cmpi sgt, %select_n3A_185, %gt3A_238 : i32
    %convert_element_type3A_240 = arith.extui %gt3A_239 : i1 to i32
    %cond3A_241 = arith.constant 0 : i32
    %cond3A_242 = arith.cmpi ne, %convert_element_type3A_240, %cond3A_241 : i32
    scf.if %cond3A_242 {
      %dma_wait3A_314 = arith.constant 0 : i32
      %dma_wait3A_315 = tpu.memref_slice %arg5[%multiple_of3A, %dma_wait3A_314] : memref<65536x1024xf32, #tpu.memory_space<hbm>> -> memref<48x1024xf32, #tpu.memory_space<hbm>>
      %dma_wait3A_316 = arith.constant 0 : i32
      %dma_wait3A_317 = tpu.memref_slice %arg5[%multiple_of3A, %dma_wait3A_316] : memref<65536x1024xf32, #tpu.memory_space<hbm>> -> memref<48x1024xf32, #tpu.memory_space<hbm>>
      tpu.wait_dma2 semaphore(%arg16 : memref<!tpu.dma_semaphore, #tpu.memory_space<semaphore_mem>>) src(%arg10 : memref<48x1024xf32, #tpu.memory_space<vmem>>) dst(%dma_wait3A_317 : memref<48x1024xf32, #tpu.memory_space<hbm>>)
    } else {
    }
    %jit3A_243 = arith.constant 48 : i32
    %eq3A_244 = arith.constant 0 : i32
    %eq3A_245 = arith.cmpi eq, %jit3A_243, %eq3A_244 : i32
    %jit3A_246 = arith.constant 1 : i32
    %select_n3A_247 = arith.select %eq3A_245, %jit3A_246, %jit3A_243 : i32
    %rem3A_248 = arith.remsi %multiple_of3A_85, %select_n3A_247 : i32
    %ne3A_249 = arith.constant 0 : i32
    %ne3A_250 = arith.cmpi ne, %rem3A_248, %ne3A_249 : i32
    %lt3A_251 = arith.constant 0 : i32
    %lt3A_252 = arith.cmpi slt, %rem3A_248, %lt3A_251 : i32
    %lt3A_253 = arith.constant 0 : i32
    %lt3A_254 = arith.cmpi slt, %select_n3A_247, %lt3A_253 : i32
    %ne3A_255 = arith.xori %lt3A_252, %lt3A_254 : i1
    %and3A_256 = arith.andi %ne3A_255, %ne3A_250 : i1
    %add3A_257 = arith.addi %rem3A_248, %select_n3A_247 : i32
    %select_n3A_258 = arith.select %and3A_256, %add3A_257, %rem3A_248 : i32
    %mul3A_259 = arith.constant 48 : i32
    %mul3A_260 = arith.muli %select_n3A_185, %mul3A_259 : i32
    %add3A_261 = arith.addi %multiple_of3A, %mul3A_260 : i32
    %and3A_262 = arith.constant 32 : i32
    %and3A_263 = arith.andi %select_n3A_258, %and3A_262 : i32
    %ne3A_264 = arith.constant 0 : i32
    %ne3A_265 = arith.cmpi ne, %and3A_263, %ne3A_264 : i32
    %convert_element_type3A_266 = arith.extui %ne3A_265 : i1 to i32
    %cond3A_267 = arith.constant 0 : i32
    %cond3A_268 = arith.cmpi ne, %convert_element_type3A_266, %cond3A_267 : i32
    scf.if %cond3A_268 {
      %multiple_of3A_314 = tpu.assume_multiple %add3A_261, 8 : i32
      %dma_start3A_315 = arith.constant 0 : i32
      %dma_start3A_316 = arith.constant 0 : i32
      %dma_start3A_317 = tpu.memref_slice %arg9[%dma_start3A_315, %dma_start3A_316] : memref<48x1024xf32, #tpu.memory_space<vmem>> -> memref<32x1024xf32, #tpu.memory_space<vmem>>
      %dma_start3A_318 = arith.constant 0 : i32
      %dma_start3A_319 = tpu.memref_slice %arg2[%multiple_of3A_314, %dma_start3A_318] : memref<65536x1024xf32, #tpu.memory_space<hbm>> -> memref<32x1024xf32, #tpu.memory_space<hbm>>
      %dma_start3A_320 = arith.constant 0 : i32
      %dma_start3A_321 = arith.constant 0 : i32
      %dma_start3A_322 = tpu.memref_slice %arg9[%dma_start3A_320, %dma_start3A_321] : memref<48x1024xf32, #tpu.memory_space<vmem>> -> memref<32x1024xf32, #tpu.memory_space<vmem>>
      %dma_start3A_323 = arith.constant 0 : i32
      %dma_start3A_324 = tpu.memref_slice %arg2[%multiple_of3A_314, %dma_start3A_323] : memref<65536x1024xf32, #tpu.memory_space<hbm>> -> memref<32x1024xf32, #tpu.memory_space<hbm>>
      tpu.enqueue_dma source(%dma_start3A_324 : memref<32x1024xf32, #tpu.memory_space<hbm>>) target(%dma_start3A_322 : memref<32x1024xf32, #tpu.memory_space<vmem>>) target_semaphore(%arg13 : memref<!tpu.dma_semaphore, #tpu.memory_space<semaphore_mem>>)
      %dma_wait3A_325 = arith.constant 0 : i32
      %dma_wait3A_326 = arith.constant 0 : i32
      %dma_wait3A_327 = tpu.memref_slice %arg9[%dma_wait3A_325, %dma_wait3A_326] : memref<48x1024xf32, #tpu.memory_space<vmem>> -> memref<32x1024xf32, #tpu.memory_space<vmem>>
      %dma_wait3A_328 = arith.constant 0 : i32
      %dma_wait3A_329 = tpu.memref_slice %arg2[%multiple_of3A_314, %dma_wait3A_328] : memref<65536x1024xf32, #tpu.memory_space<hbm>> -> memref<32x1024xf32, #tpu.memory_space<hbm>>
      %dma_wait3A_330 = arith.constant 0 : i32
      %dma_wait3A_331 = arith.constant 0 : i32
      %dma_wait3A_332 = tpu.memref_slice %arg9[%dma_wait3A_330, %dma_wait3A_331] : memref<48x1024xf32, #tpu.memory_space<vmem>> -> memref<32x1024xf32, #tpu.memory_space<vmem>>
      %dma_wait3A_333 = arith.constant 0 : i32
      %dma_wait3A_334 = tpu.memref_slice %arg2[%multiple_of3A_314, %dma_wait3A_333] : memref<65536x1024xf32, #tpu.memory_space<hbm>> -> memref<32x1024xf32, #tpu.memory_space<hbm>>
      tpu.wait_dma2 semaphore(%arg13 : memref<!tpu.dma_semaphore, #tpu.memory_space<semaphore_mem>>) src(%dma_wait3A_334 : memref<32x1024xf32, #tpu.memory_space<hbm>>) dst(%dma_wait3A_332 : memref<32x1024xf32, #tpu.memory_space<vmem>>)
      %dma_start3A_335 = arith.constant 0 : i32
      %dma_start3A_336 = arith.constant 0 : i32
      %dma_start3A_337 = tpu.memref_slice %arg9[%dma_start3A_335, %dma_start3A_336] : memref<48x1024xf32, #tpu.memory_space<vmem>> -> memref<32x1024xf32, #tpu.memory_space<vmem>>
      %dma_start3A_338 = arith.constant 0 : i32
      %dma_start3A_339 = tpu.memref_slice %arg5[%multiple_of3A_314, %dma_start3A_338] : memref<65536x1024xf32, #tpu.memory_space<hbm>> -> memref<32x1024xf32, #tpu.memory_space<hbm>>
      %dma_start3A_340 = arith.constant 0 : i32
      %dma_start3A_341 = tpu.memref_slice %arg5[%multiple_of3A_314, %dma_start3A_340] : memref<65536x1024xf32, #tpu.memory_space<hbm>> -> memref<32x1024xf32, #tpu.memory_space<hbm>>
      %dma_start3A_342 = arith.constant 0 : i32
      %dma_start3A_343 = arith.constant 0 : i32
      %dma_start3A_344 = tpu.memref_slice %arg9[%dma_start3A_342, %dma_start3A_343] : memref<48x1024xf32, #tpu.memory_space<vmem>> -> memref<32x1024xf32, #tpu.memory_space<vmem>>
      tpu.enqueue_dma source(%dma_start3A_344 : memref<32x1024xf32, #tpu.memory_space<vmem>>) target(%dma_start3A_341 : memref<32x1024xf32, #tpu.memory_space<hbm>>) target_semaphore(%arg15 : memref<!tpu.dma_semaphore, #tpu.memory_space<semaphore_mem>>)
      %dma_wait3A_345 = arith.constant 0 : i32
      %dma_wait3A_346 = arith.constant 0 : i32
      %dma_wait3A_347 = tpu.memref_slice %arg9[%dma_wait3A_345, %dma_wait3A_346] : memref<48x1024xf32, #tpu.memory_space<vmem>> -> memref<32x1024xf32, #tpu.memory_space<vmem>>
      %dma_wait3A_348 = arith.constant 0 : i32
      %dma_wait3A_349 = tpu.memref_slice %arg5[%multiple_of3A_314, %dma_wait3A_348] : memref<65536x1024xf32, #tpu.memory_space<hbm>> -> memref<32x1024xf32, #tpu.memory_space<hbm>>
      %dma_wait3A_350 = arith.constant 0 : i32
      %dma_wait3A_351 = tpu.memref_slice %arg5[%multiple_of3A_314, %dma_wait3A_350] : memref<65536x1024xf32, #tpu.memory_space<hbm>> -> memref<32x1024xf32, #tpu.memory_space<hbm>>
      %dma_wait3A_352 = arith.constant 0 : i32
      %dma_wait3A_353 = arith.constant 0 : i32
      %dma_wait3A_354 = tpu.memref_slice %arg9[%dma_wait3A_352, %dma_wait3A_353] : memref<48x1024xf32, #tpu.memory_space<vmem>> -> memref<32x1024xf32, #tpu.memory_space<vmem>>
      tpu.wait_dma2 semaphore(%arg15 : memref<!tpu.dma_semaphore, #tpu.memory_space<semaphore_mem>>) src(%dma_wait3A_354 : memref<32x1024xf32, #tpu.memory_space<vmem>>) dst(%dma_wait3A_351 : memref<32x1024xf32, #tpu.memory_space<hbm>>)
    } else {
    }
    %jit3A_269 = arith.constant 32 : i32
    %jit3A_270 = arith.constant 0 : i32
    %select_n3A_271 = arith.select %ne3A_265, %jit3A_269, %jit3A_270 : i32
    %add3A_272 = arith.addi %add3A_261, %select_n3A_271 : i32
    %and3A_273 = arith.constant 16 : i32
    %and3A_274 = arith.andi %select_n3A_258, %and3A_273 : i32
    %ne3A_275 = arith.constant 0 : i32
    %ne3A_276 = arith.cmpi ne, %and3A_274, %ne3A_275 : i32
    %convert_element_type3A_277 = arith.extui %ne3A_276 : i1 to i32
    %cond3A_278 = arith.constant 0 : i32
    %cond3A_279 = arith.cmpi ne, %convert_element_type3A_277, %cond3A_278 : i32
    scf.if %cond3A_279 {
      %multiple_of3A_314 = tpu.assume_multiple %add3A_272, 8 : i32
      %dma_start3A_315 = arith.constant 0 : i32
      %dma_start3A_316 = arith.constant 0 : i32
      %dma_start3A_317 = tpu.memref_slice %arg9[%dma_start3A_315, %dma_start3A_316] : memref<48x1024xf32, #tpu.memory_space<vmem>> -> memref<16x1024xf32, #tpu.memory_space<vmem>>
      %dma_start3A_318 = arith.constant 0 : i32
      %dma_start3A_319 = tpu.memref_slice %arg2[%multiple_of3A_314, %dma_start3A_318] : memref<65536x1024xf32, #tpu.memory_space<hbm>> -> memref<16x1024xf32, #tpu.memory_space<hbm>>
      %dma_start3A_320 = arith.constant 0 : i32
      %dma_start3A_321 = arith.constant 0 : i32
      %dma_start3A_322 = tpu.memref_slice %arg9[%dma_start3A_320, %dma_start3A_321] : memref<48x1024xf32, #tpu.memory_space<vmem>> -> memref<16x1024xf32, #tpu.memory_space<vmem>>
      %dma_start3A_323 = arith.constant 0 : i32
      %dma_start3A_324 = tpu.memref_slice %arg2[%multiple_of3A_314, %dma_start3A_323] : memref<65536x1024xf32, #tpu.memory_space<hbm>> -> memref<16x1024xf32, #tpu.memory_space<hbm>>
      tpu.enqueue_dma source(%dma_start3A_324 : memref<16x1024xf32, #tpu.memory_space<hbm>>) target(%dma_start3A_322 : memref<16x1024xf32, #tpu.memory_space<vmem>>) target_semaphore(%arg13 : memref<!tpu.dma_semaphore, #tpu.memory_space<semaphore_mem>>)
      %dma_wait3A_325 = arith.constant 0 : i32
      %dma_wait3A_326 = arith.constant 0 : i32
      %dma_wait3A_327 = tpu.memref_slice %arg9[%dma_wait3A_325, %dma_wait3A_326] : memref<48x1024xf32, #tpu.memory_space<vmem>> -> memref<16x1024xf32, #tpu.memory_space<vmem>>
      %dma_wait3A_328 = arith.constant 0 : i32
      %dma_wait3A_329 = tpu.memref_slice %arg2[%multiple_of3A_314, %dma_wait3A_328] : memref<65536x1024xf32, #tpu.memory_space<hbm>> -> memref<16x1024xf32, #tpu.memory_space<hbm>>
      %dma_wait3A_330 = arith.constant 0 : i32
      %dma_wait3A_331 = arith.constant 0 : i32
      %dma_wait3A_332 = tpu.memref_slice %arg9[%dma_wait3A_330, %dma_wait3A_331] : memref<48x1024xf32, #tpu.memory_space<vmem>> -> memref<16x1024xf32, #tpu.memory_space<vmem>>
      %dma_wait3A_333 = arith.constant 0 : i32
      %dma_wait3A_334 = tpu.memref_slice %arg2[%multiple_of3A_314, %dma_wait3A_333] : memref<65536x1024xf32, #tpu.memory_space<hbm>> -> memref<16x1024xf32, #tpu.memory_space<hbm>>
      tpu.wait_dma2 semaphore(%arg13 : memref<!tpu.dma_semaphore, #tpu.memory_space<semaphore_mem>>) src(%dma_wait3A_334 : memref<16x1024xf32, #tpu.memory_space<hbm>>) dst(%dma_wait3A_332 : memref<16x1024xf32, #tpu.memory_space<vmem>>)
      %dma_start3A_335 = arith.constant 0 : i32
      %dma_start3A_336 = arith.constant 0 : i32
      %dma_start3A_337 = tpu.memref_slice %arg9[%dma_start3A_335, %dma_start3A_336] : memref<48x1024xf32, #tpu.memory_space<vmem>> -> memref<16x1024xf32, #tpu.memory_space<vmem>>
      %dma_start3A_338 = arith.constant 0 : i32
      %dma_start3A_339 = tpu.memref_slice %arg5[%multiple_of3A_314, %dma_start3A_338] : memref<65536x1024xf32, #tpu.memory_space<hbm>> -> memref<16x1024xf32, #tpu.memory_space<hbm>>
      %dma_start3A_340 = arith.constant 0 : i32
      %dma_start3A_341 = tpu.memref_slice %arg5[%multiple_of3A_314, %dma_start3A_340] : memref<65536x1024xf32, #tpu.memory_space<hbm>> -> memref<16x1024xf32, #tpu.memory_space<hbm>>
      %dma_start3A_342 = arith.constant 0 : i32
      %dma_start3A_343 = arith.constant 0 : i32
      %dma_start3A_344 = tpu.memref_slice %arg9[%dma_start3A_342, %dma_start3A_343] : memref<48x1024xf32, #tpu.memory_space<vmem>> -> memref<16x1024xf32, #tpu.memory_space<vmem>>
      tpu.enqueue_dma source(%dma_start3A_344 : memref<16x1024xf32, #tpu.memory_space<vmem>>) target(%dma_start3A_341 : memref<16x1024xf32, #tpu.memory_space<hbm>>) target_semaphore(%arg15 : memref<!tpu.dma_semaphore, #tpu.memory_space<semaphore_mem>>)
      %dma_wait3A_345 = arith.constant 0 : i32
      %dma_wait3A_346 = arith.constant 0 : i32
      %dma_wait3A_347 = tpu.memref_slice %arg9[%dma_wait3A_345, %dma_wait3A_346] : memref<48x1024xf32, #tpu.memory_space<vmem>> -> memref<16x1024xf32, #tpu.memory_space<vmem>>
      %dma_wait3A_348 = arith.constant 0 : i32
      %dma_wait3A_349 = tpu.memref_slice %arg5[%multiple_of3A_314, %dma_wait3A_348] : memref<65536x1024xf32, #tpu.memory_space<hbm>> -> memref<16x1024xf32, #tpu.memory_space<hbm>>
      %dma_wait3A_350 = arith.constant 0 : i32
      %dma_wait3A_351 = tpu.memref_slice %arg5[%multiple_of3A_314, %dma_wait3A_350] : memref<65536x1024xf32, #tpu.memory_space<hbm>> -> memref<16x1024xf32, #tpu.memory_space<hbm>>
      %dma_wait3A_352 = arith.constant 0 : i32
      %dma_wait3A_353 = arith.constant 0 : i32
      %dma_wait3A_354 = tpu.memref_slice %arg9[%dma_wait3A_352, %dma_wait3A_353] : memref<48x1024xf32, #tpu.memory_space<vmem>> -> memref<16x1024xf32, #tpu.memory_space<vmem>>
      tpu.wait_dma2 semaphore(%arg15 : memref<!tpu.dma_semaphore, #tpu.memory_space<semaphore_mem>>) src(%dma_wait3A_354 : memref<16x1024xf32, #tpu.memory_space<vmem>>) dst(%dma_wait3A_351 : memref<16x1024xf32, #tpu.memory_space<hbm>>)
    } else {
    }
    %jit3A_280 = arith.constant 16 : i32
    %jit3A_281 = arith.constant 0 : i32
    %select_n3A_282 = arith.select %ne3A_276, %jit3A_280, %jit3A_281 : i32
    %add3A_283 = arith.addi %add3A_272, %select_n3A_282 : i32
    %and3A_284 = arith.constant 8 : i32
    %and3A_285 = arith.andi %select_n3A_258, %and3A_284 : i32
    %ne3A_286 = arith.constant 0 : i32
    %ne3A_287 = arith.cmpi ne, %and3A_285, %ne3A_286 : i32
    %convert_element_type3A_288 = arith.extui %ne3A_287 : i1 to i32
    %cond3A_289 = arith.constant 0 : i32
    %cond3A_290 = arith.cmpi ne, %convert_element_type3A_288, %cond3A_289 : i32
    scf.if %cond3A_290 {
      %multiple_of3A_314 = tpu.assume_multiple %add3A_283, 8 : i32
      %dma_start3A_315 = arith.constant 0 : i32
      %dma_start3A_316 = arith.constant 0 : i32
      %dma_start3A_317 = tpu.memref_slice %arg9[%dma_start3A_315, %dma_start3A_316] : memref<48x1024xf32, #tpu.memory_space<vmem>> -> memref<8x1024xf32, #tpu.memory_space<vmem>>
      %dma_start3A_318 = arith.constant 0 : i32
      %dma_start3A_319 = tpu.memref_slice %arg2[%multiple_of3A_314, %dma_start3A_318] : memref<65536x1024xf32, #tpu.memory_space<hbm>> -> memref<8x1024xf32, #tpu.memory_space<hbm>>
      %dma_start3A_320 = arith.constant 0 : i32
      %dma_start3A_321 = arith.constant 0 : i32
      %dma_start3A_322 = tpu.memref_slice %arg9[%dma_start3A_320, %dma_start3A_321] : memref<48x1024xf32, #tpu.memory_space<vmem>> -> memref<8x1024xf32, #tpu.memory_space<vmem>>
      %dma_start3A_323 = arith.constant 0 : i32
      %dma_start3A_324 = tpu.memref_slice %arg2[%multiple_of3A_314, %dma_start3A_323] : memref<65536x1024xf32, #tpu.memory_space<hbm>> -> memref<8x1024xf32, #tpu.memory_space<hbm>>
      tpu.enqueue_dma source(%dma_start3A_324 : memref<8x1024xf32, #tpu.memory_space<hbm>>) target(%dma_start3A_322 : memref<8x1024xf32, #tpu.memory_space<vmem>>) target_semaphore(%arg13 : memref<!tpu.dma_semaphore, #tpu.memory_space<semaphore_mem>>)
      %dma_wait3A_325 = arith.constant 0 : i32
      %dma_wait3A_326 = arith.constant 0 : i32
      %dma_wait3A_327 = tpu.memref_slice %arg9[%dma_wait3A_325, %dma_wait3A_326] : memref<48x1024xf32, #tpu.memory_space<vmem>> -> memref<8x1024xf32, #tpu.memory_space<vmem>>
      %dma_wait3A_328 = arith.constant 0 : i32
      %dma_wait3A_329 = tpu.memref_slice %arg2[%multiple_of3A_314, %dma_wait3A_328] : memref<65536x1024xf32, #tpu.memory_space<hbm>> -> memref<8x1024xf32, #tpu.memory_space<hbm>>
      %dma_wait3A_330 = arith.constant 0 : i32
      %dma_wait3A_331 = arith.constant 0 : i32
      %dma_wait3A_332 = tpu.memref_slice %arg9[%dma_wait3A_330, %dma_wait3A_331] : memref<48x1024xf32, #tpu.memory_space<vmem>> -> memref<8x1024xf32, #tpu.memory_space<vmem>>
      %dma_wait3A_333 = arith.constant 0 : i32
      %dma_wait3A_334 = tpu.memref_slice %arg2[%multiple_of3A_314, %dma_wait3A_333] : memref<65536x1024xf32, #tpu.memory_space<hbm>> -> memref<8x1024xf32, #tpu.memory_space<hbm>>
      tpu.wait_dma2 semaphore(%arg13 : memref<!tpu.dma_semaphore, #tpu.memory_space<semaphore_mem>>) src(%dma_wait3A_334 : memref<8x1024xf32, #tpu.memory_space<hbm>>) dst(%dma_wait3A_332 : memref<8x1024xf32, #tpu.memory_space<vmem>>)
      %dma_start3A_335 = arith.constant 0 : i32
      %dma_start3A_336 = arith.constant 0 : i32
      %dma_start3A_337 = tpu.memref_slice %arg9[%dma_start3A_335, %dma_start3A_336] : memref<48x1024xf32, #tpu.memory_space<vmem>> -> memref<8x1024xf32, #tpu.memory_space<vmem>>
      %dma_start3A_338 = arith.constant 0 : i32
      %dma_start3A_339 = tpu.memref_slice %arg5[%multiple_of3A_314, %dma_start3A_338] : memref<65536x1024xf32, #tpu.memory_space<hbm>> -> memref<8x1024xf32, #tpu.memory_space<hbm>>
      %dma_start3A_340 = arith.constant 0 : i32
      %dma_start3A_341 = tpu.memref_slice %arg5[%multiple_of3A_314, %dma_start3A_340] : memref<65536x1024xf32, #tpu.memory_space<hbm>> -> memref<8x1024xf32, #tpu.memory_space<hbm>>
      %dma_start3A_342 = arith.constant 0 : i32
      %dma_start3A_343 = arith.constant 0 : i32
      %dma_start3A_344 = tpu.memref_slice %arg9[%dma_start3A_342, %dma_start3A_343] : memref<48x1024xf32, #tpu.memory_space<vmem>> -> memref<8x1024xf32, #tpu.memory_space<vmem>>
      tpu.enqueue_dma source(%dma_start3A_344 : memref<8x1024xf32, #tpu.memory_space<vmem>>) target(%dma_start3A_341 : memref<8x1024xf32, #tpu.memory_space<hbm>>) target_semaphore(%arg15 : memref<!tpu.dma_semaphore, #tpu.memory_space<semaphore_mem>>)
      %dma_wait3A_345 = arith.constant 0 : i32
      %dma_wait3A_346 = arith.constant 0 : i32
      %dma_wait3A_347 = tpu.memref_slice %arg9[%dma_wait3A_345, %dma_wait3A_346] : memref<48x1024xf32, #tpu.memory_space<vmem>> -> memref<8x1024xf32, #tpu.memory_space<vmem>>
      %dma_wait3A_348 = arith.constant 0 : i32
      %dma_wait3A_349 = tpu.memref_slice %arg5[%multiple_of3A_314, %dma_wait3A_348] : memref<65536x1024xf32, #tpu.memory_space<hbm>> -> memref<8x1024xf32, #tpu.memory_space<hbm>>
      %dma_wait3A_350 = arith.constant 0 : i32
      %dma_wait3A_351 = tpu.memref_slice %arg5[%multiple_of3A_314, %dma_wait3A_350] : memref<65536x1024xf32, #tpu.memory_space<hbm>> -> memref<8x1024xf32, #tpu.memory_space<hbm>>
      %dma_wait3A_352 = arith.constant 0 : i32
      %dma_wait3A_353 = arith.constant 0 : i32
      %dma_wait3A_354 = tpu.memref_slice %arg9[%dma_wait3A_352, %dma_wait3A_353] : memref<48x1024xf32, #tpu.memory_space<vmem>> -> memref<8x1024xf32, #tpu.memory_space<vmem>>
      tpu.wait_dma2 semaphore(%arg15 : memref<!tpu.dma_semaphore, #tpu.memory_space<semaphore_mem>>) src(%dma_wait3A_354 : memref<8x1024xf32, #tpu.memory_space<vmem>>) dst(%dma_wait3A_351 : memref<8x1024xf32, #tpu.memory_space<hbm>>)
    } else {
    }
    %jit3A_291 = arith.constant 8 : i32
    %jit3A_292 = arith.constant 0 : i32
    %select_n3A_293 = arith.select %ne3A_287, %jit3A_291, %jit3A_292 : i32
    %add3A_294 = arith.addi %add3A_283, %select_n3A_293 : i32
    %while3A_295 = arith.constant 0 : i32
    %while3A_296 = arith.constant 0 : i32
    %while3A_297 = arith.subi %select_n3A_118, %while3A_295 : i32
    %while3A_298 = arith.addi %while3A_295, %while3A_297 : i32
    %while3A_299 = arith.constant 1 : i32
    %while3A_300 = arith.divsi %while3A_297, %while3A_299 : i32
    %while3A_301 = arith.muli %while3A_300, %while3A_299 : i32
    %while3A_302 = arith.addi %while3A_295, %while3A_301 : i32
    %while3A_303 = arith.constant 1 : i32
    %while3A_304 = scf.for %while3A_314 = %while3A_295 to %while3A_302 step %while3A_303 iter_args(%while3A_315 = %while3A_296) -> (i32)  : i32 {
      %dma_wait3A_316 = arith.constant 0 : i32
      %dma_wait3A_317 = tpu.memref_slice %arg5[%multiple_of3A, %dma_wait3A_316] : memref<65536x1024xf32, #tpu.memory_space<hbm>> -> memref<16x1024xf32, #tpu.memory_space<hbm>>
      %dma_wait3A_318 = arith.constant 0 : i32
      %dma_wait3A_319 = tpu.memref_slice %arg5[%multiple_of3A, %dma_wait3A_318] : memref<65536x1024xf32, #tpu.memory_space<hbm>> -> memref<16x1024xf32, #tpu.memory_space<hbm>>
      tpu.wait_dma2 semaphore(%arg12 : memref<!tpu.dma_semaphore, #tpu.memory_space<semaphore_mem>>) src(%arg7 : memref<16x1024xf32, #tpu.memory_space<vmem>>) dst(%dma_wait3A_319 : memref<16x1024xf32, #tpu.memory_space<hbm>>)
      %while3A_320 = arith.constant 0 : i32
      scf.yield %while3A_320 : i32
    }
    %while3A_305 = arith.constant 1 : i32
    %while3A_306 = scf.for %while3A_314 = %while3A_302 to %while3A_298 step %while3A_305 iter_args(%while3A_315 = %while3A_304) -> (i32)  : i32 {
      %dma_wait3A_316 = arith.constant 0 : i32
      %dma_wait3A_317 = tpu.memref_slice %arg5[%multiple_of3A, %dma_wait3A_316] : memref<65536x1024xf32, #tpu.memory_space<hbm>> -> memref<16x1024xf32, #tpu.memory_space<hbm>>
      %dma_wait3A_318 = arith.constant 0 : i32
      %dma_wait3A_319 = tpu.memref_slice %arg5[%multiple_of3A, %dma_wait3A_318] : memref<65536x1024xf32, #tpu.memory_space<hbm>> -> memref<16x1024xf32, #tpu.memory_space<hbm>>
      tpu.wait_dma2 semaphore(%arg12 : memref<!tpu.dma_semaphore, #tpu.memory_space<semaphore_mem>>) src(%arg7 : memref<16x1024xf32, #tpu.memory_space<vmem>>) dst(%dma_wait3A_319 : memref<16x1024xf32, #tpu.memory_space<hbm>>)
      %while3A_320 = arith.constant 0 : i32
      scf.yield %while3A_320 : i32
    }
    %and3A_307 = arith.constant 8 : i32
    %and3A_308 = arith.andi %select_n3A_145, %and3A_307 : i32
    %ne3A_309 = arith.constant 0 : i32
    %ne3A_310 = arith.cmpi ne, %and3A_308, %ne3A_309 : i32
    %convert_element_type3A_311 = arith.extui %ne3A_310 : i1 to i32
    %cond3A_312 = arith.constant 0 : i32
    %cond3A_313 = arith.cmpi ne, %convert_element_type3A_311, %cond3A_312 : i32
    scf.if %cond3A_313 {
      %dma_wait3A_314 = arith.constant 0 : i32
      %dma_wait3A_315 = arith.constant 0 : i32
      %dma_wait3A_316 = tpu.memref_slice %arg7[%dma_wait3A_314, %dma_wait3A_315] : memref<16x1024xf32, #tpu.memory_space<vmem>> -> memref<8x1024xf32, #tpu.memory_space<vmem>>
      %dma_wait3A_317 = arith.constant 0 : i32
      %dma_wait3A_318 = tpu.memref_slice %arg5[%multiple_of3A, %dma_wait3A_317] : memref<65536x1024xf32, #tpu.memory_space<hbm>> -> memref<8x1024xf32, #tpu.memory_space<hbm>>
      %dma_wait3A_319 = arith.constant 0 : i32
      %dma_wait3A_320 = tpu.memref_slice %arg5[%multiple_of3A, %dma_wait3A_319] : memref<65536x1024xf32, #tpu.memory_space<hbm>> -> memref<8x1024xf32, #tpu.memory_space<hbm>>
      %dma_wait3A_321 = arith.constant 0 : i32
      %dma_wait3A_322 = arith.constant 0 : i32
      %dma_wait3A_323 = tpu.memref_slice %arg7[%dma_wait3A_321, %dma_wait3A_322] : memref<16x1024xf32, #tpu.memory_space<vmem>> -> memref<8x1024xf32, #tpu.memory_space<vmem>>
      tpu.wait_dma2 semaphore(%arg12 : memref<!tpu.dma_semaphore, #tpu.memory_space<semaphore_mem>>) src(%dma_wait3A_323 : memref<8x1024xf32, #tpu.memory_space<vmem>>) dst(%dma_wait3A_320 : memref<8x1024xf32, #tpu.memory_space<hbm>>)
    } else {
    }
    return
  }
}

</mosaic_0001>

<sc_bundles>
// kernel: kernel.3.cloned.1.call-start
scs
__scs_entry_jumppad:
0x0: {  	(pc) =	sbr.rel $0x88, $3  }
0x1: {  	(tag) =	ssettag $0x0;
	lr =	simm.s32 $0x1  }
0x2: {  	[smem:$0x3F9F] =	sst lr;
	_ =	strace $0xD0000000  }
0x3: {  	_ = 	snop  }
0x4: {  	_ = 	snop  }
0x5: {  	_ = 	snop  }
0x6: {  	_ = 	snop  }
0x7: {  	_ = 	snop  }
__scs_overlays_trampoline_lowered:
0x8: {  	[smem:$0x3FAE] =	sst s0  }
0x9: {  	[smem:$0x3FAF] =	sst s1  }
0xa: {  	[smem:$0x3FB0] =	sst s2  }
0xb: {  	[smem:$0x3FB1] =	sst s3  }
0xc: {  	[smem:$0x3FB2] =	sst s4  }
0xd: {  	[smem:$0x3FB3] =	sst s5  }
0xe: {  	[smem:$0x3FB4] =	sst s6  }
0xf: {  	[smem:$0x3FB5] =	sst s7  }
0x10: {  	[smem:$0x3FB6] =	sst s8  }
0x11: {  	[smem:$0x3FB7] =	sst s9;
	s0 =	simm.s32 @!p0 $0x0  }
0x12: {  	s1 =	sld [smem:$0x3F9D];
	s0 =	simm.s32 @p0 $0x1  }
0x13: {  	[smem:$0x3FB8] =	sst s0;
	s0 =	simm.s32 @!p1 $0x0  }
0x14: {  	s2 =	sld [smem:$0x3F9C];
	s0 =	simm.s32 @p1 $0x1  }
0x15: {  	[smem:$0x3FB9] =	sst s0;
	s0 =	simm.s32 @!p2 $0x0  }
0x16: {  	s3 =	sld [smem:$0x3FDB];
	s0 =	simm.s32 @p2 $0x1  }
0x17: {  	s4 =	simm.s32 $0x1BF5;
	[smem:$0x3FBB] =	sst s0  }
0x18: {  	s0 =	sld [smem:$0x3F9E];
	_ =	swait.ge [sflag:s4], $0x0  }
0x19: {  	s7 =	sld [smem:$0x3F9F]  }
0x1a: {  	s8 =	sadd.s32 $0xFFFFE003, lr  }
0x1b: {  	s9 =	sadd.s32 $0xFFFFFEF7, lr;
	s5 =	simm.s32 $0xFFFFFFFF;
	p2 =	slt.u32 s8, $0xFFFFF086  }
0x1c: {  	p1 =	slt.u32 s9, $0xF7A;
	s5 =	simm.s32 @!p2 $0x0  }
0x1d: {  	s5 =	simm.s32 @p1 $0x1;
	p0 =	seq.s32 s7, s2  }
0x1e: {  	s7 =	smul.u32 @!p0 $0xF7A, s2;
	p2 =	seq.s32 @!p0 s5, $0x0  }
0x1f: {  	s9 =	smul.u32 $0xF7A, s1;
	s8 =	simm.s32 @!p0 $0x1BF5;
	p2 =	por !p2, p0  }
0x20: {  	[sflag:s8] =	ssyncset.s32 @!p0 $0xFFFFF086;
	s6 =	sadd.s32 @!p0 s3, s7;
	s7 =	simm.s32 @!p0 $0x108  }
0x21: {  	s3 =	sadd.s32 s3, s9;
	s6 =	sadd.s32 @!p0 $0x88, s6;
	s7 =	simm.s32 @p2 $0x1082  }
0x22: {  	[simem:s7], [sflag:s8] =	dma.local @!p0 [hbm:s6], $0xF7A  }
0x23: {  	s9 =	sor.u32 $0xD0000000, s2;
	s6 =	simm.s32 $0x108;
	_ =	swait.ge @!p0 [sflag:s8], $0x0  }
0x24: {  	s3 =	sadd.s32 $0x88, s3;
	s6 =	simm.s32 @!p1 $0x1082;
	[sflag:s4] =	ssyncset.s32 $0xFFFFF086  }
0x25: {  	[simem:s6], [sflag:s4] =	dma.local [hbm:s3], $0xF7A  }
0x26: {  	[smem:$0x3F9F] =	sst s1;
	(tag) =	ssettag s2;
	_ =	strace s9  }
0x27: {  	s1 =	sld [smem:$0x3FAF]  }
0x28: {  	s2 =	sld [smem:$0x3FB0]  }
0x29: {  	s4 =	sld [smem:$0x3FB2]  }
0x2a: {  	p0 =	seq.s32 s5, $0x0;
	s5 =	sld [smem:$0x3FB3]  }
0x2b: {  	s6 =	sld [smem:$0x3FB4]  }
0x2c: {  	s7 =	sld [smem:$0x3FB5]  }
0x2d: {  	s3 =	simm.s32 $0x108;
	s8 =	sld [smem:$0x3FB6]  }
0x2e: {  	s3 =	simm.s32 @!p0 $0x1082;
	s9 =	sld [smem:$0x3FB7]  }
0x2f: {  	lr =	sadd.s32 s0, s3;
	s0 =	sld [smem:$0x3FAE]  }
0x30: {  	s3 =	sld [smem:$0x3FB1]  }
0x31: {  	[smem:$0x3FBA] =	sst s10  }
0x32: {  	s10 =	sld [smem:$0x3FB8];
	_ =	sdelay $0x3  }
0x33: {  	p0 =	seq.s32 s10, $0x1;
	s10 =	sld [smem:$0x3FBA];
	_ =	sdelay $0x3  }
0x34: {  	[smem:$0x3FBA] =	sst s10  }
0x35: {  	s10 =	sld [smem:$0x3FB9];
	_ =	sdelay $0x3  }
0x36: {  	p1 =	seq.s32 s10, $0x1;
	s10 =	sld [smem:$0x3FBA];
	_ =	sdelay $0x3  }
0x37: {  	[smem:$0x3FBA] =	sst s10  }
0x38: {  	s10 =	sld [smem:$0x3FBB]  }
0x39: {  	_ = 	snop;
	(pc) =	sbr.ind lr, $3  }
0x3a: {  	_ = 	snop  }
0x3b: {  	_ = 	snop  }
0x3c: {  	p2 =	seq.s32 s10, $0x1;
	s10 =	sld [smem:$0x3FBA]  }
0x3d: {  	_ =	shalt  }
0x3e: {  	_ =	shalt  }
0x3f: {  	_ =	shalt  }
0x40: {  	_ =	shalt  }
0x41: {  	_ =	shalt  }
0x42: {  	_ =	shalt  }
0x43: {  	_ =	shalt  }
0x44: {  	_ =	shalt  }
0x45: {  	_ =	shalt  }
0x46: {  	_ =	shalt  }
0x47: {  	_ =	shalt  }
0x48: {  	_ =	shalt  }
0x49: {  	_ =	shalt  }
0x4a: {  	_ =	shalt  }
0x4b: {  	_ =	shalt  }
0x4c: {  	_ =	shalt  }
0x4d: {  	_ =	shalt  }
0x4e: {  	_ =	shalt  }
0x4f: {  	_ =	shalt  }
0x50: {  	_ =	shalt  }
0x51: {  	_ =	shalt  }
0x52: {  	_ =	shalt  }
0x53: {  	_ =	shalt  }
0x54: {  	_ =	shalt  }
0x55: {  	_ =	shalt  }
0x56: {  	_ =	shalt  }
0x57: {  	_ =	shalt  }
0x58: {  	_ =	shalt  }
0x59: {  	_ =	shalt  }
0x5a: {  	_ =	shalt  }
0x5b: {  	_ =	shalt  }
0x5c: {  	_ =	shalt  }
0x5d: {  	_ =	shalt  }
0x5e: {  	_ =	shalt  }
0x5f: {  	_ =	shalt  }
0x60: {  	_ =	shalt  }
0x61: {  	_ =	shalt  }
0x62: {  	_ =	shalt  }
0x63: {  	_ =	shalt  }
0x64: {  	_ =	shalt  }
0x65: {  	_ =	shalt  }
0x66: {  	_ =	shalt  }
0x67: {  	_ =	shalt  }
0x68: {  	_ =	shalt  }
0x69: {  	_ =	shalt  }
0x6a: {  	_ =	shalt  }
0x6b: {  	_ =	shalt  }
0x6c: {  	_ =	shalt  }
0x6d: {  	_ =	shalt  }
0x6e: {  	_ =	shalt  }
0x6f: {  	_ =	shalt  }
0x70: {  	_ =	shalt  }
0x71: {  	_ =	shalt  }
0x72: {  	_ =	shalt  }
0x73: {  	_ =	shalt  }
0x74: {  	_ =	shalt  }
0x75: {  	_ =	shalt  }
0x76: {  	_ =	shalt  }
0x77: {  	_ =	shalt  }
0x78: {  	_ =	shalt  }
0x79: {  	_ =	shalt  }
0x7a: {  	_ =	shalt  }
0x7b: {  	_ =	shalt  }
0x7c: {  	_ =	shalt  }
0x7d: {  	_ =	shalt  }
0x7e: {  	_ =	shalt  }
0x7f: {  	_ =	shalt  }
0x80: {  	_ =	shalt  }
0x81: {  	_ =	shalt  }
0x82: {  	_ =	shalt  }
0x83: {  	_ =	shalt  }
0x84: {  	_ =	shalt  }
0x85: {  	_ =	shalt  }
0x86: {  	_ =	shalt  }
0x87: {  	_ =	shalt  }
.Lfunc_end0:
.L_simem_size_0:
called_computation_lowered:
.L_overlay_start_0:
0x88: {  	s2 =	sld [smem:$0x3FD9]  }
0x89: {  	s3 =	sld [smem:$0x3FFE];
	_ =	sdelay $0x1  }
0x8a: {  	s1 =	srdreg.scid  }
0x8b: {  	s0 =	sand.u32 $0x1, s1  }
0x8c: {  	s17 =	sshll.u32 s0, $0xA;
	s2 =	sadd.s32 s3, s2  }
0x8d: {  	s2 =	sadd.s32 s2, s17  }
0x8e: {  	[smem:$0x3FC6] =	sst s2  }
0x8f: {  	_ = 	snop  }
0x90: {  	s2 =	sld [smem:$0x3FC9]  }
0x91: {  	s18 =	sld [smem:$0x3FD0];
	(tm) =	ssettm $0x1  }
0x92: {  	s4 =	sld [smem:$0x3FFB];
	_ =	sdelay $0x3  }
0x93: {  	_ =	strace s4  }
0x94: {  	s4 =	sld [smem:$0x3FFC];
	_ =	sdelay $0x3  }
0x95: {  	_ =	strace s4  }
0x96: {  	s4 =	sld [smem:$0x3FFD];
	_ =	sdelay $0x3  }
0x97: {  	_ =	strace s4  }
0x98: {  	_ =	strace $0x8FFFFFFF  }
0x99: {  	s19 =	sld [smem:$0x3FDB];
	_ =	sdelay $0x1  }
0x9a: {  	s5 =	simm.s32 $_scs_section_size  }
0x9b: {  	s6 =	simm.s32 $_size__tile_overlayer_lowered;
	s7 =	simm.s32 $_tile_overlayer_lowered  }
0x9c: {  	s22 =	simm.s32 $0x1BFF;
	s21 =	sshll.u32 s7, $0x1;
	s4 =	sadd.s32 s5, s19  }
0x9d: {  	s8 =	simm.s32 $0x0;
	s20 =	sshll.u32 s6, $0x1;
	s6 =	sadd.s32 s21, s4  }
0x9e: {  	[timem:s8], [sflag:s22] =	dma.local [hbm:s6], s20  }
0x9f: {  	_ =	swait.ge [sflag:s22], s20  }
0xa0: {  	s5 =	ssub.s32 $0x0, s20;
	[sflag:s22] =	ssyncset.done $0x0  }
0xa1: {  	[sflag:s22] =	ssyncadd.s32 s5;
	_ =	sdelay $0x1  }
0xa2: {  	s23 =	simm.s32 $0x1B8B  }
0xa3: {  	_ =	swait.ge [sflag:s23], $0x1  }
0xa4: {  	[sflag:s23] =	ssyncset.done $0x0  }
0xa5: {  	s25 =	simm.s32 $0x1B8E;
	s24 =	sld [smem:$0x3FFE];
	[sflag:s23] =	ssyncadd.s32 $0xFFFFFFFF  }
0xa6: {  	s26 =	simm.s32 $execute0_lowered;
	[smem:$0x3FD2] =	sst s25  }
0xa7: {  	s6 =	sshll.u32 s26, $0x1;
	_ =	strace $0x80000046;
	[dreg:$0x1] =	wrdreg $0xFFFFFFFF  }
0xa8: {  	s28 =	simm.s32 $_size_execute0_lowered;
	s4 =	sadd.s32 s4, s6;
	[dreg:$0x0] =	wrdreg $0x0  }
0xa9: {  	s6 =	sshll.u32 s28, $0x1;
	[dreg:$0x2] =	wrdreg s4  }
0xaa: {  	[dreg:$0x3] =	wrdreg s6  }
0xab: {  	[dreg:$0x4] =	wrdreg $0xC0  }
0xac: {  	_ =	task [dreg:s8], $0x5FFFF  }
0xad: {  	[dreg:$0x1] =	wrdreg $0xFFFFFFFF  }
0xae: {  	[dreg:$0x0] =	wrdreg $0x60  }
0xaf: {  	[dreg:$0x2] =	wrdreg s2  }
0xb0: {  	[dreg:$0x3] =	wrdreg s24  }
0xb1: {  	[dreg:$0x4] =	wrdreg s18  }
0xb2: {  	[dreg:$0x5] =	wrdreg $0x9  }
0xb3: {  	_ =	task.clear_ibuf [dreg:s8], $0x6FFFF;
	_ =	strace $0x90000046  }
0xb4: {  	s29 =	simm.s32 $0x9;
	_ =	strace $0x80000048  }
0xb5: {  	_ =	swait.ge [sflag:s29], $0x1  }
0xb6: {  	[sflag:s29] =	ssyncadd.s32 $0xFFFFFFFF  }
0xb7: {  	_ =	strace $0x90000048  }
0xb8: {  	_ =	sfence  }
0xb9: {  	s30 =	sld [smem:$0x0];
	_ =	sdelay $0x2  }
0xba: {  	s31 =	sshll.u32 s1, $0xD;
	s1 =	sshrl.u32 s1, $0x2  }
0xbb: {  	s3 =	sand.u32 $0x4000, s31;
	s1 =	sadd.s32 s1, s30  }
0xbc: {  	s0 =	sor.u32 s3, s0;
	s1 =	sshll.u32 s1, $0x11  }
0xbd: {  	s0 =	sor.u32 s1, s0  }
0xbe: {  	s0 =	sadd.s32 $0x8F2B, s0  }
0xbf: {  	[sflag:s0] =	ssyncadd.remote.s32 $0x1  }
0xc0: {  	_ =	sfence.sel $0xFFFF  }
0xc1: {  	[dreg:$0x0] =	wrdreg $0xFFFFFFFF;
	(pc) =	sbr.abs _section_cstart, $3  }
0xc2: {  	[dreg:$0x1] =	wrdreg $0xFFFFFFFF  }
0xc3: {  	_ =	task.clear_ibuf [dreg:s8], $0x2FFFF;
	_ =	strace $0x9FFFFFFF  }
0xc4: {  	(tm) =	ssettm $0x7FFFFFFF  }
0xc5: {  	_ =	shalt  }
tec
execute0_lowered:
.L_overlay_start_1:
0x0: {  	(tag) =	ssettag $0x1  }
0x1: {  	s0 =	srdreg.scid;
	s6 =	stileid.u32  }
0x2: {  	s7 =	rddreg [dreg:$0x1];
	s0 =	sand.u32 $0x1, s0;
	s1 =	sshll.u32 s6, $0x1  }
0x3: {  	s5 =	simm.s32 $0x1;
	s3 =	rddreg [dreg:$0x2];
	s2 =	sor.u32 s0, s1  }
0x4: {  	s4 =	simm.s32 $0x0;
	p1 =	seq.s32 s0, $0x1;
	p0 =	seq.s32 s2, $0x0  }
0x5: {  	s16 =	simm.s32 $0x2;
	s29 =	simm.s32 $0x4400;
	p0 =	por !p0, !p1  }
0x6: {  	s20 =	simm.s32 $0x0;
	[smem:$0x7FF] =	sst s4;
	p0 =	por !p0, !p0  }
0x7: {  	s1 =	rddreg [dreg:$0x0];
	s2 =	sshll.u32 s2, $0x7;
	s5 =	simm.s32 @!p0 $0x0  }
0x8: {  	_ =	strace $0x80000047;
	s2 =	sadd.s32 s2, s7;
	s11 =	ssub.s32 s6, s5  }
0x9: {  	s7 =	sadd.s32 $0x1600, s7;
	s9 =	sadd.s32 $0x600, s2;
	s12 =	sxor.u32 s0, s11  }
0xa: {  	s0 =	ssub.s32 $0x2, s0;
	s6 =	sshll.u32 s11, $0xC;
	s26 =	sshll.u32 s11, $0x13  }
0xb: {  	s24 =	sshll.u32 s12, $0xB;
	s8 =	sshrl.u32 s0, $0x1;
	s28 =	sand.u32 $0x1, s12  }
0xc: {  	s30 =	sadd.s32 s26, s1;
	s31 =	sadd.s32 s26, s3;
	s5 =	sand.u32 $0x800, s24  }
.Ltmp0:
0xd: {  	s0 =	ssub.s32 s0, s8;
	s6 =	sor.u32 s6, s5;
	(pc) =	sbr.rel .LBB2_1-.Ltmp0, $4  }
0xe: {  	s8 =	simm.s32 $0x1;
	s14 =	sshll.u32 s28, $0x12;
	s13 =	sshll.u32 s6, $0x7  }
0xf: {  	s15 =	sadd.s32 s14, s30;
	s12 =	smax.u32 s0, $0x1;
	s25 =	sand.u32 $0x1FFC0000, s13  }
0x10: {  	v1 =	vimm.f32 $1.000000000e+00;
	vm0 =	vcmask $0x3B00;
	s10 =	sadd.s32 s1, s13;
	s13 =	sadd.s32 s14, s31;
	s2 =	sadd.s32 s25, s1  }
0x11: {  	v0 =	vimm.f32 $-1.000000000e+04;
	v1 =	vsel vm0, $0xC61C4000, v1;
	s14 =	sadd.s32 $0x3000, s15;
	s15 =	simm.s32 $0x400;
	s11 =	sadd.s32 $0x1800, s2  }
.LBB2_30:
0x12: {  	[sflag:s16] =	ssyncadd.s32 $0xFFFFC000  }
.LBB2_31:
0x13: {  	s20 =	sadd.s32 $0x1, s20  }
0x14: {  	p0 =	sne.s32 s20, s12  }
.Ltmp1:
0x15: {  	_ = 	snop;
	(pc) =	sbr.rel @!p0 .LBB2_32-.Ltmp1, $4  }
0x16: {  	s0 =	simm.s32 @!p1 $0x2  }
0x17: {  	_ =	swait.ge @!p1 [sflag:s0], $0x2000  }
0x18: {  	[sflag:s0] =	ssyncset.done @!p1 $0x0  }
0x19: {  	[sflag:s0] =	ssyncadd.s32 @!p1 $0xFFFFE000  }
.LBB2_1:
0x1a: {  	[tilespmem:s4], [sflag:$0x1] =	stream.linear.gather [hbm4b:s9+s4], $0x400, $0x38;
	[tilespmem:$0x1E400] =	vst v63  }
0x1b: {  	_ = 	snop  }
0x1c: {  	[tilespmem:s15], [sflag:$0x2] =	stream.linear.gather [hbm4b:s7+s4], $0x4000, $0x38;
	[tilespmem:$0x1E400] =	vst v63  }
0x1d: {  	_ =	swait.ge [sflag:s8], $0x400  }
0x1e: {  	[sflag:s8] =	ssyncset.done $0x0  }
0x1f: {  	[sflag:s8] =	ssyncadd.s32 $0xFFFFFC00  }
0x20: {  	_ =	swait.ge [sflag:s16], $0x4000  }
0x21: {  	[sflag:s16] =	ssyncset.done $0x0  }
0x22: {  	[sflag:s16] =	ssyncadd.s32 $0xFFFFC000  }
0x23: {  	v2 =	vld [tilespmem:$0x0];
	_ =	sdelay $0x4  }
0x24: {  	(v2sf) =	vpush v2, $0x0;
	_ =	sdelay $0xe  }
0x25: {  	s0 =	spop (v2sf)  }
0x26: {  	s23 =	ssub.s32 s0, s5  }
0x27: {  	p0 =	sgt.s32 s23, $0x0;
	s0 =	smov.u32 s23  }
0x28: {  	s0 =	simm.s32 @!p0 $0x0  }
0x29: {  	s24 =	smin.u32 s0, $0x800  }
0x2a: {  	s26 =	sand.u32 $0x7, s24  }
0x2b: {  	s0 =	simm.s32 $0x0;
	p2 =	seq.s32 s26, $0x0  }
0x2c: {  	s22 =	sand.u32 $0xFF8, s24;
	s0 =	simm.s32 @!p2 $0x8  }
0x2d: {  	s25 =	sadd.s32 s22, s0  }
0x2e: {  	s28 =	ssub.s32 $0x800, s25  }
0x2f: {  	s31 =	sshll.u32 s28, $0x10  }
0x30: {  	s0 =	sshra.s32 s31, $0x1F  }
0x31: {  	s0 =	sand.u32 $0xF, s0  }
0x32: {  	s0 =	sadd.s32 s0, s28  }
0x33: {  	s2 =	sand.u32 $0xFFFF, s28;
	s17 =	sand.u32 $0xFFF0, s0  }
0x34: {  	p6 =	sgt.u32 s25, $0x7FF;
	p1 =	sne.s32 s2, s17  }
0x35: {  	s0 =	sshll.u32 s0, $0x10;
	p0 =	por !p6, !p1  }
0x36: {  	s0 =	sshra.s32 s0, $0x14;
	s2 =	simm.s32 $0x1;
	p0 =	por !p0, !p0  }
0x37: {  	s0 =	sand.u32 $0xFFFF, s0;
	s2 =	simm.s32 @!p0 $0x0  }
0x38: {  	s21 =	ssub.s32 s0, s2  }
0x39: {  	p6 =	slt.s32 s21, $0x1  }
.Ltmp2:
0x3a: {  	_ = 	snop;
	(pc) =	sbr.rel @p6 .LBB2_5-.Ltmp2, $1  }
0x3b: {  	_ =	sdelay $0x3  }
0x3c: {  	p0 =	sne.s32 s21, $0x1  }
.Ltmp3:
0x3d: {  	_ = 	snop;
	(pc) =	sbr.rel @!p0 .LBB2_4-.Ltmp3, $4  }
0x3e: {  	s0 =	sadd.s32 s25, s6  }
0x3f: {  	s2 =	sshll.u32 s0, $0xA  }
0x40: {  	s17 =	sshrl.u32 s2, $0x3  }
0x41: {  	s0 =	sadd.s32 $0xFFFFFFFF, s21;
	s2 =	sadd.s32 $0x4000, s2;
	s17 =	sadd.s32 s3, s17  }
.LBB2_3:
0x42: {  	[hbm4b:s17+s4] =	stream.linear.scatter [tilespmem:s15], [sflag:$0x2], $0x4000, $0x38;
	[tilespmem:$0x1E400] =	vst v63  }
0x43: {  	p0 =	sne.s32 s0, $0x1  }
.Ltmp4:
0x44: {  	s0 =	sadd.s32 $0xFFFFFFFF, s0;
	(pc) =	sbr.rel @p0 .LBB2_3-.Ltmp4, $3  }
0x45: {  	_ =	sdelay $0x1  }
0x46: {  	s17 =	sshrl.u32 s2, $0x3  }
0x47: {  	s2 =	sadd.s32 $0x4000, s2;
	s17 =	sadd.s32 s3, s17  }
.LBB2_4:
0x48: {  	[hbm4b:s17+s4] =	stream.linear.scatter [tilespmem:s15], [sflag:$0x2], $0x4000, $0x38;
	[tilespmem:$0x1E400] =	vst v63  }
.LBB2_5:
0x49: {  	s0 =	sand.u32 $0x8, s28  }
0x4a: {  	p1 =	seq.s32 s0, $0x0  }
0x4b: {  	s0 =	sadd.s32 @!p1 s6, s25  }
.Ltmp5:
0x4c: {  	s2 =	sshll.u32 @!p1 s21, $0xE;
	s0 =	sshll.u32 @!p1 s0, $0xA;
	(pc) =	sbr.rel @p2 .LBB2_19-.Ltmp5, $4  }
0x4d: {  	s0 =	sadd.s32 @!p1 s0, s2  }
0x4e: {  	s0 =	sshrl.u32 @!p1 s0, $0x3  }
0x4f: {  	s17 =	simm.s32 @!p1 $0x400;
	s2 =	simm.s32 @!p1 $0x0;
	s0 =	sadd.s32 @!p1 s3, s0  }
0x50: {  	[hbm4b:s0+s2] =	stream.linear.scatter @!p1 [tilespmem:s17], [sflag:$0x2], $0x2000, $0x38;
	[tilespmem:$0x1E400] =	vst v63  }
0x51: {  	s0 =	sadd.s32 s6, s22  }
0x52: {  	p0 =	sne.s32 s26, $0x1;
	s25 =	sshll.u32 s0, $0x7  }
.Ltmp6:
0x53: {  	s31 =	simm.s32 $0x3;
	s0 =	sadd.s32 s1, s25;
	(pc) =	sbr.rel @p0 .LBB2_8-.Ltmp6, $4  }
0x54: {  	[tilespmem:s29], [sflag:$0x3] =	stream.linear.gather [hbm4b:s0+s4], $0x2000, $0x38;
	[tilespmem:$0x1E400] =	vst v63  }
0x55: {  	_ =	swait.ge [sflag:s31], $0x2000  }
0x56: {  	[sflag:s31] =	ssyncset.done $0x0  }
0x57: {  	[sflag:s31] =	ssyncadd.s32 $0xFFFFE000  }
0x58: {  	[tilespmem:$0x4480] =	vst v0  }
0x59: {  	[tilespmem:$0x4490] =	vst v0  }
0x5a: {  	[tilespmem:$0x44A0] =	vst v0  }
0x5b: {  	[tilespmem:$0x44B0] =	vst v0  }
0x5c: {  	[tilespmem:$0x44C0] =	vst v0  }
0x5d: {  	[tilespmem:$0x44D0] =	vst v0  }
0x5e: {  	[tilespmem:$0x44E0] =	vst v0  }
0x5f: {  	[tilespmem:$0x44F0] =	vst v0  }
0x60: {  	[tilespmem:$0x4880] =	vst v0  }
0x61: {  	[tilespmem:$0x4890] =	vst v0  }
0x62: {  	[tilespmem:$0x48A0] =	vst v0  }
0x63: {  	[tilespmem:$0x48B0] =	vst v0  }
0x64: {  	[tilespmem:$0x48C0] =	vst v0  }
0x65: {  	[tilespmem:$0x48D0] =	vst v0  }
0x66: {  	[tilespmem:$0x48E0] =	vst v0  }
0x67: {  	[tilespmem:$0x48F0] =	vst v0  }
0x68: {  	[tilespmem:$0x4C80] =	vst v0  }
0x69: {  	[tilespmem:$0x4C90] =	vst v0  }
0x6a: {  	[tilespmem:$0x4CA0] =	vst v0  }
0x6b: {  	[tilespmem:$0x4CB0] =	vst v0  }
0x6c: {  	[tilespmem:$0x4CC0] =	vst v0  }
0x6d: {  	[tilespmem:$0x4CD0] =	vst v0  }
0x6e: {  	[tilespmem:$0x4CE0] =	vst v0  }
0x6f: {  	[tilespmem:$0x4CF0] =	vst v0  }
0x70: {  	[tilespmem:$0x5080] =	vst v0  }
0x71: {  	[tilespmem:$0x5090] =	vst v0  }
0x72: {  	[tilespmem:$0x50A0] =	vst v0  }
0x73: {  	[tilespmem:$0x50B0] =	vst v0  }
0x74: {  	[tilespmem:$0x50C0] =	vst v0  }
0x75: {  	[tilespmem:$0x50D0] =	vst v0  }
0x76: {  	[tilespmem:$0x50E0] =	vst v0  }
0x77: {  	[tilespmem:$0x50F0] =	vst v0  }
0x78: {  	[tilespmem:$0x5480] =	vst v0  }
0x79: {  	[tilespmem:$0x5490] =	vst v0  }
0x7a: {  	[tilespmem:$0x54A0] =	vst v0  }
0x7b: {  	[tilespmem:$0x54B0] =	vst v0  }
0x7c: {  	[tilespmem:$0x54C0] =	vst v0  }
0x7d: {  	[tilespmem:$0x54D0] =	vst v0  }
0x7e: {  	[tilespmem:$0x54E0] =	vst v0  }
0x7f: {  	[tilespmem:$0x54F0] =	vst v0  }
0x80: {  	[tilespmem:$0x5880] =	vst v0  }
0x81: {  	[tilespmem:$0x5890] =	vst v0  }
0x82: {  	[tilespmem:$0x58A0] =	vst v0  }
0x83: {  	[tilespmem:$0x58B0] =	vst v0  }
0x84: {  	[tilespmem:$0x58C0] =	vst v0  }
0x85: {  	[tilespmem:$0x58D0] =	vst v0  }
0x86: {  	[tilespmem:$0x58E0] =	vst v0  }
0x87: {  	[tilespmem:$0x58F0] =	vst v0  }
0x88: {  	[tilespmem:$0x5C80] =	vst v0  }
0x89: {  	[tilespmem:$0x5C90] =	vst v0  }
0x8a: {  	[tilespmem:$0x5CA0] =	vst v0  }
0x8b: {  	[tilespmem:$0x5CB0] =	vst v0  }
0x8c: {  	[tilespmem:$0x5CC0] =	vst v0  }
0x8d: {  	[tilespmem:$0x5CD0] =	vst v0  }
0x8e: {  	[tilespmem:$0x5CE0] =	vst v0  }
0x8f: {  	[tilespmem:$0x5CF0] =	vst v0  }
0x90: {  	[tilespmem:$0x6080] =	vst v0  }
0x91: {  	[tilespmem:$0x6090] =	vst v0  }
0x92: {  	[tilespmem:$0x60A0] =	vst v0  }
.Ltmp7:
0x93: {  	[tilespmem:$0x60B0] =	vst v0;
	(pc) =	sbr.rel .LBB2_9-.Ltmp7, $4  }
0x94: {  	[tilespmem:$0x60C0] =	vst v0  }
0x95: {  	[tilespmem:$0x60D0] =	vst v0  }
0x96: {  	[tilespmem:$0x60E0] =	vst v0  }
0x97: {  	[tilespmem:$0x60F0] =	vst v1  }
.LBB2_8:
0x98: {  	p0 =	sgt.u32 s26, $0x2  }
.Ltmp8:
0x99: {  	_ = 	snop;
	(pc) =	sbr.rel @p0 .LBB2_10-.Ltmp8, $1  }
0x9a: {  	_ =	sdelay $0x3  }
.LBB2_9:
0x9b: {  	[tilespmem:$0x4500] =	vst v0  }
0x9c: {  	[tilespmem:$0x4510] =	vst v0  }
0x9d: {  	[tilespmem:$0x4520] =	vst v0  }
0x9e: {  	[tilespmem:$0x4530] =	vst v0  }
0x9f: {  	[tilespmem:$0x4540] =	vst v0  }
0xa0: {  	[tilespmem:$0x4550] =	vst v0  }
0xa1: {  	[tilespmem:$0x4560] =	vst v0  }
0xa2: {  	[tilespmem:$0x4570] =	vst v0  }
0xa3: {  	[tilespmem:$0x4900] =	vst v0  }
0xa4: {  	[tilespmem:$0x4910] =	vst v0  }
0xa5: {  	[tilespmem:$0x4920] =	vst v0  }
0xa6: {  	[tilespmem:$0x4930] =	vst v0  }
0xa7: {  	[tilespmem:$0x4940] =	vst v0  }
0xa8: {  	[tilespmem:$0x4950] =	vst v0  }
0xa9: {  	[tilespmem:$0x4960] =	vst v0  }
0xaa: {  	[tilespmem:$0x4970] =	vst v0  }
0xab: {  	[tilespmem:$0x4D00] =	vst v0  }
0xac: {  	[tilespmem:$0x4D10] =	vst v0  }
0xad: {  	[tilespmem:$0x4D20] =	vst v0  }
0xae: {  	[tilespmem:$0x4D30] =	vst v0  }
0xaf: {  	[tilespmem:$0x4D40] =	vst v0  }
0xb0: {  	[tilespmem:$0x4D50] =	vst v0  }
0xb1: {  	[tilespmem:$0x4D60] =	vst v0  }
0xb2: {  	[tilespmem:$0x4D70] =	vst v0  }
0xb3: {  	[tilespmem:$0x5100] =	vst v0  }
0xb4: {  	[tilespmem:$0x5110] =	vst v0  }
0xb5: {  	[tilespmem:$0x5120] =	vst v0  }
0xb6: {  	[tilespmem:$0x5130] =	vst v0  }
0xb7: {  	[tilespmem:$0x5140] =	vst v0  }
0xb8: {  	[tilespmem:$0x5150] =	vst v0  }
0xb9: {  	[tilespmem:$0x5160] =	vst v0  }
0xba: {  	[tilespmem:$0x5170] =	vst v0  }
0xbb: {  	[tilespmem:$0x5500] =	vst v0  }
0xbc: {  	[tilespmem:$0x5510] =	vst v0  }
0xbd: {  	[tilespmem:$0x5520] =	vst v0  }
0xbe: {  	[tilespmem:$0x5530] =	vst v0  }
0xbf: {  	[tilespmem:$0x5540] =	vst v0  }
0xc0: {  	[tilespmem:$0x5550] =	vst v0  }
0xc1: {  	[tilespmem:$0x5560] =	vst v0  }
0xc2: {  	[tilespmem:$0x5570] =	vst v0  }
0xc3: {  	[tilespmem:$0x5900] =	vst v0  }
0xc4: {  	[tilespmem:$0x5910] =	vst v0  }
0xc5: {  	[tilespmem:$0x5920] =	vst v0  }
0xc6: {  	[tilespmem:$0x5930] =	vst v0  }
0xc7: {  	[tilespmem:$0x5940] =	vst v0  }
0xc8: {  	[tilespmem:$0x5950] =	vst v0  }
0xc9: {  	[tilespmem:$0x5960] =	vst v0  }
0xca: {  	[tilespmem:$0x5970] =	vst v0  }
0xcb: {  	[tilespmem:$0x5D00] =	vst v0  }
0xcc: {  	[tilespmem:$0x5D10] =	vst v0  }
0xcd: {  	[tilespmem:$0x5D20] =	vst v0  }
0xce: {  	[tilespmem:$0x5D30] =	vst v0  }
0xcf: {  	[tilespmem:$0x5D40] =	vst v0  }
0xd0: {  	[tilespmem:$0x5D50] =	vst v0  }
0xd1: {  	[tilespmem:$0x5D60] =	vst v0  }
0xd2: {  	[tilespmem:$0x5D70] =	vst v0  }
0xd3: {  	[tilespmem:$0x6100] =	vst v0  }
0xd4: {  	[tilespmem:$0x6110] =	vst v0  }
0xd5: {  	[tilespmem:$0x6120] =	vst v0  }
0xd6: {  	[tilespmem:$0x6130] =	vst v0  }
0xd7: {  	[tilespmem:$0x6140] =	vst v0  }
0xd8: {  	[tilespmem:$0x6150] =	vst v0  }
0xd9: {  	[tilespmem:$0x6160] =	vst v0  }
0xda: {  	[tilespmem:$0x6170] =	vst v1  }
.LBB2_11:
0xdb: {  	[tilespmem:$0x4580] =	vst v0  }
0xdc: {  	[tilespmem:$0x4590] =	vst v0  }
0xdd: {  	[tilespmem:$0x45A0] =	vst v0  }
0xde: {  	[tilespmem:$0x45B0] =	vst v0  }
0xdf: {  	[tilespmem:$0x45C0] =	vst v0  }
0xe0: {  	[tilespmem:$0x45D0] =	vst v0  }
0xe1: {  	[tilespmem:$0x45E0] =	vst v0  }
0xe2: {  	[tilespmem:$0x45F0] =	vst v0  }
0xe3: {  	[tilespmem:$0x4980] =	vst v0  }
0xe4: {  	[tilespmem:$0x4990] =	vst v0  }
0xe5: {  	[tilespmem:$0x49A0] =	vst v0  }
0xe6: {  	[tilespmem:$0x49B0] =	vst v0  }
0xe7: {  	[tilespmem:$0x49C0] =	vst v0  }
0xe8: {  	[tilespmem:$0x49D0] =	vst v0  }
0xe9: {  	[tilespmem:$0x49E0] =	vst v0  }
0xea: {  	[tilespmem:$0x49F0] =	vst v0  }
0xeb: {  	[tilespmem:$0x4D80] =	vst v0  }
0xec: {  	[tilespmem:$0x4D90] =	vst v0  }
0xed: {  	[tilespmem:$0x4DA0] =	vst v0  }
0xee: {  	[tilespmem:$0x4DB0] =	vst v0  }
0xef: {  	[tilespmem:$0x4DC0] =	vst v0  }
0xf0: {  	[tilespmem:$0x4DD0] =	vst v0  }
0xf1: {  	[tilespmem:$0x4DE0] =	vst v0  }
0xf2: {  	[tilespmem:$0x4DF0] =	vst v0  }
0xf3: {  	[tilespmem:$0x5180] =	vst v0  }
0xf4: {  	[tilespmem:$0x5190] =	vst v0  }
0xf5: {  	[tilespmem:$0x51A0] =	vst v0  }
0xf6: {  	[tilespmem:$0x51B0] =	vst v0  }
0xf7: {  	[tilespmem:$0x51C0] =	vst v0  }
0xf8: {  	[tilespmem:$0x51D0] =	vst v0  }
0xf9: {  	[tilespmem:$0x51E0] =	vst v0  }
0xfa: {  	[tilespmem:$0x51F0] =	vst v0  }
0xfb: {  	[tilespmem:$0x5580] =	vst v0  }
0xfc: {  	[tilespmem:$0x5590] =	vst v0  }
0xfd: {  	[tilespmem:$0x55A0] =	vst v0  }
0xfe: {  	[tilespmem:$0x55B0] =	vst v0  }
0xff: {  	[tilespmem:$0x55C0] =	vst v0  }
0x100: {  	[tilespmem:$0x55D0] =	vst v0  }
0x101: {  	[tilespmem:$0x55E0] =	vst v0  }
0x102: {  	[tilespmem:$0x55F0] =	vst v0  }
0x103: {  	[tilespmem:$0x5980] =	vst v0  }
0x104: {  	[tilespmem:$0x5990] =	vst v0  }
0x105: {  	[tilespmem:$0x59A0] =	vst v0  }
0x106: {  	[tilespmem:$0x59B0] =	vst v0  }
0x107: {  	[tilespmem:$0x59C0] =	vst v0  }
0x108: {  	[tilespmem:$0x59D0] =	vst v0  }
0x109: {  	[tilespmem:$0x59E0] =	vst v0  }
0x10a: {  	[tilespmem:$0x59F0] =	vst v0  }
0x10b: {  	[tilespmem:$0x5D80] =	vst v0  }
0x10c: {  	[tilespmem:$0x5D90] =	vst v0  }
0x10d: {  	[tilespmem:$0x5DA0] =	vst v0  }
0x10e: {  	[tilespmem:$0x5DB0] =	vst v0  }
0x10f: {  	[tilespmem:$0x5DC0] =	vst v0  }
0x110: {  	[tilespmem:$0x5DD0] =	vst v0  }
0x111: {  	[tilespmem:$0x5DE0] =	vst v0  }
0x112: {  	[tilespmem:$0x5DF0] =	vst v0  }
0x113: {  	[tilespmem:$0x6180] =	vst v0  }
0x114: {  	[tilespmem:$0x6190] =	vst v0  }
0x115: {  	[tilespmem:$0x61A0] =	vst v0  }
0x116: {  	[tilespmem:$0x61B0] =	vst v0  }
0x117: {  	[tilespmem:$0x61C0] =	vst v0  }
0x118: {  	[tilespmem:$0x61D0] =	vst v0  }
0x119: {  	[tilespmem:$0x61E0] =	vst v0  }
0x11a: {  	[tilespmem:$0x61F0] =	vst v1  }
.LBB2_13:
0x11b: {  	[tilespmem:$0x4600] =	vst v0  }
0x11c: {  	[tilespmem:$0x4610] =	vst v0  }
0x11d: {  	[tilespmem:$0x4620] =	vst v0  }
0x11e: {  	[tilespmem:$0x4630] =	vst v0  }
0x11f: {  	[tilespmem:$0x4640] =	vst v0  }
0x120: {  	[tilespmem:$0x4650] =	vst v0  }
0x121: {  	[tilespmem:$0x4660] =	vst v0  }
0x122: {  	[tilespmem:$0x4670] =	vst v0  }
0x123: {  	[tilespmem:$0x4A00] =	vst v0  }
0x124: {  	[tilespmem:$0x4A10] =	vst v0  }
0x125: {  	[tilespmem:$0x4A20] =	vst v0  }
0x126: {  	[tilespmem:$0x4A30] =	vst v0  }
0x127: {  	[tilespmem:$0x4A40] =	vst v0  }
0x128: {  	[tilespmem:$0x4A50] =	vst v0  }
0x129: {  	[tilespmem:$0x4A60] =	vst v0  }
0x12a: {  	[tilespmem:$0x4A70] =	vst v0  }
0x12b: {  	[tilespmem:$0x4E00] =	vst v0  }
0x12c: {  	[tilespmem:$0x4E10] =	vst v0  }
0x12d: {  	[tilespmem:$0x4E20] =	vst v0  }
0x12e: {  	[tilespmem:$0x4E30] =	vst v0  }
0x12f: {  	[tilespmem:$0x4E40] =	vst v0  }
0x130: {  	[tilespmem:$0x4E50] =	vst v0  }
0x131: {  	[tilespmem:$0x4E60] =	vst v0  }
0x132: {  	[tilespmem:$0x4E70] =	vst v0  }
0x133: {  	[tilespmem:$0x5200] =	vst v0  }
0x134: {  	[tilespmem:$0x5210] =	vst v0  }
0x135: {  	[tilespmem:$0x5220] =	vst v0  }
0x136: {  	[tilespmem:$0x5230] =	vst v0  }
0x137: {  	[tilespmem:$0x5240] =	vst v0  }
0x138: {  	[tilespmem:$0x5250] =	vst v0  }
0x139: {  	[tilespmem:$0x5260] =	vst v0  }
0x13a: {  	[tilespmem:$0x5270] =	vst v0  }
0x13b: {  	[tilespmem:$0x5600] =	vst v0  }
0x13c: {  	[tilespmem:$0x5610] =	vst v0  }
0x13d: {  	[tilespmem:$0x5620] =	vst v0  }
0x13e: {  	[tilespmem:$0x5630] =	vst v0  }
0x13f: {  	[tilespmem:$0x5640] =	vst v0  }
0x140: {  	[tilespmem:$0x5650] =	vst v0  }
0x141: {  	[tilespmem:$0x5660] =	vst v0  }
0x142: {  	[tilespmem:$0x5670] =	vst v0  }
0x143: {  	[tilespmem:$0x5A00] =	vst v0  }
0x144: {  	[tilespmem:$0x5A10] =	vst v0  }
0x145: {  	[tilespmem:$0x5A20] =	vst v0  }
0x146: {  	[tilespmem:$0x5A30] =	vst v0  }
0x147: {  	[tilespmem:$0x5A40] =	vst v0  }
0x148: {  	[tilespmem:$0x5A50] =	vst v0  }
0x149: {  	[tilespmem:$0x5A60] =	vst v0  }
0x14a: {  	[tilespmem:$0x5A70] =	vst v0  }
0x14b: {  	[tilespmem:$0x5E00] =	vst v0  }
0x14c: {  	[tilespmem:$0x5E10] =	vst v0  }
0x14d: {  	[tilespmem:$0x5E20] =	vst v0  }
0x14e: {  	[tilespmem:$0x5E30] =	vst v0  }
0x14f: {  	[tilespmem:$0x5E40] =	vst v0  }
0x150: {  	[tilespmem:$0x5E50] =	vst v0  }
0x151: {  	[tilespmem:$0x5E60] =	vst v0  }
0x152: {  	[tilespmem:$0x5E70] =	vst v0  }
0x153: {  	[tilespmem:$0x6200] =	vst v0  }
0x154: {  	[tilespmem:$0x6210] =	vst v0  }
0x155: {  	[tilespmem:$0x6220] =	vst v0  }
0x156: {  	[tilespmem:$0x6230] =	vst v0  }
0x157: {  	[tilespmem:$0x6240] =	vst v0  }
0x158: {  	[tilespmem:$0x6250] =	vst v0  }
0x159: {  	[tilespmem:$0x6260] =	vst v0  }
0x15a: {  	[tilespmem:$0x6270] =	vst v1  }
.LBB2_16:
0x15b: {  	[tilespmem:$0x4680] =	vst v0  }
0x15c: {  	[tilespmem:$0x4690] =	vst v0  }
0x15d: {  	[tilespmem:$0x46A0] =	vst v0  }
0x15e: {  	[tilespmem:$0x46B0] =	vst v0  }
0x15f: {  	[tilespmem:$0x46C0] =	vst v0  }
0x160: {  	[tilespmem:$0x46D0] =	vst v0  }
0x161: {  	[tilespmem:$0x46E0] =	vst v0  }
0x162: {  	[tilespmem:$0x46F0] =	vst v0  }
0x163: {  	[tilespmem:$0x4A80] =	vst v0  }
0x164: {  	[tilespmem:$0x4A90] =	vst v0  }
0x165: {  	[tilespmem:$0x4AA0] =	vst v0  }
0x166: {  	[tilespmem:$0x4AB0] =	vst v0  }
0x167: {  	[tilespmem:$0x4AC0] =	vst v0  }
0x168: {  	[tilespmem:$0x4AD0] =	vst v0  }
0x169: {  	[tilespmem:$0x4AE0] =	vst v0  }
0x16a: {  	[tilespmem:$0x4AF0] =	vst v0  }
0x16b: {  	[tilespmem:$0x4E80] =	vst v0  }
0x16c: {  	[tilespmem:$0x4E90] =	vst v0  }
0x16d: {  	[tilespmem:$0x4EA0] =	vst v0  }
0x16e: {  	[tilespmem:$0x4EB0] =	vst v0  }
0x16f: {  	[tilespmem:$0x4EC0] =	vst v0  }
0x170: {  	[tilespmem:$0x4ED0] =	vst v0  }
0x171: {  	[tilespmem:$0x4EE0] =	vst v0  }
0x172: {  	[tilespmem:$0x4EF0] =	vst v0  }
0x173: {  	[tilespmem:$0x5280] =	vst v0  }
0x174: {  	[tilespmem:$0x5290] =	vst v0  }
0x175: {  	[tilespmem:$0x52A0] =	vst v0  }
0x176: {  	[tilespmem:$0x52B0] =	vst v0  }
0x177: {  	[tilespmem:$0x52C0] =	vst v0  }
0x178: {  	[tilespmem:$0x52D0] =	vst v0  }
0x179: {  	[tilespmem:$0x52E0] =	vst v0  }
0x17a: {  	[tilespmem:$0x52F0] =	vst v0  }
0x17b: {  	[tilespmem:$0x5680] =	vst v0  }
0x17c: {  	[tilespmem:$0x5690] =	vst v0  }
0x17d: {  	[tilespmem:$0x56A0] =	vst v0  }
0x17e: {  	[tilespmem:$0x56B0] =	vst v0  }
0x17f: {  	[tilespmem:$0x56C0] =	vst v0  }
0x180: {  	[tilespmem:$0x56D0] =	vst v0  }
0x181: {  	[tilespmem:$0x56E0] =	vst v0  }
0x182: {  	[tilespmem:$0x56F0] =	vst v0  }
0x183: {  	[tilespmem:$0x5A80] =	vst v0  }
0x184: {  	[tilespmem:$0x5A90] =	vst v0  }
0x185: {  	[tilespmem:$0x5AA0] =	vst v0  }
0x186: {  	[tilespmem:$0x5AB0] =	vst v0  }
0x187: {  	[tilespmem:$0x5AC0] =	vst v0  }
0x188: {  	[tilespmem:$0x5AD0] =	vst v0  }
0x189: {  	[tilespmem:$0x5AE0] =	vst v0  }
0x18a: {  	[tilespmem:$0x5AF0] =	vst v0  }
0x18b: {  	[tilespmem:$0x5E80] =	vst v0  }
0x18c: {  	[tilespmem:$0x5E90] =	vst v0  }
0x18d: {  	[tilespmem:$0x5EA0] =	vst v0  }
0x18e: {  	[tilespmem:$0x5EB0] =	vst v0  }
0x18f: {  	[tilespmem:$0x5EC0] =	vst v0  }
0x190: {  	[tilespmem:$0x5ED0] =	vst v0  }
0x191: {  	[tilespmem:$0x5EE0] =	vst v0  }
0x192: {  	[tilespmem:$0x5EF0] =	vst v0  }
0x193: {  	[tilespmem:$0x6280] =	vst v0  }
0x194: {  	[tilespmem:$0x6290] =	vst v0  }
0x195: {  	[tilespmem:$0x62A0] =	vst v0  }
0x196: {  	[tilespmem:$0x62B0] =	vst v0  }
0x197: {  	[tilespmem:$0x62C0] =	vst v0  }
0x198: {  	[tilespmem:$0x62D0] =	vst v0  }
0x199: {  	[tilespmem:$0x62E0] =	vst v0  }
0x19a: {  	[tilespmem:$0x62F0] =	vst v1  }
.LBB2_17:
0x19b: {  	[tilespmem:$0x4700] =	vst v0  }
0x19c: {  	[tilespmem:$0x4710] =	vst v0  }
0x19d: {  	[tilespmem:$0x4720] =	vst v0  }
0x19e: {  	[tilespmem:$0x4730] =	vst v0  }
0x19f: {  	[tilespmem:$0x4740] =	vst v0  }
0x1a0: {  	[tilespmem:$0x4750] =	vst v0  }
0x1a1: {  	[tilespmem:$0x4760] =	vst v0  }
0x1a2: {  	[tilespmem:$0x4770] =	vst v0  }
0x1a3: {  	[tilespmem:$0x4B00] =	vst v0  }
0x1a4: {  	[tilespmem:$0x4B10] =	vst v0  }
0x1a5: {  	[tilespmem:$0x4B20] =	vst v0  }
0x1a6: {  	[tilespmem:$0x4B30] =	vst v0  }
0x1a7: {  	[tilespmem:$0x4B40] =	vst v0  }
0x1a8: {  	[tilespmem:$0x4B50] =	vst v0  }
0x1a9: {  	[tilespmem:$0x4B60] =	vst v0  }
0x1aa: {  	[tilespmem:$0x4B70] =	vst v0  }
0x1ab: {  	[tilespmem:$0x4F00] =	vst v0  }
0x1ac: {  	[tilespmem:$0x4F10] =	vst v0  }
0x1ad: {  	[tilespmem:$0x4F20] =	vst v0  }
0x1ae: {  	[tilespmem:$0x4F30] =	vst v0  }
0x1af: {  	[tilespmem:$0x4F40] =	vst v0  }
0x1b0: {  	[tilespmem:$0x4F50] =	vst v0  }
0x1b1: {  	[tilespmem:$0x4F60] =	vst v0  }
0x1b2: {  	[tilespmem:$0x4F70] =	vst v0  }
0x1b3: {  	[tilespmem:$0x5300] =	vst v0  }
0x1b4: {  	[tilespmem:$0x5310] =	vst v0  }
0x1b5: {  	[tilespmem:$0x5320] =	vst v0  }
0x1b6: {  	[tilespmem:$0x5330] =	vst v0  }
0x1b7: {  	[tilespmem:$0x5340] =	vst v0  }
0x1b8: {  	[tilespmem:$0x5350] =	vst v0  }
0x1b9: {  	[tilespmem:$0x5360] =	vst v0  }
0x1ba: {  	[tilespmem:$0x5370] =	vst v0  }
0x1bb: {  	[tilespmem:$0x5700] =	vst v0  }
0x1bc: {  	[tilespmem:$0x5710] =	vst v0  }
0x1bd: {  	[tilespmem:$0x5720] =	vst v0  }
0x1be: {  	[tilespmem:$0x5730] =	vst v0  }
0x1bf: {  	[tilespmem:$0x5740] =	vst v0  }
0x1c0: {  	[tilespmem:$0x5750] =	vst v0  }
0x1c1: {  	[tilespmem:$0x5760] =	vst v0  }
0x1c2: {  	[tilespmem:$0x5770] =	vst v0  }
0x1c3: {  	[tilespmem:$0x5B00] =	vst v0  }
0x1c4: {  	[tilespmem:$0x5B10] =	vst v0  }
0x1c5: {  	[tilespmem:$0x5B20] =	vst v0  }
0x1c6: {  	[tilespmem:$0x5B30] =	vst v0  }
0x1c7: {  	[tilespmem:$0x5B40] =	vst v0  }
0x1c8: {  	[tilespmem:$0x5B50] =	vst v0  }
0x1c9: {  	[tilespmem:$0x5B60] =	vst v0  }
0x1ca: {  	[tilespmem:$0x5B70] =	vst v0  }
0x1cb: {  	[tilespmem:$0x5F00] =	vst v0  }
0x1cc: {  	[tilespmem:$0x5F10] =	vst v0  }
0x1cd: {  	[tilespmem:$0x5F20] =	vst v0  }
0x1ce: {  	[tilespmem:$0x5F30] =	vst v0  }
0x1cf: {  	[tilespmem:$0x5F40] =	vst v0  }
0x1d0: {  	[tilespmem:$0x5F50] =	vst v0  }
0x1d1: {  	[tilespmem:$0x5F60] =	vst v0  }
0x1d2: {  	[tilespmem:$0x5F70] =	vst v0  }
0x1d3: {  	[tilespmem:$0x6300] =	vst v0  }
0x1d4: {  	[tilespmem:$0x6310] =	vst v0  }
0x1d5: {  	[tilespmem:$0x6320] =	vst v0  }
0x1d6: {  	[tilespmem:$0x6330] =	vst v0  }
0x1d7: {  	[tilespmem:$0x6340] =	vst v0  }
0x1d8: {  	[tilespmem:$0x6350] =	vst v0  }
0x1d9: {  	[tilespmem:$0x6360] =	vst v0  }
0x1da: {  	[tilespmem:$0x6370] =	vst v1  }
.LBB2_18:
0x1db: {  	[tilespmem:$0x4780] =	vst v0  }
0x1dc: {  	[tilespmem:$0x4790] =	vst v0  }
0x1dd: {  	[tilespmem:$0x47A0] =	vst v0  }
0x1de: {  	[tilespmem:$0x47B0] =	vst v0  }
0x1df: {  	[tilespmem:$0x47C0] =	vst v0  }
0x1e0: {  	[tilespmem:$0x47D0] =	vst v0  }
0x1e1: {  	[tilespmem:$0x47E0] =	vst v0  }
0x1e2: {  	[tilespmem:$0x47F0] =	vst v0  }
0x1e3: {  	[tilespmem:$0x4B80] =	vst v0  }
0x1e4: {  	[tilespmem:$0x4B90] =	vst v0  }
0x1e5: {  	[tilespmem:$0x4BA0] =	vst v0  }
0x1e6: {  	[tilespmem:$0x4BB0] =	vst v0  }
0x1e7: {  	[tilespmem:$0x4BC0] =	vst v0  }
0x1e8: {  	[tilespmem:$0x4BD0] =	vst v0  }
0x1e9: {  	[tilespmem:$0x4BE0] =	vst v0  }
0x1ea: {  	[tilespmem:$0x4BF0] =	vst v0  }
0x1eb: {  	[tilespmem:$0x4F80] =	vst v0  }
0x1ec: {  	[tilespmem:$0x4F90] =	vst v0  }
0x1ed: {  	[tilespmem:$0x4FA0] =	vst v0  }
0x1ee: {  	[tilespmem:$0x4FB0] =	vst v0  }
0x1ef: {  	[tilespmem:$0x4FC0] =	vst v0  }
0x1f0: {  	[tilespmem:$0x4FD0] =	vst v0  }
0x1f1: {  	[tilespmem:$0x4FE0] =	vst v0  }
0x1f2: {  	[tilespmem:$0x4FF0] =	vst v0  }
0x1f3: {  	[tilespmem:$0x5380] =	vst v0  }
0x1f4: {  	[tilespmem:$0x5390] =	vst v0  }
0x1f5: {  	[tilespmem:$0x53A0] =	vst v0  }
0x1f6: {  	[tilespmem:$0x53B0] =	vst v0  }
0x1f7: {  	[tilespmem:$0x53C0] =	vst v0  }
0x1f8: {  	[tilespmem:$0x53D0] =	vst v0  }
0x1f9: {  	[tilespmem:$0x53E0] =	vst v0  }
0x1fa: {  	[tilespmem:$0x53F0] =	vst v0  }
0x1fb: {  	[tilespmem:$0x5780] =	vst v0  }
0x1fc: {  	[tilespmem:$0x5790] =	vst v0  }
0x1fd: {  	[tilespmem:$0x57A0] =	vst v0  }
0x1fe: {  	[tilespmem:$0x57B0] =	vst v0  }
0x1ff: {  	[tilespmem:$0x57C0] =	vst v0  }
0x200: {  	[tilespmem:$0x57D0] =	vst v0  }
0x201: {  	[tilespmem:$0x57E0] =	vst v0  }
0x202: {  	[tilespmem:$0x57F0] =	vst v0  }
0x203: {  	[tilespmem:$0x5B80] =	vst v0  }
0x204: {  	[tilespmem:$0x5B90] =	vst v0  }
0x205: {  	[tilespmem:$0x5BA0] =	vst v0  }
0x206: {  	[tilespmem:$0x5BB0] =	vst v0  }
0x207: {  	[tilespmem:$0x5BC0] =	vst v0  }
0x208: {  	[tilespmem:$0x5BD0] =	vst v0  }
0x209: {  	[tilespmem:$0x5BE0] =	vst v0  }
0x20a: {  	[tilespmem:$0x5BF0] =	vst v0  }
0x20b: {  	[tilespmem:$0x5F80] =	vst v0  }
0x20c: {  	[tilespmem:$0x5F90] =	vst v0  }
0x20d: {  	[tilespmem:$0x5FA0] =	vst v0  }
0x20e: {  	[tilespmem:$0x5FB0] =	vst v0  }
0x20f: {  	[tilespmem:$0x5FC0] =	vst v0  }
0x210: {  	[tilespmem:$0x5FD0] =	vst v0  }
0x211: {  	[tilespmem:$0x5FE0] =	vst v0  }
0x212: {  	[tilespmem:$0x5FF0] =	vst v0  }
0x213: {  	[tilespmem:$0x6380] =	vst v0  }
0x214: {  	[tilespmem:$0x6390] =	vst v0  }
0x215: {  	[tilespmem:$0x63A0] =	vst v0  }
0x216: {  	[tilespmem:$0x63B0] =	vst v0  }
0x217: {  	[tilespmem:$0x63C0] =	vst v0  }
0x218: {  	[tilespmem:$0x63D0] =	vst v0  }
0x219: {  	[tilespmem:$0x63E0] =	vst v0  }
0x21a: {  	[tilespmem:$0x63F0] =	vst v1;
	s0 =	sadd.s32 s3, s25;
	s31 =	simm.s32 $0x5  }
0x21b: {  	[hbm4b:s0+s4] =	stream.linear.scatter [tilespmem:s29], [sflag:$0x5], $0x2000, $0x38;
	[tilespmem:$0x1E400] =	vst v63  }
0x21c: {  	_ =	swait.ge [sflag:s31], $0x2000  }
0x21d: {  	[sflag:s31] =	ssyncset.done $0x0  }
0x21e: {  	[sflag:s31] =	ssyncadd.s32 $0xFFFFE000  }
.LBB2_19:
0x21f: {  	p2 =	slt.s32 s23, $0x30;
	s30 =	smul.u32 $0xAAB, s24  }
0x220: {  	s0 =	simm.s32 @!p2 $0x0;
	s2 =	simm.s32 @!p2 $0x6400;
	p5 =	slt.u32 @!p2 s23, $0x60  }
0x221: {  	[tilespmem:s2], [sflag:$0x3] =	stream.linear.gather @!p2 [hbm4b:s10+s0], $0xC000, $0x38;
	[tilespmem:$0x1E400] =	vst v63  }
0x222: {  	p4 =	por p5, p2;
	s23 =	sshrl.u32 s30, $0x11  }
0x223: {  	s0 =	simm.s32 @!p4 $0x0;
	s2 =	simm.s32 @!p4 $0x12400;
	s31 =	sadd.s32 $0x1, s23  }
0x224: {  	[tilespmem:s2], [sflag:$0x4] =	stream.linear.gather @!p4 [hbm4b:s11+s0], $0xC000, $0x38;
	[tilespmem:$0x1E400] =	vst v63  }
0x225: {  	s0 =	sshrl.u32 s31, $0x1  }
0x226: {  	p0 =	seq.s32 s0, $0x0  }
.Ltmp9:
0x227: {  	_ = 	snop;
	(pc) =	sbr.rel @p0 .LBB2_27-.Ltmp9, $1  }
0x228: {  	_ =	sdelay $0x3  }
0x229: {  	s26 =	sshll.u32 s0, $0x1  }
0x22a: {  	p0 =	sne.s32 s26, $0x2  }
.Ltmp10:
0x22b: {  	_ = 	snop;
	(pc) =	sbr.rel @!p0 .LBB2_21-.Ltmp10, $4  }
0x22c: {  	_ = 	snop  }
0x22d: {  	s2 =	simm.s32 @!p5 $0x0;
	s30 =	simm.s32 $0x0  }
0x22e: {  	s25 =	simm.s32 $0x2;
	s2 =	simm.s32 @p5 $0x1;
	p5 =	sle.u32 s23, $0x0  }
0x22f: {  	p3 =	por $0x0, $0x0;
	[smem:$0x7FD] =	sst s2;
	s31 =	simm.s32 @!p5 $0x3  }
0x230: {  	s0 =	simm.s32 @!p6 $0x0  }
0x231: {  	s0 =	simm.s32 @p6 $0x1  }
0x232: {  	p0 =	por p5, p5;
	[smem:$0x7FC] =	sst s0  }
0x233: {  	p3 =	sle.u32 s23, $0x2;
	_ =	swait.ge @!p0 [sflag:s31], $0xC000  }
0x234: {  	p5 =	sle.u32 s23, $0x2;
	s2 =	simm.s32 @!p0 $0x0;
	[sflag:s31] =	ssyncset.done @!p0 $0x0  }
0x235: {  	s17 =	simm.s32 @!p3 $0x5;
	s0 =	simm.s32 @!p0 $0x6400;
	[sflag:s31] =	ssyncadd.s32 @!p0 $0xFFFF4000  }
0x236: {  	[hbm4b:s13+s2] =	stream.linear.scatter @!p0 [tilespmem:s0], [sflag:$0x5], $0xC000, $0x38;
	[tilespmem:$0x1E400] =	vst v63  }
0x237: {  	s29 =	simm.s32 $0x4;
	s24 =	sadd.s32 $0x3000, s14;
	_ =	swait.ge @!p3 [sflag:s17], $0xC000  }
0x238: {  	s28 =	sadd.s32 $0x3000, s13;
	p6 =	sle.u32 s23, $0x1;
	[sflag:s17] =	ssyncset.done @!p3 $0x0  }
0x239: {  	s0 =	simm.s32 @!p3 $0x6400;
	s2 =	simm.s32 @!p3 $0x0;
	[sflag:s17] =	ssyncadd.s32 @!p3 $0xFFFF4000  }
0x23a: {  	[tilespmem:s0], [sflag:$0x3] =	stream.linear.gather @!p3 [hbm4b:s14+s2], $0xC000, $0x38;
	[tilespmem:$0x1E400] =	vst v63  }
0x23b: {  	s30 =	simm.s32 $0x4;
	s18 =	sadd.s32 @!p6 $0x1800, s13;
	s0 =	simm.s32 @!p6 $0x4  }
0x23c: {  	p0 =	sle.u32 s23, $0x3;
	p3 =	sne.s32 s26, $0x4;
	_ =	swait.ge @!p6 [sflag:s0], $0xC000  }
.Ltmp11:
0x23d: {  	s17 =	simm.s32 @!p6 $0x0;
	[sflag:s0] =	ssyncset.done @!p6 $0x0;
	(pc) =	sbr.rel @!p3 .LBB2_23-.Ltmp11, $4  }
0x23e: {  	s2 =	simm.s32 @!p0 $0x6;
	[sflag:s0] =	ssyncadd.s32 @!p6 $0xFFFF4000;
	s0 =	simm.s32 @!p6 $0x12400  }
0x23f: {  	[hbm4b:s18+s17] =	stream.linear.scatter @!p6 [tilespmem:s0], [sflag:$0x6], $0xC000, $0x38;
	[tilespmem:$0x1E400] =	vst v63  }
0x240: {  	s31 =	simm.s32 @!p5 $0x3;
	s17 =	simm.s32 @!p0 $0x0;
	_ =	swait.ge @!p0 [sflag:s2], $0xC000  }
0x241: {  	s0 =	simm.s32 @!p0 $0x12400;
	s18 =	sadd.s32 @!p0 $0x1800, s14;
	[sflag:s2] =	ssyncset.done @!p0 $0x0  }
.LBB2_24:
0x242: {  	[sflag:s2] =	ssyncadd.s32 @!p0 $0xFFFF4000  }
0x243: {  	s2 =	smov.u32 s25;
	s25 =	smov.u32 s30;
	s19 =	smov.u32 s24  }
0x244: {  	p6 =	por p5, p5;
	p5 =	sge.u32 s30, s23;
	s30 =	sadd.s32 $0x2, s30  }
0x245: {  	[tilespmem:s0], [sflag:$0x4] =	stream.linear.gather @!p0 [hbm4b:s18+s17], $0xC000, $0x38;
	[tilespmem:$0x1E400] =	vst v63  }
0x246: {  	p3 =	sne.s32 s26, s30;
	s0 =	smov.u32 s28;
	_ =	swait.ge @!p6 [sflag:s31], $0xC000  }
0x247: {  	s17 =	simm.s32 @!p6 $0x6400;
	p0 =	sge.u32 s29, s23;
	[sflag:s31] =	ssyncset.done @!p6 $0x0  }
0x248: {  	s18 =	simm.s32 @!p6 $0x0;
	[sflag:s31] =	ssyncadd.s32 @!p6 $0xFFFF4000;
	s31 =	simm.s32 @!p0 $0x5  }
0x249: {  	[hbm4b:s28+s18] =	stream.linear.scatter @!p6 [tilespmem:s17], [sflag:$0x5], $0xC000, $0x38;
	[tilespmem:$0x1E400] =	vst v63  }
0x24a: {  	s24 =	sadd.s32 $0x3000, s24;
	s29 =	smov.u32 s30;
	_ =	swait.ge @!p0 [sflag:s31], $0xC000  }
0x24b: {  	s17 =	simm.s32 @!p0 $0x6400;
	s18 =	sadd.s32 $0x1, s2;
	[sflag:s31] =	ssyncset.done @!p0 $0x0  }
0x24c: {  	p6 =	sge.u32 s18, s23;
	[sflag:s31] =	ssyncadd.s32 @!p0 $0xFFFF4000;
	s31 =	simm.s32 @!p0 $0x0  }
0x24d: {  	[tilespmem:s17], [sflag:$0x3] =	stream.linear.gather @!p0 [hbm4b:s19+s31], $0xC000, $0x38;
	[tilespmem:$0x1E400] =	vst v63  }
0x24e: {  	s2 =	sadd.s32 $0x3, s2;
	s28 =	sadd.s32 $0x3000, s28;
	s17 =	simm.s32 @!p6 $0x4  }
0x24f: {  	s18 =	simm.s32 @!p6 $0x0;
	p0 =	sge.u32 s2, s23;
	_ =	swait.ge @!p6 [sflag:s17], $0xC000  }
.Ltmp12:
0x250: {  	s0 =	sadd.s32 @!p6 $0x1800, s0;
	[sflag:s17] =	ssyncset.done @!p6 $0x0;
	(pc) =	sbr.rel @p3 .LBB2_24-.Ltmp12, $4  }
0x251: {  	s2 =	simm.s32 @!p0 $0x6;
	[sflag:s17] =	ssyncadd.s32 @!p6 $0xFFFF4000;
	s17 =	simm.s32 @!p6 $0x12400  }
0x252: {  	[hbm4b:s0+s18] =	stream.linear.scatter @!p6 [tilespmem:s17], [sflag:$0x6], $0xC000, $0x38;
	[tilespmem:$0x1E400] =	vst v63  }
0x253: {  	s17 =	simm.s32 @!p0 $0x0;
	s0 =	simm.s32 @!p0 $0x12400;
	_ =	swait.ge @!p0 [sflag:s2], $0xC000  }
0x254: {  	s31 =	simm.s32 @!p5 $0x3;
	s18 =	sadd.s32 @!p0 $0x1800, s19;
	[sflag:s2] =	ssyncset.done @!p0 $0x0  }
0x255: {  	s19 =	sld [smem:$0x7FC];
	_ =	sdelay $0x1  }
0x256: {  	s30 =	smov.u32 s25;
	s25 =	smov.u32 s29  }
0x257: {  	s29 =	simm.s32 $0x4400;
	p3 =	por $0x1, $0x1;
	p6 =	seq.s32 s19, $0x1  }
.LBB2_26:
0x258: {  	p0 =	por p0, !p3  }
0x259: {  	p3 =	por p5, p5;
	[sflag:s2] =	ssyncadd.s32 @!p0 $0xFFFF4000  }
0x25a: {  	[tilespmem:s0], [sflag:$0x4] =	stream.linear.gather @!p0 [hbm4b:s18+s17], $0xC000, $0x38;
	[tilespmem:$0x1E400] =	vst v63  }
0x25b: {  	_ =	swait.ge @!p3 [sflag:s31], $0xC000  }
0x25c: {  	s2 =	simm.s32 @!p3 $0x0;
	p0 =	sge.u32 s25, s23;
	[sflag:s31] =	ssyncset.done @!p3 $0x0  }
0x25d: {  	s0 =	simm.s32 @!p3 $0x6400;
	s17 =	simm.s32 @!p0 $0x5;
	[sflag:s31] =	ssyncadd.s32 @!p3 $0xFFFF4000  }
0x25e: {  	[hbm4b:s28+s2] =	stream.linear.scatter @!p3 [tilespmem:s0], [sflag:$0x5], $0xC000, $0x38;
	[tilespmem:$0x1E400] =	vst v63  }
0x25f: {  	_ =	swait.ge @!p0 [sflag:s17], $0xC000  }
0x260: {  	s26 =	sadd.s32 $0x1, s30;
	s0 =	simm.s32 @!p0 $0x6400;
	[sflag:s17] =	ssyncset.done @!p0 $0x0  }
0x261: {  	p3 =	sge.u32 s26, s23;
	[sflag:s17] =	ssyncadd.s32 @!p0 $0xFFFF4000;
	s17 =	simm.s32 @!p0 $0x0  }
0x262: {  	[tilespmem:s0], [sflag:$0x3] =	stream.linear.gather @!p0 [hbm4b:s24+s17], $0xC000, $0x38;
	[tilespmem:$0x1E400] =	vst v63  }
0x263: {  	s0 =	simm.s32 @!p3 $0x4  }
0x264: {  	s30 =	sadd.s32 $0x3, s30;
	s2 =	sadd.s32 @!p3 $0x1800, s28;
	_ =	swait.ge @!p3 [sflag:s0], $0xC000  }
0x265: {  	s17 =	simm.s32 @!p3 $0x0;
	p0 =	sge.u32 s30, s23;
	[sflag:s0] =	ssyncset.done @!p3 $0x0  }
0x266: {  	s18 =	simm.s32 @!p0 $0x6;
	[sflag:s0] =	ssyncadd.s32 @!p3 $0xFFFF4000;
	s0 =	simm.s32 @!p3 $0x12400  }
0x267: {  	[hbm4b:s2+s17] =	stream.linear.scatter @!p3 [tilespmem:s0], [sflag:$0x6], $0xC000, $0x38;
	[tilespmem:$0x1E400] =	vst v63  }
0x268: {  	_ =	swait.ge @!p0 [sflag:s18], $0xC000  }
0x269: {  	s0 =	simm.s32 @!p0 $0x0;
	[sflag:s18] =	ssyncset.done @!p0 $0x0;
	s31 =	sld [smem:$0x7FD]  }
0x26a: {  	s2 =	simm.s32 @!p0 $0x12400;
	s17 =	sadd.s32 @!p0 $0x1800, s24;
	[sflag:s18] =	ssyncadd.s32 @!p0 $0xFFFF4000  }
0x26b: {  	[tilespmem:s2], [sflag:$0x4] =	stream.linear.gather @!p0 [hbm4b:s17+s0], $0xC000, $0x38;
	[tilespmem:$0x1E400] =	vst v63  }
0x26c: {  	p5 =	seq.s32 s31, $0x1  }
.LBB2_27:
0x26d: {  	s0 =	smul.u32 $0xAAB, s22  }
0x26e: {  	p0 =	por @!p2 $0x0, $0x0;
	p3 =	por @!p4 $0x1, $0x1;
	p4 =	por !p5, p2  }
0x26f: {  	s2 =	simm.s32 @!p2 $0x5;
	p3 =	por @!p4 p0, p0  }
0x270: {  	p4 =	por $0x0, $0x0;
	_ =	swait.ge @!p2 [sflag:s2], $0xC000;
	s0 =	sshrl.u32 s0, $0x11  }
0x271: {  	p4 =	por @!p2 p3, p3;
	[sflag:s2] =	ssyncset.done @!p2 $0x0;
	s0 =	smul.u32 $0x30, s0  }
0x272: {  	s17 =	smul.u32 $0x30, s23;
	[sflag:s2] =	ssyncadd.s32 @!p2 $0xFFFF4000;
	s2 =	simm.s32 @p4 $0x6  }
0x273: {  	_ =	swait.ge @p4 [sflag:s2], $0xC000;
	s0 =	ssub.s32 s22, s0  }
0x274: {  	s17 =	sadd.s32 s6, s17;
	[sflag:s2] =	ssyncset.done @p4 $0x0;
	p0 =	slt.u32 s0, $0x20  }
0x275: {  	[sflag:s2] =	ssyncadd.s32 @p4 $0xFFFF4000;
	s2 =	sshll.u32 @!p0 s17, $0x7  }
0x276: {  	s19 =	simm.s32 @!p0 $0x0;
	s22 =	simm.s32 @!p0 $0x6400;
	s18 =	sadd.s32 @!p0 s1, s2  }
0x277: {  	[tilespmem:s22], [sflag:$0x3] =	stream.linear.gather @!p0 [hbm4b:s18+s19], $0x8000, $0x38;
	[tilespmem:$0x1E400] =	vst v63  }
0x278: {  	s18 =	simm.s32 @!p0 $0x3  }
0x279: {  	_ =	swait.ge @!p0 [sflag:s18], $0x8000  }
0x27a: {  	[sflag:s18] =	ssyncset.done @!p0 $0x0  }
0x27b: {  	s2 =	sadd.s32 @!p0 s3, s2;
	[sflag:s18] =	ssyncadd.s32 @!p0 $0xFFFF8000  }
0x27c: {  	[hbm4b:s2+s19] =	stream.linear.scatter @!p0 [tilespmem:s22], [sflag:$0x5], $0x8000, $0x38;
	[tilespmem:$0x1E400] =	vst v63  }
0x27d: {  	s0 =	sand.u32 $0xFFFF, s0;
	s2 =	simm.s32 @!p0 $0x5  }
0x27e: {  	s31 =	sand.u32 $0x20, s0;
	s19 =	sand.u32 $0x10, s0;
	_ =	swait.ge @!p0 [sflag:s2], $0x8000  }
0x27f: {  	s17 =	sadd.s32 s31, s17;
	p2 =	seq.s32 s19, $0x0;
	[sflag:s2] =	ssyncset.done @!p0 $0x0  }
0x280: {  	[sflag:s2] =	ssyncadd.s32 @!p0 $0xFFFF8000;
	s2 =	sshll.u32 @!p2 s17, $0x7  }
0x281: {  	s22 =	simm.s32 @!p2 $0x0;
	s23 =	simm.s32 @!p2 $0x6400;
	s18 =	sadd.s32 @!p2 s1, s2  }
0x282: {  	[tilespmem:s23], [sflag:$0x3] =	stream.linear.gather @!p2 [hbm4b:s18+s22], $0x4000, $0x38;
	[tilespmem:$0x1E400] =	vst v63  }
0x283: {  	s18 =	simm.s32 @!p2 $0x3  }
0x284: {  	_ =	swait.ge @!p2 [sflag:s18], $0x4000  }
0x285: {  	[sflag:s18] =	ssyncset.done @!p2 $0x0  }
0x286: {  	s0 =	sand.u32 $0x8, s0;
	s2 =	sadd.s32 @!p2 s3, s2;
	[sflag:s18] =	ssyncadd.s32 @!p2 $0xFFFFC000  }
0x287: {  	[hbm4b:s2+s22] =	stream.linear.scatter @!p2 [tilespmem:s23], [sflag:$0x5], $0x4000, $0x38;
	[tilespmem:$0x1E400] =	vst v63  }
0x288: {  	p0 =	seq.s32 s0, $0x0;
	s2 =	simm.s32 @!p2 $0x5  }
0x289: {  	s0 =	sadd.s32 @!p0 s19, s17;
	_ =	swait.ge @!p2 [sflag:s2], $0x4000  }
0x28a: {  	s17 =	simm.s32 @!p0 $0x0;
	s0 =	sshll.u32 @!p0 s0, $0x7;
	[sflag:s2] =	ssyncset.done @!p2 $0x0  }
0x28b: {  	s18 =	simm.s32 @!p0 $0x6400;
	[sflag:s2] =	ssyncadd.s32 @!p2 $0xFFFFC000;
	s2 =	sadd.s32 @!p0 s1, s0  }
0x28c: {  	[tilespmem:s18], [sflag:$0x3] =	stream.linear.gather @!p0 [hbm4b:s2+s17], $0x2000, $0x38;
	[tilespmem:$0x1E400] =	vst v63  }
0x28d: {  	s2 =	simm.s32 @!p0 $0x3  }
0x28e: {  	_ =	swait.ge @!p0 [sflag:s2], $0x2000  }
0x28f: {  	[sflag:s2] =	ssyncset.done @!p0 $0x0  }
0x290: {  	s0 =	sadd.s32 @!p0 s3, s0;
	[sflag:s2] =	ssyncadd.s32 @!p0 $0xFFFFE000  }
0x291: {  	[hbm4b:s0+s17] =	stream.linear.scatter @!p0 [tilespmem:s18], [sflag:$0x5], $0x2000, $0x38;
	[tilespmem:$0x1E400] =	vst v63  }
.Ltmp13:
0x292: {  	_ = 	snop;
	(pc) =	sbr.rel @p6 .LBB2_31-.Ltmp13, $4  }
0x293: {  	s0 =	simm.s32 @!p0 $0x5  }
0x294: {  	_ =	swait.ge @!p0 [sflag:s0], $0x2000  }
0x295: {  	[sflag:s0] =	ssyncset.done @!p0 $0x0  }
0x296: {  	[sflag:s0] =	ssyncadd.s32 @!p0 $0xFFFFE000  }
0x297: {  	p0 =	sne.s32 s21, $0x1  }
.Ltmp14:
0x298: {  	_ = 	snop;
	(pc) =	sbr.rel @!p0 .LBB2_30-.Ltmp14, $3  }
0x299: {  	_ =	sdelay $0x1  }
0x29a: {  	_ =	swait.ge [sflag:s16], $0x4000  }
0x29b: {  	s0 =	sadd.s32 $0xFFFFFFFF, s21;
	[sflag:s16] =	ssyncset.done $0x0  }
.LBB2_29:
0x29c: {  	p0 =	sne.s32 s0, $0x1;
	s0 =	sadd.s32 $0xFFFFFFFF, s0;
	[sflag:s16] =	ssyncadd.s32 $0xFFFFC000  }
.Ltmp15:
0x29d: {  	(pc) =	sbr.rel @p0 .LBB2_29-.Ltmp15, $3  }
0x29e: {  	_ =	sdelay $0x1  }
0x29f: {  	_ =	swait.ge [sflag:s16], $0x4000  }
0x2a0: {  	[sflag:s16] =	ssyncset.done $0x0  }
.Ltmp16:
0x2a1: {  	_ = 	snop;
	(pc) =	sbr.rel .LBB2_30-.Ltmp16, $1  }
0x2a2: {  	_ =	sdelay $0x3  }
.LBB2_10:
0x2a3: {  	p0 =	sne.s32 s26, $0x3  }
.Ltmp17:
0x2a4: {  	_ = 	snop;
	(pc) =	sbr.rel @!p0 .LBB2_11-.Ltmp17, $1  }
0x2a5: {  	_ =	sdelay $0x3  }
0x2a6: {  	p0 =	sgt.u32 s26, $0x4  }
.Ltmp18:
0x2a7: {  	_ = 	snop;
	(pc) =	sbr.rel @!p0 .LBB2_13-.Ltmp18, $1  }
0x2a8: {  	_ =	sdelay $0x3  }
0x2a9: {  	p0 =	seq.s32 s26, $0x7  }
.Ltmp19:
0x2aa: {  	_ = 	snop;
	(pc) =	sbr.rel @p0 .LBB2_18-.Ltmp19, $1  }
0x2ab: {  	_ =	sdelay $0x3  }
0x2ac: {  	p0 =	sne.s32 s26, $0x5  }
.Ltmp20:
0x2ad: {  	_ = 	snop;
	(pc) =	sbr.rel @!p0 .LBB2_16-.Ltmp20, $4  }
.Ltmp21:
0x2ae: {  	_ = 	snop;
	(pc) =	sbr.rel @p0 .LBB2_17-.Ltmp21, $4  }
0x2af: {  	_ = 	snop  }
0x2b0: {  	_ = 	snop  }
0x2b1: {  	_ = 	snop  }
0x2b2: {  	_ = 	snop  }
.LBB2_21:
.Ltmp22:
0x2b3: {  	(pc) =	sbr.rel .LBB2_26-.Ltmp22, $2  }
0x2b4: {  	_ =	sdelay $0x2  }
0x2b5: {  	s24 =	smov.u32 s14;
	s28 =	smov.u32 s13  }
.LBB2_23:
.Ltmp23:
0x2b6: {  	(pc) =	sbr.rel .LBB2_26-.Ltmp23, $3  }
0x2b7: {  	s19 =	sld [smem:$0x7FC];
	_ =	sdelay $0x1  }
0x2b8: {  	s30 =	simm.s32 $0x2;
	s25 =	simm.s32 $0x4  }
0x2b9: {  	s29 =	simm.s32 $0x4400;
	p3 =	por $0x1, $0x1;
	p6 =	seq.s32 s19, $0x1  }
.LBB2_32:
0x2ba: {  	_ =	sfence.sel $0x180000  }
0x2bb: {  	[bflag:$0x0] =	sbarrier.arrive $0xFFFF  }
0x2bc: {  	_ =	strace $0x90000047  }
0x2bd: {  	s0 =	stileid.u32;
	[bflag:$0x2] =	sbarrier.arrive $0xFFFF  }
0x2be: {  	p0 =	sne.s32 s0, $0x0;
	s0 =	rddreg [dreg:$0x3]  }
0x2bf: {  	s0 =	sadd.s32 @!p0 $0x100000, s0  }
0x2c0: {  	[sflag:s0] =	ssyncadd.tile.s32 @!p0 $0x1;
	_ =	shalt  }
.Lfunc_end2:
_tile_overlayer_lowered:
.L_overlay_start_2:
0x2c1: {  	(tag) =	ssettag $0x2  }
0x2c2: {  	s0 =	rddreg [dreg:$0x0];
	s2 =	stileid.u32  }
0x2c3: {  	s1 =	rddreg [dreg:$0x1];
	p0 =	sne.s32 s2, $0x0  }
0x2c4: {  	s3 =	rddreg [dreg:$0x2];
	[bflag:$0x3] =	sbarrier.arrive $0xFFFF;
	s2 =	simm.s32 @!p0 $0x1C07  }
0x2c5: {  	[timem:s3], [sflag:s2] =	dma.local @!p0 [hbm:s0], s1  }
0x2c6: {  	s0 =	simm.s32 @!p0 $0x7  }
0x2c7: {  	_ =	swait.ge @!p0 [sflag:s0], s1  }
0x2c8: {  	s1 =	ssub.s32 @!p0 $0x0, s1;
	[sflag:s0] =	ssyncset.done @!p0 $0x0  }
0x2c9: {  	[sflag:s0] =	ssyncadd.s32 @!p0 s1  }
0x2ca: {  	[bflag:$0x3] =	sbarrier.arrive $0xFFFF  }
0x2cb: {  	_ =	shalt  }

</sc_bundles>
